<compile_context>
chip_gen: v7x
topology: tpu7x:2x2x1
jax: 0.10.2.dev20260603
libtpu: 0.0.44.dev20260713+nightly
codegen_flags: <defaults>
</compile_context>

<pallas_src>
import functools

import jax
import jax.numpy as jnp
from jax import lax
from jax.experimental import pallas as pl
from jax.experimental.pallas import tpu as pltpu
from jax.experimental.pallas import tpu_sc as plsc

BS, NV, SEQ = 4096, 26, 200
NCAT = 10
VOCAB = 1000
LANES = 16
NC, NS = 2, 16
NWORKERS = NC * NS
NSEG = NV * (SEQ // 8)
GSEG = NCAT * (SEQ // 8)
SEGW = 8 * BS
NBUF = 3
NSTEP = (NSEG + NWORKERS - 1) // NWORKERS


def _sc_body(x_hbm, tab_hbm, out_hbm, tab_v, bufs, sin, sout):
    wid = lax.axis_index("s") * NC + lax.axis_index("c")
    pltpu.sync_copy(tab_hbm, tab_v)

    def seg(i):
        return wid + i * NWORKERS

    def in_copy(i, b):
        return pltpu.make_async_copy(
            x_hbm.at[pl.ds(seg(i), 1)], bufs[b], sin[b])

    def out_copy(i, b):
        return pltpu.make_async_copy(
            bufs[b], out_hbm.at[pl.ds(seg(i), 1)], sout[b])

    def gather_seg(i, b):
        buf = bufs[b]
        m = seg(i)
        off = ((m * 41944) >> 20) * VOCAB

        def k_body(k, carry):
            for s in range(8):
                sl = (0, s, pl.ds(k * LANES, LANES))
                idx = buf[sl].astype(jnp.int32) + off
                buf[sl] = plsc.load_gather(tab_v, [idx])
            return carry

        lax.fori_loop(0, BS // LANES, k_body, 0, unroll=False)

    def step(i, b):
        @pl.when(seg(i) < NSEG)
        def _():
            in_copy(i, b).wait()

            @pl.when(seg(i) < GSEG)
            def _():
                gather_seg(i, b)
            out_copy(i, b).start()

        bp = (b - 1) % NBUF
        if i >= 1:
            @pl.when(seg(i - 1) < NSEG)
            def _():
                out_copy(i - 1, bp).wait()

        @pl.when(seg(i + NBUF - 1) < NSEG)
        def _():
            in_copy(i + NBUF - 1, bp).start()

    for i in range(NBUF - 1):
        @pl.when(seg(i) < NSEG)
        def _():
            in_copy(i, i).start()

    for i in range(NSTEP):
        step(i, i % NBUF)

    @pl.when(seg(NSTEP - 1) < NSEG)
    def _():
        out_copy(NSTEP - 1, (NSTEP - 1) % NBUF).wait()


@functools.partial(jax.jit, static_argnames=())
def _run(xs, tab):
    mesh = plsc.VectorSubcoreMesh(core_axis_name="c", subcore_axis_name="s")
    return pl.kernel(
        lambda x_, t, o, tv, b0, b1, b2, si0, si1, si2, so0, so1, so2:
            _sc_body(x_, t, o, tv, (b0, b1, b2),
                     (si0, si1, si2), (so0, so1, so2)),
        out_type=jax.ShapeDtypeStruct((NSEG, 8, BS), jnp.float32),
        mesh=mesh,
        scratch_types=[pltpu.VMEM((NCAT * VOCAB,), jnp.float32)]
        + [pltpu.VMEM((1, 8, BS), jnp.float32)] * NBUF
        + [pltpu.SemaphoreType.DMA] * (2 * NBUF),
        compiler_params=pltpu.CompilerParams(
            needs_layout_passes=False, use_tc_tiling_on_sc=True),
    )(xs, tab)


def kernel(x, W0, W1, W2, W3, W4, W5, W6, W7, W8, W9):
    tab = jnp.concatenate(
        [W0, W1, W2, W3, W4, W5, W6, W7, W8, W9], axis=0
    ).reshape(NCAT * VOCAB)
    xs = jnp.transpose(x, (1, 2, 0)).reshape(NSEG, 8, BS)
    out_s = _run(xs, tab)
    return jnp.transpose(out_s.reshape(NV, SEQ, BS), (2, 0, 1))

# --- scband reference (transcript-rebuilt; emitter-appended) ---
"""Pipeline reference for scband-cat-embed-24464133718158 (READ-ONLY COPY).

The authoritative reference and input builder live on the scoring server;
editing this copy changes nothing except your own understanding.
"""

import jax, jax.numpy as jnp
import numpy as np

CAT_INDICES = [0, 1, 2, 3, 4, 5, 6, 7, 8, 9]
VOCABS = [1000] * 10
BS, N_VARS, IN_LEN = 4096, 26, 200


def setup_inputs(seed: int = 0) -> dict:
    key = jax.random.key(seed)
    keys = jax.random.split(key, 1 + len(VOCABS))
    # x is float32 but categorical channels must hold valid integer ids in [0, vocab)
    x = jax.random.randint(keys[0], (BS, N_VARS, IN_LEN), 0, 1000).astype(jnp.float32)
    inp = {"x": x}
    for i, v in enumerate(VOCABS):
        inp[f"W{i}"] = jax.random.normal(keys[1 + i], (v, 1), dtype=jnp.float32) * 0.02
    return inp


def reference(x, W0, W1, W2, W3, W4, W5, W6, W7, W8, W9):
    tables = [W0, W1, W2, W3, W4, W5, W6, W7, W8, W9]
    x_out = x
    for i, var_idx in enumerate(CAT_INDICES):
        idx = x[:, var_idx, :].astype(jnp.int32)  # [bs, in_len]
        emb = jnp.take(tables[i], idx, axis=0)[..., 0]  # embed_dim=1, squeeze last dim
        x_out = x_out.at[:, var_idx, :].set(emb)
    return x_out

if __name__ == "__main__":
    import jax
    _d = setup_inputs()
    print(jax.jit(kernel)(*tuple(_d.values())))

</pallas_src>

<mosaic_0001>
#map = affine_map<(d0, d1) -> (0, 0, 0)>
#map1 = affine_map<(d0, d1) -> (0)>
module attributes {stable_mosaic.version = 14 : i64} {
  func.func @_lambda_(%arg0: i32, %arg1: i32, %arg2: memref<650x8x4096xf32, #tpu.memory_space<hbm>>, %arg3: memref<10000xf32, #tpu.memory_space<hbm>>, %arg4: memref<650x8x4096xf32, #tpu.memory_space<hbm>>, %arg5: memref<10000xf32, #tpu.memory_space<vmem>>, %arg6: memref<1x8x4096xf32, #tpu.memory_space<vmem>>, %arg7: memref<1x8x4096xf32, #tpu.memory_space<vmem>>, %arg8: memref<1x8x4096xf32, #tpu.memory_space<vmem>>, %arg9: memref<!tpu.dma_semaphore, #tpu.memory_space<semaphore_mem>>, %arg10: memref<!tpu.dma_semaphore, #tpu.memory_space<semaphore_mem>>, %arg11: memref<!tpu.dma_semaphore, #tpu.memory_space<semaphore_mem>>, %arg12: memref<!tpu.dma_semaphore, #tpu.memory_space<semaphore_mem>>, %arg13: memref<!tpu.dma_semaphore, #tpu.memory_space<semaphore_mem>>, %arg14: memref<!tpu.dma_semaphore, #tpu.memory_space<semaphore_mem>>) attributes {dimension_semantics = [#tpu.dimension_semantics<core_parallel>, #tpu.dimension_semantics<subcore_parallel>], iteration_bounds = array<i64: 2, 16>, scalar_prefetch = 0 : i64, scratch_operands = 10 : i64, tpu.core_type = #tpu.core_type<sc_vector_subcore>, window_params = [{transform_indices = #map}, {transform_indices = #map1}, {transform_indices = #map}]} {
    %mul3A = arith.constant 2 : i32
    %mul3A_0 = arith.muli %arg1, %mul3A : i32
    %add3A = arith.addi %mul3A_0, %arg0 : i32
    "tpu.region"() ({
      %run_scoped3A = tpu.sem_alloc : memref<!tpu.dma_semaphore, #tpu.memory_space<semaphore_mem>>
      tpu.enqueue_dma source(%arg3 : memref<10000xf32, #tpu.memory_space<hbm>>) target(%arg5 : memref<10000xf32, #tpu.memory_space<vmem>>) target_semaphore(%run_scoped3A : memref<!tpu.dma_semaphore, #tpu.memory_space<semaphore_mem>>)
      tpu.wait_dma2 semaphore(%run_scoped3A : memref<!tpu.dma_semaphore, #tpu.memory_space<semaphore_mem>>) src(%arg3 : memref<10000xf32, #tpu.memory_space<hbm>>) dst(%arg5 : memref<10000xf32, #tpu.memory_space<vmem>>)
      tpu.yield
    }) : () -> ()
    %add3A_1 = arith.constant 0 : i32
    %add3A_2 = arith.addi %add3A, %add3A_1 : i32
    %lt3A = arith.constant 650 : i32
    %lt3A_3 = arith.cmpi slt, %add3A_2, %lt3A : i32
    %convert_element_type3A = arith.extui %lt3A_3 : i1 to i32
    %cond3A = arith.constant 0 : i32
    %cond3A_4 = arith.cmpi ne, %convert_element_type3A, %cond3A : i32
    scf.if %cond3A_4 {
      %add3A_453 = arith.constant 0 : i32
      %add3A_454 = arith.addi %add3A, %add3A_453 : i32
      %dma_start3A = arith.constant 0 : i32
      %dma_start3A_455 = arith.constant 0 : i32
      %dma_start3A_456 = tpu.memref_slice %arg2[%add3A_454, %dma_start3A, %dma_start3A_455] : memref<650x8x4096xf32, #tpu.memory_space<hbm>> -> memref<1x8x4096xf32, #tpu.memory_space<hbm>>
      %dma_start3A_457 = arith.constant 0 : i32
      %dma_start3A_458 = arith.constant 0 : i32
      %dma_start3A_459 = tpu.memref_slice %arg2[%add3A_454, %dma_start3A_457, %dma_start3A_458] : memref<650x8x4096xf32, #tpu.memory_space<hbm>> -> memref<1x8x4096xf32, #tpu.memory_space<hbm>>
      tpu.enqueue_dma source(%dma_start3A_459 : memref<1x8x4096xf32, #tpu.memory_space<hbm>>) target(%arg6 : memref<1x8x4096xf32, #tpu.memory_space<vmem>>) target_semaphore(%arg9 : memref<!tpu.dma_semaphore, #tpu.memory_space<semaphore_mem>>)
    } else {
    }
    %add3A_5 = arith.constant 32 : i32
    %add3A_6 = arith.addi %add3A, %add3A_5 : i32
    %lt3A_7 = arith.constant 650 : i32
    %lt3A_8 = arith.cmpi slt, %add3A_6, %lt3A_7 : i32
    %convert_element_type3A_9 = arith.extui %lt3A_8 : i1 to i32
    %cond3A_10 = arith.constant 0 : i32
    %cond3A_11 = arith.cmpi ne, %convert_element_type3A_9, %cond3A_10 : i32
    scf.if %cond3A_11 {
      %add3A_453 = arith.constant 32 : i32
      %add3A_454 = arith.addi %add3A, %add3A_453 : i32
      %dma_start3A = arith.constant 0 : i32
      %dma_start3A_455 = arith.constant 0 : i32
      %dma_start3A_456 = tpu.memref_slice %arg2[%add3A_454, %dma_start3A, %dma_start3A_455] : memref<650x8x4096xf32, #tpu.memory_space<hbm>> -> memref<1x8x4096xf32, #tpu.memory_space<hbm>>
      %dma_start3A_457 = arith.constant 0 : i32
      %dma_start3A_458 = arith.constant 0 : i32
      %dma_start3A_459 = tpu.memref_slice %arg2[%add3A_454, %dma_start3A_457, %dma_start3A_458] : memref<650x8x4096xf32, #tpu.memory_space<hbm>> -> memref<1x8x4096xf32, #tpu.memory_space<hbm>>
      tpu.enqueue_dma source(%dma_start3A_459 : memref<1x8x4096xf32, #tpu.memory_space<hbm>>) target(%arg7 : memref<1x8x4096xf32, #tpu.memory_space<vmem>>) target_semaphore(%arg10 : memref<!tpu.dma_semaphore, #tpu.memory_space<semaphore_mem>>)
    } else {
    }
    %add3A_12 = arith.constant 0 : i32
    %add3A_13 = arith.addi %add3A, %add3A_12 : i32
    %lt3A_14 = arith.constant 650 : i32
    %lt3A_15 = arith.cmpi slt, %add3A_13, %lt3A_14 : i32
    %convert_element_type3A_16 = arith.extui %lt3A_15 : i1 to i32
    %cond3A_17 = arith.constant 0 : i32
    %cond3A_18 = arith.cmpi ne, %convert_element_type3A_16, %cond3A_17 : i32
    scf.if %cond3A_18 {
      %add3A_453 = arith.constant 0 : i32
      %add3A_454 = arith.addi %add3A, %add3A_453 : i32
      %dma_wait3A = arith.constant 0 : i32
      %dma_wait3A_455 = arith.constant 0 : i32
      %dma_wait3A_456 = tpu.memref_slice %arg2[%add3A_454, %dma_wait3A, %dma_wait3A_455] : memref<650x8x4096xf32, #tpu.memory_space<hbm>> -> memref<1x8x4096xf32, #tpu.memory_space<hbm>>
      %dma_wait3A_457 = arith.constant 0 : i32
      %dma_wait3A_458 = arith.constant 0 : i32
      %dma_wait3A_459 = tpu.memref_slice %arg2[%add3A_454, %dma_wait3A_457, %dma_wait3A_458] : memref<650x8x4096xf32, #tpu.memory_space<hbm>> -> memref<1x8x4096xf32, #tpu.memory_space<hbm>>
      tpu.wait_dma2 semaphore(%arg9 : memref<!tpu.dma_semaphore, #tpu.memory_space<semaphore_mem>>) src(%dma_wait3A_459 : memref<1x8x4096xf32, #tpu.memory_space<hbm>>) dst(%arg6 : memref<1x8x4096xf32, #tpu.memory_space<vmem>>)
      %add3A_460 = arith.constant 0 : i32
      %add3A_461 = arith.addi %add3A, %add3A_460 : i32
      %lt3A_462 = arith.constant 250 : i32
      %lt3A_463 = arith.cmpi slt, %add3A_461, %lt3A_462 : i32
      %convert_element_type3A_464 = arith.extui %lt3A_463 : i1 to i32
      %cond3A_465 = arith.constant 0 : i32
      %cond3A_466 = arith.cmpi ne, %convert_element_type3A_464, %cond3A_465 : i32
      scf.if %cond3A_466 {
        %add3A_474 = arith.constant 0 : i32
        %add3A_475 = arith.addi %add3A, %add3A_474 : i32
        %mul3A_476 = arith.constant 41944 : i32
        %mul3A_477 = arith.muli %add3A_475, %mul3A_476 : i32
        %shift_right_arithmetic3A = arith.constant 20 : i32
        %shift_right_arithmetic3A_478 = arith.shrsi %mul3A_477, %shift_right_arithmetic3A : i32
        %mul3A_479 = arith.constant 1000 : i32
        %mul3A_480 = arith.muli %shift_right_arithmetic3A_478, %mul3A_479 : i32
        %scan3A = arith.constant 0 : i32
        %scan3A_481 = arith.constant 0 : i32
        %scan3A_482 = arith.constant 256 : i32
        %scan3A_483 = arith.addi %scan3A_481, %scan3A_482 : i32
        %scan3A_484 = arith.constant 1 : i32
        scf.for %scan3A_486 = %scan3A_481 to %scan3A_483 step %scan3A_484  : i32 {
          %mul3A_487 = arith.constant 16 : i32
          %mul3A_488 = arith.muli %scan3A_486, %mul3A_487 : i32
          %get3A = arith.constant 0 : i32
          %get3A_489 = arith.constant 0 : i32
          %get3A_490 = arith.index_cast %get3A : i32 to index
          %get3A_491 = arith.index_cast %get3A_489 : i32 to index
          %get3A_492 = arith.index_cast %mul3A_488 : i32 to index
          %get3A_493 = tpu.vector_load %arg6[%get3A_490, %get3A_491, %get3A_492] {strides = array<i32>} : memref<1x8x4096xf32, #tpu.memory_space<vmem>>, vector<16xf32>,
          %convert_element_type3A_494 = arith.fptosi %get3A_493 : vector<16xf32> to vector<16xi32>
          %add3A_495 = vector.broadcast %mul3A_480 : i32 to vector<16xi32>
          %add3A_496 = arith.addi %convert_element_type3A_494, %add3A_495 : vector<16xi32>
          %gather3A = tpu.vector_load_idx %arg5[%add3A_496] : memref<10000xf32, #tpu.memory_space<vmem>>[vector<16xi32>], vector<16xf32>,
          %swap3A = arith.constant 0 : i32
          %swap3A_497 = arith.constant 0 : i32
          %swap3A_498 = arith.index_cast %swap3A : i32 to index
          %swap3A_499 = arith.index_cast %swap3A_497 : i32 to index
          %swap3A_500 = arith.index_cast %mul3A_488 : i32 to index
          %swap3A_501 = tpu.vector_load %arg6[%swap3A_498, %swap3A_499, %swap3A_500] {strides = array<i32>} : memref<1x8x4096xf32, #tpu.memory_space<vmem>>, vector<16xf32>,
          tpu.vector_store %arg6[%swap3A_498, %swap3A_499, %swap3A_500], %gather3A {strides = array<i32>} : memref<1x8x4096xf32, #tpu.memory_space<vmem>>, vector<16xf32>,
          %mul3A_502 = arith.constant 16 : i32
          %mul3A_503 = arith.muli %scan3A_486, %mul3A_502 : i32
          %get3A_504 = arith.constant 0 : i32
          %get3A_505 = arith.constant 1 : i32
          %get3A_506 = arith.index_cast %get3A_504 : i32 to index
          %get3A_507 = arith.index_cast %get3A_505 : i32 to index
          %get3A_508 = arith.index_cast %mul3A_503 : i32 to index
          %get3A_509 = tpu.vector_load %arg6[%get3A_506, %get3A_507, %get3A_508] {strides = array<i32>} : memref<1x8x4096xf32, #tpu.memory_space<vmem>>, vector<16xf32>,
          %convert_element_type3A_510 = arith.fptosi %get3A_509 : vector<16xf32> to vector<16xi32>
          %add3A_511 = vector.broadcast %mul3A_480 : i32 to vector<16xi32>
          %add3A_512 = arith.addi %convert_element_type3A_510, %add3A_511 : vector<16xi32>
          %gather3A_513 = tpu.vector_load_idx %arg5[%add3A_512] : memref<10000xf32, #tpu.memory_space<vmem>>[vector<16xi32>], vector<16xf32>,
          %swap3A_514 = arith.constant 0 : i32
          %swap3A_515 = arith.constant 1 : i32
          %swap3A_516 = arith.index_cast %swap3A_514 : i32 to index
          %swap3A_517 = arith.index_cast %swap3A_515 : i32 to index
          %swap3A_518 = arith.index_cast %mul3A_503 : i32 to index
          %swap3A_519 = tpu.vector_load %arg6[%swap3A_516, %swap3A_517, %swap3A_518] {strides = array<i32>} : memref<1x8x4096xf32, #tpu.memory_space<vmem>>, vector<16xf32>,
          tpu.vector_store %arg6[%swap3A_516, %swap3A_517, %swap3A_518], %gather3A_513 {strides = array<i32>} : memref<1x8x4096xf32, #tpu.memory_space<vmem>>, vector<16xf32>,
          %mul3A_520 = arith.constant 16 : i32
          %mul3A_521 = arith.muli %scan3A_486, %mul3A_520 : i32
          %get3A_522 = arith.constant 0 : i32
          %get3A_523 = arith.constant 2 : i32
          %get3A_524 = arith.index_cast %get3A_522 : i32 to index
          %get3A_525 = arith.index_cast %get3A_523 : i32 to index
          %get3A_526 = arith.index_cast %mul3A_521 : i32 to index
          %get3A_527 = tpu.vector_load %arg6[%get3A_524, %get3A_525, %get3A_526] {strides = array<i32>} : memref<1x8x4096xf32, #tpu.memory_space<vmem>>, vector<16xf32>,
          %convert_element_type3A_528 = arith.fptosi %get3A_527 : vector<16xf32> to vector<16xi32>
          %add3A_529 = vector.broadcast %mul3A_480 : i32 to vector<16xi32>
          %add3A_530 = arith.addi %convert_element_type3A_528, %add3A_529 : vector<16xi32>
          %gather3A_531 = tpu.vector_load_idx %arg5[%add3A_530] : memref<10000xf32, #tpu.memory_space<vmem>>[vector<16xi32>], vector<16xf32>,
          %swap3A_532 = arith.constant 0 : i32
          %swap3A_533 = arith.constant 2 : i32
          %swap3A_534 = arith.index_cast %swap3A_532 : i32 to index
          %swap3A_535 = arith.index_cast %swap3A_533 : i32 to index
          %swap3A_536 = arith.index_cast %mul3A_521 : i32 to index
          %swap3A_537 = tpu.vector_load %arg6[%swap3A_534, %swap3A_535, %swap3A_536] {strides = array<i32>} : memref<1x8x4096xf32, #tpu.memory_space<vmem>>, vector<16xf32>,
          tpu.vector_store %arg6[%swap3A_534, %swap3A_535, %swap3A_536], %gather3A_531 {strides = array<i32>} : memref<1x8x4096xf32, #tpu.memory_space<vmem>>, vector<16xf32>,
          %mul3A_538 = arith.constant 16 : i32
          %mul3A_539 = arith.muli %scan3A_486, %mul3A_538 : i32
          %get3A_540 = arith.constant 0 : i32
          %get3A_541 = arith.constant 3 : i32
          %get3A_542 = arith.index_cast %get3A_540 : i32 to index
          %get3A_543 = arith.index_cast %get3A_541 : i32 to index
          %get3A_544 = arith.index_cast %mul3A_539 : i32 to index
          %get3A_545 = tpu.vector_load %arg6[%get3A_542, %get3A_543, %get3A_544] {strides = array<i32>} : memref<1x8x4096xf32, #tpu.memory_space<vmem>>, vector<16xf32>,
          %convert_element_type3A_546 = arith.fptosi %get3A_545 : vector<16xf32> to vector<16xi32>
          %add3A_547 = vector.broadcast %mul3A_480 : i32 to vector<16xi32>
          %add3A_548 = arith.addi %convert_element_type3A_546, %add3A_547 : vector<16xi32>
          %gather3A_549 = tpu.vector_load_idx %arg5[%add3A_548] : memref<10000xf32, #tpu.memory_space<vmem>>[vector<16xi32>], vector<16xf32>,
          %swap3A_550 = arith.constant 0 : i32
          %swap3A_551 = arith.constant 3 : i32
          %swap3A_552 = arith.index_cast %swap3A_550 : i32 to index
          %swap3A_553 = arith.index_cast %swap3A_551 : i32 to index
          %swap3A_554 = arith.index_cast %mul3A_539 : i32 to index
          %swap3A_555 = tpu.vector_load %arg6[%swap3A_552, %swap3A_553, %swap3A_554] {strides = array<i32>} : memref<1x8x4096xf32, #tpu.memory_space<vmem>>, vector<16xf32>,
          tpu.vector_store %arg6[%swap3A_552, %swap3A_553, %swap3A_554], %gather3A_549 {strides = array<i32>} : memref<1x8x4096xf32, #tpu.memory_space<vmem>>, vector<16xf32>,
          %mul3A_556 = arith.constant 16 : i32
          %mul3A_557 = arith.muli %scan3A_486, %mul3A_556 : i32
          %get3A_558 = arith.constant 0 : i32
          %get3A_559 = arith.constant 4 : i32
          %get3A_560 = arith.index_cast %get3A_558 : i32 to index
          %get3A_561 = arith.index_cast %get3A_559 : i32 to index
          %get3A_562 = arith.index_cast %mul3A_557 : i32 to index
          %get3A_563 = tpu.vector_load %arg6[%get3A_560, %get3A_561, %get3A_562] {strides = array<i32>} : memref<1x8x4096xf32, #tpu.memory_space<vmem>>, vector<16xf32>,
          %convert_element_type3A_564 = arith.fptosi %get3A_563 : vector<16xf32> to vector<16xi32>
          %add3A_565 = vector.broadcast %mul3A_480 : i32 to vector<16xi32>
          %add3A_566 = arith.addi %convert_element_type3A_564, %add3A_565 : vector<16xi32>
          %gather3A_567 = tpu.vector_load_idx %arg5[%add3A_566] : memref<10000xf32, #tpu.memory_space<vmem>>[vector<16xi32>], vector<16xf32>,
          %swap3A_568 = arith.constant 0 : i32
          %swap3A_569 = arith.constant 4 : i32
          %swap3A_570 = arith.index_cast %swap3A_568 : i32 to index
          %swap3A_571 = arith.index_cast %swap3A_569 : i32 to index
          %swap3A_572 = arith.index_cast %mul3A_557 : i32 to index
          %swap3A_573 = tpu.vector_load %arg6[%swap3A_570, %swap3A_571, %swap3A_572] {strides = array<i32>} : memref<1x8x4096xf32, #tpu.memory_space<vmem>>, vector<16xf32>,
          tpu.vector_store %arg6[%swap3A_570, %swap3A_571, %swap3A_572], %gather3A_567 {strides = array<i32>} : memref<1x8x4096xf32, #tpu.memory_space<vmem>>, vector<16xf32>,
          %mul3A_574 = arith.constant 16 : i32
          %mul3A_575 = arith.muli %scan3A_486, %mul3A_574 : i32
          %get3A_576 = arith.constant 0 : i32
          %get3A_577 = arith.constant 5 : i32
          %get3A_578 = arith.index_cast %get3A_576 : i32 to index
          %get3A_579 = arith.index_cast %get3A_577 : i32 to index
          %get3A_580 = arith.index_cast %mul3A_575 : i32 to index
          %get3A_581 = tpu.vector_load %arg6[%get3A_578, %get3A_579, %get3A_580] {strides = array<i32>} : memref<1x8x4096xf32, #tpu.memory_space<vmem>>, vector<16xf32>,
          %convert_element_type3A_582 = arith.fptosi %get3A_581 : vector<16xf32> to vector<16xi32>
          %add3A_583 = vector.broadcast %mul3A_480 : i32 to vector<16xi32>
          %add3A_584 = arith.addi %convert_element_type3A_582, %add3A_583 : vector<16xi32>
          %gather3A_585 = tpu.vector_load_idx %arg5[%add3A_584] : memref<10000xf32, #tpu.memory_space<vmem>>[vector<16xi32>], vector<16xf32>,
          %swap3A_586 = arith.constant 0 : i32
          %swap3A_587 = arith.constant 5 : i32
          %swap3A_588 = arith.index_cast %swap3A_586 : i32 to index
          %swap3A_589 = arith.index_cast %swap3A_587 : i32 to index
          %swap3A_590 = arith.index_cast %mul3A_575 : i32 to index
          %swap3A_591 = tpu.vector_load %arg6[%swap3A_588, %swap3A_589, %swap3A_590] {strides = array<i32>} : memref<1x8x4096xf32, #tpu.memory_space<vmem>>, vector<16xf32>,
          tpu.vector_store %arg6[%swap3A_588, %swap3A_589, %swap3A_590], %gather3A_585 {strides = array<i32>} : memref<1x8x4096xf32, #tpu.memory_space<vmem>>, vector<16xf32>,
          %mul3A_592 = arith.constant 16 : i32
          %mul3A_593 = arith.muli %scan3A_486, %mul3A_592 : i32
          %get3A_594 = arith.constant 0 : i32
          %get3A_595 = arith.constant 6 : i32
          %get3A_596 = arith.index_cast %get3A_594 : i32 to index
          %get3A_597 = arith.index_cast %get3A_595 : i32 to index
          %get3A_598 = arith.index_cast %mul3A_593 : i32 to index
          %get3A_599 = tpu.vector_load %arg6[%get3A_596, %get3A_597, %get3A_598] {strides = array<i32>} : memref<1x8x4096xf32, #tpu.memory_space<vmem>>, vector<16xf32>,
          %convert_element_type3A_600 = arith.fptosi %get3A_599 : vector<16xf32> to vector<16xi32>
          %add3A_601 = vector.broadcast %mul3A_480 : i32 to vector<16xi32>
          %add3A_602 = arith.addi %convert_element_type3A_600, %add3A_601 : vector<16xi32>
          %gather3A_603 = tpu.vector_load_idx %arg5[%add3A_602] : memref<10000xf32, #tpu.memory_space<vmem>>[vector<16xi32>], vector<16xf32>,
          %swap3A_604 = arith.constant 0 : i32
          %swap3A_605 = arith.constant 6 : i32
          %swap3A_606 = arith.index_cast %swap3A_604 : i32 to index
          %swap3A_607 = arith.index_cast %swap3A_605 : i32 to index
          %swap3A_608 = arith.index_cast %mul3A_593 : i32 to index
          %swap3A_609 = tpu.vector_load %arg6[%swap3A_606, %swap3A_607, %swap3A_608] {strides = array<i32>} : memref<1x8x4096xf32, #tpu.memory_space<vmem>>, vector<16xf32>,
          tpu.vector_store %arg6[%swap3A_606, %swap3A_607, %swap3A_608], %gather3A_603 {strides = array<i32>} : memref<1x8x4096xf32, #tpu.memory_space<vmem>>, vector<16xf32>,
          %mul3A_610 = arith.constant 16 : i32
          %mul3A_611 = arith.muli %scan3A_486, %mul3A_610 : i32
          %get3A_612 = arith.constant 0 : i32
          %get3A_613 = arith.constant 7 : i32
          %get3A_614 = arith.index_cast %get3A_612 : i32 to index
          %get3A_615 = arith.index_cast %get3A_613 : i32 to index
          %get3A_616 = arith.index_cast %mul3A_611 : i32 to index
          %get3A_617 = tpu.vector_load %arg6[%get3A_614, %get3A_615, %get3A_616] {strides = array<i32>} : memref<1x8x4096xf32, #tpu.memory_space<vmem>>, vector<16xf32>,
          %convert_element_type3A_618 = arith.fptosi %get3A_617 : vector<16xf32> to vector<16xi32>
          %add3A_619 = vector.broadcast %mul3A_480 : i32 to vector<16xi32>
          %add3A_620 = arith.addi %convert_element_type3A_618, %add3A_619 : vector<16xi32>
          %gather3A_621 = tpu.vector_load_idx %arg5[%add3A_620] : memref<10000xf32, #tpu.memory_space<vmem>>[vector<16xi32>], vector<16xf32>,
          %swap3A_622 = arith.constant 0 : i32
          %swap3A_623 = arith.constant 7 : i32
          %swap3A_624 = arith.index_cast %swap3A_622 : i32 to index
          %swap3A_625 = arith.index_cast %swap3A_623 : i32 to index
          %swap3A_626 = arith.index_cast %mul3A_611 : i32 to index
          %swap3A_627 = tpu.vector_load %arg6[%swap3A_624, %swap3A_625, %swap3A_626] {strides = array<i32>} : memref<1x8x4096xf32, #tpu.memory_space<vmem>>, vector<16xf32>,
          tpu.vector_store %arg6[%swap3A_624, %swap3A_625, %swap3A_626], %gather3A_621 {strides = array<i32>} : memref<1x8x4096xf32, #tpu.memory_space<vmem>>, vector<16xf32>,
        }
        %scan3A_485 = arith.constant 256 : i32
      } else {
      }
      %add3A_467 = arith.constant 0 : i32
      %add3A_468 = arith.addi %add3A, %add3A_467 : i32
      %dma_start3A = arith.constant 0 : i32
      %dma_start3A_469 = arith.constant 0 : i32
      %dma_start3A_470 = tpu.memref_slice %arg4[%add3A_468, %dma_start3A, %dma_start3A_469] : memref<650x8x4096xf32, #tpu.memory_space<hbm>> -> memref<1x8x4096xf32, #tpu.memory_space<hbm>>
      %dma_start3A_471 = arith.constant 0 : i32
      %dma_start3A_472 = arith.constant 0 : i32
      %dma_start3A_473 = tpu.memref_slice %arg4[%add3A_468, %dma_start3A_471, %dma_start3A_472] : memref<650x8x4096xf32, #tpu.memory_space<hbm>> -> memref<1x8x4096xf32, #tpu.memory_space<hbm>>
      tpu.enqueue_dma source(%arg6 : memref<1x8x4096xf32, #tpu.memory_space<vmem>>) target(%dma_start3A_473 : memref<1x8x4096xf32, #tpu.memory_space<hbm>>) target_semaphore(%arg12 : memref<!tpu.dma_semaphore, #tpu.memory_space<semaphore_mem>>)
    } else {
    }
    %add3A_19 = arith.constant 64 : i32
    %add3A_20 = arith.addi %add3A, %add3A_19 : i32
    %lt3A_21 = arith.constant 650 : i32
    %lt3A_22 = arith.cmpi slt, %add3A_20, %lt3A_21 : i32
    %convert_element_type3A_23 = arith.extui %lt3A_22 : i1 to i32
    %cond3A_24 = arith.constant 0 : i32
    %cond3A_25 = arith.cmpi ne, %convert_element_type3A_23, %cond3A_24 : i32
    scf.if %cond3A_25 {
      %add3A_453 = arith.constant 64 : i32
      %add3A_454 = arith.addi %add3A, %add3A_453 : i32
      %dma_start3A = arith.constant 0 : i32
      %dma_start3A_455 = arith.constant 0 : i32
      %dma_start3A_456 = tpu.memref_slice %arg2[%add3A_454, %dma_start3A, %dma_start3A_455] : memref<650x8x4096xf32, #tpu.memory_space<hbm>> -> memref<1x8x4096xf32, #tpu.memory_space<hbm>>
      %dma_start3A_457 = arith.constant 0 : i32
      %dma_start3A_458 = arith.constant 0 : i32
      %dma_start3A_459 = tpu.memref_slice %arg2[%add3A_454, %dma_start3A_457, %dma_start3A_458] : memref<650x8x4096xf32, #tpu.memory_space<hbm>> -> memref<1x8x4096xf32, #tpu.memory_space<hbm>>
      tpu.enqueue_dma source(%dma_start3A_459 : memref<1x8x4096xf32, #tpu.memory_space<hbm>>) target(%arg8 : memref<1x8x4096xf32, #tpu.memory_space<vmem>>) target_semaphore(%arg11 : memref<!tpu.dma_semaphore, #tpu.memory_space<semaphore_mem>>)
    } else {
    }
    %add3A_26 = arith.constant 32 : i32
    %add3A_27 = arith.addi %add3A, %add3A_26 : i32
    %lt3A_28 = arith.constant 650 : i32
    %lt3A_29 = arith.cmpi slt, %add3A_27, %lt3A_28 : i32
    %convert_element_type3A_30 = arith.extui %lt3A_29 : i1 to i32
    %cond3A_31 = arith.constant 0 : i32
    %cond3A_32 = arith.cmpi ne, %convert_element_type3A_30, %cond3A_31 : i32
    scf.if %cond3A_32 {
      %add3A_453 = arith.constant 32 : i32
      %add3A_454 = arith.addi %add3A, %add3A_453 : i32
      %dma_wait3A = arith.constant 0 : i32
      %dma_wait3A_455 = arith.constant 0 : i32
      %dma_wait3A_456 = tpu.memref_slice %arg2[%add3A_454, %dma_wait3A, %dma_wait3A_455] : memref<650x8x4096xf32, #tpu.memory_space<hbm>> -> memref<1x8x4096xf32, #tpu.memory_space<hbm>>
      %dma_wait3A_457 = arith.constant 0 : i32
      %dma_wait3A_458 = arith.constant 0 : i32
      %dma_wait3A_459 = tpu.memref_slice %arg2[%add3A_454, %dma_wait3A_457, %dma_wait3A_458] : memref<650x8x4096xf32, #tpu.memory_space<hbm>> -> memref<1x8x4096xf32, #tpu.memory_space<hbm>>
      tpu.wait_dma2 semaphore(%arg10 : memref<!tpu.dma_semaphore, #tpu.memory_space<semaphore_mem>>) src(%dma_wait3A_459 : memref<1x8x4096xf32, #tpu.memory_space<hbm>>) dst(%arg7 : memref<1x8x4096xf32, #tpu.memory_space<vmem>>)
      %add3A_460 = arith.constant 32 : i32
      %add3A_461 = arith.addi %add3A, %add3A_460 : i32
      %lt3A_462 = arith.constant 250 : i32
      %lt3A_463 = arith.cmpi slt, %add3A_461, %lt3A_462 : i32
      %convert_element_type3A_464 = arith.extui %lt3A_463 : i1 to i32
      %cond3A_465 = arith.constant 0 : i32
      %cond3A_466 = arith.cmpi ne, %convert_element_type3A_464, %cond3A_465 : i32
      scf.if %cond3A_466 {
        %add3A_474 = arith.constant 32 : i32
        %add3A_475 = arith.addi %add3A, %add3A_474 : i32
        %mul3A_476 = arith.constant 41944 : i32
        %mul3A_477 = arith.muli %add3A_475, %mul3A_476 : i32
        %shift_right_arithmetic3A = arith.constant 20 : i32
        %shift_right_arithmetic3A_478 = arith.shrsi %mul3A_477, %shift_right_arithmetic3A : i32
        %mul3A_479 = arith.constant 1000 : i32
        %mul3A_480 = arith.muli %shift_right_arithmetic3A_478, %mul3A_479 : i32
        %scan3A = arith.constant 0 : i32
        %scan3A_481 = arith.constant 0 : i32
        %scan3A_482 = arith.constant 256 : i32
        %scan3A_483 = arith.addi %scan3A_481, %scan3A_482 : i32
        %scan3A_484 = arith.constant 1 : i32
        scf.for %scan3A_486 = %scan3A_481 to %scan3A_483 step %scan3A_484  : i32 {
          %mul3A_487 = arith.constant 16 : i32
          %mul3A_488 = arith.muli %scan3A_486, %mul3A_487 : i32
          %get3A = arith.constant 0 : i32
          %get3A_489 = arith.constant 0 : i32
          %get3A_490 = arith.index_cast %get3A : i32 to index
          %get3A_491 = arith.index_cast %get3A_489 : i32 to index
          %get3A_492 = arith.index_cast %mul3A_488 : i32 to index
          %get3A_493 = tpu.vector_load %arg7[%get3A_490, %get3A_491, %get3A_492] {strides = array<i32>} : memref<1x8x4096xf32, #tpu.memory_space<vmem>>, vector<16xf32>,
          %convert_element_type3A_494 = arith.fptosi %get3A_493 : vector<16xf32> to vector<16xi32>
          %add3A_495 = vector.broadcast %mul3A_480 : i32 to vector<16xi32>
          %add3A_496 = arith.addi %convert_element_type3A_494, %add3A_495 : vector<16xi32>
          %gather3A = tpu.vector_load_idx %arg5[%add3A_496] : memref<10000xf32, #tpu.memory_space<vmem>>[vector<16xi32>], vector<16xf32>,
          %swap3A = arith.constant 0 : i32
          %swap3A_497 = arith.constant 0 : i32
          %swap3A_498 = arith.index_cast %swap3A : i32 to index
          %swap3A_499 = arith.index_cast %swap3A_497 : i32 to index
          %swap3A_500 = arith.index_cast %mul3A_488 : i32 to index
          %swap3A_501 = tpu.vector_load %arg7[%swap3A_498, %swap3A_499, %swap3A_500] {strides = array<i32>} : memref<1x8x4096xf32, #tpu.memory_space<vmem>>, vector<16xf32>,
          tpu.vector_store %arg7[%swap3A_498, %swap3A_499, %swap3A_500], %gather3A {strides = array<i32>} : memref<1x8x4096xf32, #tpu.memory_space<vmem>>, vector<16xf32>,
          %mul3A_502 = arith.constant 16 : i32
          %mul3A_503 = arith.muli %scan3A_486, %mul3A_502 : i32
          %get3A_504 = arith.constant 0 : i32
          %get3A_505 = arith.constant 1 : i32
          %get3A_506 = arith.index_cast %get3A_504 : i32 to index
          %get3A_507 = arith.index_cast %get3A_505 : i32 to index
          %get3A_508 = arith.index_cast %mul3A_503 : i32 to index
          %get3A_509 = tpu.vector_load %arg7[%get3A_506, %get3A_507, %get3A_508] {strides = array<i32>} : memref<1x8x4096xf32, #tpu.memory_space<vmem>>, vector<16xf32>,
          %convert_element_type3A_510 = arith.fptosi %get3A_509 : vector<16xf32> to vector<16xi32>
          %add3A_511 = vector.broadcast %mul3A_480 : i32 to vector<16xi32>
          %add3A_512 = arith.addi %convert_element_type3A_510, %add3A_511 : vector<16xi32>
          %gather3A_513 = tpu.vector_load_idx %arg5[%add3A_512] : memref<10000xf32, #tpu.memory_space<vmem>>[vector<16xi32>], vector<16xf32>,
          %swap3A_514 = arith.constant 0 : i32
          %swap3A_515 = arith.constant 1 : i32
          %swap3A_516 = arith.index_cast %swap3A_514 : i32 to index
          %swap3A_517 = arith.index_cast %swap3A_515 : i32 to index
          %swap3A_518 = arith.index_cast %mul3A_503 : i32 to index
          %swap3A_519 = tpu.vector_load %arg7[%swap3A_516, %swap3A_517, %swap3A_518] {strides = array<i32>} : memref<1x8x4096xf32, #tpu.memory_space<vmem>>, vector<16xf32>,
          tpu.vector_store %arg7[%swap3A_516, %swap3A_517, %swap3A_518], %gather3A_513 {strides = array<i32>} : memref<1x8x4096xf32, #tpu.memory_space<vmem>>, vector<16xf32>,
          %mul3A_520 = arith.constant 16 : i32
          %mul3A_521 = arith.muli %scan3A_486, %mul3A_520 : i32
          %get3A_522 = arith.constant 0 : i32
          %get3A_523 = arith.constant 2 : i32
          %get3A_524 = arith.index_cast %get3A_522 : i32 to index
          %get3A_525 = arith.index_cast %get3A_523 : i32 to index
          %get3A_526 = arith.index_cast %mul3A_521 : i32 to index
          %get3A_527 = tpu.vector_load %arg7[%get3A_524, %get3A_525, %get3A_526] {strides = array<i32>} : memref<1x8x4096xf32, #tpu.memory_space<vmem>>, vector<16xf32>,
          %convert_element_type3A_528 = arith.fptosi %get3A_527 : vector<16xf32> to vector<16xi32>
          %add3A_529 = vector.broadcast %mul3A_480 : i32 to vector<16xi32>
          %add3A_530 = arith.addi %convert_element_type3A_528, %add3A_529 : vector<16xi32>
          %gather3A_531 = tpu.vector_load_idx %arg5[%add3A_530] : memref<10000xf32, #tpu.memory_space<vmem>>[vector<16xi32>], vector<16xf32>,
          %swap3A_532 = arith.constant 0 : i32
          %swap3A_533 = arith.constant 2 : i32
          %swap3A_534 = arith.index_cast %swap3A_532 : i32 to index
          %swap3A_535 = arith.index_cast %swap3A_533 : i32 to index
          %swap3A_536 = arith.index_cast %mul3A_521 : i32 to index
          %swap3A_537 = tpu.vector_load %arg7[%swap3A_534, %swap3A_535, %swap3A_536] {strides = array<i32>} : memref<1x8x4096xf32, #tpu.memory_space<vmem>>, vector<16xf32>,
          tpu.vector_store %arg7[%swap3A_534, %swap3A_535, %swap3A_536], %gather3A_531 {strides = array<i32>} : memref<1x8x4096xf32, #tpu.memory_space<vmem>>, vector<16xf32>,
          %mul3A_538 = arith.constant 16 : i32
          %mul3A_539 = arith.muli %scan3A_486, %mul3A_538 : i32
          %get3A_540 = arith.constant 0 : i32
          %get3A_541 = arith.constant 3 : i32
          %get3A_542 = arith.index_cast %get3A_540 : i32 to index
          %get3A_543 = arith.index_cast %get3A_541 : i32 to index
          %get3A_544 = arith.index_cast %mul3A_539 : i32 to index
          %get3A_545 = tpu.vector_load %arg7[%get3A_542, %get3A_543, %get3A_544] {strides = array<i32>} : memref<1x8x4096xf32, #tpu.memory_space<vmem>>, vector<16xf32>,
          %convert_element_type3A_546 = arith.fptosi %get3A_545 : vector<16xf32> to vector<16xi32>
          %add3A_547 = vector.broadcast %mul3A_480 : i32 to vector<16xi32>
          %add3A_548 = arith.addi %convert_element_type3A_546, %add3A_547 : vector<16xi32>
          %gather3A_549 = tpu.vector_load_idx %arg5[%add3A_548] : memref<10000xf32, #tpu.memory_space<vmem>>[vector<16xi32>], vector<16xf32>,
          %swap3A_550 = arith.constant 0 : i32
          %swap3A_551 = arith.constant 3 : i32
          %swap3A_552 = arith.index_cast %swap3A_550 : i32 to index
          %swap3A_553 = arith.index_cast %swap3A_551 : i32 to index
          %swap3A_554 = arith.index_cast %mul3A_539 : i32 to index
          %swap3A_555 = tpu.vector_load %arg7[%swap3A_552, %swap3A_553, %swap3A_554] {strides = array<i32>} : memref<1x8x4096xf32, #tpu.memory_space<vmem>>, vector<16xf32>,
          tpu.vector_store %arg7[%swap3A_552, %swap3A_553, %swap3A_554], %gather3A_549 {strides = array<i32>} : memref<1x8x4096xf32, #tpu.memory_space<vmem>>, vector<16xf32>,
          %mul3A_556 = arith.constant 16 : i32
          %mul3A_557 = arith.muli %scan3A_486, %mul3A_556 : i32
          %get3A_558 = arith.constant 0 : i32
          %get3A_559 = arith.constant 4 : i32
          %get3A_560 = arith.index_cast %get3A_558 : i32 to index
          %get3A_561 = arith.index_cast %get3A_559 : i32 to index
          %get3A_562 = arith.index_cast %mul3A_557 : i32 to index
          %get3A_563 = tpu.vector_load %arg7[%get3A_560, %get3A_561, %get3A_562] {strides = array<i32>} : memref<1x8x4096xf32, #tpu.memory_space<vmem>>, vector<16xf32>,
          %convert_element_type3A_564 = arith.fptosi %get3A_563 : vector<16xf32> to vector<16xi32>
          %add3A_565 = vector.broadcast %mul3A_480 : i32 to vector<16xi32>
          %add3A_566 = arith.addi %convert_element_type3A_564, %add3A_565 : vector<16xi32>
          %gather3A_567 = tpu.vector_load_idx %arg5[%add3A_566] : memref<10000xf32, #tpu.memory_space<vmem>>[vector<16xi32>], vector<16xf32>,
          %swap3A_568 = arith.constant 0 : i32
          %swap3A_569 = arith.constant 4 : i32
          %swap3A_570 = arith.index_cast %swap3A_568 : i32 to index
          %swap3A_571 = arith.index_cast %swap3A_569 : i32 to index
          %swap3A_572 = arith.index_cast %mul3A_557 : i32 to index
          %swap3A_573 = tpu.vector_load %arg7[%swap3A_570, %swap3A_571, %swap3A_572] {strides = array<i32>} : memref<1x8x4096xf32, #tpu.memory_space<vmem>>, vector<16xf32>,
          tpu.vector_store %arg7[%swap3A_570, %swap3A_571, %swap3A_572], %gather3A_567 {strides = array<i32>} : memref<1x8x4096xf32, #tpu.memory_space<vmem>>, vector<16xf32>,
          %mul3A_574 = arith.constant 16 : i32
          %mul3A_575 = arith.muli %scan3A_486, %mul3A_574 : i32
          %get3A_576 = arith.constant 0 : i32
          %get3A_577 = arith.constant 5 : i32
          %get3A_578 = arith.index_cast %get3A_576 : i32 to index
          %get3A_579 = arith.index_cast %get3A_577 : i32 to index
          %get3A_580 = arith.index_cast %mul3A_575 : i32 to index
          %get3A_581 = tpu.vector_load %arg7[%get3A_578, %get3A_579, %get3A_580] {strides = array<i32>} : memref<1x8x4096xf32, #tpu.memory_space<vmem>>, vector<16xf32>,
          %convert_element_type3A_582 = arith.fptosi %get3A_581 : vector<16xf32> to vector<16xi32>
          %add3A_583 = vector.broadcast %mul3A_480 : i32 to vector<16xi32>
          %add3A_584 = arith.addi %convert_element_type3A_582, %add3A_583 : vector<16xi32>
          %gather3A_585 = tpu.vector_load_idx %arg5[%add3A_584] : memref<10000xf32, #tpu.memory_space<vmem>>[vector<16xi32>], vector<16xf32>,
          %swap3A_586 = arith.constant 0 : i32
          %swap3A_587 = arith.constant 5 : i32
          %swap3A_588 = arith.index_cast %swap3A_586 : i32 to index
          %swap3A_589 = arith.index_cast %swap3A_587 : i32 to index
          %swap3A_590 = arith.index_cast %mul3A_575 : i32 to index
          %swap3A_591 = tpu.vector_load %arg7[%swap3A_588, %swap3A_589, %swap3A_590] {strides = array<i32>} : memref<1x8x4096xf32, #tpu.memory_space<vmem>>, vector<16xf32>,
          tpu.vector_store %arg7[%swap3A_588, %swap3A_589, %swap3A_590], %gather3A_585 {strides = array<i32>} : memref<1x8x4096xf32, #tpu.memory_space<vmem>>, vector<16xf32>,
          %mul3A_592 = arith.constant 16 : i32
          %mul3A_593 = arith.muli %scan3A_486, %mul3A_592 : i32
          %get3A_594 = arith.constant 0 : i32
          %get3A_595 = arith.constant 6 : i32
          %get3A_596 = arith.index_cast %get3A_594 : i32 to index
          %get3A_597 = arith.index_cast %get3A_595 : i32 to index
          %get3A_598 = arith.index_cast %mul3A_593 : i32 to index
          %get3A_599 = tpu.vector_load %arg7[%get3A_596, %get3A_597, %get3A_598] {strides = array<i32>} : memref<1x8x4096xf32, #tpu.memory_space<vmem>>, vector<16xf32>,
          %convert_element_type3A_600 = arith.fptosi %get3A_599 : vector<16xf32> to vector<16xi32>
          %add3A_601 = vector.broadcast %mul3A_480 : i32 to vector<16xi32>
          %add3A_602 = arith.addi %convert_element_type3A_600, %add3A_601 : vector<16xi32>
          %gather3A_603 = tpu.vector_load_idx %arg5[%add3A_602] : memref<10000xf32, #tpu.memory_space<vmem>>[vector<16xi32>], vector<16xf32>,
          %swap3A_604 = arith.constant 0 : i32
          %swap3A_605 = arith.constant 6 : i32
          %swap3A_606 = arith.index_cast %swap3A_604 : i32 to index
          %swap3A_607 = arith.index_cast %swap3A_605 : i32 to index
          %swap3A_608 = arith.index_cast %mul3A_593 : i32 to index
          %swap3A_609 = tpu.vector_load %arg7[%swap3A_606, %swap3A_607, %swap3A_608] {strides = array<i32>} : memref<1x8x4096xf32, #tpu.memory_space<vmem>>, vector<16xf32>,
          tpu.vector_store %arg7[%swap3A_606, %swap3A_607, %swap3A_608], %gather3A_603 {strides = array<i32>} : memref<1x8x4096xf32, #tpu.memory_space<vmem>>, vector<16xf32>,
          %mul3A_610 = arith.constant 16 : i32
          %mul3A_611 = arith.muli %scan3A_486, %mul3A_610 : i32
          %get3A_612 = arith.constant 0 : i32
          %get3A_613 = arith.constant 7 : i32
          %get3A_614 = arith.index_cast %get3A_612 : i32 to index
          %get3A_615 = arith.index_cast %get3A_613 : i32 to index
          %get3A_616 = arith.index_cast %mul3A_611 : i32 to index
          %get3A_617 = tpu.vector_load %arg7[%get3A_614, %get3A_615, %get3A_616] {strides = array<i32>} : memref<1x8x4096xf32, #tpu.memory_space<vmem>>, vector<16xf32>,
          %convert_element_type3A_618 = arith.fptosi %get3A_617 : vector<16xf32> to vector<16xi32>
          %add3A_619 = vector.broadcast %mul3A_480 : i32 to vector<16xi32>
          %add3A_620 = arith.addi %convert_element_type3A_618, %add3A_619 : vector<16xi32>
          %gather3A_621 = tpu.vector_load_idx %arg5[%add3A_620] : memref<10000xf32, #tpu.memory_space<vmem>>[vector<16xi32>], vector<16xf32>,
          %swap3A_622 = arith.constant 0 : i32
          %swap3A_623 = arith.constant 7 : i32
          %swap3A_624 = arith.index_cast %swap3A_622 : i32 to index
          %swap3A_625 = arith.index_cast %swap3A_623 : i32 to index
          %swap3A_626 = arith.index_cast %mul3A_611 : i32 to index
          %swap3A_627 = tpu.vector_load %arg7[%swap3A_624, %swap3A_625, %swap3A_626] {strides = array<i32>} : memref<1x8x4096xf32, #tpu.memory_space<vmem>>, vector<16xf32>,
          tpu.vector_store %arg7[%swap3A_624, %swap3A_625, %swap3A_626], %gather3A_621 {strides = array<i32>} : memref<1x8x4096xf32, #tpu.memory_space<vmem>>, vector<16xf32>,
        }
        %scan3A_485 = arith.constant 256 : i32
      } else {
      }
      %add3A_467 = arith.constant 32 : i32
      %add3A_468 = arith.addi %add3A, %add3A_467 : i32
      %dma_start3A = arith.constant 0 : i32
      %dma_start3A_469 = arith.constant 0 : i32
      %dma_start3A_470 = tpu.memref_slice %arg4[%add3A_468, %dma_start3A, %dma_start3A_469] : memref<650x8x4096xf32, #tpu.memory_space<hbm>> -> memref<1x8x4096xf32, #tpu.memory_space<hbm>>
      %dma_start3A_471 = arith.constant 0 : i32
      %dma_start3A_472 = arith.constant 0 : i32
      %dma_start3A_473 = tpu.memref_slice %arg4[%add3A_468, %dma_start3A_471, %dma_start3A_472] : memref<650x8x4096xf32, #tpu.memory_space<hbm>> -> memref<1x8x4096xf32, #tpu.memory_space<hbm>>
      tpu.enqueue_dma source(%arg7 : memref<1x8x4096xf32, #tpu.memory_space<vmem>>) target(%dma_start3A_473 : memref<1x8x4096xf32, #tpu.memory_space<hbm>>) target_semaphore(%arg13 : memref<!tpu.dma_semaphore, #tpu.memory_space<semaphore_mem>>)
    } else {
    }
    %add3A_33 = arith.constant 0 : i32
    %add3A_34 = arith.addi %add3A, %add3A_33 : i32
    %lt3A_35 = arith.constant 650 : i32
    %lt3A_36 = arith.cmpi slt, %add3A_34, %lt3A_35 : i32
    %convert_element_type3A_37 = arith.extui %lt3A_36 : i1 to i32
    %cond3A_38 = arith.constant 0 : i32
    %cond3A_39 = arith.cmpi ne, %convert_element_type3A_37, %cond3A_38 : i32
    scf.if %cond3A_39 {
      %add3A_453 = arith.constant 0 : i32
      %add3A_454 = arith.addi %add3A, %add3A_453 : i32
      %dma_wait3A = arith.constant 0 : i32
      %dma_wait3A_455 = arith.constant 0 : i32
      %dma_wait3A_456 = tpu.memref_slice %arg4[%add3A_454, %dma_wait3A, %dma_wait3A_455] : memref<650x8x4096xf32, #tpu.memory_space<hbm>> -> memref<1x8x4096xf32, #tpu.memory_space<hbm>>
      %dma_wait3A_457 = arith.constant 0 : i32
      %dma_wait3A_458 = arith.constant 0 : i32
      %dma_wait3A_459 = tpu.memref_slice %arg4[%add3A_454, %dma_wait3A_457, %dma_wait3A_458] : memref<650x8x4096xf32, #tpu.memory_space<hbm>> -> memref<1x8x4096xf32, #tpu.memory_space<hbm>>
      tpu.wait_dma2 semaphore(%arg12 : memref<!tpu.dma_semaphore, #tpu.memory_space<semaphore_mem>>) src(%arg6 : memref<1x8x4096xf32, #tpu.memory_space<vmem>>) dst(%dma_wait3A_459 : memref<1x8x4096xf32, #tpu.memory_space<hbm>>)
    } else {
    }
    %add3A_40 = arith.constant 96 : i32
    %add3A_41 = arith.addi %add3A, %add3A_40 : i32
    %lt3A_42 = arith.constant 650 : i32
    %lt3A_43 = arith.cmpi slt, %add3A_41, %lt3A_42 : i32
    %convert_element_type3A_44 = arith.extui %lt3A_43 : i1 to i32
    %cond3A_45 = arith.constant 0 : i32
    %cond3A_46 = arith.cmpi ne, %convert_element_type3A_44, %cond3A_45 : i32
    scf.if %cond3A_46 {
      %add3A_453 = arith.constant 96 : i32
      %add3A_454 = arith.addi %add3A, %add3A_453 : i32
      %dma_start3A = arith.constant 0 : i32
      %dma_start3A_455 = arith.constant 0 : i32
      %dma_start3A_456 = tpu.memref_slice %arg2[%add3A_454, %dma_start3A, %dma_start3A_455] : memref<650x8x4096xf32, #tpu.memory_space<hbm>> -> memref<1x8x4096xf32, #tpu.memory_space<hbm>>
      %dma_start3A_457 = arith.constant 0 : i32
      %dma_start3A_458 = arith.constant 0 : i32
      %dma_start3A_459 = tpu.memref_slice %arg2[%add3A_454, %dma_start3A_457, %dma_start3A_458] : memref<650x8x4096xf32, #tpu.memory_space<hbm>> -> memref<1x8x4096xf32, #tpu.memory_space<hbm>>
      tpu.enqueue_dma source(%dma_start3A_459 : memref<1x8x4096xf32, #tpu.memory_space<hbm>>) target(%arg6 : memref<1x8x4096xf32, #tpu.memory_space<vmem>>) target_semaphore(%arg9 : memref<!tpu.dma_semaphore, #tpu.memory_space<semaphore_mem>>)
    } else {
    }
    %add3A_47 = arith.constant 64 : i32
    %add3A_48 = arith.addi %add3A, %add3A_47 : i32
    %lt3A_49 = arith.constant 650 : i32
    %lt3A_50 = arith.cmpi slt, %add3A_48, %lt3A_49 : i32
    %convert_element_type3A_51 = arith.extui %lt3A_50 : i1 to i32
    %cond3A_52 = arith.constant 0 : i32
    %cond3A_53 = arith.cmpi ne, %convert_element_type3A_51, %cond3A_52 : i32
    scf.if %cond3A_53 {
      %add3A_453 = arith.constant 64 : i32
      %add3A_454 = arith.addi %add3A, %add3A_453 : i32
      %dma_wait3A = arith.constant 0 : i32
      %dma_wait3A_455 = arith.constant 0 : i32
      %dma_wait3A_456 = tpu.memref_slice %arg2[%add3A_454, %dma_wait3A, %dma_wait3A_455] : memref<650x8x4096xf32, #tpu.memory_space<hbm>> -> memref<1x8x4096xf32, #tpu.memory_space<hbm>>
      %dma_wait3A_457 = arith.constant 0 : i32
      %dma_wait3A_458 = arith.constant 0 : i32
      %dma_wait3A_459 = tpu.memref_slice %arg2[%add3A_454, %dma_wait3A_457, %dma_wait3A_458] : memref<650x8x4096xf32, #tpu.memory_space<hbm>> -> memref<1x8x4096xf32, #tpu.memory_space<hbm>>
      tpu.wait_dma2 semaphore(%arg11 : memref<!tpu.dma_semaphore, #tpu.memory_space<semaphore_mem>>) src(%dma_wait3A_459 : memref<1x8x4096xf32, #tpu.memory_space<hbm>>) dst(%arg8 : memref<1x8x4096xf32, #tpu.memory_space<vmem>>)
      %add3A_460 = arith.constant 64 : i32
      %add3A_461 = arith.addi %add3A, %add3A_460 : i32
      %lt3A_462 = arith.constant 250 : i32
      %lt3A_463 = arith.cmpi slt, %add3A_461, %lt3A_462 : i32
      %convert_element_type3A_464 = arith.extui %lt3A_463 : i1 to i32
      %cond3A_465 = arith.constant 0 : i32
      %cond3A_466 = arith.cmpi ne, %convert_element_type3A_464, %cond3A_465 : i32
      scf.if %cond3A_466 {
        %add3A_474 = arith.constant 64 : i32
        %add3A_475 = arith.addi %add3A, %add3A_474 : i32
        %mul3A_476 = arith.constant 41944 : i32
        %mul3A_477 = arith.muli %add3A_475, %mul3A_476 : i32
        %shift_right_arithmetic3A = arith.constant 20 : i32
        %shift_right_arithmetic3A_478 = arith.shrsi %mul3A_477, %shift_right_arithmetic3A : i32
        %mul3A_479 = arith.constant 1000 : i32
        %mul3A_480 = arith.muli %shift_right_arithmetic3A_478, %mul3A_479 : i32
        %scan3A = arith.constant 0 : i32
        %scan3A_481 = arith.constant 0 : i32
        %scan3A_482 = arith.constant 256 : i32
        %scan3A_483 = arith.addi %scan3A_481, %scan3A_482 : i32
        %scan3A_484 = arith.constant 1 : i32
        scf.for %scan3A_486 = %scan3A_481 to %scan3A_483 step %scan3A_484  : i32 {
          %mul3A_487 = arith.constant 16 : i32
          %mul3A_488 = arith.muli %scan3A_486, %mul3A_487 : i32
          %get3A = arith.constant 0 : i32
          %get3A_489 = arith.constant 0 : i32
          %get3A_490 = arith.index_cast %get3A : i32 to index
          %get3A_491 = arith.index_cast %get3A_489 : i32 to index
          %get3A_492 = arith.index_cast %mul3A_488 : i32 to index
          %get3A_493 = tpu.vector_load %arg8[%get3A_490, %get3A_491, %get3A_492] {strides = array<i32>} : memref<1x8x4096xf32, #tpu.memory_space<vmem>>, vector<16xf32>,
          %convert_element_type3A_494 = arith.fptosi %get3A_493 : vector<16xf32> to vector<16xi32>
          %add3A_495 = vector.broadcast %mul3A_480 : i32 to vector<16xi32>
          %add3A_496 = arith.addi %convert_element_type3A_494, %add3A_495 : vector<16xi32>
          %gather3A = tpu.vector_load_idx %arg5[%add3A_496] : memref<10000xf32, #tpu.memory_space<vmem>>[vector<16xi32>], vector<16xf32>,
          %swap3A = arith.constant 0 : i32
          %swap3A_497 = arith.constant 0 : i32
          %swap3A_498 = arith.index_cast %swap3A : i32 to index
          %swap3A_499 = arith.index_cast %swap3A_497 : i32 to index
          %swap3A_500 = arith.index_cast %mul3A_488 : i32 to index
          %swap3A_501 = tpu.vector_load %arg8[%swap3A_498, %swap3A_499, %swap3A_500] {strides = array<i32>} : memref<1x8x4096xf32, #tpu.memory_space<vmem>>, vector<16xf32>,
          tpu.vector_store %arg8[%swap3A_498, %swap3A_499, %swap3A_500], %gather3A {strides = array<i32>} : memref<1x8x4096xf32, #tpu.memory_space<vmem>>, vector<16xf32>,
          %mul3A_502 = arith.constant 16 : i32
          %mul3A_503 = arith.muli %scan3A_486, %mul3A_502 : i32
          %get3A_504 = arith.constant 0 : i32
          %get3A_505 = arith.constant 1 : i32
          %get3A_506 = arith.index_cast %get3A_504 : i32 to index
          %get3A_507 = arith.index_cast %get3A_505 : i32 to index
          %get3A_508 = arith.index_cast %mul3A_503 : i32 to index
          %get3A_509 = tpu.vector_load %arg8[%get3A_506, %get3A_507, %get3A_508] {strides = array<i32>} : memref<1x8x4096xf32, #tpu.memory_space<vmem>>, vector<16xf32>,
          %convert_element_type3A_510 = arith.fptosi %get3A_509 : vector<16xf32> to vector<16xi32>
          %add3A_511 = vector.broadcast %mul3A_480 : i32 to vector<16xi32>
          %add3A_512 = arith.addi %convert_element_type3A_510, %add3A_511 : vector<16xi32>
          %gather3A_513 = tpu.vector_load_idx %arg5[%add3A_512] : memref<10000xf32, #tpu.memory_space<vmem>>[vector<16xi32>], vector<16xf32>,
          %swap3A_514 = arith.constant 0 : i32
          %swap3A_515 = arith.constant 1 : i32
          %swap3A_516 = arith.index_cast %swap3A_514 : i32 to index
          %swap3A_517 = arith.index_cast %swap3A_515 : i32 to index
          %swap3A_518 = arith.index_cast %mul3A_503 : i32 to index
          %swap3A_519 = tpu.vector_load %arg8[%swap3A_516, %swap3A_517, %swap3A_518] {strides = array<i32>} : memref<1x8x4096xf32, #tpu.memory_space<vmem>>, vector<16xf32>,
          tpu.vector_store %arg8[%swap3A_516, %swap3A_517, %swap3A_518], %gather3A_513 {strides = array<i32>} : memref<1x8x4096xf32, #tpu.memory_space<vmem>>, vector<16xf32>,
          %mul3A_520 = arith.constant 16 : i32
          %mul3A_521 = arith.muli %scan3A_486, %mul3A_520 : i32
          %get3A_522 = arith.constant 0 : i32
          %get3A_523 = arith.constant 2 : i32
          %get3A_524 = arith.index_cast %get3A_522 : i32 to index
          %get3A_525 = arith.index_cast %get3A_523 : i32 to index
          %get3A_526 = arith.index_cast %mul3A_521 : i32 to index
          %get3A_527 = tpu.vector_load %arg8[%get3A_524, %get3A_525, %get3A_526] {strides = array<i32>} : memref<1x8x4096xf32, #tpu.memory_space<vmem>>, vector<16xf32>,
          %convert_element_type3A_528 = arith.fptosi %get3A_527 : vector<16xf32> to vector<16xi32>
          %add3A_529 = vector.broadcast %mul3A_480 : i32 to vector<16xi32>
          %add3A_530 = arith.addi %convert_element_type3A_528, %add3A_529 : vector<16xi32>
          %gather3A_531 = tpu.vector_load_idx %arg5[%add3A_530] : memref<10000xf32, #tpu.memory_space<vmem>>[vector<16xi32>], vector<16xf32>,
          %swap3A_532 = arith.constant 0 : i32
          %swap3A_533 = arith.constant 2 : i32
          %swap3A_534 = arith.index_cast %swap3A_532 : i32 to index
          %swap3A_535 = arith.index_cast %swap3A_533 : i32 to index
          %swap3A_536 = arith.index_cast %mul3A_521 : i32 to index
          %swap3A_537 = tpu.vector_load %arg8[%swap3A_534, %swap3A_535, %swap3A_536] {strides = array<i32>} : memref<1x8x4096xf32, #tpu.memory_space<vmem>>, vector<16xf32>,
          tpu.vector_store %arg8[%swap3A_534, %swap3A_535, %swap3A_536], %gather3A_531 {strides = array<i32>} : memref<1x8x4096xf32, #tpu.memory_space<vmem>>, vector<16xf32>,
          %mul3A_538 = arith.constant 16 : i32
          %mul3A_539 = arith.muli %scan3A_486, %mul3A_538 : i32
          %get3A_540 = arith.constant 0 : i32
          %get3A_541 = arith.constant 3 : i32
          %get3A_542 = arith.index_cast %get3A_540 : i32 to index
          %get3A_543 = arith.index_cast %get3A_541 : i32 to index
          %get3A_544 = arith.index_cast %mul3A_539 : i32 to index
          %get3A_545 = tpu.vector_load %arg8[%get3A_542, %get3A_543, %get3A_544] {strides = array<i32>} : memref<1x8x4096xf32, #tpu.memory_space<vmem>>, vector<16xf32>,
          %convert_element_type3A_546 = arith.fptosi %get3A_545 : vector<16xf32> to vector<16xi32>
          %add3A_547 = vector.broadcast %mul3A_480 : i32 to vector<16xi32>
          %add3A_548 = arith.addi %convert_element_type3A_546, %add3A_547 : vector<16xi32>
          %gather3A_549 = tpu.vector_load_idx %arg5[%add3A_548] : memref<10000xf32, #tpu.memory_space<vmem>>[vector<16xi32>], vector<16xf32>,
          %swap3A_550 = arith.constant 0 : i32
          %swap3A_551 = arith.constant 3 : i32
          %swap3A_552 = arith.index_cast %swap3A_550 : i32 to index
          %swap3A_553 = arith.index_cast %swap3A_551 : i32 to index
          %swap3A_554 = arith.index_cast %mul3A_539 : i32 to index
          %swap3A_555 = tpu.vector_load %arg8[%swap3A_552, %swap3A_553, %swap3A_554] {strides = array<i32>} : memref<1x8x4096xf32, #tpu.memory_space<vmem>>, vector<16xf32>,
          tpu.vector_store %arg8[%swap3A_552, %swap3A_553, %swap3A_554], %gather3A_549 {strides = array<i32>} : memref<1x8x4096xf32, #tpu.memory_space<vmem>>, vector<16xf32>,
          %mul3A_556 = arith.constant 16 : i32
          %mul3A_557 = arith.muli %scan3A_486, %mul3A_556 : i32
          %get3A_558 = arith.constant 0 : i32
          %get3A_559 = arith.constant 4 : i32
          %get3A_560 = arith.index_cast %get3A_558 : i32 to index
          %get3A_561 = arith.index_cast %get3A_559 : i32 to index
          %get3A_562 = arith.index_cast %mul3A_557 : i32 to index
          %get3A_563 = tpu.vector_load %arg8[%get3A_560, %get3A_561, %get3A_562] {strides = array<i32>} : memref<1x8x4096xf32, #tpu.memory_space<vmem>>, vector<16xf32>,
          %convert_element_type3A_564 = arith.fptosi %get3A_563 : vector<16xf32> to vector<16xi32>
          %add3A_565 = vector.broadcast %mul3A_480 : i32 to vector<16xi32>
          %add3A_566 = arith.addi %convert_element_type3A_564, %add3A_565 : vector<16xi32>
          %gather3A_567 = tpu.vector_load_idx %arg5[%add3A_566] : memref<10000xf32, #tpu.memory_space<vmem>>[vector<16xi32>], vector<16xf32>,
          %swap3A_568 = arith.constant 0 : i32
          %swap3A_569 = arith.constant 4 : i32
          %swap3A_570 = arith.index_cast %swap3A_568 : i32 to index
          %swap3A_571 = arith.index_cast %swap3A_569 : i32 to index
          %swap3A_572 = arith.index_cast %mul3A_557 : i32 to index
          %swap3A_573 = tpu.vector_load %arg8[%swap3A_570, %swap3A_571, %swap3A_572] {strides = array<i32>} : memref<1x8x4096xf32, #tpu.memory_space<vmem>>, vector<16xf32>,
          tpu.vector_store %arg8[%swap3A_570, %swap3A_571, %swap3A_572], %gather3A_567 {strides = array<i32>} : memref<1x8x4096xf32, #tpu.memory_space<vmem>>, vector<16xf32>,
          %mul3A_574 = arith.constant 16 : i32
          %mul3A_575 = arith.muli %scan3A_486, %mul3A_574 : i32
          %get3A_576 = arith.constant 0 : i32
          %get3A_577 = arith.constant 5 : i32
          %get3A_578 = arith.index_cast %get3A_576 : i32 to index
          %get3A_579 = arith.index_cast %get3A_577 : i32 to index
          %get3A_580 = arith.index_cast %mul3A_575 : i32 to index
          %get3A_581 = tpu.vector_load %arg8[%get3A_578, %get3A_579, %get3A_580] {strides = array<i32>} : memref<1x8x4096xf32, #tpu.memory_space<vmem>>, vector<16xf32>,
          %convert_element_type3A_582 = arith.fptosi %get3A_581 : vector<16xf32> to vector<16xi32>
          %add3A_583 = vector.broadcast %mul3A_480 : i32 to vector<16xi32>
          %add3A_584 = arith.addi %convert_element_type3A_582, %add3A_583 : vector<16xi32>
          %gather3A_585 = tpu.vector_load_idx %arg5[%add3A_584] : memref<10000xf32, #tpu.memory_space<vmem>>[vector<16xi32>], vector<16xf32>,
          %swap3A_586 = arith.constant 0 : i32
          %swap3A_587 = arith.constant 5 : i32
          %swap3A_588 = arith.index_cast %swap3A_586 : i32 to index
          %swap3A_589 = arith.index_cast %swap3A_587 : i32 to index
          %swap3A_590 = arith.index_cast %mul3A_575 : i32 to index
          %swap3A_591 = tpu.vector_load %arg8[%swap3A_588, %swap3A_589, %swap3A_590] {strides = array<i32>} : memref<1x8x4096xf32, #tpu.memory_space<vmem>>, vector<16xf32>,
          tpu.vector_store %arg8[%swap3A_588, %swap3A_589, %swap3A_590], %gather3A_585 {strides = array<i32>} : memref<1x8x4096xf32, #tpu.memory_space<vmem>>, vector<16xf32>,
          %mul3A_592 = arith.constant 16 : i32
          %mul3A_593 = arith.muli %scan3A_486, %mul3A_592 : i32
          %get3A_594 = arith.constant 0 : i32
          %get3A_595 = arith.constant 6 : i32
          %get3A_596 = arith.index_cast %get3A_594 : i32 to index
          %get3A_597 = arith.index_cast %get3A_595 : i32 to index
          %get3A_598 = arith.index_cast %mul3A_593 : i32 to index
          %get3A_599 = tpu.vector_load %arg8[%get3A_596, %get3A_597, %get3A_598] {strides = array<i32>} : memref<1x8x4096xf32, #tpu.memory_space<vmem>>, vector<16xf32>,
          %convert_element_type3A_600 = arith.fptosi %get3A_599 : vector<16xf32> to vector<16xi32>
          %add3A_601 = vector.broadcast %mul3A_480 : i32 to vector<16xi32>
          %add3A_602 = arith.addi %convert_element_type3A_600, %add3A_601 : vector<16xi32>
          %gather3A_603 = tpu.vector_load_idx %arg5[%add3A_602] : memref<10000xf32, #tpu.memory_space<vmem>>[vector<16xi32>], vector<16xf32>,
          %swap3A_604 = arith.constant 0 : i32
          %swap3A_605 = arith.constant 6 : i32
          %swap3A_606 = arith.index_cast %swap3A_604 : i32 to index
          %swap3A_607 = arith.index_cast %swap3A_605 : i32 to index
          %swap3A_608 = arith.index_cast %mul3A_593 : i32 to index
          %swap3A_609 = tpu.vector_load %arg8[%swap3A_606, %swap3A_607, %swap3A_608] {strides = array<i32>} : memref<1x8x4096xf32, #tpu.memory_space<vmem>>, vector<16xf32>,
          tpu.vector_store %arg8[%swap3A_606, %swap3A_607, %swap3A_608], %gather3A_603 {strides = array<i32>} : memref<1x8x4096xf32, #tpu.memory_space<vmem>>, vector<16xf32>,
          %mul3A_610 = arith.constant 16 : i32
          %mul3A_611 = arith.muli %scan3A_486, %mul3A_610 : i32
          %get3A_612 = arith.constant 0 : i32
          %get3A_613 = arith.constant 7 : i32
          %get3A_614 = arith.index_cast %get3A_612 : i32 to index
          %get3A_615 = arith.index_cast %get3A_613 : i32 to index
          %get3A_616 = arith.index_cast %mul3A_611 : i32 to index
          %get3A_617 = tpu.vector_load %arg8[%get3A_614, %get3A_615, %get3A_616] {strides = array<i32>} : memref<1x8x4096xf32, #tpu.memory_space<vmem>>, vector<16xf32>,
          %convert_element_type3A_618 = arith.fptosi %get3A_617 : vector<16xf32> to vector<16xi32>
          %add3A_619 = vector.broadcast %mul3A_480 : i32 to vector<16xi32>
          %add3A_620 = arith.addi %convert_element_type3A_618, %add3A_619 : vector<16xi32>
          %gather3A_621 = tpu.vector_load_idx %arg5[%add3A_620] : memref<10000xf32, #tpu.memory_space<vmem>>[vector<16xi32>], vector<16xf32>,
          %swap3A_622 = arith.constant 0 : i32
          %swap3A_623 = arith.constant 7 : i32
          %swap3A_624 = arith.index_cast %swap3A_622 : i32 to index
          %swap3A_625 = arith.index_cast %swap3A_623 : i32 to index
          %swap3A_626 = arith.index_cast %mul3A_611 : i32 to index
          %swap3A_627 = tpu.vector_load %arg8[%swap3A_624, %swap3A_625, %swap3A_626] {strides = array<i32>} : memref<1x8x4096xf32, #tpu.memory_space<vmem>>, vector<16xf32>,
          tpu.vector_store %arg8[%swap3A_624, %swap3A_625, %swap3A_626], %gather3A_621 {strides = array<i32>} : memref<1x8x4096xf32, #tpu.memory_space<vmem>>, vector<16xf32>,
        }
        %scan3A_485 = arith.constant 256 : i32
      } else {
      }
      %add3A_467 = arith.constant 64 : i32
      %add3A_468 = arith.addi %add3A, %add3A_467 : i32
      %dma_start3A = arith.constant 0 : i32
      %dma_start3A_469 = arith.constant 0 : i32
      %dma_start3A_470 = tpu.memref_slice %arg4[%add3A_468, %dma_start3A, %dma_start3A_469] : memref<650x8x4096xf32, #tpu.memory_space<hbm>> -> memref<1x8x4096xf32, #tpu.memory_space<hbm>>
      %dma_start3A_471 = arith.constant 0 : i32
      %dma_start3A_472 = arith.constant 0 : i32
      %dma_start3A_473 = tpu.memref_slice %arg4[%add3A_468, %dma_start3A_471, %dma_start3A_472] : memref<650x8x4096xf32, #tpu.memory_space<hbm>> -> memref<1x8x4096xf32, #tpu.memory_space<hbm>>
      tpu.enqueue_dma source(%arg8 : memref<1x8x4096xf32, #tpu.memory_space<vmem>>) target(%dma_start3A_473 : memref<1x8x4096xf32, #tpu.memory_space<hbm>>) target_semaphore(%arg14 : memref<!tpu.dma_semaphore, #tpu.memory_space<semaphore_mem>>)
    } else {
    }
    %add3A_54 = arith.constant 32 : i32
    %add3A_55 = arith.addi %add3A, %add3A_54 : i32
    %lt3A_56 = arith.constant 650 : i32
    %lt3A_57 = arith.cmpi slt, %add3A_55, %lt3A_56 : i32
    %convert_element_type3A_58 = arith.extui %lt3A_57 : i1 to i32
    %cond3A_59 = arith.constant 0 : i32
    %cond3A_60 = arith.cmpi ne, %convert_element_type3A_58, %cond3A_59 : i32
    scf.if %cond3A_60 {
      %add3A_453 = arith.constant 32 : i32
      %add3A_454 = arith.addi %add3A, %add3A_453 : i32
      %dma_wait3A = arith.constant 0 : i32
      %dma_wait3A_455 = arith.constant 0 : i32
      %dma_wait3A_456 = tpu.memref_slice %arg4[%add3A_454, %dma_wait3A, %dma_wait3A_455] : memref<650x8x4096xf32, #tpu.memory_space<hbm>> -> memref<1x8x4096xf32, #tpu.memory_space<hbm>>
      %dma_wait3A_457 = arith.constant 0 : i32
      %dma_wait3A_458 = arith.constant 0 : i32
      %dma_wait3A_459 = tpu.memref_slice %arg4[%add3A_454, %dma_wait3A_457, %dma_wait3A_458] : memref<650x8x4096xf32, #tpu.memory_space<hbm>> -> memref<1x8x4096xf32, #tpu.memory_space<hbm>>
      tpu.wait_dma2 semaphore(%arg13 : memref<!tpu.dma_semaphore, #tpu.memory_space<semaphore_mem>>) src(%arg7 : memref<1x8x4096xf32, #tpu.memory_space<vmem>>) dst(%dma_wait3A_459 : memref<1x8x4096xf32, #tpu.memory_space<hbm>>)
    } else {
    }
    %add3A_61 = arith.constant 128 : i32
    %add3A_62 = arith.addi %add3A, %add3A_61 : i32
    %lt3A_63 = arith.constant 650 : i32
    %lt3A_64 = arith.cmpi slt, %add3A_62, %lt3A_63 : i32
    %convert_element_type3A_65 = arith.extui %lt3A_64 : i1 to i32
    %cond3A_66 = arith.constant 0 : i32
    %cond3A_67 = arith.cmpi ne, %convert_element_type3A_65, %cond3A_66 : i32
    scf.if %cond3A_67 {
      %add3A_453 = arith.constant 128 : i32
      %add3A_454 = arith.addi %add3A, %add3A_453 : i32
      %dma_start3A = arith.constant 0 : i32
      %dma_start3A_455 = arith.constant 0 : i32
      %dma_start3A_456 = tpu.memref_slice %arg2[%add3A_454, %dma_start3A, %dma_start3A_455] : memref<650x8x4096xf32, #tpu.memory_space<hbm>> -> memref<1x8x4096xf32, #tpu.memory_space<hbm>>
      %dma_start3A_457 = arith.constant 0 : i32
      %dma_start3A_458 = arith.constant 0 : i32
      %dma_start3A_459 = tpu.memref_slice %arg2[%add3A_454, %dma_start3A_457, %dma_start3A_458] : memref<650x8x4096xf32, #tpu.memory_space<hbm>> -> memref<1x8x4096xf32, #tpu.memory_space<hbm>>
      tpu.enqueue_dma source(%dma_start3A_459 : memref<1x8x4096xf32, #tpu.memory_space<hbm>>) target(%arg7 : memref<1x8x4096xf32, #tpu.memory_space<vmem>>) target_semaphore(%arg10 : memref<!tpu.dma_semaphore, #tpu.memory_space<semaphore_mem>>)
    } else {
    }
    %add3A_68 = arith.constant 96 : i32
    %add3A_69 = arith.addi %add3A, %add3A_68 : i32
    %lt3A_70 = arith.constant 650 : i32
    %lt3A_71 = arith.cmpi slt, %add3A_69, %lt3A_70 : i32
    %convert_element_type3A_72 = arith.extui %lt3A_71 : i1 to i32
    %cond3A_73 = arith.constant 0 : i32
    %cond3A_74 = arith.cmpi ne, %convert_element_type3A_72, %cond3A_73 : i32
    scf.if %cond3A_74 {
      %add3A_453 = arith.constant 96 : i32
      %add3A_454 = arith.addi %add3A, %add3A_453 : i32
      %dma_wait3A = arith.constant 0 : i32
      %dma_wait3A_455 = arith.constant 0 : i32
      %dma_wait3A_456 = tpu.memref_slice %arg2[%add3A_454, %dma_wait3A, %dma_wait3A_455] : memref<650x8x4096xf32, #tpu.memory_space<hbm>> -> memref<1x8x4096xf32, #tpu.memory_space<hbm>>
      %dma_wait3A_457 = arith.constant 0 : i32
      %dma_wait3A_458 = arith.constant 0 : i32
      %dma_wait3A_459 = tpu.memref_slice %arg2[%add3A_454, %dma_wait3A_457, %dma_wait3A_458] : memref<650x8x4096xf32, #tpu.memory_space<hbm>> -> memref<1x8x4096xf32, #tpu.memory_space<hbm>>
      tpu.wait_dma2 semaphore(%arg9 : memref<!tpu.dma_semaphore, #tpu.memory_space<semaphore_mem>>) src(%dma_wait3A_459 : memref<1x8x4096xf32, #tpu.memory_space<hbm>>) dst(%arg6 : memref<1x8x4096xf32, #tpu.memory_space<vmem>>)
      %add3A_460 = arith.constant 96 : i32
      %add3A_461 = arith.addi %add3A, %add3A_460 : i32
      %lt3A_462 = arith.constant 250 : i32
      %lt3A_463 = arith.cmpi slt, %add3A_461, %lt3A_462 : i32
      %convert_element_type3A_464 = arith.extui %lt3A_463 : i1 to i32
      %cond3A_465 = arith.constant 0 : i32
      %cond3A_466 = arith.cmpi ne, %convert_element_type3A_464, %cond3A_465 : i32
      scf.if %cond3A_466 {
        %add3A_474 = arith.constant 96 : i32
        %add3A_475 = arith.addi %add3A, %add3A_474 : i32
        %mul3A_476 = arith.constant 41944 : i32
        %mul3A_477 = arith.muli %add3A_475, %mul3A_476 : i32
        %shift_right_arithmetic3A = arith.constant 20 : i32
        %shift_right_arithmetic3A_478 = arith.shrsi %mul3A_477, %shift_right_arithmetic3A : i32
        %mul3A_479 = arith.constant 1000 : i32
        %mul3A_480 = arith.muli %shift_right_arithmetic3A_478, %mul3A_479 : i32
        %scan3A = arith.constant 0 : i32
        %scan3A_481 = arith.constant 0 : i32
        %scan3A_482 = arith.constant 256 : i32
        %scan3A_483 = arith.addi %scan3A_481, %scan3A_482 : i32
        %scan3A_484 = arith.constant 1 : i32
        scf.for %scan3A_486 = %scan3A_481 to %scan3A_483 step %scan3A_484  : i32 {
          %mul3A_487 = arith.constant 16 : i32
          %mul3A_488 = arith.muli %scan3A_486, %mul3A_487 : i32
          %get3A = arith.constant 0 : i32
          %get3A_489 = arith.constant 0 : i32
          %get3A_490 = arith.index_cast %get3A : i32 to index
          %get3A_491 = arith.index_cast %get3A_489 : i32 to index
          %get3A_492 = arith.index_cast %mul3A_488 : i32 to index
          %get3A_493 = tpu.vector_load %arg6[%get3A_490, %get3A_491, %get3A_492] {strides = array<i32>} : memref<1x8x4096xf32, #tpu.memory_space<vmem>>, vector<16xf32>,
          %convert_element_type3A_494 = arith.fptosi %get3A_493 : vector<16xf32> to vector<16xi32>
          %add3A_495 = vector.broadcast %mul3A_480 : i32 to vector<16xi32>
          %add3A_496 = arith.addi %convert_element_type3A_494, %add3A_495 : vector<16xi32>
          %gather3A = tpu.vector_load_idx %arg5[%add3A_496] : memref<10000xf32, #tpu.memory_space<vmem>>[vector<16xi32>], vector<16xf32>,
          %swap3A = arith.constant 0 : i32
          %swap3A_497 = arith.constant 0 : i32
          %swap3A_498 = arith.index_cast %swap3A : i32 to index
          %swap3A_499 = arith.index_cast %swap3A_497 : i32 to index
          %swap3A_500 = arith.index_cast %mul3A_488 : i32 to index
          %swap3A_501 = tpu.vector_load %arg6[%swap3A_498, %swap3A_499, %swap3A_500] {strides = array<i32>} : memref<1x8x4096xf32, #tpu.memory_space<vmem>>, vector<16xf32>,
          tpu.vector_store %arg6[%swap3A_498, %swap3A_499, %swap3A_500], %gather3A {strides = array<i32>} : memref<1x8x4096xf32, #tpu.memory_space<vmem>>, vector<16xf32>,
          %mul3A_502 = arith.constant 16 : i32
          %mul3A_503 = arith.muli %scan3A_486, %mul3A_502 : i32
          %get3A_504 = arith.constant 0 : i32
          %get3A_505 = arith.constant 1 : i32
          %get3A_506 = arith.index_cast %get3A_504 : i32 to index
          %get3A_507 = arith.index_cast %get3A_505 : i32 to index
          %get3A_508 = arith.index_cast %mul3A_503 : i32 to index
          %get3A_509 = tpu.vector_load %arg6[%get3A_506, %get3A_507, %get3A_508] {strides = array<i32>} : memref<1x8x4096xf32, #tpu.memory_space<vmem>>, vector<16xf32>,
          %convert_element_type3A_510 = arith.fptosi %get3A_509 : vector<16xf32> to vector<16xi32>
          %add3A_511 = vector.broadcast %mul3A_480 : i32 to vector<16xi32>
          %add3A_512 = arith.addi %convert_element_type3A_510, %add3A_511 : vector<16xi32>
          %gather3A_513 = tpu.vector_load_idx %arg5[%add3A_512] : memref<10000xf32, #tpu.memory_space<vmem>>[vector<16xi32>], vector<16xf32>,
          %swap3A_514 = arith.constant 0 : i32
          %swap3A_515 = arith.constant 1 : i32
          %swap3A_516 = arith.index_cast %swap3A_514 : i32 to index
          %swap3A_517 = arith.index_cast %swap3A_515 : i32 to index
          %swap3A_518 = arith.index_cast %mul3A_503 : i32 to index
          %swap3A_519 = tpu.vector_load %arg6[%swap3A_516, %swap3A_517, %swap3A_518] {strides = array<i32>} : memref<1x8x4096xf32, #tpu.memory_space<vmem>>, vector<16xf32>,
          tpu.vector_store %arg6[%swap3A_516, %swap3A_517, %swap3A_518], %gather3A_513 {strides = array<i32>} : memref<1x8x4096xf32, #tpu.memory_space<vmem>>, vector<16xf32>,
          %mul3A_520 = arith.constant 16 : i32
          %mul3A_521 = arith.muli %scan3A_486, %mul3A_520 : i32
          %get3A_522 = arith.constant 0 : i32
          %get3A_523 = arith.constant 2 : i32
          %get3A_524 = arith.index_cast %get3A_522 : i32 to index
          %get3A_525 = arith.index_cast %get3A_523 : i32 to index
          %get3A_526 = arith.index_cast %mul3A_521 : i32 to index
          %get3A_527 = tpu.vector_load %arg6[%get3A_524, %get3A_525, %get3A_526] {strides = array<i32>} : memref<1x8x4096xf32, #tpu.memory_space<vmem>>, vector<16xf32>,
          %convert_element_type3A_528 = arith.fptosi %get3A_527 : vector<16xf32> to vector<16xi32>
          %add3A_529 = vector.broadcast %mul3A_480 : i32 to vector<16xi32>
          %add3A_530 = arith.addi %convert_element_type3A_528, %add3A_529 : vector<16xi32>
          %gather3A_531 = tpu.vector_load_idx %arg5[%add3A_530] : memref<10000xf32, #tpu.memory_space<vmem>>[vector<16xi32>], vector<16xf32>,
          %swap3A_532 = arith.constant 0 : i32
          %swap3A_533 = arith.constant 2 : i32
          %swap3A_534 = arith.index_cast %swap3A_532 : i32 to index
          %swap3A_535 = arith.index_cast %swap3A_533 : i32 to index
          %swap3A_536 = arith.index_cast %mul3A_521 : i32 to index
          %swap3A_537 = tpu.vector_load %arg6[%swap3A_534, %swap3A_535, %swap3A_536] {strides = array<i32>} : memref<1x8x4096xf32, #tpu.memory_space<vmem>>, vector<16xf32>,
          tpu.vector_store %arg6[%swap3A_534, %swap3A_535, %swap3A_536], %gather3A_531 {strides = array<i32>} : memref<1x8x4096xf32, #tpu.memory_space<vmem>>, vector<16xf32>,
          %mul3A_538 = arith.constant 16 : i32
          %mul3A_539 = arith.muli %scan3A_486, %mul3A_538 : i32
          %get3A_540 = arith.constant 0 : i32
          %get3A_541 = arith.constant 3 : i32
          %get3A_542 = arith.index_cast %get3A_540 : i32 to index
          %get3A_543 = arith.index_cast %get3A_541 : i32 to index
          %get3A_544 = arith.index_cast %mul3A_539 : i32 to index
          %get3A_545 = tpu.vector_load %arg6[%get3A_542, %get3A_543, %get3A_544] {strides = array<i32>} : memref<1x8x4096xf32, #tpu.memory_space<vmem>>, vector<16xf32>,
          %convert_element_type3A_546 = arith.fptosi %get3A_545 : vector<16xf32> to vector<16xi32>
          %add3A_547 = vector.broadcast %mul3A_480 : i32 to vector<16xi32>
          %add3A_548 = arith.addi %convert_element_type3A_546, %add3A_547 : vector<16xi32>
          %gather3A_549 = tpu.vector_load_idx %arg5[%add3A_548] : memref<10000xf32, #tpu.memory_space<vmem>>[vector<16xi32>], vector<16xf32>,
          %swap3A_550 = arith.constant 0 : i32
          %swap3A_551 = arith.constant 3 : i32
          %swap3A_552 = arith.index_cast %swap3A_550 : i32 to index
          %swap3A_553 = arith.index_cast %swap3A_551 : i32 to index
          %swap3A_554 = arith.index_cast %mul3A_539 : i32 to index
          %swap3A_555 = tpu.vector_load %arg6[%swap3A_552, %swap3A_553, %swap3A_554] {strides = array<i32>} : memref<1x8x4096xf32, #tpu.memory_space<vmem>>, vector<16xf32>,
          tpu.vector_store %arg6[%swap3A_552, %swap3A_553, %swap3A_554], %gather3A_549 {strides = array<i32>} : memref<1x8x4096xf32, #tpu.memory_space<vmem>>, vector<16xf32>,
          %mul3A_556 = arith.constant 16 : i32
          %mul3A_557 = arith.muli %scan3A_486, %mul3A_556 : i32
          %get3A_558 = arith.constant 0 : i32
          %get3A_559 = arith.constant 4 : i32
          %get3A_560 = arith.index_cast %get3A_558 : i32 to index
          %get3A_561 = arith.index_cast %get3A_559 : i32 to index
          %get3A_562 = arith.index_cast %mul3A_557 : i32 to index
          %get3A_563 = tpu.vector_load %arg6[%get3A_560, %get3A_561, %get3A_562] {strides = array<i32>} : memref<1x8x4096xf32, #tpu.memory_space<vmem>>, vector<16xf32>,
          %convert_element_type3A_564 = arith.fptosi %get3A_563 : vector<16xf32> to vector<16xi32>
          %add3A_565 = vector.broadcast %mul3A_480 : i32 to vector<16xi32>
          %add3A_566 = arith.addi %convert_element_type3A_564, %add3A_565 : vector<16xi32>
          %gather3A_567 = tpu.vector_load_idx %arg5[%add3A_566] : memref<10000xf32, #tpu.memory_space<vmem>>[vector<16xi32>], vector<16xf32>,
          %swap3A_568 = arith.constant 0 : i32
          %swap3A_569 = arith.constant 4 : i32
          %swap3A_570 = arith.index_cast %swap3A_568 : i32 to index
          %swap3A_571 = arith.index_cast %swap3A_569 : i32 to index
          %swap3A_572 = arith.index_cast %mul3A_557 : i32 to index
          %swap3A_573 = tpu.vector_load %arg6[%swap3A_570, %swap3A_571, %swap3A_572] {strides = array<i32>} : memref<1x8x4096xf32, #tpu.memory_space<vmem>>, vector<16xf32>,
          tpu.vector_store %arg6[%swap3A_570, %swap3A_571, %swap3A_572], %gather3A_567 {strides = array<i32>} : memref<1x8x4096xf32, #tpu.memory_space<vmem>>, vector<16xf32>,
          %mul3A_574 = arith.constant 16 : i32
          %mul3A_575 = arith.muli %scan3A_486, %mul3A_574 : i32
          %get3A_576 = arith.constant 0 : i32
          %get3A_577 = arith.constant 5 : i32
          %get3A_578 = arith.index_cast %get3A_576 : i32 to index
          %get3A_579 = arith.index_cast %get3A_577 : i32 to index
          %get3A_580 = arith.index_cast %mul3A_575 : i32 to index
          %get3A_581 = tpu.vector_load %arg6[%get3A_578, %get3A_579, %get3A_580] {strides = array<i32>} : memref<1x8x4096xf32, #tpu.memory_space<vmem>>, vector<16xf32>,
          %convert_element_type3A_582 = arith.fptosi %get3A_581 : vector<16xf32> to vector<16xi32>
          %add3A_583 = vector.broadcast %mul3A_480 : i32 to vector<16xi32>
          %add3A_584 = arith.addi %convert_element_type3A_582, %add3A_583 : vector<16xi32>
          %gather3A_585 = tpu.vector_load_idx %arg5[%add3A_584] : memref<10000xf32, #tpu.memory_space<vmem>>[vector<16xi32>], vector<16xf32>,
          %swap3A_586 = arith.constant 0 : i32
          %swap3A_587 = arith.constant 5 : i32
          %swap3A_588 = arith.index_cast %swap3A_586 : i32 to index
          %swap3A_589 = arith.index_cast %swap3A_587 : i32 to index
          %swap3A_590 = arith.index_cast %mul3A_575 : i32 to index
          %swap3A_591 = tpu.vector_load %arg6[%swap3A_588, %swap3A_589, %swap3A_590] {strides = array<i32>} : memref<1x8x4096xf32, #tpu.memory_space<vmem>>, vector<16xf32>,
          tpu.vector_store %arg6[%swap3A_588, %swap3A_589, %swap3A_590], %gather3A_585 {strides = array<i32>} : memref<1x8x4096xf32, #tpu.memory_space<vmem>>, vector<16xf32>,
          %mul3A_592 = arith.constant 16 : i32
          %mul3A_593 = arith.muli %scan3A_486, %mul3A_592 : i32
          %get3A_594 = arith.constant 0 : i32
          %get3A_595 = arith.constant 6 : i32
          %get3A_596 = arith.index_cast %get3A_594 : i32 to index
          %get3A_597 = arith.index_cast %get3A_595 : i32 to index
          %get3A_598 = arith.index_cast %mul3A_593 : i32 to index
          %get3A_599 = tpu.vector_load %arg6[%get3A_596, %get3A_597, %get3A_598] {strides = array<i32>} : memref<1x8x4096xf32, #tpu.memory_space<vmem>>, vector<16xf32>,
          %convert_element_type3A_600 = arith.fptosi %get3A_599 : vector<16xf32> to vector<16xi32>
          %add3A_601 = vector.broadcast %mul3A_480 : i32 to vector<16xi32>
          %add3A_602 = arith.addi %convert_element_type3A_600, %add3A_601 : vector<16xi32>
          %gather3A_603 = tpu.vector_load_idx %arg5[%add3A_602] : memref<10000xf32, #tpu.memory_space<vmem>>[vector<16xi32>], vector<16xf32>,
          %swap3A_604 = arith.constant 0 : i32
          %swap3A_605 = arith.constant 6 : i32
          %swap3A_606 = arith.index_cast %swap3A_604 : i32 to index
          %swap3A_607 = arith.index_cast %swap3A_605 : i32 to index
          %swap3A_608 = arith.index_cast %mul3A_593 : i32 to index
          %swap3A_609 = tpu.vector_load %arg6[%swap3A_606, %swap3A_607, %swap3A_608] {strides = array<i32>} : memref<1x8x4096xf32, #tpu.memory_space<vmem>>, vector<16xf32>,
          tpu.vector_store %arg6[%swap3A_606, %swap3A_607, %swap3A_608], %gather3A_603 {strides = array<i32>} : memref<1x8x4096xf32, #tpu.memory_space<vmem>>, vector<16xf32>,
          %mul3A_610 = arith.constant 16 : i32
          %mul3A_611 = arith.muli %scan3A_486, %mul3A_610 : i32
          %get3A_612 = arith.constant 0 : i32
          %get3A_613 = arith.constant 7 : i32
          %get3A_614 = arith.index_cast %get3A_612 : i32 to index
          %get3A_615 = arith.index_cast %get3A_613 : i32 to index
          %get3A_616 = arith.index_cast %mul3A_611 : i32 to index
          %get3A_617 = tpu.vector_load %arg6[%get3A_614, %get3A_615, %get3A_616] {strides = array<i32>} : memref<1x8x4096xf32, #tpu.memory_space<vmem>>, vector<16xf32>,
          %convert_element_type3A_618 = arith.fptosi %get3A_617 : vector<16xf32> to vector<16xi32>
          %add3A_619 = vector.broadcast %mul3A_480 : i32 to vector<16xi32>
          %add3A_620 = arith.addi %convert_element_type3A_618, %add3A_619 : vector<16xi32>
          %gather3A_621 = tpu.vector_load_idx %arg5[%add3A_620] : memref<10000xf32, #tpu.memory_space<vmem>>[vector<16xi32>], vector<16xf32>,
          %swap3A_622 = arith.constant 0 : i32
          %swap3A_623 = arith.constant 7 : i32
          %swap3A_624 = arith.index_cast %swap3A_622 : i32 to index
          %swap3A_625 = arith.index_cast %swap3A_623 : i32 to index
          %swap3A_626 = arith.index_cast %mul3A_611 : i32 to index
          %swap3A_627 = tpu.vector_load %arg6[%swap3A_624, %swap3A_625, %swap3A_626] {strides = array<i32>} : memref<1x8x4096xf32, #tpu.memory_space<vmem>>, vector<16xf32>,
          tpu.vector_store %arg6[%swap3A_624, %swap3A_625, %swap3A_626], %gather3A_621 {strides = array<i32>} : memref<1x8x4096xf32, #tpu.memory_space<vmem>>, vector<16xf32>,
        }
        %scan3A_485 = arith.constant 256 : i32
      } else {
      }
      %add3A_467 = arith.constant 96 : i32
      %add3A_468 = arith.addi %add3A, %add3A_467 : i32
      %dma_start3A = arith.constant 0 : i32
      %dma_start3A_469 = arith.constant 0 : i32
      %dma_start3A_470 = tpu.memref_slice %arg4[%add3A_468, %dma_start3A, %dma_start3A_469] : memref<650x8x4096xf32, #tpu.memory_space<hbm>> -> memref<1x8x4096xf32, #tpu.memory_space<hbm>>
      %dma_start3A_471 = arith.constant 0 : i32
      %dma_start3A_472 = arith.constant 0 : i32
      %dma_start3A_473 = tpu.memref_slice %arg4[%add3A_468, %dma_start3A_471, %dma_start3A_472] : memref<650x8x4096xf32, #tpu.memory_space<hbm>> -> memref<1x8x4096xf32, #tpu.memory_space<hbm>>
      tpu.enqueue_dma source(%arg6 : memref<1x8x4096xf32, #tpu.memory_space<vmem>>) target(%dma_start3A_473 : memref<1x8x4096xf32, #tpu.memory_space<hbm>>) target_semaphore(%arg12 : memref<!tpu.dma_semaphore, #tpu.memory_space<semaphore_mem>>)
    } else {
    }
    %add3A_75 = arith.constant 64 : i32
    %add3A_76 = arith.addi %add3A, %add3A_75 : i32
    %lt3A_77 = arith.constant 650 : i32
    %lt3A_78 = arith.cmpi slt, %add3A_76, %lt3A_77 : i32
    %convert_element_type3A_79 = arith.extui %lt3A_78 : i1 to i32
    %cond3A_80 = arith.constant 0 : i32
    %cond3A_81 = arith.cmpi ne, %convert_element_type3A_79, %cond3A_80 : i32
    scf.if %cond3A_81 {
      %add3A_453 = arith.constant 64 : i32
      %add3A_454 = arith.addi %add3A, %add3A_453 : i32
      %dma_wait3A = arith.constant 0 : i32
      %dma_wait3A_455 = arith.constant 0 : i32
      %dma_wait3A_456 = tpu.memref_slice %arg4[%add3A_454, %dma_wait3A, %dma_wait3A_455] : memref<650x8x4096xf32, #tpu.memory_space<hbm>> -> memref<1x8x4096xf32, #tpu.memory_space<hbm>>
      %dma_wait3A_457 = arith.constant 0 : i32
      %dma_wait3A_458 = arith.constant 0 : i32
      %dma_wait3A_459 = tpu.memref_slice %arg4[%add3A_454, %dma_wait3A_457, %dma_wait3A_458] : memref<650x8x4096xf32, #tpu.memory_space<hbm>> -> memref<1x8x4096xf32, #tpu.memory_space<hbm>>
      tpu.wait_dma2 semaphore(%arg14 : memref<!tpu.dma_semaphore, #tpu.memory_space<semaphore_mem>>) src(%arg8 : memref<1x8x4096xf32, #tpu.memory_space<vmem>>) dst(%dma_wait3A_459 : memref<1x8x4096xf32, #tpu.memory_space<hbm>>)
    } else {
    }
    %add3A_82 = arith.constant 160 : i32
    %add3A_83 = arith.addi %add3A, %add3A_82 : i32
    %lt3A_84 = arith.constant 650 : i32
    %lt3A_85 = arith.cmpi slt, %add3A_83, %lt3A_84 : i32
    %convert_element_type3A_86 = arith.extui %lt3A_85 : i1 to i32
    %cond3A_87 = arith.constant 0 : i32
    %cond3A_88 = arith.cmpi ne, %convert_element_type3A_86, %cond3A_87 : i32
    scf.if %cond3A_88 {
      %add3A_453 = arith.constant 160 : i32
      %add3A_454 = arith.addi %add3A, %add3A_453 : i32
      %dma_start3A = arith.constant 0 : i32
      %dma_start3A_455 = arith.constant 0 : i32
      %dma_start3A_456 = tpu.memref_slice %arg2[%add3A_454, %dma_start3A, %dma_start3A_455] : memref<650x8x4096xf32, #tpu.memory_space<hbm>> -> memref<1x8x4096xf32, #tpu.memory_space<hbm>>
      %dma_start3A_457 = arith.constant 0 : i32
      %dma_start3A_458 = arith.constant 0 : i32
      %dma_start3A_459 = tpu.memref_slice %arg2[%add3A_454, %dma_start3A_457, %dma_start3A_458] : memref<650x8x4096xf32, #tpu.memory_space<hbm>> -> memref<1x8x4096xf32, #tpu.memory_space<hbm>>
      tpu.enqueue_dma source(%dma_start3A_459 : memref<1x8x4096xf32, #tpu.memory_space<hbm>>) target(%arg8 : memref<1x8x4096xf32, #tpu.memory_space<vmem>>) target_semaphore(%arg11 : memref<!tpu.dma_semaphore, #tpu.memory_space<semaphore_mem>>)
    } else {
    }
    %add3A_89 = arith.constant 128 : i32
    %add3A_90 = arith.addi %add3A, %add3A_89 : i32
    %lt3A_91 = arith.constant 650 : i32
    %lt3A_92 = arith.cmpi slt, %add3A_90, %lt3A_91 : i32
    %convert_element_type3A_93 = arith.extui %lt3A_92 : i1 to i32
    %cond3A_94 = arith.constant 0 : i32
    %cond3A_95 = arith.cmpi ne, %convert_element_type3A_93, %cond3A_94 : i32
    scf.if %cond3A_95 {
      %add3A_453 = arith.constant 128 : i32
      %add3A_454 = arith.addi %add3A, %add3A_453 : i32
      %dma_wait3A = arith.constant 0 : i32
      %dma_wait3A_455 = arith.constant 0 : i32
      %dma_wait3A_456 = tpu.memref_slice %arg2[%add3A_454, %dma_wait3A, %dma_wait3A_455] : memref<650x8x4096xf32, #tpu.memory_space<hbm>> -> memref<1x8x4096xf32, #tpu.memory_space<hbm>>
      %dma_wait3A_457 = arith.constant 0 : i32
      %dma_wait3A_458 = arith.constant 0 : i32
      %dma_wait3A_459 = tpu.memref_slice %arg2[%add3A_454, %dma_wait3A_457, %dma_wait3A_458] : memref<650x8x4096xf32, #tpu.memory_space<hbm>> -> memref<1x8x4096xf32, #tpu.memory_space<hbm>>
      tpu.wait_dma2 semaphore(%arg10 : memref<!tpu.dma_semaphore, #tpu.memory_space<semaphore_mem>>) src(%dma_wait3A_459 : memref<1x8x4096xf32, #tpu.memory_space<hbm>>) dst(%arg7 : memref<1x8x4096xf32, #tpu.memory_space<vmem>>)
      %add3A_460 = arith.constant 128 : i32
      %add3A_461 = arith.addi %add3A, %add3A_460 : i32
      %lt3A_462 = arith.constant 250 : i32
      %lt3A_463 = arith.cmpi slt, %add3A_461, %lt3A_462 : i32
      %convert_element_type3A_464 = arith.extui %lt3A_463 : i1 to i32
      %cond3A_465 = arith.constant 0 : i32
      %cond3A_466 = arith.cmpi ne, %convert_element_type3A_464, %cond3A_465 : i32
      scf.if %cond3A_466 {
        %add3A_474 = arith.constant 128 : i32
        %add3A_475 = arith.addi %add3A, %add3A_474 : i32
        %mul3A_476 = arith.constant 41944 : i32
        %mul3A_477 = arith.muli %add3A_475, %mul3A_476 : i32
        %shift_right_arithmetic3A = arith.constant 20 : i32
        %shift_right_arithmetic3A_478 = arith.shrsi %mul3A_477, %shift_right_arithmetic3A : i32
        %mul3A_479 = arith.constant 1000 : i32
        %mul3A_480 = arith.muli %shift_right_arithmetic3A_478, %mul3A_479 : i32
        %scan3A = arith.constant 0 : i32
        %scan3A_481 = arith.constant 0 : i32
        %scan3A_482 = arith.constant 256 : i32
        %scan3A_483 = arith.addi %scan3A_481, %scan3A_482 : i32
        %scan3A_484 = arith.constant 1 : i32
        scf.for %scan3A_486 = %scan3A_481 to %scan3A_483 step %scan3A_484  : i32 {
          %mul3A_487 = arith.constant 16 : i32
          %mul3A_488 = arith.muli %scan3A_486, %mul3A_487 : i32
          %get3A = arith.constant 0 : i32
          %get3A_489 = arith.constant 0 : i32
          %get3A_490 = arith.index_cast %get3A : i32 to index
          %get3A_491 = arith.index_cast %get3A_489 : i32 to index
          %get3A_492 = arith.index_cast %mul3A_488 : i32 to index
          %get3A_493 = tpu.vector_load %arg7[%get3A_490, %get3A_491, %get3A_492] {strides = array<i32>} : memref<1x8x4096xf32, #tpu.memory_space<vmem>>, vector<16xf32>,
          %convert_element_type3A_494 = arith.fptosi %get3A_493 : vector<16xf32> to vector<16xi32>
          %add3A_495 = vector.broadcast %mul3A_480 : i32 to vector<16xi32>
          %add3A_496 = arith.addi %convert_element_type3A_494, %add3A_495 : vector<16xi32>
          %gather3A = tpu.vector_load_idx %arg5[%add3A_496] : memref<10000xf32, #tpu.memory_space<vmem>>[vector<16xi32>], vector<16xf32>,
          %swap3A = arith.constant 0 : i32
          %swap3A_497 = arith.constant 0 : i32
          %swap3A_498 = arith.index_cast %swap3A : i32 to index
          %swap3A_499 = arith.index_cast %swap3A_497 : i32 to index
          %swap3A_500 = arith.index_cast %mul3A_488 : i32 to index
          %swap3A_501 = tpu.vector_load %arg7[%swap3A_498, %swap3A_499, %swap3A_500] {strides = array<i32>} : memref<1x8x4096xf32, #tpu.memory_space<vmem>>, vector<16xf32>,
          tpu.vector_store %arg7[%swap3A_498, %swap3A_499, %swap3A_500], %gather3A {strides = array<i32>} : memref<1x8x4096xf32, #tpu.memory_space<vmem>>, vector<16xf32>,
          %mul3A_502 = arith.constant 16 : i32
          %mul3A_503 = arith.muli %scan3A_486, %mul3A_502 : i32
          %get3A_504 = arith.constant 0 : i32
          %get3A_505 = arith.constant 1 : i32
          %get3A_506 = arith.index_cast %get3A_504 : i32 to index
          %get3A_507 = arith.index_cast %get3A_505 : i32 to index
          %get3A_508 = arith.index_cast %mul3A_503 : i32 to index
          %get3A_509 = tpu.vector_load %arg7[%get3A_506, %get3A_507, %get3A_508] {strides = array<i32>} : memref<1x8x4096xf32, #tpu.memory_space<vmem>>, vector<16xf32>,
          %convert_element_type3A_510 = arith.fptosi %get3A_509 : vector<16xf32> to vector<16xi32>
          %add3A_511 = vector.broadcast %mul3A_480 : i32 to vector<16xi32>
          %add3A_512 = arith.addi %convert_element_type3A_510, %add3A_511 : vector<16xi32>
          %gather3A_513 = tpu.vector_load_idx %arg5[%add3A_512] : memref<10000xf32, #tpu.memory_space<vmem>>[vector<16xi32>], vector<16xf32>,
          %swap3A_514 = arith.constant 0 : i32
          %swap3A_515 = arith.constant 1 : i32
          %swap3A_516 = arith.index_cast %swap3A_514 : i32 to index
          %swap3A_517 = arith.index_cast %swap3A_515 : i32 to index
          %swap3A_518 = arith.index_cast %mul3A_503 : i32 to index
          %swap3A_519 = tpu.vector_load %arg7[%swap3A_516, %swap3A_517, %swap3A_518] {strides = array<i32>} : memref<1x8x4096xf32, #tpu.memory_space<vmem>>, vector<16xf32>,
          tpu.vector_store %arg7[%swap3A_516, %swap3A_517, %swap3A_518], %gather3A_513 {strides = array<i32>} : memref<1x8x4096xf32, #tpu.memory_space<vmem>>, vector<16xf32>,
          %mul3A_520 = arith.constant 16 : i32
          %mul3A_521 = arith.muli %scan3A_486, %mul3A_520 : i32
          %get3A_522 = arith.constant 0 : i32
          %get3A_523 = arith.constant 2 : i32
          %get3A_524 = arith.index_cast %get3A_522 : i32 to index
          %get3A_525 = arith.index_cast %get3A_523 : i32 to index
          %get3A_526 = arith.index_cast %mul3A_521 : i32 to index
          %get3A_527 = tpu.vector_load %arg7[%get3A_524, %get3A_525, %get3A_526] {strides = array<i32>} : memref<1x8x4096xf32, #tpu.memory_space<vmem>>, vector<16xf32>,
          %convert_element_type3A_528 = arith.fptosi %get3A_527 : vector<16xf32> to vector<16xi32>
          %add3A_529 = vector.broadcast %mul3A_480 : i32 to vector<16xi32>
          %add3A_530 = arith.addi %convert_element_type3A_528, %add3A_529 : vector<16xi32>
          %gather3A_531 = tpu.vector_load_idx %arg5[%add3A_530] : memref<10000xf32, #tpu.memory_space<vmem>>[vector<16xi32>], vector<16xf32>,
          %swap3A_532 = arith.constant 0 : i32
          %swap3A_533 = arith.constant 2 : i32
          %swap3A_534 = arith.index_cast %swap3A_532 : i32 to index
          %swap3A_535 = arith.index_cast %swap3A_533 : i32 to index
          %swap3A_536 = arith.index_cast %mul3A_521 : i32 to index
          %swap3A_537 = tpu.vector_load %arg7[%swap3A_534, %swap3A_535, %swap3A_536] {strides = array<i32>} : memref<1x8x4096xf32, #tpu.memory_space<vmem>>, vector<16xf32>,
          tpu.vector_store %arg7[%swap3A_534, %swap3A_535, %swap3A_536], %gather3A_531 {strides = array<i32>} : memref<1x8x4096xf32, #tpu.memory_space<vmem>>, vector<16xf32>,
          %mul3A_538 = arith.constant 16 : i32
          %mul3A_539 = arith.muli %scan3A_486, %mul3A_538 : i32
          %get3A_540 = arith.constant 0 : i32
          %get3A_541 = arith.constant 3 : i32
          %get3A_542 = arith.index_cast %get3A_540 : i32 to index
          %get3A_543 = arith.index_cast %get3A_541 : i32 to index
          %get3A_544 = arith.index_cast %mul3A_539 : i32 to index
          %get3A_545 = tpu.vector_load %arg7[%get3A_542, %get3A_543, %get3A_544] {strides = array<i32>} : memref<1x8x4096xf32, #tpu.memory_space<vmem>>, vector<16xf32>,
          %convert_element_type3A_546 = arith.fptosi %get3A_545 : vector<16xf32> to vector<16xi32>
          %add3A_547 = vector.broadcast %mul3A_480 : i32 to vector<16xi32>
          %add3A_548 = arith.addi %convert_element_type3A_546, %add3A_547 : vector<16xi32>
          %gather3A_549 = tpu.vector_load_idx %arg5[%add3A_548] : memref<10000xf32, #tpu.memory_space<vmem>>[vector<16xi32>], vector<16xf32>,
          %swap3A_550 = arith.constant 0 : i32
          %swap3A_551 = arith.constant 3 : i32
          %swap3A_552 = arith.index_cast %swap3A_550 : i32 to index
          %swap3A_553 = arith.index_cast %swap3A_551 : i32 to index
          %swap3A_554 = arith.index_cast %mul3A_539 : i32 to index
          %swap3A_555 = tpu.vector_load %arg7[%swap3A_552, %swap3A_553, %swap3A_554] {strides = array<i32>} : memref<1x8x4096xf32, #tpu.memory_space<vmem>>, vector<16xf32>,
          tpu.vector_store %arg7[%swap3A_552, %swap3A_553, %swap3A_554], %gather3A_549 {strides = array<i32>} : memref<1x8x4096xf32, #tpu.memory_space<vmem>>, vector<16xf32>,
          %mul3A_556 = arith.constant 16 : i32
          %mul3A_557 = arith.muli %scan3A_486, %mul3A_556 : i32
          %get3A_558 = arith.constant 0 : i32
          %get3A_559 = arith.constant 4 : i32
          %get3A_560 = arith.index_cast %get3A_558 : i32 to index
          %get3A_561 = arith.index_cast %get3A_559 : i32 to index
          %get3A_562 = arith.index_cast %mul3A_557 : i32 to index
          %get3A_563 = tpu.vector_load %arg7[%get3A_560, %get3A_561, %get3A_562] {strides = array<i32>} : memref<1x8x4096xf32, #tpu.memory_space<vmem>>, vector<16xf32>,
          %convert_element_type3A_564 = arith.fptosi %get3A_563 : vector<16xf32> to vector<16xi32>
          %add3A_565 = vector.broadcast %mul3A_480 : i32 to vector<16xi32>
          %add3A_566 = arith.addi %convert_element_type3A_564, %add3A_565 : vector<16xi32>
          %gather3A_567 = tpu.vector_load_idx %arg5[%add3A_566] : memref<10000xf32, #tpu.memory_space<vmem>>[vector<16xi32>], vector<16xf32>,
          %swap3A_568 = arith.constant 0 : i32
          %swap3A_569 = arith.constant 4 : i32
          %swap3A_570 = arith.index_cast %swap3A_568 : i32 to index
          %swap3A_571 = arith.index_cast %swap3A_569 : i32 to index
          %swap3A_572 = arith.index_cast %mul3A_557 : i32 to index
          %swap3A_573 = tpu.vector_load %arg7[%swap3A_570, %swap3A_571, %swap3A_572] {strides = array<i32>} : memref<1x8x4096xf32, #tpu.memory_space<vmem>>, vector<16xf32>,
          tpu.vector_store %arg7[%swap3A_570, %swap3A_571, %swap3A_572], %gather3A_567 {strides = array<i32>} : memref<1x8x4096xf32, #tpu.memory_space<vmem>>, vector<16xf32>,
          %mul3A_574 = arith.constant 16 : i32
          %mul3A_575 = arith.muli %scan3A_486, %mul3A_574 : i32
          %get3A_576 = arith.constant 0 : i32
          %get3A_577 = arith.constant 5 : i32
          %get3A_578 = arith.index_cast %get3A_576 : i32 to index
          %get3A_579 = arith.index_cast %get3A_577 : i32 to index
          %get3A_580 = arith.index_cast %mul3A_575 : i32 to index
          %get3A_581 = tpu.vector_load %arg7[%get3A_578, %get3A_579, %get3A_580] {strides = array<i32>} : memref<1x8x4096xf32, #tpu.memory_space<vmem>>, vector<16xf32>,
          %convert_element_type3A_582 = arith.fptosi %get3A_581 : vector<16xf32> to vector<16xi32>
          %add3A_583 = vector.broadcast %mul3A_480 : i32 to vector<16xi32>
          %add3A_584 = arith.addi %convert_element_type3A_582, %add3A_583 : vector<16xi32>
          %gather3A_585 = tpu.vector_load_idx %arg5[%add3A_584] : memref<10000xf32, #tpu.memory_space<vmem>>[vector<16xi32>], vector<16xf32>,
          %swap3A_586 = arith.constant 0 : i32
          %swap3A_587 = arith.constant 5 : i32
          %swap3A_588 = arith.index_cast %swap3A_586 : i32 to index
          %swap3A_589 = arith.index_cast %swap3A_587 : i32 to index
          %swap3A_590 = arith.index_cast %mul3A_575 : i32 to index
          %swap3A_591 = tpu.vector_load %arg7[%swap3A_588, %swap3A_589, %swap3A_590] {strides = array<i32>} : memref<1x8x4096xf32, #tpu.memory_space<vmem>>, vector<16xf32>,
          tpu.vector_store %arg7[%swap3A_588, %swap3A_589, %swap3A_590], %gather3A_585 {strides = array<i32>} : memref<1x8x4096xf32, #tpu.memory_space<vmem>>, vector<16xf32>,
          %mul3A_592 = arith.constant 16 : i32
          %mul3A_593 = arith.muli %scan3A_486, %mul3A_592 : i32
          %get3A_594 = arith.constant 0 : i32
          %get3A_595 = arith.constant 6 : i32
          %get3A_596 = arith.index_cast %get3A_594 : i32 to index
          %get3A_597 = arith.index_cast %get3A_595 : i32 to index
          %get3A_598 = arith.index_cast %mul3A_593 : i32 to index
          %get3A_599 = tpu.vector_load %arg7[%get3A_596, %get3A_597, %get3A_598] {strides = array<i32>} : memref<1x8x4096xf32, #tpu.memory_space<vmem>>, vector<16xf32>,
          %convert_element_type3A_600 = arith.fptosi %get3A_599 : vector<16xf32> to vector<16xi32>
          %add3A_601 = vector.broadcast %mul3A_480 : i32 to vector<16xi32>
          %add3A_602 = arith.addi %convert_element_type3A_600, %add3A_601 : vector<16xi32>
          %gather3A_603 = tpu.vector_load_idx %arg5[%add3A_602] : memref<10000xf32, #tpu.memory_space<vmem>>[vector<16xi32>], vector<16xf32>,
          %swap3A_604 = arith.constant 0 : i32
          %swap3A_605 = arith.constant 6 : i32
          %swap3A_606 = arith.index_cast %swap3A_604 : i32 to index
          %swap3A_607 = arith.index_cast %swap3A_605 : i32 to index
          %swap3A_608 = arith.index_cast %mul3A_593 : i32 to index
          %swap3A_609 = tpu.vector_load %arg7[%swap3A_606, %swap3A_607, %swap3A_608] {strides = array<i32>} : memref<1x8x4096xf32, #tpu.memory_space<vmem>>, vector<16xf32>,
          tpu.vector_store %arg7[%swap3A_606, %swap3A_607, %swap3A_608], %gather3A_603 {strides = array<i32>} : memref<1x8x4096xf32, #tpu.memory_space<vmem>>, vector<16xf32>,
          %mul3A_610 = arith.constant 16 : i32
          %mul3A_611 = arith.muli %scan3A_486, %mul3A_610 : i32
          %get3A_612 = arith.constant 0 : i32
          %get3A_613 = arith.constant 7 : i32
          %get3A_614 = arith.index_cast %get3A_612 : i32 to index
          %get3A_615 = arith.index_cast %get3A_613 : i32 to index
          %get3A_616 = arith.index_cast %mul3A_611 : i32 to index
          %get3A_617 = tpu.vector_load %arg7[%get3A_614, %get3A_615, %get3A_616] {strides = array<i32>} : memref<1x8x4096xf32, #tpu.memory_space<vmem>>, vector<16xf32>,
          %convert_element_type3A_618 = arith.fptosi %get3A_617 : vector<16xf32> to vector<16xi32>
          %add3A_619 = vector.broadcast %mul3A_480 : i32 to vector<16xi32>
          %add3A_620 = arith.addi %convert_element_type3A_618, %add3A_619 : vector<16xi32>
          %gather3A_621 = tpu.vector_load_idx %arg5[%add3A_620] : memref<10000xf32, #tpu.memory_space<vmem>>[vector<16xi32>], vector<16xf32>,
          %swap3A_622 = arith.constant 0 : i32
          %swap3A_623 = arith.constant 7 : i32
          %swap3A_624 = arith.index_cast %swap3A_622 : i32 to index
          %swap3A_625 = arith.index_cast %swap3A_623 : i32 to index
          %swap3A_626 = arith.index_cast %mul3A_611 : i32 to index
          %swap3A_627 = tpu.vector_load %arg7[%swap3A_624, %swap3A_625, %swap3A_626] {strides = array<i32>} : memref<1x8x4096xf32, #tpu.memory_space<vmem>>, vector<16xf32>,
          tpu.vector_store %arg7[%swap3A_624, %swap3A_625, %swap3A_626], %gather3A_621 {strides = array<i32>} : memref<1x8x4096xf32, #tpu.memory_space<vmem>>, vector<16xf32>,
        }
        %scan3A_485 = arith.constant 256 : i32
      } else {
      }
      %add3A_467 = arith.constant 128 : i32
      %add3A_468 = arith.addi %add3A, %add3A_467 : i32
      %dma_start3A = arith.constant 0 : i32
      %dma_start3A_469 = arith.constant 0 : i32
      %dma_start3A_470 = tpu.memref_slice %arg4[%add3A_468, %dma_start3A, %dma_start3A_469] : memref<650x8x4096xf32, #tpu.memory_space<hbm>> -> memref<1x8x4096xf32, #tpu.memory_space<hbm>>
      %dma_start3A_471 = arith.constant 0 : i32
      %dma_start3A_472 = arith.constant 0 : i32
      %dma_start3A_473 = tpu.memref_slice %arg4[%add3A_468, %dma_start3A_471, %dma_start3A_472] : memref<650x8x4096xf32, #tpu.memory_space<hbm>> -> memref<1x8x4096xf32, #tpu.memory_space<hbm>>
      tpu.enqueue_dma source(%arg7 : memref<1x8x4096xf32, #tpu.memory_space<vmem>>) target(%dma_start3A_473 : memref<1x8x4096xf32, #tpu.memory_space<hbm>>) target_semaphore(%arg13 : memref<!tpu.dma_semaphore, #tpu.memory_space<semaphore_mem>>)
    } else {
    }
    %add3A_96 = arith.constant 96 : i32
    %add3A_97 = arith.addi %add3A, %add3A_96 : i32
    %lt3A_98 = arith.constant 650 : i32
    %lt3A_99 = arith.cmpi slt, %add3A_97, %lt3A_98 : i32
    %convert_element_type3A_100 = arith.extui %lt3A_99 : i1 to i32
    %cond3A_101 = arith.constant 0 : i32
    %cond3A_102 = arith.cmpi ne, %convert_element_type3A_100, %cond3A_101 : i32
    scf.if %cond3A_102 {
      %add3A_453 = arith.constant 96 : i32
      %add3A_454 = arith.addi %add3A, %add3A_453 : i32
      %dma_wait3A = arith.constant 0 : i32
      %dma_wait3A_455 = arith.constant 0 : i32
      %dma_wait3A_456 = tpu.memref_slice %arg4[%add3A_454, %dma_wait3A, %dma_wait3A_455] : memref<650x8x4096xf32, #tpu.memory_space<hbm>> -> memref<1x8x4096xf32, #tpu.memory_space<hbm>>
      %dma_wait3A_457 = arith.constant 0 : i32
      %dma_wait3A_458 = arith.constant 0 : i32
      %dma_wait3A_459 = tpu.memref_slice %arg4[%add3A_454, %dma_wait3A_457, %dma_wait3A_458] : memref<650x8x4096xf32, #tpu.memory_space<hbm>> -> memref<1x8x4096xf32, #tpu.memory_space<hbm>>
      tpu.wait_dma2 semaphore(%arg12 : memref<!tpu.dma_semaphore, #tpu.memory_space<semaphore_mem>>) src(%arg6 : memref<1x8x4096xf32, #tpu.memory_space<vmem>>) dst(%dma_wait3A_459 : memref<1x8x4096xf32, #tpu.memory_space<hbm>>)
    } else {
    }
    %add3A_103 = arith.constant 192 : i32
    %add3A_104 = arith.addi %add3A, %add3A_103 : i32
    %lt3A_105 = arith.constant 650 : i32
    %lt3A_106 = arith.cmpi slt, %add3A_104, %lt3A_105 : i32
    %convert_element_type3A_107 = arith.extui %lt3A_106 : i1 to i32
    %cond3A_108 = arith.constant 0 : i32
    %cond3A_109 = arith.cmpi ne, %convert_element_type3A_107, %cond3A_108 : i32
    scf.if %cond3A_109 {
      %add3A_453 = arith.constant 192 : i32
      %add3A_454 = arith.addi %add3A, %add3A_453 : i32
      %dma_start3A = arith.constant 0 : i32
      %dma_start3A_455 = arith.constant 0 : i32
      %dma_start3A_456 = tpu.memref_slice %arg2[%add3A_454, %dma_start3A, %dma_start3A_455] : memref<650x8x4096xf32, #tpu.memory_space<hbm>> -> memref<1x8x4096xf32, #tpu.memory_space<hbm>>
      %dma_start3A_457 = arith.constant 0 : i32
      %dma_start3A_458 = arith.constant 0 : i32
      %dma_start3A_459 = tpu.memref_slice %arg2[%add3A_454, %dma_start3A_457, %dma_start3A_458] : memref<650x8x4096xf32, #tpu.memory_space<hbm>> -> memref<1x8x4096xf32, #tpu.memory_space<hbm>>
      tpu.enqueue_dma source(%dma_start3A_459 : memref<1x8x4096xf32, #tpu.memory_space<hbm>>) target(%arg6 : memref<1x8x4096xf32, #tpu.memory_space<vmem>>) target_semaphore(%arg9 : memref<!tpu.dma_semaphore, #tpu.memory_space<semaphore_mem>>)
    } else {
    }
    %add3A_110 = arith.constant 160 : i32
    %add3A_111 = arith.addi %add3A, %add3A_110 : i32
    %lt3A_112 = arith.constant 650 : i32
    %lt3A_113 = arith.cmpi slt, %add3A_111, %lt3A_112 : i32
    %convert_element_type3A_114 = arith.extui %lt3A_113 : i1 to i32
    %cond3A_115 = arith.constant 0 : i32
    %cond3A_116 = arith.cmpi ne, %convert_element_type3A_114, %cond3A_115 : i32
    scf.if %cond3A_116 {
      %add3A_453 = arith.constant 160 : i32
      %add3A_454 = arith.addi %add3A, %add3A_453 : i32
      %dma_wait3A = arith.constant 0 : i32
      %dma_wait3A_455 = arith.constant 0 : i32
      %dma_wait3A_456 = tpu.memref_slice %arg2[%add3A_454, %dma_wait3A, %dma_wait3A_455] : memref<650x8x4096xf32, #tpu.memory_space<hbm>> -> memref<1x8x4096xf32, #tpu.memory_space<hbm>>
      %dma_wait3A_457 = arith.constant 0 : i32
      %dma_wait3A_458 = arith.constant 0 : i32
      %dma_wait3A_459 = tpu.memref_slice %arg2[%add3A_454, %dma_wait3A_457, %dma_wait3A_458] : memref<650x8x4096xf32, #tpu.memory_space<hbm>> -> memref<1x8x4096xf32, #tpu.memory_space<hbm>>
      tpu.wait_dma2 semaphore(%arg11 : memref<!tpu.dma_semaphore, #tpu.memory_space<semaphore_mem>>) src(%dma_wait3A_459 : memref<1x8x4096xf32, #tpu.memory_space<hbm>>) dst(%arg8 : memref<1x8x4096xf32, #tpu.memory_space<vmem>>)
      %add3A_460 = arith.constant 160 : i32
      %add3A_461 = arith.addi %add3A, %add3A_460 : i32
      %lt3A_462 = arith.constant 250 : i32
      %lt3A_463 = arith.cmpi slt, %add3A_461, %lt3A_462 : i32
      %convert_element_type3A_464 = arith.extui %lt3A_463 : i1 to i32
      %cond3A_465 = arith.constant 0 : i32
      %cond3A_466 = arith.cmpi ne, %convert_element_type3A_464, %cond3A_465 : i32
      scf.if %cond3A_466 {
        %add3A_474 = arith.constant 160 : i32
        %add3A_475 = arith.addi %add3A, %add3A_474 : i32
        %mul3A_476 = arith.constant 41944 : i32
        %mul3A_477 = arith.muli %add3A_475, %mul3A_476 : i32
        %shift_right_arithmetic3A = arith.constant 20 : i32
        %shift_right_arithmetic3A_478 = arith.shrsi %mul3A_477, %shift_right_arithmetic3A : i32
        %mul3A_479 = arith.constant 1000 : i32
        %mul3A_480 = arith.muli %shift_right_arithmetic3A_478, %mul3A_479 : i32
        %scan3A = arith.constant 0 : i32
        %scan3A_481 = arith.constant 0 : i32
        %scan3A_482 = arith.constant 256 : i32
        %scan3A_483 = arith.addi %scan3A_481, %scan3A_482 : i32
        %scan3A_484 = arith.constant 1 : i32
        scf.for %scan3A_486 = %scan3A_481 to %scan3A_483 step %scan3A_484  : i32 {
          %mul3A_487 = arith.constant 16 : i32
          %mul3A_488 = arith.muli %scan3A_486, %mul3A_487 : i32
          %get3A = arith.constant 0 : i32
          %get3A_489 = arith.constant 0 : i32
          %get3A_490 = arith.index_cast %get3A : i32 to index
          %get3A_491 = arith.index_cast %get3A_489 : i32 to index
          %get3A_492 = arith.index_cast %mul3A_488 : i32 to index
          %get3A_493 = tpu.vector_load %arg8[%get3A_490, %get3A_491, %get3A_492] {strides = array<i32>} : memref<1x8x4096xf32, #tpu.memory_space<vmem>>, vector<16xf32>,
          %convert_element_type3A_494 = arith.fptosi %get3A_493 : vector<16xf32> to vector<16xi32>
          %add3A_495 = vector.broadcast %mul3A_480 : i32 to vector<16xi32>
          %add3A_496 = arith.addi %convert_element_type3A_494, %add3A_495 : vector<16xi32>
          %gather3A = tpu.vector_load_idx %arg5[%add3A_496] : memref<10000xf32, #tpu.memory_space<vmem>>[vector<16xi32>], vector<16xf32>,
          %swap3A = arith.constant 0 : i32
          %swap3A_497 = arith.constant 0 : i32
          %swap3A_498 = arith.index_cast %swap3A : i32 to index
          %swap3A_499 = arith.index_cast %swap3A_497 : i32 to index
          %swap3A_500 = arith.index_cast %mul3A_488 : i32 to index
          %swap3A_501 = tpu.vector_load %arg8[%swap3A_498, %swap3A_499, %swap3A_500] {strides = array<i32>} : memref<1x8x4096xf32, #tpu.memory_space<vmem>>, vector<16xf32>,
          tpu.vector_store %arg8[%swap3A_498, %swap3A_499, %swap3A_500], %gather3A {strides = array<i32>} : memref<1x8x4096xf32, #tpu.memory_space<vmem>>, vector<16xf32>,
          %mul3A_502 = arith.constant 16 : i32
          %mul3A_503 = arith.muli %scan3A_486, %mul3A_502 : i32
          %get3A_504 = arith.constant 0 : i32
          %get3A_505 = arith.constant 1 : i32
          %get3A_506 = arith.index_cast %get3A_504 : i32 to index
          %get3A_507 = arith.index_cast %get3A_505 : i32 to index
          %get3A_508 = arith.index_cast %mul3A_503 : i32 to index
          %get3A_509 = tpu.vector_load %arg8[%get3A_506, %get3A_507, %get3A_508] {strides = array<i32>} : memref<1x8x4096xf32, #tpu.memory_space<vmem>>, vector<16xf32>,
          %convert_element_type3A_510 = arith.fptosi %get3A_509 : vector<16xf32> to vector<16xi32>
          %add3A_511 = vector.broadcast %mul3A_480 : i32 to vector<16xi32>
          %add3A_512 = arith.addi %convert_element_type3A_510, %add3A_511 : vector<16xi32>
          %gather3A_513 = tpu.vector_load_idx %arg5[%add3A_512] : memref<10000xf32, #tpu.memory_space<vmem>>[vector<16xi32>], vector<16xf32>,
          %swap3A_514 = arith.constant 0 : i32
          %swap3A_515 = arith.constant 1 : i32
          %swap3A_516 = arith.index_cast %swap3A_514 : i32 to index
          %swap3A_517 = arith.index_cast %swap3A_515 : i32 to index
          %swap3A_518 = arith.index_cast %mul3A_503 : i32 to index
          %swap3A_519 = tpu.vector_load %arg8[%swap3A_516, %swap3A_517, %swap3A_518] {strides = array<i32>} : memref<1x8x4096xf32, #tpu.memory_space<vmem>>, vector<16xf32>,
          tpu.vector_store %arg8[%swap3A_516, %swap3A_517, %swap3A_518], %gather3A_513 {strides = array<i32>} : memref<1x8x4096xf32, #tpu.memory_space<vmem>>, vector<16xf32>,
          %mul3A_520 = arith.constant 16 : i32
          %mul3A_521 = arith.muli %scan3A_486, %mul3A_520 : i32
          %get3A_522 = arith.constant 0 : i32
          %get3A_523 = arith.constant 2 : i32
          %get3A_524 = arith.index_cast %get3A_522 : i32 to index
          %get3A_525 = arith.index_cast %get3A_523 : i32 to index
          %get3A_526 = arith.index_cast %mul3A_521 : i32 to index
          %get3A_527 = tpu.vector_load %arg8[%get3A_524, %get3A_525, %get3A_526] {strides = array<i32>} : memref<1x8x4096xf32, #tpu.memory_space<vmem>>, vector<16xf32>,
          %convert_element_type3A_528 = arith.fptosi %get3A_527 : vector<16xf32> to vector<16xi32>
          %add3A_529 = vector.broadcast %mul3A_480 : i32 to vector<16xi32>
          %add3A_530 = arith.addi %convert_element_type3A_528, %add3A_529 : vector<16xi32>
          %gather3A_531 = tpu.vector_load_idx %arg5[%add3A_530] : memref<10000xf32, #tpu.memory_space<vmem>>[vector<16xi32>], vector<16xf32>,
          %swap3A_532 = arith.constant 0 : i32
          %swap3A_533 = arith.constant 2 : i32
          %swap3A_534 = arith.index_cast %swap3A_532 : i32 to index
          %swap3A_535 = arith.index_cast %swap3A_533 : i32 to index
          %swap3A_536 = arith.index_cast %mul3A_521 : i32 to index
          %swap3A_537 = tpu.vector_load %arg8[%swap3A_534, %swap3A_535, %swap3A_536] {strides = array<i32>} : memref<1x8x4096xf32, #tpu.memory_space<vmem>>, vector<16xf32>,
          tpu.vector_store %arg8[%swap3A_534, %swap3A_535, %swap3A_536], %gather3A_531 {strides = array<i32>} : memref<1x8x4096xf32, #tpu.memory_space<vmem>>, vector<16xf32>,
          %mul3A_538 = arith.constant 16 : i32
          %mul3A_539 = arith.muli %scan3A_486, %mul3A_538 : i32
          %get3A_540 = arith.constant 0 : i32
          %get3A_541 = arith.constant 3 : i32
          %get3A_542 = arith.index_cast %get3A_540 : i32 to index
          %get3A_543 = arith.index_cast %get3A_541 : i32 to index
          %get3A_544 = arith.index_cast %mul3A_539 : i32 to index
          %get3A_545 = tpu.vector_load %arg8[%get3A_542, %get3A_543, %get3A_544] {strides = array<i32>} : memref<1x8x4096xf32, #tpu.memory_space<vmem>>, vector<16xf32>,
          %convert_element_type3A_546 = arith.fptosi %get3A_545 : vector<16xf32> to vector<16xi32>
          %add3A_547 = vector.broadcast %mul3A_480 : i32 to vector<16xi32>
          %add3A_548 = arith.addi %convert_element_type3A_546, %add3A_547 : vector<16xi32>
          %gather3A_549 = tpu.vector_load_idx %arg5[%add3A_548] : memref<10000xf32, #tpu.memory_space<vmem>>[vector<16xi32>], vector<16xf32>,
          %swap3A_550 = arith.constant 0 : i32
          %swap3A_551 = arith.constant 3 : i32
          %swap3A_552 = arith.index_cast %swap3A_550 : i32 to index
          %swap3A_553 = arith.index_cast %swap3A_551 : i32 to index
          %swap3A_554 = arith.index_cast %mul3A_539 : i32 to index
          %swap3A_555 = tpu.vector_load %arg8[%swap3A_552, %swap3A_553, %swap3A_554] {strides = array<i32>} : memref<1x8x4096xf32, #tpu.memory_space<vmem>>, vector<16xf32>,
          tpu.vector_store %arg8[%swap3A_552, %swap3A_553, %swap3A_554], %gather3A_549 {strides = array<i32>} : memref<1x8x4096xf32, #tpu.memory_space<vmem>>, vector<16xf32>,
          %mul3A_556 = arith.constant 16 : i32
          %mul3A_557 = arith.muli %scan3A_486, %mul3A_556 : i32
          %get3A_558 = arith.constant 0 : i32
          %get3A_559 = arith.constant 4 : i32
          %get3A_560 = arith.index_cast %get3A_558 : i32 to index
          %get3A_561 = arith.index_cast %get3A_559 : i32 to index
          %get3A_562 = arith.index_cast %mul3A_557 : i32 to index
          %get3A_563 = tpu.vector_load %arg8[%get3A_560, %get3A_561, %get3A_562] {strides = array<i32>} : memref<1x8x4096xf32, #tpu.memory_space<vmem>>, vector<16xf32>,
          %convert_element_type3A_564 = arith.fptosi %get3A_563 : vector<16xf32> to vector<16xi32>
          %add3A_565 = vector.broadcast %mul3A_480 : i32 to vector<16xi32>
          %add3A_566 = arith.addi %convert_element_type3A_564, %add3A_565 : vector<16xi32>
          %gather3A_567 = tpu.vector_load_idx %arg5[%add3A_566] : memref<10000xf32, #tpu.memory_space<vmem>>[vector<16xi32>], vector<16xf32>,
          %swap3A_568 = arith.constant 0 : i32
          %swap3A_569 = arith.constant 4 : i32
          %swap3A_570 = arith.index_cast %swap3A_568 : i32 to index
          %swap3A_571 = arith.index_cast %swap3A_569 : i32 to index
          %swap3A_572 = arith.index_cast %mul3A_557 : i32 to index
          %swap3A_573 = tpu.vector_load %arg8[%swap3A_570, %swap3A_571, %swap3A_572] {strides = array<i32>} : memref<1x8x4096xf32, #tpu.memory_space<vmem>>, vector<16xf32>,
          tpu.vector_store %arg8[%swap3A_570, %swap3A_571, %swap3A_572], %gather3A_567 {strides = array<i32>} : memref<1x8x4096xf32, #tpu.memory_space<vmem>>, vector<16xf32>,
          %mul3A_574 = arith.constant 16 : i32
          %mul3A_575 = arith.muli %scan3A_486, %mul3A_574 : i32
          %get3A_576 = arith.constant 0 : i32
          %get3A_577 = arith.constant 5 : i32
          %get3A_578 = arith.index_cast %get3A_576 : i32 to index
          %get3A_579 = arith.index_cast %get3A_577 : i32 to index
          %get3A_580 = arith.index_cast %mul3A_575 : i32 to index
          %get3A_581 = tpu.vector_load %arg8[%get3A_578, %get3A_579, %get3A_580] {strides = array<i32>} : memref<1x8x4096xf32, #tpu.memory_space<vmem>>, vector<16xf32>,
          %convert_element_type3A_582 = arith.fptosi %get3A_581 : vector<16xf32> to vector<16xi32>
          %add3A_583 = vector.broadcast %mul3A_480 : i32 to vector<16xi32>
          %add3A_584 = arith.addi %convert_element_type3A_582, %add3A_583 : vector<16xi32>
          %gather3A_585 = tpu.vector_load_idx %arg5[%add3A_584] : memref<10000xf32, #tpu.memory_space<vmem>>[vector<16xi32>], vector<16xf32>,
          %swap3A_586 = arith.constant 0 : i32
          %swap3A_587 = arith.constant 5 : i32
          %swap3A_588 = arith.index_cast %swap3A_586 : i32 to index
          %swap3A_589 = arith.index_cast %swap3A_587 : i32 to index
          %swap3A_590 = arith.index_cast %mul3A_575 : i32 to index
          %swap3A_591 = tpu.vector_load %arg8[%swap3A_588, %swap3A_589, %swap3A_590] {strides = array<i32>} : memref<1x8x4096xf32, #tpu.memory_space<vmem>>, vector<16xf32>,
          tpu.vector_store %arg8[%swap3A_588, %swap3A_589, %swap3A_590], %gather3A_585 {strides = array<i32>} : memref<1x8x4096xf32, #tpu.memory_space<vmem>>, vector<16xf32>,
          %mul3A_592 = arith.constant 16 : i32
          %mul3A_593 = arith.muli %scan3A_486, %mul3A_592 : i32
          %get3A_594 = arith.constant 0 : i32
          %get3A_595 = arith.constant 6 : i32
          %get3A_596 = arith.index_cast %get3A_594 : i32 to index
          %get3A_597 = arith.index_cast %get3A_595 : i32 to index
          %get3A_598 = arith.index_cast %mul3A_593 : i32 to index
          %get3A_599 = tpu.vector_load %arg8[%get3A_596, %get3A_597, %get3A_598] {strides = array<i32>} : memref<1x8x4096xf32, #tpu.memory_space<vmem>>, vector<16xf32>,
          %convert_element_type3A_600 = arith.fptosi %get3A_599 : vector<16xf32> to vector<16xi32>
          %add3A_601 = vector.broadcast %mul3A_480 : i32 to vector<16xi32>
          %add3A_602 = arith.addi %convert_element_type3A_600, %add3A_601 : vector<16xi32>
          %gather3A_603 = tpu.vector_load_idx %arg5[%add3A_602] : memref<10000xf32, #tpu.memory_space<vmem>>[vector<16xi32>], vector<16xf32>,
          %swap3A_604 = arith.constant 0 : i32
          %swap3A_605 = arith.constant 6 : i32
          %swap3A_606 = arith.index_cast %swap3A_604 : i32 to index
          %swap3A_607 = arith.index_cast %swap3A_605 : i32 to index
          %swap3A_608 = arith.index_cast %mul3A_593 : i32 to index
          %swap3A_609 = tpu.vector_load %arg8[%swap3A_606, %swap3A_607, %swap3A_608] {strides = array<i32>} : memref<1x8x4096xf32, #tpu.memory_space<vmem>>, vector<16xf32>,
          tpu.vector_store %arg8[%swap3A_606, %swap3A_607, %swap3A_608], %gather3A_603 {strides = array<i32>} : memref<1x8x4096xf32, #tpu.memory_space<vmem>>, vector<16xf32>,
          %mul3A_610 = arith.constant 16 : i32
          %mul3A_611 = arith.muli %scan3A_486, %mul3A_610 : i32
          %get3A_612 = arith.constant 0 : i32
          %get3A_613 = arith.constant 7 : i32
          %get3A_614 = arith.index_cast %get3A_612 : i32 to index
          %get3A_615 = arith.index_cast %get3A_613 : i32 to index
          %get3A_616 = arith.index_cast %mul3A_611 : i32 to index
          %get3A_617 = tpu.vector_load %arg8[%get3A_614, %get3A_615, %get3A_616] {strides = array<i32>} : memref<1x8x4096xf32, #tpu.memory_space<vmem>>, vector<16xf32>,
          %convert_element_type3A_618 = arith.fptosi %get3A_617 : vector<16xf32> to vector<16xi32>
          %add3A_619 = vector.broadcast %mul3A_480 : i32 to vector<16xi32>
          %add3A_620 = arith.addi %convert_element_type3A_618, %add3A_619 : vector<16xi32>
          %gather3A_621 = tpu.vector_load_idx %arg5[%add3A_620] : memref<10000xf32, #tpu.memory_space<vmem>>[vector<16xi32>], vector<16xf32>,
          %swap3A_622 = arith.constant 0 : i32
          %swap3A_623 = arith.constant 7 : i32
          %swap3A_624 = arith.index_cast %swap3A_622 : i32 to index
          %swap3A_625 = arith.index_cast %swap3A_623 : i32 to index
          %swap3A_626 = arith.index_cast %mul3A_611 : i32 to index
          %swap3A_627 = tpu.vector_load %arg8[%swap3A_624, %swap3A_625, %swap3A_626] {strides = array<i32>} : memref<1x8x4096xf32, #tpu.memory_space<vmem>>, vector<16xf32>,
          tpu.vector_store %arg8[%swap3A_624, %swap3A_625, %swap3A_626], %gather3A_621 {strides = array<i32>} : memref<1x8x4096xf32, #tpu.memory_space<vmem>>, vector<16xf32>,
        }
        %scan3A_485 = arith.constant 256 : i32
      } else {
      }
      %add3A_467 = arith.constant 160 : i32
      %add3A_468 = arith.addi %add3A, %add3A_467 : i32
      %dma_start3A = arith.constant 0 : i32
      %dma_start3A_469 = arith.constant 0 : i32
      %dma_start3A_470 = tpu.memref_slice %arg4[%add3A_468, %dma_start3A, %dma_start3A_469] : memref<650x8x4096xf32, #tpu.memory_space<hbm>> -> memref<1x8x4096xf32, #tpu.memory_space<hbm>>
      %dma_start3A_471 = arith.constant 0 : i32
      %dma_start3A_472 = arith.constant 0 : i32
      %dma_start3A_473 = tpu.memref_slice %arg4[%add3A_468, %dma_start3A_471, %dma_start3A_472] : memref<650x8x4096xf32, #tpu.memory_space<hbm>> -> memref<1x8x4096xf32, #tpu.memory_space<hbm>>
      tpu.enqueue_dma source(%arg8 : memref<1x8x4096xf32, #tpu.memory_space<vmem>>) target(%dma_start3A_473 : memref<1x8x4096xf32, #tpu.memory_space<hbm>>) target_semaphore(%arg14 : memref<!tpu.dma_semaphore, #tpu.memory_space<semaphore_mem>>)
    } else {
    }
    %add3A_117 = arith.constant 128 : i32
    %add3A_118 = arith.addi %add3A, %add3A_117 : i32
    %lt3A_119 = arith.constant 650 : i32
    %lt3A_120 = arith.cmpi slt, %add3A_118, %lt3A_119 : i32
    %convert_element_type3A_121 = arith.extui %lt3A_120 : i1 to i32
    %cond3A_122 = arith.constant 0 : i32
    %cond3A_123 = arith.cmpi ne, %convert_element_type3A_121, %cond3A_122 : i32
    scf.if %cond3A_123 {
      %add3A_453 = arith.constant 128 : i32
      %add3A_454 = arith.addi %add3A, %add3A_453 : i32
      %dma_wait3A = arith.constant 0 : i32
      %dma_wait3A_455 = arith.constant 0 : i32
      %dma_wait3A_456 = tpu.memref_slice %arg4[%add3A_454, %dma_wait3A, %dma_wait3A_455] : memref<650x8x4096xf32, #tpu.memory_space<hbm>> -> memref<1x8x4096xf32, #tpu.memory_space<hbm>>
      %dma_wait3A_457 = arith.constant 0 : i32
      %dma_wait3A_458 = arith.constant 0 : i32
      %dma_wait3A_459 = tpu.memref_slice %arg4[%add3A_454, %dma_wait3A_457, %dma_wait3A_458] : memref<650x8x4096xf32, #tpu.memory_space<hbm>> -> memref<1x8x4096xf32, #tpu.memory_space<hbm>>
      tpu.wait_dma2 semaphore(%arg13 : memref<!tpu.dma_semaphore, #tpu.memory_space<semaphore_mem>>) src(%arg7 : memref<1x8x4096xf32, #tpu.memory_space<vmem>>) dst(%dma_wait3A_459 : memref<1x8x4096xf32, #tpu.memory_space<hbm>>)
    } else {
    }
    %add3A_124 = arith.constant 224 : i32
    %add3A_125 = arith.addi %add3A, %add3A_124 : i32
    %lt3A_126 = arith.constant 650 : i32
    %lt3A_127 = arith.cmpi slt, %add3A_125, %lt3A_126 : i32
    %convert_element_type3A_128 = arith.extui %lt3A_127 : i1 to i32
    %cond3A_129 = arith.constant 0 : i32
    %cond3A_130 = arith.cmpi ne, %convert_element_type3A_128, %cond3A_129 : i32
    scf.if %cond3A_130 {
      %add3A_453 = arith.constant 224 : i32
      %add3A_454 = arith.addi %add3A, %add3A_453 : i32
      %dma_start3A = arith.constant 0 : i32
      %dma_start3A_455 = arith.constant 0 : i32
      %dma_start3A_456 = tpu.memref_slice %arg2[%add3A_454, %dma_start3A, %dma_start3A_455] : memref<650x8x4096xf32, #tpu.memory_space<hbm>> -> memref<1x8x4096xf32, #tpu.memory_space<hbm>>
      %dma_start3A_457 = arith.constant 0 : i32
      %dma_start3A_458 = arith.constant 0 : i32
      %dma_start3A_459 = tpu.memref_slice %arg2[%add3A_454, %dma_start3A_457, %dma_start3A_458] : memref<650x8x4096xf32, #tpu.memory_space<hbm>> -> memref<1x8x4096xf32, #tpu.memory_space<hbm>>
      tpu.enqueue_dma source(%dma_start3A_459 : memref<1x8x4096xf32, #tpu.memory_space<hbm>>) target(%arg7 : memref<1x8x4096xf32, #tpu.memory_space<vmem>>) target_semaphore(%arg10 : memref<!tpu.dma_semaphore, #tpu.memory_space<semaphore_mem>>)
    } else {
    }
    %add3A_131 = arith.constant 192 : i32
    %add3A_132 = arith.addi %add3A, %add3A_131 : i32
    %lt3A_133 = arith.constant 650 : i32
    %lt3A_134 = arith.cmpi slt, %add3A_132, %lt3A_133 : i32
    %convert_element_type3A_135 = arith.extui %lt3A_134 : i1 to i32
    %cond3A_136 = arith.constant 0 : i32
    %cond3A_137 = arith.cmpi ne, %convert_element_type3A_135, %cond3A_136 : i32
    scf.if %cond3A_137 {
      %add3A_453 = arith.constant 192 : i32
      %add3A_454 = arith.addi %add3A, %add3A_453 : i32
      %dma_wait3A = arith.constant 0 : i32
      %dma_wait3A_455 = arith.constant 0 : i32
      %dma_wait3A_456 = tpu.memref_slice %arg2[%add3A_454, %dma_wait3A, %dma_wait3A_455] : memref<650x8x4096xf32, #tpu.memory_space<hbm>> -> memref<1x8x4096xf32, #tpu.memory_space<hbm>>
      %dma_wait3A_457 = arith.constant 0 : i32
      %dma_wait3A_458 = arith.constant 0 : i32
      %dma_wait3A_459 = tpu.memref_slice %arg2[%add3A_454, %dma_wait3A_457, %dma_wait3A_458] : memref<650x8x4096xf32, #tpu.memory_space<hbm>> -> memref<1x8x4096xf32, #tpu.memory_space<hbm>>
      tpu.wait_dma2 semaphore(%arg9 : memref<!tpu.dma_semaphore, #tpu.memory_space<semaphore_mem>>) src(%dma_wait3A_459 : memref<1x8x4096xf32, #tpu.memory_space<hbm>>) dst(%arg6 : memref<1x8x4096xf32, #tpu.memory_space<vmem>>)
      %add3A_460 = arith.constant 192 : i32
      %add3A_461 = arith.addi %add3A, %add3A_460 : i32
      %lt3A_462 = arith.constant 250 : i32
      %lt3A_463 = arith.cmpi slt, %add3A_461, %lt3A_462 : i32
      %convert_element_type3A_464 = arith.extui %lt3A_463 : i1 to i32
      %cond3A_465 = arith.constant 0 : i32
      %cond3A_466 = arith.cmpi ne, %convert_element_type3A_464, %cond3A_465 : i32
      scf.if %cond3A_466 {
        %add3A_474 = arith.constant 192 : i32
        %add3A_475 = arith.addi %add3A, %add3A_474 : i32
        %mul3A_476 = arith.constant 41944 : i32
        %mul3A_477 = arith.muli %add3A_475, %mul3A_476 : i32
        %shift_right_arithmetic3A = arith.constant 20 : i32
        %shift_right_arithmetic3A_478 = arith.shrsi %mul3A_477, %shift_right_arithmetic3A : i32
        %mul3A_479 = arith.constant 1000 : i32
        %mul3A_480 = arith.muli %shift_right_arithmetic3A_478, %mul3A_479 : i32
        %scan3A = arith.constant 0 : i32
        %scan3A_481 = arith.constant 0 : i32
        %scan3A_482 = arith.constant 256 : i32
        %scan3A_483 = arith.addi %scan3A_481, %scan3A_482 : i32
        %scan3A_484 = arith.constant 1 : i32
        scf.for %scan3A_486 = %scan3A_481 to %scan3A_483 step %scan3A_484  : i32 {
          %mul3A_487 = arith.constant 16 : i32
          %mul3A_488 = arith.muli %scan3A_486, %mul3A_487 : i32
          %get3A = arith.constant 0 : i32
          %get3A_489 = arith.constant 0 : i32
          %get3A_490 = arith.index_cast %get3A : i32 to index
          %get3A_491 = arith.index_cast %get3A_489 : i32 to index
          %get3A_492 = arith.index_cast %mul3A_488 : i32 to index
          %get3A_493 = tpu.vector_load %arg6[%get3A_490, %get3A_491, %get3A_492] {strides = array<i32>} : memref<1x8x4096xf32, #tpu.memory_space<vmem>>, vector<16xf32>,
          %convert_element_type3A_494 = arith.fptosi %get3A_493 : vector<16xf32> to vector<16xi32>
          %add3A_495 = vector.broadcast %mul3A_480 : i32 to vector<16xi32>
          %add3A_496 = arith.addi %convert_element_type3A_494, %add3A_495 : vector<16xi32>
          %gather3A = tpu.vector_load_idx %arg5[%add3A_496] : memref<10000xf32, #tpu.memory_space<vmem>>[vector<16xi32>], vector<16xf32>,
          %swap3A = arith.constant 0 : i32
          %swap3A_497 = arith.constant 0 : i32
          %swap3A_498 = arith.index_cast %swap3A : i32 to index
          %swap3A_499 = arith.index_cast %swap3A_497 : i32 to index
          %swap3A_500 = arith.index_cast %mul3A_488 : i32 to index
          %swap3A_501 = tpu.vector_load %arg6[%swap3A_498, %swap3A_499, %swap3A_500] {strides = array<i32>} : memref<1x8x4096xf32, #tpu.memory_space<vmem>>, vector<16xf32>,
          tpu.vector_store %arg6[%swap3A_498, %swap3A_499, %swap3A_500], %gather3A {strides = array<i32>} : memref<1x8x4096xf32, #tpu.memory_space<vmem>>, vector<16xf32>,
          %mul3A_502 = arith.constant 16 : i32
          %mul3A_503 = arith.muli %scan3A_486, %mul3A_502 : i32
          %get3A_504 = arith.constant 0 : i32
          %get3A_505 = arith.constant 1 : i32
          %get3A_506 = arith.index_cast %get3A_504 : i32 to index
          %get3A_507 = arith.index_cast %get3A_505 : i32 to index
          %get3A_508 = arith.index_cast %mul3A_503 : i32 to index
          %get3A_509 = tpu.vector_load %arg6[%get3A_506, %get3A_507, %get3A_508] {strides = array<i32>} : memref<1x8x4096xf32, #tpu.memory_space<vmem>>, vector<16xf32>,
          %convert_element_type3A_510 = arith.fptosi %get3A_509 : vector<16xf32> to vector<16xi32>
          %add3A_511 = vector.broadcast %mul3A_480 : i32 to vector<16xi32>
          %add3A_512 = arith.addi %convert_element_type3A_510, %add3A_511 : vector<16xi32>
          %gather3A_513 = tpu.vector_load_idx %arg5[%add3A_512] : memref<10000xf32, #tpu.memory_space<vmem>>[vector<16xi32>], vector<16xf32>,
          %swap3A_514 = arith.constant 0 : i32
          %swap3A_515 = arith.constant 1 : i32
          %swap3A_516 = arith.index_cast %swap3A_514 : i32 to index
          %swap3A_517 = arith.index_cast %swap3A_515 : i32 to index
          %swap3A_518 = arith.index_cast %mul3A_503 : i32 to index
          %swap3A_519 = tpu.vector_load %arg6[%swap3A_516, %swap3A_517, %swap3A_518] {strides = array<i32>} : memref<1x8x4096xf32, #tpu.memory_space<vmem>>, vector<16xf32>,
          tpu.vector_store %arg6[%swap3A_516, %swap3A_517, %swap3A_518], %gather3A_513 {strides = array<i32>} : memref<1x8x4096xf32, #tpu.memory_space<vmem>>, vector<16xf32>,
          %mul3A_520 = arith.constant 16 : i32
          %mul3A_521 = arith.muli %scan3A_486, %mul3A_520 : i32
          %get3A_522 = arith.constant 0 : i32
          %get3A_523 = arith.constant 2 : i32
          %get3A_524 = arith.index_cast %get3A_522 : i32 to index
          %get3A_525 = arith.index_cast %get3A_523 : i32 to index
          %get3A_526 = arith.index_cast %mul3A_521 : i32 to index
          %get3A_527 = tpu.vector_load %arg6[%get3A_524, %get3A_525, %get3A_526] {strides = array<i32>} : memref<1x8x4096xf32, #tpu.memory_space<vmem>>, vector<16xf32>,
          %convert_element_type3A_528 = arith.fptosi %get3A_527 : vector<16xf32> to vector<16xi32>
          %add3A_529 = vector.broadcast %mul3A_480 : i32 to vector<16xi32>
          %add3A_530 = arith.addi %convert_element_type3A_528, %add3A_529 : vector<16xi32>
          %gather3A_531 = tpu.vector_load_idx %arg5[%add3A_530] : memref<10000xf32, #tpu.memory_space<vmem>>[vector<16xi32>], vector<16xf32>,
          %swap3A_532 = arith.constant 0 : i32
          %swap3A_533 = arith.constant 2 : i32
          %swap3A_534 = arith.index_cast %swap3A_532 : i32 to index
          %swap3A_535 = arith.index_cast %swap3A_533 : i32 to index
          %swap3A_536 = arith.index_cast %mul3A_521 : i32 to index
          %swap3A_537 = tpu.vector_load %arg6[%swap3A_534, %swap3A_535, %swap3A_536] {strides = array<i32>} : memref<1x8x4096xf32, #tpu.memory_space<vmem>>, vector<16xf32>,
          tpu.vector_store %arg6[%swap3A_534, %swap3A_535, %swap3A_536], %gather3A_531 {strides = array<i32>} : memref<1x8x4096xf32, #tpu.memory_space<vmem>>, vector<16xf32>,
          %mul3A_538 = arith.constant 16 : i32
          %mul3A_539 = arith.muli %scan3A_486, %mul3A_538 : i32
          %get3A_540 = arith.constant 0 : i32
          %get3A_541 = arith.constant 3 : i32
          %get3A_542 = arith.index_cast %get3A_540 : i32 to index
          %get3A_543 = arith.index_cast %get3A_541 : i32 to index
          %get3A_544 = arith.index_cast %mul3A_539 : i32 to index
          %get3A_545 = tpu.vector_load %arg6[%get3A_542, %get3A_543, %get3A_544] {strides = array<i32>} : memref<1x8x4096xf32, #tpu.memory_space<vmem>>, vector<16xf32>,
          %convert_element_type3A_546 = arith.fptosi %get3A_545 : vector<16xf32> to vector<16xi32>
          %add3A_547 = vector.broadcast %mul3A_480 : i32 to vector<16xi32>
          %add3A_548 = arith.addi %convert_element_type3A_546, %add3A_547 : vector<16xi32>
          %gather3A_549 = tpu.vector_load_idx %arg5[%add3A_548] : memref<10000xf32, #tpu.memory_space<vmem>>[vector<16xi32>], vector<16xf32>,
          %swap3A_550 = arith.constant 0 : i32
          %swap3A_551 = arith.constant 3 : i32
          %swap3A_552 = arith.index_cast %swap3A_550 : i32 to index
          %swap3A_553 = arith.index_cast %swap3A_551 : i32 to index
          %swap3A_554 = arith.index_cast %mul3A_539 : i32 to index
          %swap3A_555 = tpu.vector_load %arg6[%swap3A_552, %swap3A_553, %swap3A_554] {strides = array<i32>} : memref<1x8x4096xf32, #tpu.memory_space<vmem>>, vector<16xf32>,
          tpu.vector_store %arg6[%swap3A_552, %swap3A_553, %swap3A_554], %gather3A_549 {strides = array<i32>} : memref<1x8x4096xf32, #tpu.memory_space<vmem>>, vector<16xf32>,
          %mul3A_556 = arith.constant 16 : i32
          %mul3A_557 = arith.muli %scan3A_486, %mul3A_556 : i32
          %get3A_558 = arith.constant 0 : i32
          %get3A_559 = arith.constant 4 : i32
          %get3A_560 = arith.index_cast %get3A_558 : i32 to index
          %get3A_561 = arith.index_cast %get3A_559 : i32 to index
          %get3A_562 = arith.index_cast %mul3A_557 : i32 to index
          %get3A_563 = tpu.vector_load %arg6[%get3A_560, %get3A_561, %get3A_562] {strides = array<i32>} : memref<1x8x4096xf32, #tpu.memory_space<vmem>>, vector<16xf32>,
          %convert_element_type3A_564 = arith.fptosi %get3A_563 : vector<16xf32> to vector<16xi32>
          %add3A_565 = vector.broadcast %mul3A_480 : i32 to vector<16xi32>
          %add3A_566 = arith.addi %convert_element_type3A_564, %add3A_565 : vector<16xi32>
          %gather3A_567 = tpu.vector_load_idx %arg5[%add3A_566] : memref<10000xf32, #tpu.memory_space<vmem>>[vector<16xi32>], vector<16xf32>,
          %swap3A_568 = arith.constant 0 : i32
          %swap3A_569 = arith.constant 4 : i32
          %swap3A_570 = arith.index_cast %swap3A_568 : i32 to index
          %swap3A_571 = arith.index_cast %swap3A_569 : i32 to index
          %swap3A_572 = arith.index_cast %mul3A_557 : i32 to index
          %swap3A_573 = tpu.vector_load %arg6[%swap3A_570, %swap3A_571, %swap3A_572] {strides = array<i32>} : memref<1x8x4096xf32, #tpu.memory_space<vmem>>, vector<16xf32>,
          tpu.vector_store %arg6[%swap3A_570, %swap3A_571, %swap3A_572], %gather3A_567 {strides = array<i32>} : memref<1x8x4096xf32, #tpu.memory_space<vmem>>, vector<16xf32>,
          %mul3A_574 = arith.constant 16 : i32
          %mul3A_575 = arith.muli %scan3A_486, %mul3A_574 : i32
          %get3A_576 = arith.constant 0 : i32
          %get3A_577 = arith.constant 5 : i32
          %get3A_578 = arith.index_cast %get3A_576 : i32 to index
          %get3A_579 = arith.index_cast %get3A_577 : i32 to index
          %get3A_580 = arith.index_cast %mul3A_575 : i32 to index
          %get3A_581 = tpu.vector_load %arg6[%get3A_578, %get3A_579, %get3A_580] {strides = array<i32>} : memref<1x8x4096xf32, #tpu.memory_space<vmem>>, vector<16xf32>,
          %convert_element_type3A_582 = arith.fptosi %get3A_581 : vector<16xf32> to vector<16xi32>
          %add3A_583 = vector.broadcast %mul3A_480 : i32 to vector<16xi32>
          %add3A_584 = arith.addi %convert_element_type3A_582, %add3A_583 : vector<16xi32>
          %gather3A_585 = tpu.vector_load_idx %arg5[%add3A_584] : memref<10000xf32, #tpu.memory_space<vmem>>[vector<16xi32>], vector<16xf32>,
          %swap3A_586 = arith.constant 0 : i32
          %swap3A_587 = arith.constant 5 : i32
          %swap3A_588 = arith.index_cast %swap3A_586 : i32 to index
          %swap3A_589 = arith.index_cast %swap3A_587 : i32 to index
          %swap3A_590 = arith.index_cast %mul3A_575 : i32 to index
          %swap3A_591 = tpu.vector_load %arg6[%swap3A_588, %swap3A_589, %swap3A_590] {strides = array<i32>} : memref<1x8x4096xf32, #tpu.memory_space<vmem>>, vector<16xf32>,
          tpu.vector_store %arg6[%swap3A_588, %swap3A_589, %swap3A_590], %gather3A_585 {strides = array<i32>} : memref<1x8x4096xf32, #tpu.memory_space<vmem>>, vector<16xf32>,
          %mul3A_592 = arith.constant 16 : i32
          %mul3A_593 = arith.muli %scan3A_486, %mul3A_592 : i32
          %get3A_594 = arith.constant 0 : i32
          %get3A_595 = arith.constant 6 : i32
          %get3A_596 = arith.index_cast %get3A_594 : i32 to index
          %get3A_597 = arith.index_cast %get3A_595 : i32 to index
          %get3A_598 = arith.index_cast %mul3A_593 : i32 to index
          %get3A_599 = tpu.vector_load %arg6[%get3A_596, %get3A_597, %get3A_598] {strides = array<i32>} : memref<1x8x4096xf32, #tpu.memory_space<vmem>>, vector<16xf32>,
          %convert_element_type3A_600 = arith.fptosi %get3A_599 : vector<16xf32> to vector<16xi32>
          %add3A_601 = vector.broadcast %mul3A_480 : i32 to vector<16xi32>
          %add3A_602 = arith.addi %convert_element_type3A_600, %add3A_601 : vector<16xi32>
          %gather3A_603 = tpu.vector_load_idx %arg5[%add3A_602] : memref<10000xf32, #tpu.memory_space<vmem>>[vector<16xi32>], vector<16xf32>,
          %swap3A_604 = arith.constant 0 : i32
          %swap3A_605 = arith.constant 6 : i32
          %swap3A_606 = arith.index_cast %swap3A_604 : i32 to index
          %swap3A_607 = arith.index_cast %swap3A_605 : i32 to index
          %swap3A_608 = arith.index_cast %mul3A_593 : i32 to index
          %swap3A_609 = tpu.vector_load %arg6[%swap3A_606, %swap3A_607, %swap3A_608] {strides = array<i32>} : memref<1x8x4096xf32, #tpu.memory_space<vmem>>, vector<16xf32>,
          tpu.vector_store %arg6[%swap3A_606, %swap3A_607, %swap3A_608], %gather3A_603 {strides = array<i32>} : memref<1x8x4096xf32, #tpu.memory_space<vmem>>, vector<16xf32>,
          %mul3A_610 = arith.constant 16 : i32
          %mul3A_611 = arith.muli %scan3A_486, %mul3A_610 : i32
          %get3A_612 = arith.constant 0 : i32
          %get3A_613 = arith.constant 7 : i32
          %get3A_614 = arith.index_cast %get3A_612 : i32 to index
          %get3A_615 = arith.index_cast %get3A_613 : i32 to index
          %get3A_616 = arith.index_cast %mul3A_611 : i32 to index
          %get3A_617 = tpu.vector_load %arg6[%get3A_614, %get3A_615, %get3A_616] {strides = array<i32>} : memref<1x8x4096xf32, #tpu.memory_space<vmem>>, vector<16xf32>,
          %convert_element_type3A_618 = arith.fptosi %get3A_617 : vector<16xf32> to vector<16xi32>
          %add3A_619 = vector.broadcast %mul3A_480 : i32 to vector<16xi32>
          %add3A_620 = arith.addi %convert_element_type3A_618, %add3A_619 : vector<16xi32>
          %gather3A_621 = tpu.vector_load_idx %arg5[%add3A_620] : memref<10000xf32, #tpu.memory_space<vmem>>[vector<16xi32>], vector<16xf32>,
          %swap3A_622 = arith.constant 0 : i32
          %swap3A_623 = arith.constant 7 : i32
          %swap3A_624 = arith.index_cast %swap3A_622 : i32 to index
          %swap3A_625 = arith.index_cast %swap3A_623 : i32 to index
          %swap3A_626 = arith.index_cast %mul3A_611 : i32 to index
          %swap3A_627 = tpu.vector_load %arg6[%swap3A_624, %swap3A_625, %swap3A_626] {strides = array<i32>} : memref<1x8x4096xf32, #tpu.memory_space<vmem>>, vector<16xf32>,
          tpu.vector_store %arg6[%swap3A_624, %swap3A_625, %swap3A_626], %gather3A_621 {strides = array<i32>} : memref<1x8x4096xf32, #tpu.memory_space<vmem>>, vector<16xf32>,
        }
        %scan3A_485 = arith.constant 256 : i32
      } else {
      }
      %add3A_467 = arith.constant 192 : i32
      %add3A_468 = arith.addi %add3A, %add3A_467 : i32
      %dma_start3A = arith.constant 0 : i32
      %dma_start3A_469 = arith.constant 0 : i32
      %dma_start3A_470 = tpu.memref_slice %arg4[%add3A_468, %dma_start3A, %dma_start3A_469] : memref<650x8x4096xf32, #tpu.memory_space<hbm>> -> memref<1x8x4096xf32, #tpu.memory_space<hbm>>
      %dma_start3A_471 = arith.constant 0 : i32
      %dma_start3A_472 = arith.constant 0 : i32
      %dma_start3A_473 = tpu.memref_slice %arg4[%add3A_468, %dma_start3A_471, %dma_start3A_472] : memref<650x8x4096xf32, #tpu.memory_space<hbm>> -> memref<1x8x4096xf32, #tpu.memory_space<hbm>>
      tpu.enqueue_dma source(%arg6 : memref<1x8x4096xf32, #tpu.memory_space<vmem>>) target(%dma_start3A_473 : memref<1x8x4096xf32, #tpu.memory_space<hbm>>) target_semaphore(%arg12 : memref<!tpu.dma_semaphore, #tpu.memory_space<semaphore_mem>>)
    } else {
    }
    %add3A_138 = arith.constant 160 : i32
    %add3A_139 = arith.addi %add3A, %add3A_138 : i32
    %lt3A_140 = arith.constant 650 : i32
    %lt3A_141 = arith.cmpi slt, %add3A_139, %lt3A_140 : i32
    %convert_element_type3A_142 = arith.extui %lt3A_141 : i1 to i32
    %cond3A_143 = arith.constant 0 : i32
    %cond3A_144 = arith.cmpi ne, %convert_element_type3A_142, %cond3A_143 : i32
    scf.if %cond3A_144 {
      %add3A_453 = arith.constant 160 : i32
      %add3A_454 = arith.addi %add3A, %add3A_453 : i32
      %dma_wait3A = arith.constant 0 : i32
      %dma_wait3A_455 = arith.constant 0 : i32
      %dma_wait3A_456 = tpu.memref_slice %arg4[%add3A_454, %dma_wait3A, %dma_wait3A_455] : memref<650x8x4096xf32, #tpu.memory_space<hbm>> -> memref<1x8x4096xf32, #tpu.memory_space<hbm>>
      %dma_wait3A_457 = arith.constant 0 : i32
      %dma_wait3A_458 = arith.constant 0 : i32
      %dma_wait3A_459 = tpu.memref_slice %arg4[%add3A_454, %dma_wait3A_457, %dma_wait3A_458] : memref<650x8x4096xf32, #tpu.memory_space<hbm>> -> memref<1x8x4096xf32, #tpu.memory_space<hbm>>
      tpu.wait_dma2 semaphore(%arg14 : memref<!tpu.dma_semaphore, #tpu.memory_space<semaphore_mem>>) src(%arg8 : memref<1x8x4096xf32, #tpu.memory_space<vmem>>) dst(%dma_wait3A_459 : memref<1x8x4096xf32, #tpu.memory_space<hbm>>)
    } else {
    }
    %add3A_145 = arith.constant 256 : i32
    %add3A_146 = arith.addi %add3A, %add3A_145 : i32
    %lt3A_147 = arith.constant 650 : i32
    %lt3A_148 = arith.cmpi slt, %add3A_146, %lt3A_147 : i32
    %convert_element_type3A_149 = arith.extui %lt3A_148 : i1 to i32
    %cond3A_150 = arith.constant 0 : i32
    %cond3A_151 = arith.cmpi ne, %convert_element_type3A_149, %cond3A_150 : i32
    scf.if %cond3A_151 {
      %add3A_453 = arith.constant 256 : i32
      %add3A_454 = arith.addi %add3A, %add3A_453 : i32
      %dma_start3A = arith.constant 0 : i32
      %dma_start3A_455 = arith.constant 0 : i32
      %dma_start3A_456 = tpu.memref_slice %arg2[%add3A_454, %dma_start3A, %dma_start3A_455] : memref<650x8x4096xf32, #tpu.memory_space<hbm>> -> memref<1x8x4096xf32, #tpu.memory_space<hbm>>
      %dma_start3A_457 = arith.constant 0 : i32
      %dma_start3A_458 = arith.constant 0 : i32
      %dma_start3A_459 = tpu.memref_slice %arg2[%add3A_454, %dma_start3A_457, %dma_start3A_458] : memref<650x8x4096xf32, #tpu.memory_space<hbm>> -> memref<1x8x4096xf32, #tpu.memory_space<hbm>>
      tpu.enqueue_dma source(%dma_start3A_459 : memref<1x8x4096xf32, #tpu.memory_space<hbm>>) target(%arg8 : memref<1x8x4096xf32, #tpu.memory_space<vmem>>) target_semaphore(%arg11 : memref<!tpu.dma_semaphore, #tpu.memory_space<semaphore_mem>>)
    } else {
    }
    %add3A_152 = arith.constant 224 : i32
    %add3A_153 = arith.addi %add3A, %add3A_152 : i32
    %lt3A_154 = arith.constant 650 : i32
    %lt3A_155 = arith.cmpi slt, %add3A_153, %lt3A_154 : i32
    %convert_element_type3A_156 = arith.extui %lt3A_155 : i1 to i32
    %cond3A_157 = arith.constant 0 : i32
    %cond3A_158 = arith.cmpi ne, %convert_element_type3A_156, %cond3A_157 : i32
    scf.if %cond3A_158 {
      %add3A_453 = arith.constant 224 : i32
      %add3A_454 = arith.addi %add3A, %add3A_453 : i32
      %dma_wait3A = arith.constant 0 : i32
      %dma_wait3A_455 = arith.constant 0 : i32
      %dma_wait3A_456 = tpu.memref_slice %arg2[%add3A_454, %dma_wait3A, %dma_wait3A_455] : memref<650x8x4096xf32, #tpu.memory_space<hbm>> -> memref<1x8x4096xf32, #tpu.memory_space<hbm>>
      %dma_wait3A_457 = arith.constant 0 : i32
      %dma_wait3A_458 = arith.constant 0 : i32
      %dma_wait3A_459 = tpu.memref_slice %arg2[%add3A_454, %dma_wait3A_457, %dma_wait3A_458] : memref<650x8x4096xf32, #tpu.memory_space<hbm>> -> memref<1x8x4096xf32, #tpu.memory_space<hbm>>
      tpu.wait_dma2 semaphore(%arg10 : memref<!tpu.dma_semaphore, #tpu.memory_space<semaphore_mem>>) src(%dma_wait3A_459 : memref<1x8x4096xf32, #tpu.memory_space<hbm>>) dst(%arg7 : memref<1x8x4096xf32, #tpu.memory_space<vmem>>)
      %add3A_460 = arith.constant 224 : i32
      %add3A_461 = arith.addi %add3A, %add3A_460 : i32
      %lt3A_462 = arith.constant 250 : i32
      %lt3A_463 = arith.cmpi slt, %add3A_461, %lt3A_462 : i32
      %convert_element_type3A_464 = arith.extui %lt3A_463 : i1 to i32
      %cond3A_465 = arith.constant 0 : i32
      %cond3A_466 = arith.cmpi ne, %convert_element_type3A_464, %cond3A_465 : i32
      scf.if %cond3A_466 {
        %add3A_474 = arith.constant 224 : i32
        %add3A_475 = arith.addi %add3A, %add3A_474 : i32
        %mul3A_476 = arith.constant 41944 : i32
        %mul3A_477 = arith.muli %add3A_475, %mul3A_476 : i32
        %shift_right_arithmetic3A = arith.constant 20 : i32
        %shift_right_arithmetic3A_478 = arith.shrsi %mul3A_477, %shift_right_arithmetic3A : i32
        %mul3A_479 = arith.constant 1000 : i32
        %mul3A_480 = arith.muli %shift_right_arithmetic3A_478, %mul3A_479 : i32
        %scan3A = arith.constant 0 : i32
        %scan3A_481 = arith.constant 0 : i32
        %scan3A_482 = arith.constant 256 : i32
        %scan3A_483 = arith.addi %scan3A_481, %scan3A_482 : i32
        %scan3A_484 = arith.constant 1 : i32
        scf.for %scan3A_486 = %scan3A_481 to %scan3A_483 step %scan3A_484  : i32 {
          %mul3A_487 = arith.constant 16 : i32
          %mul3A_488 = arith.muli %scan3A_486, %mul3A_487 : i32
          %get3A = arith.constant 0 : i32
          %get3A_489 = arith.constant 0 : i32
          %get3A_490 = arith.index_cast %get3A : i32 to index
          %get3A_491 = arith.index_cast %get3A_489 : i32 to index
          %get3A_492 = arith.index_cast %mul3A_488 : i32 to index
          %get3A_493 = tpu.vector_load %arg7[%get3A_490, %get3A_491, %get3A_492] {strides = array<i32>} : memref<1x8x4096xf32, #tpu.memory_space<vmem>>, vector<16xf32>,
          %convert_element_type3A_494 = arith.fptosi %get3A_493 : vector<16xf32> to vector<16xi32>
          %add3A_495 = vector.broadcast %mul3A_480 : i32 to vector<16xi32>
          %add3A_496 = arith.addi %convert_element_type3A_494, %add3A_495 : vector<16xi32>
          %gather3A = tpu.vector_load_idx %arg5[%add3A_496] : memref<10000xf32, #tpu.memory_space<vmem>>[vector<16xi32>], vector<16xf32>,
          %swap3A = arith.constant 0 : i32
          %swap3A_497 = arith.constant 0 : i32
          %swap3A_498 = arith.index_cast %swap3A : i32 to index
          %swap3A_499 = arith.index_cast %swap3A_497 : i32 to index
          %swap3A_500 = arith.index_cast %mul3A_488 : i32 to index
          %swap3A_501 = tpu.vector_load %arg7[%swap3A_498, %swap3A_499, %swap3A_500] {strides = array<i32>} : memref<1x8x4096xf32, #tpu.memory_space<vmem>>, vector<16xf32>,
          tpu.vector_store %arg7[%swap3A_498, %swap3A_499, %swap3A_500], %gather3A {strides = array<i32>} : memref<1x8x4096xf32, #tpu.memory_space<vmem>>, vector<16xf32>,
          %mul3A_502 = arith.constant 16 : i32
          %mul3A_503 = arith.muli %scan3A_486, %mul3A_502 : i32
          %get3A_504 = arith.constant 0 : i32
          %get3A_505 = arith.constant 1 : i32
          %get3A_506 = arith.index_cast %get3A_504 : i32 to index
          %get3A_507 = arith.index_cast %get3A_505 : i32 to index
          %get3A_508 = arith.index_cast %mul3A_503 : i32 to index
          %get3A_509 = tpu.vector_load %arg7[%get3A_506, %get3A_507, %get3A_508] {strides = array<i32>} : memref<1x8x4096xf32, #tpu.memory_space<vmem>>, vector<16xf32>,
          %convert_element_type3A_510 = arith.fptosi %get3A_509 : vector<16xf32> to vector<16xi32>
          %add3A_511 = vector.broadcast %mul3A_480 : i32 to vector<16xi32>
          %add3A_512 = arith.addi %convert_element_type3A_510, %add3A_511 : vector<16xi32>
          %gather3A_513 = tpu.vector_load_idx %arg5[%add3A_512] : memref<10000xf32, #tpu.memory_space<vmem>>[vector<16xi32>], vector<16xf32>,
          %swap3A_514 = arith.constant 0 : i32
          %swap3A_515 = arith.constant 1 : i32
          %swap3A_516 = arith.index_cast %swap3A_514 : i32 to index
          %swap3A_517 = arith.index_cast %swap3A_515 : i32 to index
          %swap3A_518 = arith.index_cast %mul3A_503 : i32 to index
          %swap3A_519 = tpu.vector_load %arg7[%swap3A_516, %swap3A_517, %swap3A_518] {strides = array<i32>} : memref<1x8x4096xf32, #tpu.memory_space<vmem>>, vector<16xf32>,
          tpu.vector_store %arg7[%swap3A_516, %swap3A_517, %swap3A_518], %gather3A_513 {strides = array<i32>} : memref<1x8x4096xf32, #tpu.memory_space<vmem>>, vector<16xf32>,
          %mul3A_520 = arith.constant 16 : i32
          %mul3A_521 = arith.muli %scan3A_486, %mul3A_520 : i32
          %get3A_522 = arith.constant 0 : i32
          %get3A_523 = arith.constant 2 : i32
          %get3A_524 = arith.index_cast %get3A_522 : i32 to index
          %get3A_525 = arith.index_cast %get3A_523 : i32 to index
          %get3A_526 = arith.index_cast %mul3A_521 : i32 to index
          %get3A_527 = tpu.vector_load %arg7[%get3A_524, %get3A_525, %get3A_526] {strides = array<i32>} : memref<1x8x4096xf32, #tpu.memory_space<vmem>>, vector<16xf32>,
          %convert_element_type3A_528 = arith.fptosi %get3A_527 : vector<16xf32> to vector<16xi32>
          %add3A_529 = vector.broadcast %mul3A_480 : i32 to vector<16xi32>
          %add3A_530 = arith.addi %convert_element_type3A_528, %add3A_529 : vector<16xi32>
          %gather3A_531 = tpu.vector_load_idx %arg5[%add3A_530] : memref<10000xf32, #tpu.memory_space<vmem>>[vector<16xi32>], vector<16xf32>,
          %swap3A_532 = arith.constant 0 : i32
          %swap3A_533 = arith.constant 2 : i32
          %swap3A_534 = arith.index_cast %swap3A_532 : i32 to index
          %swap3A_535 = arith.index_cast %swap3A_533 : i32 to index
          %swap3A_536 = arith.index_cast %mul3A_521 : i32 to index
          %swap3A_537 = tpu.vector_load %arg7[%swap3A_534, %swap3A_535, %swap3A_536] {strides = array<i32>} : memref<1x8x4096xf32, #tpu.memory_space<vmem>>, vector<16xf32>,
          tpu.vector_store %arg7[%swap3A_534, %swap3A_535, %swap3A_536], %gather3A_531 {strides = array<i32>} : memref<1x8x4096xf32, #tpu.memory_space<vmem>>, vector<16xf32>,
          %mul3A_538 = arith.constant 16 : i32
          %mul3A_539 = arith.muli %scan3A_486, %mul3A_538 : i32
          %get3A_540 = arith.constant 0 : i32
          %get3A_541 = arith.constant 3 : i32
          %get3A_542 = arith.index_cast %get3A_540 : i32 to index
          %get3A_543 = arith.index_cast %get3A_541 : i32 to index
          %get3A_544 = arith.index_cast %mul3A_539 : i32 to index
          %get3A_545 = tpu.vector_load %arg7[%get3A_542, %get3A_543, %get3A_544] {strides = array<i32>} : memref<1x8x4096xf32, #tpu.memory_space<vmem>>, vector<16xf32>,
          %convert_element_type3A_546 = arith.fptosi %get3A_545 : vector<16xf32> to vector<16xi32>
          %add3A_547 = vector.broadcast %mul3A_480 : i32 to vector<16xi32>
          %add3A_548 = arith.addi %convert_element_type3A_546, %add3A_547 : vector<16xi32>
          %gather3A_549 = tpu.vector_load_idx %arg5[%add3A_548] : memref<10000xf32, #tpu.memory_space<vmem>>[vector<16xi32>], vector<16xf32>,
          %swap3A_550 = arith.constant 0 : i32
          %swap3A_551 = arith.constant 3 : i32
          %swap3A_552 = arith.index_cast %swap3A_550 : i32 to index
          %swap3A_553 = arith.index_cast %swap3A_551 : i32 to index
          %swap3A_554 = arith.index_cast %mul3A_539 : i32 to index
          %swap3A_555 = tpu.vector_load %arg7[%swap3A_552, %swap3A_553, %swap3A_554] {strides = array<i32>} : memref<1x8x4096xf32, #tpu.memory_space<vmem>>, vector<16xf32>,
          tpu.vector_store %arg7[%swap3A_552, %swap3A_553, %swap3A_554], %gather3A_549 {strides = array<i32>} : memref<1x8x4096xf32, #tpu.memory_space<vmem>>, vector<16xf32>,
          %mul3A_556 = arith.constant 16 : i32
          %mul3A_557 = arith.muli %scan3A_486, %mul3A_556 : i32
          %get3A_558 = arith.constant 0 : i32
          %get3A_559 = arith.constant 4 : i32
          %get3A_560 = arith.index_cast %get3A_558 : i32 to index
          %get3A_561 = arith.index_cast %get3A_559 : i32 to index
          %get3A_562 = arith.index_cast %mul3A_557 : i32 to index
          %get3A_563 = tpu.vector_load %arg7[%get3A_560, %get3A_561, %get3A_562] {strides = array<i32>} : memref<1x8x4096xf32, #tpu.memory_space<vmem>>, vector<16xf32>,
          %convert_element_type3A_564 = arith.fptosi %get3A_563 : vector<16xf32> to vector<16xi32>
          %add3A_565 = vector.broadcast %mul3A_480 : i32 to vector<16xi32>
          %add3A_566 = arith.addi %convert_element_type3A_564, %add3A_565 : vector<16xi32>
          %gather3A_567 = tpu.vector_load_idx %arg5[%add3A_566] : memref<10000xf32, #tpu.memory_space<vmem>>[vector<16xi32>], vector<16xf32>,
          %swap3A_568 = arith.constant 0 : i32
          %swap3A_569 = arith.constant 4 : i32
          %swap3A_570 = arith.index_cast %swap3A_568 : i32 to index
          %swap3A_571 = arith.index_cast %swap3A_569 : i32 to index
          %swap3A_572 = arith.index_cast %mul3A_557 : i32 to index
          %swap3A_573 = tpu.vector_load %arg7[%swap3A_570, %swap3A_571, %swap3A_572] {strides = array<i32>} : memref<1x8x4096xf32, #tpu.memory_space<vmem>>, vector<16xf32>,
          tpu.vector_store %arg7[%swap3A_570, %swap3A_571, %swap3A_572], %gather3A_567 {strides = array<i32>} : memref<1x8x4096xf32, #tpu.memory_space<vmem>>, vector<16xf32>,
          %mul3A_574 = arith.constant 16 : i32
          %mul3A_575 = arith.muli %scan3A_486, %mul3A_574 : i32
          %get3A_576 = arith.constant 0 : i32
          %get3A_577 = arith.constant 5 : i32
          %get3A_578 = arith.index_cast %get3A_576 : i32 to index
          %get3A_579 = arith.index_cast %get3A_577 : i32 to index
          %get3A_580 = arith.index_cast %mul3A_575 : i32 to index
          %get3A_581 = tpu.vector_load %arg7[%get3A_578, %get3A_579, %get3A_580] {strides = array<i32>} : memref<1x8x4096xf32, #tpu.memory_space<vmem>>, vector<16xf32>,
          %convert_element_type3A_582 = arith.fptosi %get3A_581 : vector<16xf32> to vector<16xi32>
          %add3A_583 = vector.broadcast %mul3A_480 : i32 to vector<16xi32>
          %add3A_584 = arith.addi %convert_element_type3A_582, %add3A_583 : vector<16xi32>
          %gather3A_585 = tpu.vector_load_idx %arg5[%add3A_584] : memref<10000xf32, #tpu.memory_space<vmem>>[vector<16xi32>], vector<16xf32>,
          %swap3A_586 = arith.constant 0 : i32
          %swap3A_587 = arith.constant 5 : i32
          %swap3A_588 = arith.index_cast %swap3A_586 : i32 to index
          %swap3A_589 = arith.index_cast %swap3A_587 : i32 to index
          %swap3A_590 = arith.index_cast %mul3A_575 : i32 to index
          %swap3A_591 = tpu.vector_load %arg7[%swap3A_588, %swap3A_589, %swap3A_590] {strides = array<i32>} : memref<1x8x4096xf32, #tpu.memory_space<vmem>>, vector<16xf32>,
          tpu.vector_store %arg7[%swap3A_588, %swap3A_589, %swap3A_590], %gather3A_585 {strides = array<i32>} : memref<1x8x4096xf32, #tpu.memory_space<vmem>>, vector<16xf32>,
          %mul3A_592 = arith.constant 16 : i32
          %mul3A_593 = arith.muli %scan3A_486, %mul3A_592 : i32
          %get3A_594 = arith.constant 0 : i32
          %get3A_595 = arith.constant 6 : i32
          %get3A_596 = arith.index_cast %get3A_594 : i32 to index
          %get3A_597 = arith.index_cast %get3A_595 : i32 to index
          %get3A_598 = arith.index_cast %mul3A_593 : i32 to index
          %get3A_599 = tpu.vector_load %arg7[%get3A_596, %get3A_597, %get3A_598] {strides = array<i32>} : memref<1x8x4096xf32, #tpu.memory_space<vmem>>, vector<16xf32>,
          %convert_element_type3A_600 = arith.fptosi %get3A_599 : vector<16xf32> to vector<16xi32>
          %add3A_601 = vector.broadcast %mul3A_480 : i32 to vector<16xi32>
          %add3A_602 = arith.addi %convert_element_type3A_600, %add3A_601 : vector<16xi32>
          %gather3A_603 = tpu.vector_load_idx %arg5[%add3A_602] : memref<10000xf32, #tpu.memory_space<vmem>>[vector<16xi32>], vector<16xf32>,
          %swap3A_604 = arith.constant 0 : i32
          %swap3A_605 = arith.constant 6 : i32
          %swap3A_606 = arith.index_cast %swap3A_604 : i32 to index
          %swap3A_607 = arith.index_cast %swap3A_605 : i32 to index
          %swap3A_608 = arith.index_cast %mul3A_593 : i32 to index
          %swap3A_609 = tpu.vector_load %arg7[%swap3A_606, %swap3A_607, %swap3A_608] {strides = array<i32>} : memref<1x8x4096xf32, #tpu.memory_space<vmem>>, vector<16xf32>,
          tpu.vector_store %arg7[%swap3A_606, %swap3A_607, %swap3A_608], %gather3A_603 {strides = array<i32>} : memref<1x8x4096xf32, #tpu.memory_space<vmem>>, vector<16xf32>,
          %mul3A_610 = arith.constant 16 : i32
          %mul3A_611 = arith.muli %scan3A_486, %mul3A_610 : i32
          %get3A_612 = arith.constant 0 : i32
          %get3A_613 = arith.constant 7 : i32
          %get3A_614 = arith.index_cast %get3A_612 : i32 to index
          %get3A_615 = arith.index_cast %get3A_613 : i32 to index
          %get3A_616 = arith.index_cast %mul3A_611 : i32 to index
          %get3A_617 = tpu.vector_load %arg7[%get3A_614, %get3A_615, %get3A_616] {strides = array<i32>} : memref<1x8x4096xf32, #tpu.memory_space<vmem>>, vector<16xf32>,
          %convert_element_type3A_618 = arith.fptosi %get3A_617 : vector<16xf32> to vector<16xi32>
          %add3A_619 = vector.broadcast %mul3A_480 : i32 to vector<16xi32>
          %add3A_620 = arith.addi %convert_element_type3A_618, %add3A_619 : vector<16xi32>
          %gather3A_621 = tpu.vector_load_idx %arg5[%add3A_620] : memref<10000xf32, #tpu.memory_space<vmem>>[vector<16xi32>], vector<16xf32>,
          %swap3A_622 = arith.constant 0 : i32
          %swap3A_623 = arith.constant 7 : i32
          %swap3A_624 = arith.index_cast %swap3A_622 : i32 to index
          %swap3A_625 = arith.index_cast %swap3A_623 : i32 to index
          %swap3A_626 = arith.index_cast %mul3A_611 : i32 to index
          %swap3A_627 = tpu.vector_load %arg7[%swap3A_624, %swap3A_625, %swap3A_626] {strides = array<i32>} : memref<1x8x4096xf32, #tpu.memory_space<vmem>>, vector<16xf32>,
          tpu.vector_store %arg7[%swap3A_624, %swap3A_625, %swap3A_626], %gather3A_621 {strides = array<i32>} : memref<1x8x4096xf32, #tpu.memory_space<vmem>>, vector<16xf32>,
        }
        %scan3A_485 = arith.constant 256 : i32
      } else {
      }
      %add3A_467 = arith.constant 224 : i32
      %add3A_468 = arith.addi %add3A, %add3A_467 : i32
      %dma_start3A = arith.constant 0 : i32
      %dma_start3A_469 = arith.constant 0 : i32
      %dma_start3A_470 = tpu.memref_slice %arg4[%add3A_468, %dma_start3A, %dma_start3A_469] : memref<650x8x4096xf32, #tpu.memory_space<hbm>> -> memref<1x8x4096xf32, #tpu.memory_space<hbm>>
      %dma_start3A_471 = arith.constant 0 : i32
      %dma_start3A_472 = arith.constant 0 : i32
      %dma_start3A_473 = tpu.memref_slice %arg4[%add3A_468, %dma_start3A_471, %dma_start3A_472] : memref<650x8x4096xf32, #tpu.memory_space<hbm>> -> memref<1x8x4096xf32, #tpu.memory_space<hbm>>
      tpu.enqueue_dma source(%arg7 : memref<1x8x4096xf32, #tpu.memory_space<vmem>>) target(%dma_start3A_473 : memref<1x8x4096xf32, #tpu.memory_space<hbm>>) target_semaphore(%arg13 : memref<!tpu.dma_semaphore, #tpu.memory_space<semaphore_mem>>)
    } else {
    }
    %add3A_159 = arith.constant 192 : i32
    %add3A_160 = arith.addi %add3A, %add3A_159 : i32
    %lt3A_161 = arith.constant 650 : i32
    %lt3A_162 = arith.cmpi slt, %add3A_160, %lt3A_161 : i32
    %convert_element_type3A_163 = arith.extui %lt3A_162 : i1 to i32
    %cond3A_164 = arith.constant 0 : i32
    %cond3A_165 = arith.cmpi ne, %convert_element_type3A_163, %cond3A_164 : i32
    scf.if %cond3A_165 {
      %add3A_453 = arith.constant 192 : i32
      %add3A_454 = arith.addi %add3A, %add3A_453 : i32
      %dma_wait3A = arith.constant 0 : i32
      %dma_wait3A_455 = arith.constant 0 : i32
      %dma_wait3A_456 = tpu.memref_slice %arg4[%add3A_454, %dma_wait3A, %dma_wait3A_455] : memref<650x8x4096xf32, #tpu.memory_space<hbm>> -> memref<1x8x4096xf32, #tpu.memory_space<hbm>>
      %dma_wait3A_457 = arith.constant 0 : i32
      %dma_wait3A_458 = arith.constant 0 : i32
      %dma_wait3A_459 = tpu.memref_slice %arg4[%add3A_454, %dma_wait3A_457, %dma_wait3A_458] : memref<650x8x4096xf32, #tpu.memory_space<hbm>> -> memref<1x8x4096xf32, #tpu.memory_space<hbm>>
      tpu.wait_dma2 semaphore(%arg12 : memref<!tpu.dma_semaphore, #tpu.memory_space<semaphore_mem>>) src(%arg6 : memref<1x8x4096xf32, #tpu.memory_space<vmem>>) dst(%dma_wait3A_459 : memref<1x8x4096xf32, #tpu.memory_space<hbm>>)
    } else {
    }
    %add3A_166 = arith.constant 288 : i32
    %add3A_167 = arith.addi %add3A, %add3A_166 : i32
    %lt3A_168 = arith.constant 650 : i32
    %lt3A_169 = arith.cmpi slt, %add3A_167, %lt3A_168 : i32
    %convert_element_type3A_170 = arith.extui %lt3A_169 : i1 to i32
    %cond3A_171 = arith.constant 0 : i32
    %cond3A_172 = arith.cmpi ne, %convert_element_type3A_170, %cond3A_171 : i32
    scf.if %cond3A_172 {
      %add3A_453 = arith.constant 288 : i32
      %add3A_454 = arith.addi %add3A, %add3A_453 : i32
      %dma_start3A = arith.constant 0 : i32
      %dma_start3A_455 = arith.constant 0 : i32
      %dma_start3A_456 = tpu.memref_slice %arg2[%add3A_454, %dma_start3A, %dma_start3A_455] : memref<650x8x4096xf32, #tpu.memory_space<hbm>> -> memref<1x8x4096xf32, #tpu.memory_space<hbm>>
      %dma_start3A_457 = arith.constant 0 : i32
      %dma_start3A_458 = arith.constant 0 : i32
      %dma_start3A_459 = tpu.memref_slice %arg2[%add3A_454, %dma_start3A_457, %dma_start3A_458] : memref<650x8x4096xf32, #tpu.memory_space<hbm>> -> memref<1x8x4096xf32, #tpu.memory_space<hbm>>
      tpu.enqueue_dma source(%dma_start3A_459 : memref<1x8x4096xf32, #tpu.memory_space<hbm>>) target(%arg6 : memref<1x8x4096xf32, #tpu.memory_space<vmem>>) target_semaphore(%arg9 : memref<!tpu.dma_semaphore, #tpu.memory_space<semaphore_mem>>)
    } else {
    }
    %add3A_173 = arith.constant 256 : i32
    %add3A_174 = arith.addi %add3A, %add3A_173 : i32
    %lt3A_175 = arith.constant 650 : i32
    %lt3A_176 = arith.cmpi slt, %add3A_174, %lt3A_175 : i32
    %convert_element_type3A_177 = arith.extui %lt3A_176 : i1 to i32
    %cond3A_178 = arith.constant 0 : i32
    %cond3A_179 = arith.cmpi ne, %convert_element_type3A_177, %cond3A_178 : i32
    scf.if %cond3A_179 {
      %add3A_453 = arith.constant 256 : i32
      %add3A_454 = arith.addi %add3A, %add3A_453 : i32
      %dma_wait3A = arith.constant 0 : i32
      %dma_wait3A_455 = arith.constant 0 : i32
      %dma_wait3A_456 = tpu.memref_slice %arg2[%add3A_454, %dma_wait3A, %dma_wait3A_455] : memref<650x8x4096xf32, #tpu.memory_space<hbm>> -> memref<1x8x4096xf32, #tpu.memory_space<hbm>>
      %dma_wait3A_457 = arith.constant 0 : i32
      %dma_wait3A_458 = arith.constant 0 : i32
      %dma_wait3A_459 = tpu.memref_slice %arg2[%add3A_454, %dma_wait3A_457, %dma_wait3A_458] : memref<650x8x4096xf32, #tpu.memory_space<hbm>> -> memref<1x8x4096xf32, #tpu.memory_space<hbm>>
      tpu.wait_dma2 semaphore(%arg11 : memref<!tpu.dma_semaphore, #tpu.memory_space<semaphore_mem>>) src(%dma_wait3A_459 : memref<1x8x4096xf32, #tpu.memory_space<hbm>>) dst(%arg8 : memref<1x8x4096xf32, #tpu.memory_space<vmem>>)
      %add3A_460 = arith.constant 256 : i32
      %add3A_461 = arith.addi %add3A, %add3A_460 : i32
      %lt3A_462 = arith.constant 250 : i32
      %lt3A_463 = arith.cmpi slt, %add3A_461, %lt3A_462 : i32
      %convert_element_type3A_464 = arith.extui %lt3A_463 : i1 to i32
      %cond3A_465 = arith.constant 0 : i32
      %cond3A_466 = arith.cmpi ne, %convert_element_type3A_464, %cond3A_465 : i32
      scf.if %cond3A_466 {
        %add3A_474 = arith.constant 256 : i32
        %add3A_475 = arith.addi %add3A, %add3A_474 : i32
        %mul3A_476 = arith.constant 41944 : i32
        %mul3A_477 = arith.muli %add3A_475, %mul3A_476 : i32
        %shift_right_arithmetic3A = arith.constant 20 : i32
        %shift_right_arithmetic3A_478 = arith.shrsi %mul3A_477, %shift_right_arithmetic3A : i32
        %mul3A_479 = arith.constant 1000 : i32
        %mul3A_480 = arith.muli %shift_right_arithmetic3A_478, %mul3A_479 : i32
        %scan3A = arith.constant 0 : i32
        %scan3A_481 = arith.constant 0 : i32
        %scan3A_482 = arith.constant 256 : i32
        %scan3A_483 = arith.addi %scan3A_481, %scan3A_482 : i32
        %scan3A_484 = arith.constant 1 : i32
        scf.for %scan3A_486 = %scan3A_481 to %scan3A_483 step %scan3A_484  : i32 {
          %mul3A_487 = arith.constant 16 : i32
          %mul3A_488 = arith.muli %scan3A_486, %mul3A_487 : i32
          %get3A = arith.constant 0 : i32
          %get3A_489 = arith.constant 0 : i32
          %get3A_490 = arith.index_cast %get3A : i32 to index
          %get3A_491 = arith.index_cast %get3A_489 : i32 to index
          %get3A_492 = arith.index_cast %mul3A_488 : i32 to index
          %get3A_493 = tpu.vector_load %arg8[%get3A_490, %get3A_491, %get3A_492] {strides = array<i32>} : memref<1x8x4096xf32, #tpu.memory_space<vmem>>, vector<16xf32>,
          %convert_element_type3A_494 = arith.fptosi %get3A_493 : vector<16xf32> to vector<16xi32>
          %add3A_495 = vector.broadcast %mul3A_480 : i32 to vector<16xi32>
          %add3A_496 = arith.addi %convert_element_type3A_494, %add3A_495 : vector<16xi32>
          %gather3A = tpu.vector_load_idx %arg5[%add3A_496] : memref<10000xf32, #tpu.memory_space<vmem>>[vector<16xi32>], vector<16xf32>,
          %swap3A = arith.constant 0 : i32
          %swap3A_497 = arith.constant 0 : i32
          %swap3A_498 = arith.index_cast %swap3A : i32 to index
          %swap3A_499 = arith.index_cast %swap3A_497 : i32 to index
          %swap3A_500 = arith.index_cast %mul3A_488 : i32 to index
          %swap3A_501 = tpu.vector_load %arg8[%swap3A_498, %swap3A_499, %swap3A_500] {strides = array<i32>} : memref<1x8x4096xf32, #tpu.memory_space<vmem>>, vector<16xf32>,
          tpu.vector_store %arg8[%swap3A_498, %swap3A_499, %swap3A_500], %gather3A {strides = array<i32>} : memref<1x8x4096xf32, #tpu.memory_space<vmem>>, vector<16xf32>,
          %mul3A_502 = arith.constant 16 : i32
          %mul3A_503 = arith.muli %scan3A_486, %mul3A_502 : i32
          %get3A_504 = arith.constant 0 : i32
          %get3A_505 = arith.constant 1 : i32
          %get3A_506 = arith.index_cast %get3A_504 : i32 to index
          %get3A_507 = arith.index_cast %get3A_505 : i32 to index
          %get3A_508 = arith.index_cast %mul3A_503 : i32 to index
          %get3A_509 = tpu.vector_load %arg8[%get3A_506, %get3A_507, %get3A_508] {strides = array<i32>} : memref<1x8x4096xf32, #tpu.memory_space<vmem>>, vector<16xf32>,
          %convert_element_type3A_510 = arith.fptosi %get3A_509 : vector<16xf32> to vector<16xi32>
          %add3A_511 = vector.broadcast %mul3A_480 : i32 to vector<16xi32>
          %add3A_512 = arith.addi %convert_element_type3A_510, %add3A_511 : vector<16xi32>
          %gather3A_513 = tpu.vector_load_idx %arg5[%add3A_512] : memref<10000xf32, #tpu.memory_space<vmem>>[vector<16xi32>], vector<16xf32>,
          %swap3A_514 = arith.constant 0 : i32
          %swap3A_515 = arith.constant 1 : i32
          %swap3A_516 = arith.index_cast %swap3A_514 : i32 to index
          %swap3A_517 = arith.index_cast %swap3A_515 : i32 to index
          %swap3A_518 = arith.index_cast %mul3A_503 : i32 to index
          %swap3A_519 = tpu.vector_load %arg8[%swap3A_516, %swap3A_517, %swap3A_518] {strides = array<i32>} : memref<1x8x4096xf32, #tpu.memory_space<vmem>>, vector<16xf32>,
          tpu.vector_store %arg8[%swap3A_516, %swap3A_517, %swap3A_518], %gather3A_513 {strides = array<i32>} : memref<1x8x4096xf32, #tpu.memory_space<vmem>>, vector<16xf32>,
          %mul3A_520 = arith.constant 16 : i32
          %mul3A_521 = arith.muli %scan3A_486, %mul3A_520 : i32
          %get3A_522 = arith.constant 0 : i32
          %get3A_523 = arith.constant 2 : i32
          %get3A_524 = arith.index_cast %get3A_522 : i32 to index
          %get3A_525 = arith.index_cast %get3A_523 : i32 to index
          %get3A_526 = arith.index_cast %mul3A_521 : i32 to index
          %get3A_527 = tpu.vector_load %arg8[%get3A_524, %get3A_525, %get3A_526] {strides = array<i32>} : memref<1x8x4096xf32, #tpu.memory_space<vmem>>, vector<16xf32>,
          %convert_element_type3A_528 = arith.fptosi %get3A_527 : vector<16xf32> to vector<16xi32>
          %add3A_529 = vector.broadcast %mul3A_480 : i32 to vector<16xi32>
          %add3A_530 = arith.addi %convert_element_type3A_528, %add3A_529 : vector<16xi32>
          %gather3A_531 = tpu.vector_load_idx %arg5[%add3A_530] : memref<10000xf32, #tpu.memory_space<vmem>>[vector<16xi32>], vector<16xf32>,
          %swap3A_532 = arith.constant 0 : i32
          %swap3A_533 = arith.constant 2 : i32
          %swap3A_534 = arith.index_cast %swap3A_532 : i32 to index
          %swap3A_535 = arith.index_cast %swap3A_533 : i32 to index
          %swap3A_536 = arith.index_cast %mul3A_521 : i32 to index
          %swap3A_537 = tpu.vector_load %arg8[%swap3A_534, %swap3A_535, %swap3A_536] {strides = array<i32>} : memref<1x8x4096xf32, #tpu.memory_space<vmem>>, vector<16xf32>,
          tpu.vector_store %arg8[%swap3A_534, %swap3A_535, %swap3A_536], %gather3A_531 {strides = array<i32>} : memref<1x8x4096xf32, #tpu.memory_space<vmem>>, vector<16xf32>,
          %mul3A_538 = arith.constant 16 : i32
          %mul3A_539 = arith.muli %scan3A_486, %mul3A_538 : i32
          %get3A_540 = arith.constant 0 : i32
          %get3A_541 = arith.constant 3 : i32
          %get3A_542 = arith.index_cast %get3A_540 : i32 to index
          %get3A_543 = arith.index_cast %get3A_541 : i32 to index
          %get3A_544 = arith.index_cast %mul3A_539 : i32 to index
          %get3A_545 = tpu.vector_load %arg8[%get3A_542, %get3A_543, %get3A_544] {strides = array<i32>} : memref<1x8x4096xf32, #tpu.memory_space<vmem>>, vector<16xf32>,
          %convert_element_type3A_546 = arith.fptosi %get3A_545 : vector<16xf32> to vector<16xi32>
          %add3A_547 = vector.broadcast %mul3A_480 : i32 to vector<16xi32>
          %add3A_548 = arith.addi %convert_element_type3A_546, %add3A_547 : vector<16xi32>
          %gather3A_549 = tpu.vector_load_idx %arg5[%add3A_548] : memref<10000xf32, #tpu.memory_space<vmem>>[vector<16xi32>], vector<16xf32>,
          %swap3A_550 = arith.constant 0 : i32
          %swap3A_551 = arith.constant 3 : i32
          %swap3A_552 = arith.index_cast %swap3A_550 : i32 to index
          %swap3A_553 = arith.index_cast %swap3A_551 : i32 to index
          %swap3A_554 = arith.index_cast %mul3A_539 : i32 to index
          %swap3A_555 = tpu.vector_load %arg8[%swap3A_552, %swap3A_553, %swap3A_554] {strides = array<i32>} : memref<1x8x4096xf32, #tpu.memory_space<vmem>>, vector<16xf32>,
          tpu.vector_store %arg8[%swap3A_552, %swap3A_553, %swap3A_554], %gather3A_549 {strides = array<i32>} : memref<1x8x4096xf32, #tpu.memory_space<vmem>>, vector<16xf32>,
          %mul3A_556 = arith.constant 16 : i32
          %mul3A_557 = arith.muli %scan3A_486, %mul3A_556 : i32
          %get3A_558 = arith.constant 0 : i32
          %get3A_559 = arith.constant 4 : i32
          %get3A_560 = arith.index_cast %get3A_558 : i32 to index
          %get3A_561 = arith.index_cast %get3A_559 : i32 to index
          %get3A_562 = arith.index_cast %mul3A_557 : i32 to index
          %get3A_563 = tpu.vector_load %arg8[%get3A_560, %get3A_561, %get3A_562] {strides = array<i32>} : memref<1x8x4096xf32, #tpu.memory_space<vmem>>, vector<16xf32>,
          %convert_element_type3A_564 = arith.fptosi %get3A_563 : vector<16xf32> to vector<16xi32>
          %add3A_565 = vector.broadcast %mul3A_480 : i32 to vector<16xi32>
          %add3A_566 = arith.addi %convert_element_type3A_564, %add3A_565 : vector<16xi32>
          %gather3A_567 = tpu.vector_load_idx %arg5[%add3A_566] : memref<10000xf32, #tpu.memory_space<vmem>>[vector<16xi32>], vector<16xf32>,
          %swap3A_568 = arith.constant 0 : i32
          %swap3A_569 = arith.constant 4 : i32
          %swap3A_570 = arith.index_cast %swap3A_568 : i32 to index
          %swap3A_571 = arith.index_cast %swap3A_569 : i32 to index
          %swap3A_572 = arith.index_cast %mul3A_557 : i32 to index
          %swap3A_573 = tpu.vector_load %arg8[%swap3A_570, %swap3A_571, %swap3A_572] {strides = array<i32>} : memref<1x8x4096xf32, #tpu.memory_space<vmem>>, vector<16xf32>,
          tpu.vector_store %arg8[%swap3A_570, %swap3A_571, %swap3A_572], %gather3A_567 {strides = array<i32>} : memref<1x8x4096xf32, #tpu.memory_space<vmem>>, vector<16xf32>,
          %mul3A_574 = arith.constant 16 : i32
          %mul3A_575 = arith.muli %scan3A_486, %mul3A_574 : i32
          %get3A_576 = arith.constant 0 : i32
          %get3A_577 = arith.constant 5 : i32
          %get3A_578 = arith.index_cast %get3A_576 : i32 to index
          %get3A_579 = arith.index_cast %get3A_577 : i32 to index
          %get3A_580 = arith.index_cast %mul3A_575 : i32 to index
          %get3A_581 = tpu.vector_load %arg8[%get3A_578, %get3A_579, %get3A_580] {strides = array<i32>} : memref<1x8x4096xf32, #tpu.memory_space<vmem>>, vector<16xf32>,
          %convert_element_type3A_582 = arith.fptosi %get3A_581 : vector<16xf32> to vector<16xi32>
          %add3A_583 = vector.broadcast %mul3A_480 : i32 to vector<16xi32>
          %add3A_584 = arith.addi %convert_element_type3A_582, %add3A_583 : vector<16xi32>
          %gather3A_585 = tpu.vector_load_idx %arg5[%add3A_584] : memref<10000xf32, #tpu.memory_space<vmem>>[vector<16xi32>], vector<16xf32>,
          %swap3A_586 = arith.constant 0 : i32
          %swap3A_587 = arith.constant 5 : i32
          %swap3A_588 = arith.index_cast %swap3A_586 : i32 to index
          %swap3A_589 = arith.index_cast %swap3A_587 : i32 to index
          %swap3A_590 = arith.index_cast %mul3A_575 : i32 to index
          %swap3A_591 = tpu.vector_load %arg8[%swap3A_588, %swap3A_589, %swap3A_590] {strides = array<i32>} : memref<1x8x4096xf32, #tpu.memory_space<vmem>>, vector<16xf32>,
          tpu.vector_store %arg8[%swap3A_588, %swap3A_589, %swap3A_590], %gather3A_585 {strides = array<i32>} : memref<1x8x4096xf32, #tpu.memory_space<vmem>>, vector<16xf32>,
          %mul3A_592 = arith.constant 16 : i32
          %mul3A_593 = arith.muli %scan3A_486, %mul3A_592 : i32
          %get3A_594 = arith.constant 0 : i32
          %get3A_595 = arith.constant 6 : i32
          %get3A_596 = arith.index_cast %get3A_594 : i32 to index
          %get3A_597 = arith.index_cast %get3A_595 : i32 to index
          %get3A_598 = arith.index_cast %mul3A_593 : i32 to index
          %get3A_599 = tpu.vector_load %arg8[%get3A_596, %get3A_597, %get3A_598] {strides = array<i32>} : memref<1x8x4096xf32, #tpu.memory_space<vmem>>, vector<16xf32>,
          %convert_element_type3A_600 = arith.fptosi %get3A_599 : vector<16xf32> to vector<16xi32>
          %add3A_601 = vector.broadcast %mul3A_480 : i32 to vector<16xi32>
          %add3A_602 = arith.addi %convert_element_type3A_600, %add3A_601 : vector<16xi32>
          %gather3A_603 = tpu.vector_load_idx %arg5[%add3A_602] : memref<10000xf32, #tpu.memory_space<vmem>>[vector<16xi32>], vector<16xf32>,
          %swap3A_604 = arith.constant 0 : i32
          %swap3A_605 = arith.constant 6 : i32
          %swap3A_606 = arith.index_cast %swap3A_604 : i32 to index
          %swap3A_607 = arith.index_cast %swap3A_605 : i32 to index
          %swap3A_608 = arith.index_cast %mul3A_593 : i32 to index
          %swap3A_609 = tpu.vector_load %arg8[%swap3A_606, %swap3A_607, %swap3A_608] {strides = array<i32>} : memref<1x8x4096xf32, #tpu.memory_space<vmem>>, vector<16xf32>,
          tpu.vector_store %arg8[%swap3A_606, %swap3A_607, %swap3A_608], %gather3A_603 {strides = array<i32>} : memref<1x8x4096xf32, #tpu.memory_space<vmem>>, vector<16xf32>,
          %mul3A_610 = arith.constant 16 : i32
          %mul3A_611 = arith.muli %scan3A_486, %mul3A_610 : i32
          %get3A_612 = arith.constant 0 : i32
          %get3A_613 = arith.constant 7 : i32
          %get3A_614 = arith.index_cast %get3A_612 : i32 to index
          %get3A_615 = arith.index_cast %get3A_613 : i32 to index
          %get3A_616 = arith.index_cast %mul3A_611 : i32 to index
          %get3A_617 = tpu.vector_load %arg8[%get3A_614, %get3A_615, %get3A_616] {strides = array<i32>} : memref<1x8x4096xf32, #tpu.memory_space<vmem>>, vector<16xf32>,
          %convert_element_type3A_618 = arith.fptosi %get3A_617 : vector<16xf32> to vector<16xi32>
          %add3A_619 = vector.broadcast %mul3A_480 : i32 to vector<16xi32>
          %add3A_620 = arith.addi %convert_element_type3A_618, %add3A_619 : vector<16xi32>
          %gather3A_621 = tpu.vector_load_idx %arg5[%add3A_620] : memref<10000xf32, #tpu.memory_space<vmem>>[vector<16xi32>], vector<16xf32>,
          %swap3A_622 = arith.constant 0 : i32
          %swap3A_623 = arith.constant 7 : i32
          %swap3A_624 = arith.index_cast %swap3A_622 : i32 to index
          %swap3A_625 = arith.index_cast %swap3A_623 : i32 to index
          %swap3A_626 = arith.index_cast %mul3A_611 : i32 to index
          %swap3A_627 = tpu.vector_load %arg8[%swap3A_624, %swap3A_625, %swap3A_626] {strides = array<i32>} : memref<1x8x4096xf32, #tpu.memory_space<vmem>>, vector<16xf32>,
          tpu.vector_store %arg8[%swap3A_624, %swap3A_625, %swap3A_626], %gather3A_621 {strides = array<i32>} : memref<1x8x4096xf32, #tpu.memory_space<vmem>>, vector<16xf32>,
        }
        %scan3A_485 = arith.constant 256 : i32
      } else {
      }
      %add3A_467 = arith.constant 256 : i32
      %add3A_468 = arith.addi %add3A, %add3A_467 : i32
      %dma_start3A = arith.constant 0 : i32
      %dma_start3A_469 = arith.constant 0 : i32
      %dma_start3A_470 = tpu.memref_slice %arg4[%add3A_468, %dma_start3A, %dma_start3A_469] : memref<650x8x4096xf32, #tpu.memory_space<hbm>> -> memref<1x8x4096xf32, #tpu.memory_space<hbm>>
      %dma_start3A_471 = arith.constant 0 : i32
      %dma_start3A_472 = arith.constant 0 : i32
      %dma_start3A_473 = tpu.memref_slice %arg4[%add3A_468, %dma_start3A_471, %dma_start3A_472] : memref<650x8x4096xf32, #tpu.memory_space<hbm>> -> memref<1x8x4096xf32, #tpu.memory_space<hbm>>
      tpu.enqueue_dma source(%arg8 : memref<1x8x4096xf32, #tpu.memory_space<vmem>>) target(%dma_start3A_473 : memref<1x8x4096xf32, #tpu.memory_space<hbm>>) target_semaphore(%arg14 : memref<!tpu.dma_semaphore, #tpu.memory_space<semaphore_mem>>)
    } else {
    }
    %add3A_180 = arith.constant 224 : i32
    %add3A_181 = arith.addi %add3A, %add3A_180 : i32
    %lt3A_182 = arith.constant 650 : i32
    %lt3A_183 = arith.cmpi slt, %add3A_181, %lt3A_182 : i32
    %convert_element_type3A_184 = arith.extui %lt3A_183 : i1 to i32
    %cond3A_185 = arith.constant 0 : i32
    %cond3A_186 = arith.cmpi ne, %convert_element_type3A_184, %cond3A_185 : i32
    scf.if %cond3A_186 {
      %add3A_453 = arith.constant 224 : i32
      %add3A_454 = arith.addi %add3A, %add3A_453 : i32
      %dma_wait3A = arith.constant 0 : i32
      %dma_wait3A_455 = arith.constant 0 : i32
      %dma_wait3A_456 = tpu.memref_slice %arg4[%add3A_454, %dma_wait3A, %dma_wait3A_455] : memref<650x8x4096xf32, #tpu.memory_space<hbm>> -> memref<1x8x4096xf32, #tpu.memory_space<hbm>>
      %dma_wait3A_457 = arith.constant 0 : i32
      %dma_wait3A_458 = arith.constant 0 : i32
      %dma_wait3A_459 = tpu.memref_slice %arg4[%add3A_454, %dma_wait3A_457, %dma_wait3A_458] : memref<650x8x4096xf32, #tpu.memory_space<hbm>> -> memref<1x8x4096xf32, #tpu.memory_space<hbm>>
      tpu.wait_dma2 semaphore(%arg13 : memref<!tpu.dma_semaphore, #tpu.memory_space<semaphore_mem>>) src(%arg7 : memref<1x8x4096xf32, #tpu.memory_space<vmem>>) dst(%dma_wait3A_459 : memref<1x8x4096xf32, #tpu.memory_space<hbm>>)
    } else {
    }
    %add3A_187 = arith.constant 320 : i32
    %add3A_188 = arith.addi %add3A, %add3A_187 : i32
    %lt3A_189 = arith.constant 650 : i32
    %lt3A_190 = arith.cmpi slt, %add3A_188, %lt3A_189 : i32
    %convert_element_type3A_191 = arith.extui %lt3A_190 : i1 to i32
    %cond3A_192 = arith.constant 0 : i32
    %cond3A_193 = arith.cmpi ne, %convert_element_type3A_191, %cond3A_192 : i32
    scf.if %cond3A_193 {
      %add3A_453 = arith.constant 320 : i32
      %add3A_454 = arith.addi %add3A, %add3A_453 : i32
      %dma_start3A = arith.constant 0 : i32
      %dma_start3A_455 = arith.constant 0 : i32
      %dma_start3A_456 = tpu.memref_slice %arg2[%add3A_454, %dma_start3A, %dma_start3A_455] : memref<650x8x4096xf32, #tpu.memory_space<hbm>> -> memref<1x8x4096xf32, #tpu.memory_space<hbm>>
      %dma_start3A_457 = arith.constant 0 : i32
      %dma_start3A_458 = arith.constant 0 : i32
      %dma_start3A_459 = tpu.memref_slice %arg2[%add3A_454, %dma_start3A_457, %dma_start3A_458] : memref<650x8x4096xf32, #tpu.memory_space<hbm>> -> memref<1x8x4096xf32, #tpu.memory_space<hbm>>
      tpu.enqueue_dma source(%dma_start3A_459 : memref<1x8x4096xf32, #tpu.memory_space<hbm>>) target(%arg7 : memref<1x8x4096xf32, #tpu.memory_space<vmem>>) target_semaphore(%arg10 : memref<!tpu.dma_semaphore, #tpu.memory_space<semaphore_mem>>)
    } else {
    }
    %add3A_194 = arith.constant 288 : i32
    %add3A_195 = arith.addi %add3A, %add3A_194 : i32
    %lt3A_196 = arith.constant 650 : i32
    %lt3A_197 = arith.cmpi slt, %add3A_195, %lt3A_196 : i32
    %convert_element_type3A_198 = arith.extui %lt3A_197 : i1 to i32
    %cond3A_199 = arith.constant 0 : i32
    %cond3A_200 = arith.cmpi ne, %convert_element_type3A_198, %cond3A_199 : i32
    scf.if %cond3A_200 {
      %add3A_453 = arith.constant 288 : i32
      %add3A_454 = arith.addi %add3A, %add3A_453 : i32
      %dma_wait3A = arith.constant 0 : i32
      %dma_wait3A_455 = arith.constant 0 : i32
      %dma_wait3A_456 = tpu.memref_slice %arg2[%add3A_454, %dma_wait3A, %dma_wait3A_455] : memref<650x8x4096xf32, #tpu.memory_space<hbm>> -> memref<1x8x4096xf32, #tpu.memory_space<hbm>>
      %dma_wait3A_457 = arith.constant 0 : i32
      %dma_wait3A_458 = arith.constant 0 : i32
      %dma_wait3A_459 = tpu.memref_slice %arg2[%add3A_454, %dma_wait3A_457, %dma_wait3A_458] : memref<650x8x4096xf32, #tpu.memory_space<hbm>> -> memref<1x8x4096xf32, #tpu.memory_space<hbm>>
      tpu.wait_dma2 semaphore(%arg9 : memref<!tpu.dma_semaphore, #tpu.memory_space<semaphore_mem>>) src(%dma_wait3A_459 : memref<1x8x4096xf32, #tpu.memory_space<hbm>>) dst(%arg6 : memref<1x8x4096xf32, #tpu.memory_space<vmem>>)
      %add3A_460 = arith.constant 288 : i32
      %add3A_461 = arith.addi %add3A, %add3A_460 : i32
      %lt3A_462 = arith.constant 250 : i32
      %lt3A_463 = arith.cmpi slt, %add3A_461, %lt3A_462 : i32
      %convert_element_type3A_464 = arith.extui %lt3A_463 : i1 to i32
      %cond3A_465 = arith.constant 0 : i32
      %cond3A_466 = arith.cmpi ne, %convert_element_type3A_464, %cond3A_465 : i32
      scf.if %cond3A_466 {
        %add3A_474 = arith.constant 288 : i32
        %add3A_475 = arith.addi %add3A, %add3A_474 : i32
        %mul3A_476 = arith.constant 41944 : i32
        %mul3A_477 = arith.muli %add3A_475, %mul3A_476 : i32
        %shift_right_arithmetic3A = arith.constant 20 : i32
        %shift_right_arithmetic3A_478 = arith.shrsi %mul3A_477, %shift_right_arithmetic3A : i32
        %mul3A_479 = arith.constant 1000 : i32
        %mul3A_480 = arith.muli %shift_right_arithmetic3A_478, %mul3A_479 : i32
        %scan3A = arith.constant 0 : i32
        %scan3A_481 = arith.constant 0 : i32
        %scan3A_482 = arith.constant 256 : i32
        %scan3A_483 = arith.addi %scan3A_481, %scan3A_482 : i32
        %scan3A_484 = arith.constant 1 : i32
        scf.for %scan3A_486 = %scan3A_481 to %scan3A_483 step %scan3A_484  : i32 {
          %mul3A_487 = arith.constant 16 : i32
          %mul3A_488 = arith.muli %scan3A_486, %mul3A_487 : i32
          %get3A = arith.constant 0 : i32
          %get3A_489 = arith.constant 0 : i32
          %get3A_490 = arith.index_cast %get3A : i32 to index
          %get3A_491 = arith.index_cast %get3A_489 : i32 to index
          %get3A_492 = arith.index_cast %mul3A_488 : i32 to index
          %get3A_493 = tpu.vector_load %arg6[%get3A_490, %get3A_491, %get3A_492] {strides = array<i32>} : memref<1x8x4096xf32, #tpu.memory_space<vmem>>, vector<16xf32>,
          %convert_element_type3A_494 = arith.fptosi %get3A_493 : vector<16xf32> to vector<16xi32>
          %add3A_495 = vector.broadcast %mul3A_480 : i32 to vector<16xi32>
          %add3A_496 = arith.addi %convert_element_type3A_494, %add3A_495 : vector<16xi32>
          %gather3A = tpu.vector_load_idx %arg5[%add3A_496] : memref<10000xf32, #tpu.memory_space<vmem>>[vector<16xi32>], vector<16xf32>,
          %swap3A = arith.constant 0 : i32
          %swap3A_497 = arith.constant 0 : i32
          %swap3A_498 = arith.index_cast %swap3A : i32 to index
          %swap3A_499 = arith.index_cast %swap3A_497 : i32 to index
          %swap3A_500 = arith.index_cast %mul3A_488 : i32 to index
          %swap3A_501 = tpu.vector_load %arg6[%swap3A_498, %swap3A_499, %swap3A_500] {strides = array<i32>} : memref<1x8x4096xf32, #tpu.memory_space<vmem>>, vector<16xf32>,
          tpu.vector_store %arg6[%swap3A_498, %swap3A_499, %swap3A_500], %gather3A {strides = array<i32>} : memref<1x8x4096xf32, #tpu.memory_space<vmem>>, vector<16xf32>,
          %mul3A_502 = arith.constant 16 : i32
          %mul3A_503 = arith.muli %scan3A_486, %mul3A_502 : i32
          %get3A_504 = arith.constant 0 : i32
          %get3A_505 = arith.constant 1 : i32
          %get3A_506 = arith.index_cast %get3A_504 : i32 to index
          %get3A_507 = arith.index_cast %get3A_505 : i32 to index
          %get3A_508 = arith.index_cast %mul3A_503 : i32 to index
          %get3A_509 = tpu.vector_load %arg6[%get3A_506, %get3A_507, %get3A_508] {strides = array<i32>} : memref<1x8x4096xf32, #tpu.memory_space<vmem>>, vector<16xf32>,
          %convert_element_type3A_510 = arith.fptosi %get3A_509 : vector<16xf32> to vector<16xi32>
          %add3A_511 = vector.broadcast %mul3A_480 : i32 to vector<16xi32>
          %add3A_512 = arith.addi %convert_element_type3A_510, %add3A_511 : vector<16xi32>
          %gather3A_513 = tpu.vector_load_idx %arg5[%add3A_512] : memref<10000xf32, #tpu.memory_space<vmem>>[vector<16xi32>], vector<16xf32>,
          %swap3A_514 = arith.constant 0 : i32
          %swap3A_515 = arith.constant 1 : i32
          %swap3A_516 = arith.index_cast %swap3A_514 : i32 to index
          %swap3A_517 = arith.index_cast %swap3A_515 : i32 to index
          %swap3A_518 = arith.index_cast %mul3A_503 : i32 to index
          %swap3A_519 = tpu.vector_load %arg6[%swap3A_516, %swap3A_517, %swap3A_518] {strides = array<i32>} : memref<1x8x4096xf32, #tpu.memory_space<vmem>>, vector<16xf32>,
          tpu.vector_store %arg6[%swap3A_516, %swap3A_517, %swap3A_518], %gather3A_513 {strides = array<i32>} : memref<1x8x4096xf32, #tpu.memory_space<vmem>>, vector<16xf32>,
          %mul3A_520 = arith.constant 16 : i32
          %mul3A_521 = arith.muli %scan3A_486, %mul3A_520 : i32
          %get3A_522 = arith.constant 0 : i32
          %get3A_523 = arith.constant 2 : i32
          %get3A_524 = arith.index_cast %get3A_522 : i32 to index
          %get3A_525 = arith.index_cast %get3A_523 : i32 to index
          %get3A_526 = arith.index_cast %mul3A_521 : i32 to index
          %get3A_527 = tpu.vector_load %arg6[%get3A_524, %get3A_525, %get3A_526] {strides = array<i32>} : memref<1x8x4096xf32, #tpu.memory_space<vmem>>, vector<16xf32>,
          %convert_element_type3A_528 = arith.fptosi %get3A_527 : vector<16xf32> to vector<16xi32>
          %add3A_529 = vector.broadcast %mul3A_480 : i32 to vector<16xi32>
          %add3A_530 = arith.addi %convert_element_type3A_528, %add3A_529 : vector<16xi32>
          %gather3A_531 = tpu.vector_load_idx %arg5[%add3A_530] : memref<10000xf32, #tpu.memory_space<vmem>>[vector<16xi32>], vector<16xf32>,
          %swap3A_532 = arith.constant 0 : i32
          %swap3A_533 = arith.constant 2 : i32
          %swap3A_534 = arith.index_cast %swap3A_532 : i32 to index
          %swap3A_535 = arith.index_cast %swap3A_533 : i32 to index
          %swap3A_536 = arith.index_cast %mul3A_521 : i32 to index
          %swap3A_537 = tpu.vector_load %arg6[%swap3A_534, %swap3A_535, %swap3A_536] {strides = array<i32>} : memref<1x8x4096xf32, #tpu.memory_space<vmem>>, vector<16xf32>,
          tpu.vector_store %arg6[%swap3A_534, %swap3A_535, %swap3A_536], %gather3A_531 {strides = array<i32>} : memref<1x8x4096xf32, #tpu.memory_space<vmem>>, vector<16xf32>,
          %mul3A_538 = arith.constant 16 : i32
          %mul3A_539 = arith.muli %scan3A_486, %mul3A_538 : i32
          %get3A_540 = arith.constant 0 : i32
          %get3A_541 = arith.constant 3 : i32
          %get3A_542 = arith.index_cast %get3A_540 : i32 to index
          %get3A_543 = arith.index_cast %get3A_541 : i32 to index
          %get3A_544 = arith.index_cast %mul3A_539 : i32 to index
          %get3A_545 = tpu.vector_load %arg6[%get3A_542, %get3A_543, %get3A_544] {strides = array<i32>} : memref<1x8x4096xf32, #tpu.memory_space<vmem>>, vector<16xf32>,
          %convert_element_type3A_546 = arith.fptosi %get3A_545 : vector<16xf32> to vector<16xi32>
          %add3A_547 = vector.broadcast %mul3A_480 : i32 to vector<16xi32>
          %add3A_548 = arith.addi %convert_element_type3A_546, %add3A_547 : vector<16xi32>
          %gather3A_549 = tpu.vector_load_idx %arg5[%add3A_548] : memref<10000xf32, #tpu.memory_space<vmem>>[vector<16xi32>], vector<16xf32>,
          %swap3A_550 = arith.constant 0 : i32
          %swap3A_551 = arith.constant 3 : i32
          %swap3A_552 = arith.index_cast %swap3A_550 : i32 to index
          %swap3A_553 = arith.index_cast %swap3A_551 : i32 to index
          %swap3A_554 = arith.index_cast %mul3A_539 : i32 to index
          %swap3A_555 = tpu.vector_load %arg6[%swap3A_552, %swap3A_553, %swap3A_554] {strides = array<i32>} : memref<1x8x4096xf32, #tpu.memory_space<vmem>>, vector<16xf32>,
          tpu.vector_store %arg6[%swap3A_552, %swap3A_553, %swap3A_554], %gather3A_549 {strides = array<i32>} : memref<1x8x4096xf32, #tpu.memory_space<vmem>>, vector<16xf32>,
          %mul3A_556 = arith.constant 16 : i32
          %mul3A_557 = arith.muli %scan3A_486, %mul3A_556 : i32
          %get3A_558 = arith.constant 0 : i32
          %get3A_559 = arith.constant 4 : i32
          %get3A_560 = arith.index_cast %get3A_558 : i32 to index
          %get3A_561 = arith.index_cast %get3A_559 : i32 to index
          %get3A_562 = arith.index_cast %mul3A_557 : i32 to index
          %get3A_563 = tpu.vector_load %arg6[%get3A_560, %get3A_561, %get3A_562] {strides = array<i32>} : memref<1x8x4096xf32, #tpu.memory_space<vmem>>, vector<16xf32>,
          %convert_element_type3A_564 = arith.fptosi %get3A_563 : vector<16xf32> to vector<16xi32>
          %add3A_565 = vector.broadcast %mul3A_480 : i32 to vector<16xi32>
          %add3A_566 = arith.addi %convert_element_type3A_564, %add3A_565 : vector<16xi32>
          %gather3A_567 = tpu.vector_load_idx %arg5[%add3A_566] : memref<10000xf32, #tpu.memory_space<vmem>>[vector<16xi32>], vector<16xf32>,
          %swap3A_568 = arith.constant 0 : i32
          %swap3A_569 = arith.constant 4 : i32
          %swap3A_570 = arith.index_cast %swap3A_568 : i32 to index
          %swap3A_571 = arith.index_cast %swap3A_569 : i32 to index
          %swap3A_572 = arith.index_cast %mul3A_557 : i32 to index
          %swap3A_573 = tpu.vector_load %arg6[%swap3A_570, %swap3A_571, %swap3A_572] {strides = array<i32>} : memref<1x8x4096xf32, #tpu.memory_space<vmem>>, vector<16xf32>,
          tpu.vector_store %arg6[%swap3A_570, %swap3A_571, %swap3A_572], %gather3A_567 {strides = array<i32>} : memref<1x8x4096xf32, #tpu.memory_space<vmem>>, vector<16xf32>,
          %mul3A_574 = arith.constant 16 : i32
          %mul3A_575 = arith.muli %scan3A_486, %mul3A_574 : i32
          %get3A_576 = arith.constant 0 : i32
          %get3A_577 = arith.constant 5 : i32
          %get3A_578 = arith.index_cast %get3A_576 : i32 to index
          %get3A_579 = arith.index_cast %get3A_577 : i32 to index
          %get3A_580 = arith.index_cast %mul3A_575 : i32 to index
          %get3A_581 = tpu.vector_load %arg6[%get3A_578, %get3A_579, %get3A_580] {strides = array<i32>} : memref<1x8x4096xf32, #tpu.memory_space<vmem>>, vector<16xf32>,
          %convert_element_type3A_582 = arith.fptosi %get3A_581 : vector<16xf32> to vector<16xi32>
          %add3A_583 = vector.broadcast %mul3A_480 : i32 to vector<16xi32>
          %add3A_584 = arith.addi %convert_element_type3A_582, %add3A_583 : vector<16xi32>
          %gather3A_585 = tpu.vector_load_idx %arg5[%add3A_584] : memref<10000xf32, #tpu.memory_space<vmem>>[vector<16xi32>], vector<16xf32>,
          %swap3A_586 = arith.constant 0 : i32
          %swap3A_587 = arith.constant 5 : i32
          %swap3A_588 = arith.index_cast %swap3A_586 : i32 to index
          %swap3A_589 = arith.index_cast %swap3A_587 : i32 to index
          %swap3A_590 = arith.index_cast %mul3A_575 : i32 to index
          %swap3A_591 = tpu.vector_load %arg6[%swap3A_588, %swap3A_589, %swap3A_590] {strides = array<i32>} : memref<1x8x4096xf32, #tpu.memory_space<vmem>>, vector<16xf32>,
          tpu.vector_store %arg6[%swap3A_588, %swap3A_589, %swap3A_590], %gather3A_585 {strides = array<i32>} : memref<1x8x4096xf32, #tpu.memory_space<vmem>>, vector<16xf32>,
          %mul3A_592 = arith.constant 16 : i32
          %mul3A_593 = arith.muli %scan3A_486, %mul3A_592 : i32
          %get3A_594 = arith.constant 0 : i32
          %get3A_595 = arith.constant 6 : i32
          %get3A_596 = arith.index_cast %get3A_594 : i32 to index
          %get3A_597 = arith.index_cast %get3A_595 : i32 to index
          %get3A_598 = arith.index_cast %mul3A_593 : i32 to index
          %get3A_599 = tpu.vector_load %arg6[%get3A_596, %get3A_597, %get3A_598] {strides = array<i32>} : memref<1x8x4096xf32, #tpu.memory_space<vmem>>, vector<16xf32>,
          %convert_element_type3A_600 = arith.fptosi %get3A_599 : vector<16xf32> to vector<16xi32>
          %add3A_601 = vector.broadcast %mul3A_480 : i32 to vector<16xi32>
          %add3A_602 = arith.addi %convert_element_type3A_600, %add3A_601 : vector<16xi32>
          %gather3A_603 = tpu.vector_load_idx %arg5[%add3A_602] : memref<10000xf32, #tpu.memory_space<vmem>>[vector<16xi32>], vector<16xf32>,
          %swap3A_604 = arith.constant 0 : i32
          %swap3A_605 = arith.constant 6 : i32
          %swap3A_606 = arith.index_cast %swap3A_604 : i32 to index
          %swap3A_607 = arith.index_cast %swap3A_605 : i32 to index
          %swap3A_608 = arith.index_cast %mul3A_593 : i32 to index
          %swap3A_609 = tpu.vector_load %arg6[%swap3A_606, %swap3A_607, %swap3A_608] {strides = array<i32>} : memref<1x8x4096xf32, #tpu.memory_space<vmem>>, vector<16xf32>,
          tpu.vector_store %arg6[%swap3A_606, %swap3A_607, %swap3A_608], %gather3A_603 {strides = array<i32>} : memref<1x8x4096xf32, #tpu.memory_space<vmem>>, vector<16xf32>,
          %mul3A_610 = arith.constant 16 : i32
          %mul3A_611 = arith.muli %scan3A_486, %mul3A_610 : i32
          %get3A_612 = arith.constant 0 : i32
          %get3A_613 = arith.constant 7 : i32
          %get3A_614 = arith.index_cast %get3A_612 : i32 to index
          %get3A_615 = arith.index_cast %get3A_613 : i32 to index
          %get3A_616 = arith.index_cast %mul3A_611 : i32 to index
          %get3A_617 = tpu.vector_load %arg6[%get3A_614, %get3A_615, %get3A_616] {strides = array<i32>} : memref<1x8x4096xf32, #tpu.memory_space<vmem>>, vector<16xf32>,
          %convert_element_type3A_618 = arith.fptosi %get3A_617 : vector<16xf32> to vector<16xi32>
          %add3A_619 = vector.broadcast %mul3A_480 : i32 to vector<16xi32>
          %add3A_620 = arith.addi %convert_element_type3A_618, %add3A_619 : vector<16xi32>
          %gather3A_621 = tpu.vector_load_idx %arg5[%add3A_620] : memref<10000xf32, #tpu.memory_space<vmem>>[vector<16xi32>], vector<16xf32>,
          %swap3A_622 = arith.constant 0 : i32
          %swap3A_623 = arith.constant 7 : i32
          %swap3A_624 = arith.index_cast %swap3A_622 : i32 to index
          %swap3A_625 = arith.index_cast %swap3A_623 : i32 to index
          %swap3A_626 = arith.index_cast %mul3A_611 : i32 to index
          %swap3A_627 = tpu.vector_load %arg6[%swap3A_624, %swap3A_625, %swap3A_626] {strides = array<i32>} : memref<1x8x4096xf32, #tpu.memory_space<vmem>>, vector<16xf32>,
          tpu.vector_store %arg6[%swap3A_624, %swap3A_625, %swap3A_626], %gather3A_621 {strides = array<i32>} : memref<1x8x4096xf32, #tpu.memory_space<vmem>>, vector<16xf32>,
        }
        %scan3A_485 = arith.constant 256 : i32
      } else {
      }
      %add3A_467 = arith.constant 288 : i32
      %add3A_468 = arith.addi %add3A, %add3A_467 : i32
      %dma_start3A = arith.constant 0 : i32
      %dma_start3A_469 = arith.constant 0 : i32
      %dma_start3A_470 = tpu.memref_slice %arg4[%add3A_468, %dma_start3A, %dma_start3A_469] : memref<650x8x4096xf32, #tpu.memory_space<hbm>> -> memref<1x8x4096xf32, #tpu.memory_space<hbm>>
      %dma_start3A_471 = arith.constant 0 : i32
      %dma_start3A_472 = arith.constant 0 : i32
      %dma_start3A_473 = tpu.memref_slice %arg4[%add3A_468, %dma_start3A_471, %dma_start3A_472] : memref<650x8x4096xf32, #tpu.memory_space<hbm>> -> memref<1x8x4096xf32, #tpu.memory_space<hbm>>
      tpu.enqueue_dma source(%arg6 : memref<1x8x4096xf32, #tpu.memory_space<vmem>>) target(%dma_start3A_473 : memref<1x8x4096xf32, #tpu.memory_space<hbm>>) target_semaphore(%arg12 : memref<!tpu.dma_semaphore, #tpu.memory_space<semaphore_mem>>)
    } else {
    }
    %add3A_201 = arith.constant 256 : i32
    %add3A_202 = arith.addi %add3A, %add3A_201 : i32
    %lt3A_203 = arith.constant 650 : i32
    %lt3A_204 = arith.cmpi slt, %add3A_202, %lt3A_203 : i32
    %convert_element_type3A_205 = arith.extui %lt3A_204 : i1 to i32
    %cond3A_206 = arith.constant 0 : i32
    %cond3A_207 = arith.cmpi ne, %convert_element_type3A_205, %cond3A_206 : i32
    scf.if %cond3A_207 {
      %add3A_453 = arith.constant 256 : i32
      %add3A_454 = arith.addi %add3A, %add3A_453 : i32
      %dma_wait3A = arith.constant 0 : i32
      %dma_wait3A_455 = arith.constant 0 : i32
      %dma_wait3A_456 = tpu.memref_slice %arg4[%add3A_454, %dma_wait3A, %dma_wait3A_455] : memref<650x8x4096xf32, #tpu.memory_space<hbm>> -> memref<1x8x4096xf32, #tpu.memory_space<hbm>>
      %dma_wait3A_457 = arith.constant 0 : i32
      %dma_wait3A_458 = arith.constant 0 : i32
      %dma_wait3A_459 = tpu.memref_slice %arg4[%add3A_454, %dma_wait3A_457, %dma_wait3A_458] : memref<650x8x4096xf32, #tpu.memory_space<hbm>> -> memref<1x8x4096xf32, #tpu.memory_space<hbm>>
      tpu.wait_dma2 semaphore(%arg14 : memref<!tpu.dma_semaphore, #tpu.memory_space<semaphore_mem>>) src(%arg8 : memref<1x8x4096xf32, #tpu.memory_space<vmem>>) dst(%dma_wait3A_459 : memref<1x8x4096xf32, #tpu.memory_space<hbm>>)
    } else {
    }
    %add3A_208 = arith.constant 352 : i32
    %add3A_209 = arith.addi %add3A, %add3A_208 : i32
    %lt3A_210 = arith.constant 650 : i32
    %lt3A_211 = arith.cmpi slt, %add3A_209, %lt3A_210 : i32
    %convert_element_type3A_212 = arith.extui %lt3A_211 : i1 to i32
    %cond3A_213 = arith.constant 0 : i32
    %cond3A_214 = arith.cmpi ne, %convert_element_type3A_212, %cond3A_213 : i32
    scf.if %cond3A_214 {
      %add3A_453 = arith.constant 352 : i32
      %add3A_454 = arith.addi %add3A, %add3A_453 : i32
      %dma_start3A = arith.constant 0 : i32
      %dma_start3A_455 = arith.constant 0 : i32
      %dma_start3A_456 = tpu.memref_slice %arg2[%add3A_454, %dma_start3A, %dma_start3A_455] : memref<650x8x4096xf32, #tpu.memory_space<hbm>> -> memref<1x8x4096xf32, #tpu.memory_space<hbm>>
      %dma_start3A_457 = arith.constant 0 : i32
      %dma_start3A_458 = arith.constant 0 : i32
      %dma_start3A_459 = tpu.memref_slice %arg2[%add3A_454, %dma_start3A_457, %dma_start3A_458] : memref<650x8x4096xf32, #tpu.memory_space<hbm>> -> memref<1x8x4096xf32, #tpu.memory_space<hbm>>
      tpu.enqueue_dma source(%dma_start3A_459 : memref<1x8x4096xf32, #tpu.memory_space<hbm>>) target(%arg8 : memref<1x8x4096xf32, #tpu.memory_space<vmem>>) target_semaphore(%arg11 : memref<!tpu.dma_semaphore, #tpu.memory_space<semaphore_mem>>)
    } else {
    }
    %add3A_215 = arith.constant 320 : i32
    %add3A_216 = arith.addi %add3A, %add3A_215 : i32
    %lt3A_217 = arith.constant 650 : i32
    %lt3A_218 = arith.cmpi slt, %add3A_216, %lt3A_217 : i32
    %convert_element_type3A_219 = arith.extui %lt3A_218 : i1 to i32
    %cond3A_220 = arith.constant 0 : i32
    %cond3A_221 = arith.cmpi ne, %convert_element_type3A_219, %cond3A_220 : i32
    scf.if %cond3A_221 {
      %add3A_453 = arith.constant 320 : i32
      %add3A_454 = arith.addi %add3A, %add3A_453 : i32
      %dma_wait3A = arith.constant 0 : i32
      %dma_wait3A_455 = arith.constant 0 : i32
      %dma_wait3A_456 = tpu.memref_slice %arg2[%add3A_454, %dma_wait3A, %dma_wait3A_455] : memref<650x8x4096xf32, #tpu.memory_space<hbm>> -> memref<1x8x4096xf32, #tpu.memory_space<hbm>>
      %dma_wait3A_457 = arith.constant 0 : i32
      %dma_wait3A_458 = arith.constant 0 : i32
      %dma_wait3A_459 = tpu.memref_slice %arg2[%add3A_454, %dma_wait3A_457, %dma_wait3A_458] : memref<650x8x4096xf32, #tpu.memory_space<hbm>> -> memref<1x8x4096xf32, #tpu.memory_space<hbm>>
      tpu.wait_dma2 semaphore(%arg10 : memref<!tpu.dma_semaphore, #tpu.memory_space<semaphore_mem>>) src(%dma_wait3A_459 : memref<1x8x4096xf32, #tpu.memory_space<hbm>>) dst(%arg7 : memref<1x8x4096xf32, #tpu.memory_space<vmem>>)
      %add3A_460 = arith.constant 320 : i32
      %add3A_461 = arith.addi %add3A, %add3A_460 : i32
      %lt3A_462 = arith.constant 250 : i32
      %lt3A_463 = arith.cmpi slt, %add3A_461, %lt3A_462 : i32
      %convert_element_type3A_464 = arith.extui %lt3A_463 : i1 to i32
      %cond3A_465 = arith.constant 0 : i32
      %cond3A_466 = arith.cmpi ne, %convert_element_type3A_464, %cond3A_465 : i32
      scf.if %cond3A_466 {
        %add3A_474 = arith.constant 320 : i32
        %add3A_475 = arith.addi %add3A, %add3A_474 : i32
        %mul3A_476 = arith.constant 41944 : i32
        %mul3A_477 = arith.muli %add3A_475, %mul3A_476 : i32
        %shift_right_arithmetic3A = arith.constant 20 : i32
        %shift_right_arithmetic3A_478 = arith.shrsi %mul3A_477, %shift_right_arithmetic3A : i32
        %mul3A_479 = arith.constant 1000 : i32
        %mul3A_480 = arith.muli %shift_right_arithmetic3A_478, %mul3A_479 : i32
        %scan3A = arith.constant 0 : i32
        %scan3A_481 = arith.constant 0 : i32
        %scan3A_482 = arith.constant 256 : i32
        %scan3A_483 = arith.addi %scan3A_481, %scan3A_482 : i32
        %scan3A_484 = arith.constant 1 : i32
        scf.for %scan3A_486 = %scan3A_481 to %scan3A_483 step %scan3A_484  : i32 {
          %mul3A_487 = arith.constant 16 : i32
          %mul3A_488 = arith.muli %scan3A_486, %mul3A_487 : i32
          %get3A = arith.constant 0 : i32
          %get3A_489 = arith.constant 0 : i32
          %get3A_490 = arith.index_cast %get3A : i32 to index
          %get3A_491 = arith.index_cast %get3A_489 : i32 to index
          %get3A_492 = arith.index_cast %mul3A_488 : i32 to index
          %get3A_493 = tpu.vector_load %arg7[%get3A_490, %get3A_491, %get3A_492] {strides = array<i32>} : memref<1x8x4096xf32, #tpu.memory_space<vmem>>, vector<16xf32>,
          %convert_element_type3A_494 = arith.fptosi %get3A_493 : vector<16xf32> to vector<16xi32>
          %add3A_495 = vector.broadcast %mul3A_480 : i32 to vector<16xi32>
          %add3A_496 = arith.addi %convert_element_type3A_494, %add3A_495 : vector<16xi32>
          %gather3A = tpu.vector_load_idx %arg5[%add3A_496] : memref<10000xf32, #tpu.memory_space<vmem>>[vector<16xi32>], vector<16xf32>,
          %swap3A = arith.constant 0 : i32
          %swap3A_497 = arith.constant 0 : i32
          %swap3A_498 = arith.index_cast %swap3A : i32 to index
          %swap3A_499 = arith.index_cast %swap3A_497 : i32 to index
          %swap3A_500 = arith.index_cast %mul3A_488 : i32 to index
          %swap3A_501 = tpu.vector_load %arg7[%swap3A_498, %swap3A_499, %swap3A_500] {strides = array<i32>} : memref<1x8x4096xf32, #tpu.memory_space<vmem>>, vector<16xf32>,
          tpu.vector_store %arg7[%swap3A_498, %swap3A_499, %swap3A_500], %gather3A {strides = array<i32>} : memref<1x8x4096xf32, #tpu.memory_space<vmem>>, vector<16xf32>,
          %mul3A_502 = arith.constant 16 : i32
          %mul3A_503 = arith.muli %scan3A_486, %mul3A_502 : i32
          %get3A_504 = arith.constant 0 : i32
          %get3A_505 = arith.constant 1 : i32
          %get3A_506 = arith.index_cast %get3A_504 : i32 to index
          %get3A_507 = arith.index_cast %get3A_505 : i32 to index
          %get3A_508 = arith.index_cast %mul3A_503 : i32 to index
          %get3A_509 = tpu.vector_load %arg7[%get3A_506, %get3A_507, %get3A_508] {strides = array<i32>} : memref<1x8x4096xf32, #tpu.memory_space<vmem>>, vector<16xf32>,
          %convert_element_type3A_510 = arith.fptosi %get3A_509 : vector<16xf32> to vector<16xi32>
          %add3A_511 = vector.broadcast %mul3A_480 : i32 to vector<16xi32>
          %add3A_512 = arith.addi %convert_element_type3A_510, %add3A_511 : vector<16xi32>
          %gather3A_513 = tpu.vector_load_idx %arg5[%add3A_512] : memref<10000xf32, #tpu.memory_space<vmem>>[vector<16xi32>], vector<16xf32>,
          %swap3A_514 = arith.constant 0 : i32
          %swap3A_515 = arith.constant 1 : i32
          %swap3A_516 = arith.index_cast %swap3A_514 : i32 to index
          %swap3A_517 = arith.index_cast %swap3A_515 : i32 to index
          %swap3A_518 = arith.index_cast %mul3A_503 : i32 to index
          %swap3A_519 = tpu.vector_load %arg7[%swap3A_516, %swap3A_517, %swap3A_518] {strides = array<i32>} : memref<1x8x4096xf32, #tpu.memory_space<vmem>>, vector<16xf32>,
          tpu.vector_store %arg7[%swap3A_516, %swap3A_517, %swap3A_518], %gather3A_513 {strides = array<i32>} : memref<1x8x4096xf32, #tpu.memory_space<vmem>>, vector<16xf32>,
          %mul3A_520 = arith.constant 16 : i32
          %mul3A_521 = arith.muli %scan3A_486, %mul3A_520 : i32
          %get3A_522 = arith.constant 0 : i32
          %get3A_523 = arith.constant 2 : i32
          %get3A_524 = arith.index_cast %get3A_522 : i32 to index
          %get3A_525 = arith.index_cast %get3A_523 : i32 to index
          %get3A_526 = arith.index_cast %mul3A_521 : i32 to index
          %get3A_527 = tpu.vector_load %arg7[%get3A_524, %get3A_525, %get3A_526] {strides = array<i32>} : memref<1x8x4096xf32, #tpu.memory_space<vmem>>, vector<16xf32>,
          %convert_element_type3A_528 = arith.fptosi %get3A_527 : vector<16xf32> to vector<16xi32>
          %add3A_529 = vector.broadcast %mul3A_480 : i32 to vector<16xi32>
          %add3A_530 = arith.addi %convert_element_type3A_528, %add3A_529 : vector<16xi32>
          %gather3A_531 = tpu.vector_load_idx %arg5[%add3A_530] : memref<10000xf32, #tpu.memory_space<vmem>>[vector<16xi32>], vector<16xf32>,
          %swap3A_532 = arith.constant 0 : i32
          %swap3A_533 = arith.constant 2 : i32
          %swap3A_534 = arith.index_cast %swap3A_532 : i32 to index
          %swap3A_535 = arith.index_cast %swap3A_533 : i32 to index
          %swap3A_536 = arith.index_cast %mul3A_521 : i32 to index
          %swap3A_537 = tpu.vector_load %arg7[%swap3A_534, %swap3A_535, %swap3A_536] {strides = array<i32>} : memref<1x8x4096xf32, #tpu.memory_space<vmem>>, vector<16xf32>,
          tpu.vector_store %arg7[%swap3A_534, %swap3A_535, %swap3A_536], %gather3A_531 {strides = array<i32>} : memref<1x8x4096xf32, #tpu.memory_space<vmem>>, vector<16xf32>,
          %mul3A_538 = arith.constant 16 : i32
          %mul3A_539 = arith.muli %scan3A_486, %mul3A_538 : i32
          %get3A_540 = arith.constant 0 : i32
          %get3A_541 = arith.constant 3 : i32
          %get3A_542 = arith.index_cast %get3A_540 : i32 to index
          %get3A_543 = arith.index_cast %get3A_541 : i32 to index
          %get3A_544 = arith.index_cast %mul3A_539 : i32 to index
          %get3A_545 = tpu.vector_load %arg7[%get3A_542, %get3A_543, %get3A_544] {strides = array<i32>} : memref<1x8x4096xf32, #tpu.memory_space<vmem>>, vector<16xf32>,
          %convert_element_type3A_546 = arith.fptosi %get3A_545 : vector<16xf32> to vector<16xi32>
          %add3A_547 = vector.broadcast %mul3A_480 : i32 to vector<16xi32>
          %add3A_548 = arith.addi %convert_element_type3A_546, %add3A_547 : vector<16xi32>
          %gather3A_549 = tpu.vector_load_idx %arg5[%add3A_548] : memref<10000xf32, #tpu.memory_space<vmem>>[vector<16xi32>], vector<16xf32>,
          %swap3A_550 = arith.constant 0 : i32
          %swap3A_551 = arith.constant 3 : i32
          %swap3A_552 = arith.index_cast %swap3A_550 : i32 to index
          %swap3A_553 = arith.index_cast %swap3A_551 : i32 to index
          %swap3A_554 = arith.index_cast %mul3A_539 : i32 to index
          %swap3A_555 = tpu.vector_load %arg7[%swap3A_552, %swap3A_553, %swap3A_554] {strides = array<i32>} : memref<1x8x4096xf32, #tpu.memory_space<vmem>>, vector<16xf32>,
          tpu.vector_store %arg7[%swap3A_552, %swap3A_553, %swap3A_554], %gather3A_549 {strides = array<i32>} : memref<1x8x4096xf32, #tpu.memory_space<vmem>>, vector<16xf32>,
          %mul3A_556 = arith.constant 16 : i32
          %mul3A_557 = arith.muli %scan3A_486, %mul3A_556 : i32
          %get3A_558 = arith.constant 0 : i32
          %get3A_559 = arith.constant 4 : i32
          %get3A_560 = arith.index_cast %get3A_558 : i32 to index
          %get3A_561 = arith.index_cast %get3A_559 : i32 to index
          %get3A_562 = arith.index_cast %mul3A_557 : i32 to index
          %get3A_563 = tpu.vector_load %arg7[%get3A_560, %get3A_561, %get3A_562] {strides = array<i32>} : memref<1x8x4096xf32, #tpu.memory_space<vmem>>, vector<16xf32>,
          %convert_element_type3A_564 = arith.fptosi %get3A_563 : vector<16xf32> to vector<16xi32>
          %add3A_565 = vector.broadcast %mul3A_480 : i32 to vector<16xi32>
          %add3A_566 = arith.addi %convert_element_type3A_564, %add3A_565 : vector<16xi32>
          %gather3A_567 = tpu.vector_load_idx %arg5[%add3A_566] : memref<10000xf32, #tpu.memory_space<vmem>>[vector<16xi32>], vector<16xf32>,
          %swap3A_568 = arith.constant 0 : i32
          %swap3A_569 = arith.constant 4 : i32
          %swap3A_570 = arith.index_cast %swap3A_568 : i32 to index
          %swap3A_571 = arith.index_cast %swap3A_569 : i32 to index
          %swap3A_572 = arith.index_cast %mul3A_557 : i32 to index
          %swap3A_573 = tpu.vector_load %arg7[%swap3A_570, %swap3A_571, %swap3A_572] {strides = array<i32>} : memref<1x8x4096xf32, #tpu.memory_space<vmem>>, vector<16xf32>,
          tpu.vector_store %arg7[%swap3A_570, %swap3A_571, %swap3A_572], %gather3A_567 {strides = array<i32>} : memref<1x8x4096xf32, #tpu.memory_space<vmem>>, vector<16xf32>,
          %mul3A_574 = arith.constant 16 : i32
          %mul3A_575 = arith.muli %scan3A_486, %mul3A_574 : i32
          %get3A_576 = arith.constant 0 : i32
          %get3A_577 = arith.constant 5 : i32
          %get3A_578 = arith.index_cast %get3A_576 : i32 to index
          %get3A_579 = arith.index_cast %get3A_577 : i32 to index
          %get3A_580 = arith.index_cast %mul3A_575 : i32 to index
          %get3A_581 = tpu.vector_load %arg7[%get3A_578, %get3A_579, %get3A_580] {strides = array<i32>} : memref<1x8x4096xf32, #tpu.memory_space<vmem>>, vector<16xf32>,
          %convert_element_type3A_582 = arith.fptosi %get3A_581 : vector<16xf32> to vector<16xi32>
          %add3A_583 = vector.broadcast %mul3A_480 : i32 to vector<16xi32>
          %add3A_584 = arith.addi %convert_element_type3A_582, %add3A_583 : vector<16xi32>
          %gather3A_585 = tpu.vector_load_idx %arg5[%add3A_584] : memref<10000xf32, #tpu.memory_space<vmem>>[vector<16xi32>], vector<16xf32>,
          %swap3A_586 = arith.constant 0 : i32
          %swap3A_587 = arith.constant 5 : i32
          %swap3A_588 = arith.index_cast %swap3A_586 : i32 to index
          %swap3A_589 = arith.index_cast %swap3A_587 : i32 to index
          %swap3A_590 = arith.index_cast %mul3A_575 : i32 to index
          %swap3A_591 = tpu.vector_load %arg7[%swap3A_588, %swap3A_589, %swap3A_590] {strides = array<i32>} : memref<1x8x4096xf32, #tpu.memory_space<vmem>>, vector<16xf32>,
          tpu.vector_store %arg7[%swap3A_588, %swap3A_589, %swap3A_590], %gather3A_585 {strides = array<i32>} : memref<1x8x4096xf32, #tpu.memory_space<vmem>>, vector<16xf32>,
          %mul3A_592 = arith.constant 16 : i32
          %mul3A_593 = arith.muli %scan3A_486, %mul3A_592 : i32
          %get3A_594 = arith.constant 0 : i32
          %get3A_595 = arith.constant 6 : i32
          %get3A_596 = arith.index_cast %get3A_594 : i32 to index
          %get3A_597 = arith.index_cast %get3A_595 : i32 to index
          %get3A_598 = arith.index_cast %mul3A_593 : i32 to index
          %get3A_599 = tpu.vector_load %arg7[%get3A_596, %get3A_597, %get3A_598] {strides = array<i32>} : memref<1x8x4096xf32, #tpu.memory_space<vmem>>, vector<16xf32>,
          %convert_element_type3A_600 = arith.fptosi %get3A_599 : vector<16xf32> to vector<16xi32>
          %add3A_601 = vector.broadcast %mul3A_480 : i32 to vector<16xi32>
          %add3A_602 = arith.addi %convert_element_type3A_600, %add3A_601 : vector<16xi32>
          %gather3A_603 = tpu.vector_load_idx %arg5[%add3A_602] : memref<10000xf32, #tpu.memory_space<vmem>>[vector<16xi32>], vector<16xf32>,
          %swap3A_604 = arith.constant 0 : i32
          %swap3A_605 = arith.constant 6 : i32
          %swap3A_606 = arith.index_cast %swap3A_604 : i32 to index
          %swap3A_607 = arith.index_cast %swap3A_605 : i32 to index
          %swap3A_608 = arith.index_cast %mul3A_593 : i32 to index
          %swap3A_609 = tpu.vector_load %arg7[%swap3A_606, %swap3A_607, %swap3A_608] {strides = array<i32>} : memref<1x8x4096xf32, #tpu.memory_space<vmem>>, vector<16xf32>,
          tpu.vector_store %arg7[%swap3A_606, %swap3A_607, %swap3A_608], %gather3A_603 {strides = array<i32>} : memref<1x8x4096xf32, #tpu.memory_space<vmem>>, vector<16xf32>,
          %mul3A_610 = arith.constant 16 : i32
          %mul3A_611 = arith.muli %scan3A_486, %mul3A_610 : i32
          %get3A_612 = arith.constant 0 : i32
          %get3A_613 = arith.constant 7 : i32
          %get3A_614 = arith.index_cast %get3A_612 : i32 to index
          %get3A_615 = arith.index_cast %get3A_613 : i32 to index
          %get3A_616 = arith.index_cast %mul3A_611 : i32 to index
          %get3A_617 = tpu.vector_load %arg7[%get3A_614, %get3A_615, %get3A_616] {strides = array<i32>} : memref<1x8x4096xf32, #tpu.memory_space<vmem>>, vector<16xf32>,
          %convert_element_type3A_618 = arith.fptosi %get3A_617 : vector<16xf32> to vector<16xi32>
          %add3A_619 = vector.broadcast %mul3A_480 : i32 to vector<16xi32>
          %add3A_620 = arith.addi %convert_element_type3A_618, %add3A_619 : vector<16xi32>
          %gather3A_621 = tpu.vector_load_idx %arg5[%add3A_620] : memref<10000xf32, #tpu.memory_space<vmem>>[vector<16xi32>], vector<16xf32>,
          %swap3A_622 = arith.constant 0 : i32
          %swap3A_623 = arith.constant 7 : i32
          %swap3A_624 = arith.index_cast %swap3A_622 : i32 to index
          %swap3A_625 = arith.index_cast %swap3A_623 : i32 to index
          %swap3A_626 = arith.index_cast %mul3A_611 : i32 to index
          %swap3A_627 = tpu.vector_load %arg7[%swap3A_624, %swap3A_625, %swap3A_626] {strides = array<i32>} : memref<1x8x4096xf32, #tpu.memory_space<vmem>>, vector<16xf32>,
          tpu.vector_store %arg7[%swap3A_624, %swap3A_625, %swap3A_626], %gather3A_621 {strides = array<i32>} : memref<1x8x4096xf32, #tpu.memory_space<vmem>>, vector<16xf32>,
        }
        %scan3A_485 = arith.constant 256 : i32
      } else {
      }
      %add3A_467 = arith.constant 320 : i32
      %add3A_468 = arith.addi %add3A, %add3A_467 : i32
      %dma_start3A = arith.constant 0 : i32
      %dma_start3A_469 = arith.constant 0 : i32
      %dma_start3A_470 = tpu.memref_slice %arg4[%add3A_468, %dma_start3A, %dma_start3A_469] : memref<650x8x4096xf32, #tpu.memory_space<hbm>> -> memref<1x8x4096xf32, #tpu.memory_space<hbm>>
      %dma_start3A_471 = arith.constant 0 : i32
      %dma_start3A_472 = arith.constant 0 : i32
      %dma_start3A_473 = tpu.memref_slice %arg4[%add3A_468, %dma_start3A_471, %dma_start3A_472] : memref<650x8x4096xf32, #tpu.memory_space<hbm>> -> memref<1x8x4096xf32, #tpu.memory_space<hbm>>
      tpu.enqueue_dma source(%arg7 : memref<1x8x4096xf32, #tpu.memory_space<vmem>>) target(%dma_start3A_473 : memref<1x8x4096xf32, #tpu.memory_space<hbm>>) target_semaphore(%arg13 : memref<!tpu.dma_semaphore, #tpu.memory_space<semaphore_mem>>)
    } else {
    }
    %add3A_222 = arith.constant 288 : i32
    %add3A_223 = arith.addi %add3A, %add3A_222 : i32
    %lt3A_224 = arith.constant 650 : i32
    %lt3A_225 = arith.cmpi slt, %add3A_223, %lt3A_224 : i32
    %convert_element_type3A_226 = arith.extui %lt3A_225 : i1 to i32
    %cond3A_227 = arith.constant 0 : i32
    %cond3A_228 = arith.cmpi ne, %convert_element_type3A_226, %cond3A_227 : i32
    scf.if %cond3A_228 {
      %add3A_453 = arith.constant 288 : i32
      %add3A_454 = arith.addi %add3A, %add3A_453 : i32
      %dma_wait3A = arith.constant 0 : i32
      %dma_wait3A_455 = arith.constant 0 : i32
      %dma_wait3A_456 = tpu.memref_slice %arg4[%add3A_454, %dma_wait3A, %dma_wait3A_455] : memref<650x8x4096xf32, #tpu.memory_space<hbm>> -> memref<1x8x4096xf32, #tpu.memory_space<hbm>>
      %dma_wait3A_457 = arith.constant 0 : i32
      %dma_wait3A_458 = arith.constant 0 : i32
      %dma_wait3A_459 = tpu.memref_slice %arg4[%add3A_454, %dma_wait3A_457, %dma_wait3A_458] : memref<650x8x4096xf32, #tpu.memory_space<hbm>> -> memref<1x8x4096xf32, #tpu.memory_space<hbm>>
      tpu.wait_dma2 semaphore(%arg12 : memref<!tpu.dma_semaphore, #tpu.memory_space<semaphore_mem>>) src(%arg6 : memref<1x8x4096xf32, #tpu.memory_space<vmem>>) dst(%dma_wait3A_459 : memref<1x8x4096xf32, #tpu.memory_space<hbm>>)
    } else {
    }
    %add3A_229 = arith.constant 384 : i32
    %add3A_230 = arith.addi %add3A, %add3A_229 : i32
    %lt3A_231 = arith.constant 650 : i32
    %lt3A_232 = arith.cmpi slt, %add3A_230, %lt3A_231 : i32
    %convert_element_type3A_233 = arith.extui %lt3A_232 : i1 to i32
    %cond3A_234 = arith.constant 0 : i32
    %cond3A_235 = arith.cmpi ne, %convert_element_type3A_233, %cond3A_234 : i32
    scf.if %cond3A_235 {
      %add3A_453 = arith.constant 384 : i32
      %add3A_454 = arith.addi %add3A, %add3A_453 : i32
      %dma_start3A = arith.constant 0 : i32
      %dma_start3A_455 = arith.constant 0 : i32
      %dma_start3A_456 = tpu.memref_slice %arg2[%add3A_454, %dma_start3A, %dma_start3A_455] : memref<650x8x4096xf32, #tpu.memory_space<hbm>> -> memref<1x8x4096xf32, #tpu.memory_space<hbm>>
      %dma_start3A_457 = arith.constant 0 : i32
      %dma_start3A_458 = arith.constant 0 : i32
      %dma_start3A_459 = tpu.memref_slice %arg2[%add3A_454, %dma_start3A_457, %dma_start3A_458] : memref<650x8x4096xf32, #tpu.memory_space<hbm>> -> memref<1x8x4096xf32, #tpu.memory_space<hbm>>
      tpu.enqueue_dma source(%dma_start3A_459 : memref<1x8x4096xf32, #tpu.memory_space<hbm>>) target(%arg6 : memref<1x8x4096xf32, #tpu.memory_space<vmem>>) target_semaphore(%arg9 : memref<!tpu.dma_semaphore, #tpu.memory_space<semaphore_mem>>)
    } else {
    }
    %add3A_236 = arith.constant 352 : i32
    %add3A_237 = arith.addi %add3A, %add3A_236 : i32
    %lt3A_238 = arith.constant 650 : i32
    %lt3A_239 = arith.cmpi slt, %add3A_237, %lt3A_238 : i32
    %convert_element_type3A_240 = arith.extui %lt3A_239 : i1 to i32
    %cond3A_241 = arith.constant 0 : i32
    %cond3A_242 = arith.cmpi ne, %convert_element_type3A_240, %cond3A_241 : i32
    scf.if %cond3A_242 {
      %add3A_453 = arith.constant 352 : i32
      %add3A_454 = arith.addi %add3A, %add3A_453 : i32
      %dma_wait3A = arith.constant 0 : i32
      %dma_wait3A_455 = arith.constant 0 : i32
      %dma_wait3A_456 = tpu.memref_slice %arg2[%add3A_454, %dma_wait3A, %dma_wait3A_455] : memref<650x8x4096xf32, #tpu.memory_space<hbm>> -> memref<1x8x4096xf32, #tpu.memory_space<hbm>>
      %dma_wait3A_457 = arith.constant 0 : i32
      %dma_wait3A_458 = arith.constant 0 : i32
      %dma_wait3A_459 = tpu.memref_slice %arg2[%add3A_454, %dma_wait3A_457, %dma_wait3A_458] : memref<650x8x4096xf32, #tpu.memory_space<hbm>> -> memref<1x8x4096xf32, #tpu.memory_space<hbm>>
      tpu.wait_dma2 semaphore(%arg11 : memref<!tpu.dma_semaphore, #tpu.memory_space<semaphore_mem>>) src(%dma_wait3A_459 : memref<1x8x4096xf32, #tpu.memory_space<hbm>>) dst(%arg8 : memref<1x8x4096xf32, #tpu.memory_space<vmem>>)
      %add3A_460 = arith.constant 352 : i32
      %add3A_461 = arith.addi %add3A, %add3A_460 : i32
      %lt3A_462 = arith.constant 250 : i32
      %lt3A_463 = arith.cmpi slt, %add3A_461, %lt3A_462 : i32
      %convert_element_type3A_464 = arith.extui %lt3A_463 : i1 to i32
      %cond3A_465 = arith.constant 0 : i32
      %cond3A_466 = arith.cmpi ne, %convert_element_type3A_464, %cond3A_465 : i32
      scf.if %cond3A_466 {
        %add3A_474 = arith.constant 352 : i32
        %add3A_475 = arith.addi %add3A, %add3A_474 : i32
        %mul3A_476 = arith.constant 41944 : i32
        %mul3A_477 = arith.muli %add3A_475, %mul3A_476 : i32
        %shift_right_arithmetic3A = arith.constant 20 : i32
        %shift_right_arithmetic3A_478 = arith.shrsi %mul3A_477, %shift_right_arithmetic3A : i32
        %mul3A_479 = arith.constant 1000 : i32
        %mul3A_480 = arith.muli %shift_right_arithmetic3A_478, %mul3A_479 : i32
        %scan3A = arith.constant 0 : i32
        %scan3A_481 = arith.constant 0 : i32
        %scan3A_482 = arith.constant 256 : i32
        %scan3A_483 = arith.addi %scan3A_481, %scan3A_482 : i32
        %scan3A_484 = arith.constant 1 : i32
        scf.for %scan3A_486 = %scan3A_481 to %scan3A_483 step %scan3A_484  : i32 {
          %mul3A_487 = arith.constant 16 : i32
          %mul3A_488 = arith.muli %scan3A_486, %mul3A_487 : i32
          %get3A = arith.constant 0 : i32
          %get3A_489 = arith.constant 0 : i32
          %get3A_490 = arith.index_cast %get3A : i32 to index
          %get3A_491 = arith.index_cast %get3A_489 : i32 to index
          %get3A_492 = arith.index_cast %mul3A_488 : i32 to index
          %get3A_493 = tpu.vector_load %arg8[%get3A_490, %get3A_491, %get3A_492] {strides = array<i32>} : memref<1x8x4096xf32, #tpu.memory_space<vmem>>, vector<16xf32>,
          %convert_element_type3A_494 = arith.fptosi %get3A_493 : vector<16xf32> to vector<16xi32>
          %add3A_495 = vector.broadcast %mul3A_480 : i32 to vector<16xi32>
          %add3A_496 = arith.addi %convert_element_type3A_494, %add3A_495 : vector<16xi32>
          %gather3A = tpu.vector_load_idx %arg5[%add3A_496] : memref<10000xf32, #tpu.memory_space<vmem>>[vector<16xi32>], vector<16xf32>,
          %swap3A = arith.constant 0 : i32
          %swap3A_497 = arith.constant 0 : i32
          %swap3A_498 = arith.index_cast %swap3A : i32 to index
          %swap3A_499 = arith.index_cast %swap3A_497 : i32 to index
          %swap3A_500 = arith.index_cast %mul3A_488 : i32 to index
          %swap3A_501 = tpu.vector_load %arg8[%swap3A_498, %swap3A_499, %swap3A_500] {strides = array<i32>} : memref<1x8x4096xf32, #tpu.memory_space<vmem>>, vector<16xf32>,
          tpu.vector_store %arg8[%swap3A_498, %swap3A_499, %swap3A_500], %gather3A {strides = array<i32>} : memref<1x8x4096xf32, #tpu.memory_space<vmem>>, vector<16xf32>,
          %mul3A_502 = arith.constant 16 : i32
          %mul3A_503 = arith.muli %scan3A_486, %mul3A_502 : i32
          %get3A_504 = arith.constant 0 : i32
          %get3A_505 = arith.constant 1 : i32
          %get3A_506 = arith.index_cast %get3A_504 : i32 to index
          %get3A_507 = arith.index_cast %get3A_505 : i32 to index
          %get3A_508 = arith.index_cast %mul3A_503 : i32 to index
          %get3A_509 = tpu.vector_load %arg8[%get3A_506, %get3A_507, %get3A_508] {strides = array<i32>} : memref<1x8x4096xf32, #tpu.memory_space<vmem>>, vector<16xf32>,
          %convert_element_type3A_510 = arith.fptosi %get3A_509 : vector<16xf32> to vector<16xi32>
          %add3A_511 = vector.broadcast %mul3A_480 : i32 to vector<16xi32>
          %add3A_512 = arith.addi %convert_element_type3A_510, %add3A_511 : vector<16xi32>
          %gather3A_513 = tpu.vector_load_idx %arg5[%add3A_512] : memref<10000xf32, #tpu.memory_space<vmem>>[vector<16xi32>], vector<16xf32>,
          %swap3A_514 = arith.constant 0 : i32
          %swap3A_515 = arith.constant 1 : i32
          %swap3A_516 = arith.index_cast %swap3A_514 : i32 to index
          %swap3A_517 = arith.index_cast %swap3A_515 : i32 to index
          %swap3A_518 = arith.index_cast %mul3A_503 : i32 to index
          %swap3A_519 = tpu.vector_load %arg8[%swap3A_516, %swap3A_517, %swap3A_518] {strides = array<i32>} : memref<1x8x4096xf32, #tpu.memory_space<vmem>>, vector<16xf32>,
          tpu.vector_store %arg8[%swap3A_516, %swap3A_517, %swap3A_518], %gather3A_513 {strides = array<i32>} : memref<1x8x4096xf32, #tpu.memory_space<vmem>>, vector<16xf32>,
          %mul3A_520 = arith.constant 16 : i32
          %mul3A_521 = arith.muli %scan3A_486, %mul3A_520 : i32
          %get3A_522 = arith.constant 0 : i32
          %get3A_523 = arith.constant 2 : i32
          %get3A_524 = arith.index_cast %get3A_522 : i32 to index
          %get3A_525 = arith.index_cast %get3A_523 : i32 to index
          %get3A_526 = arith.index_cast %mul3A_521 : i32 to index
          %get3A_527 = tpu.vector_load %arg8[%get3A_524, %get3A_525, %get3A_526] {strides = array<i32>} : memref<1x8x4096xf32, #tpu.memory_space<vmem>>, vector<16xf32>,
          %convert_element_type3A_528 = arith.fptosi %get3A_527 : vector<16xf32> to vector<16xi32>
          %add3A_529 = vector.broadcast %mul3A_480 : i32 to vector<16xi32>
          %add3A_530 = arith.addi %convert_element_type3A_528, %add3A_529 : vector<16xi32>
          %gather3A_531 = tpu.vector_load_idx %arg5[%add3A_530] : memref<10000xf32, #tpu.memory_space<vmem>>[vector<16xi32>], vector<16xf32>,
          %swap3A_532 = arith.constant 0 : i32
          %swap3A_533 = arith.constant 2 : i32
          %swap3A_534 = arith.index_cast %swap3A_532 : i32 to index
          %swap3A_535 = arith.index_cast %swap3A_533 : i32 to index
          %swap3A_536 = arith.index_cast %mul3A_521 : i32 to index
          %swap3A_537 = tpu.vector_load %arg8[%swap3A_534, %swap3A_535, %swap3A_536] {strides = array<i32>} : memref<1x8x4096xf32, #tpu.memory_space<vmem>>, vector<16xf32>,
          tpu.vector_store %arg8[%swap3A_534, %swap3A_535, %swap3A_536], %gather3A_531 {strides = array<i32>} : memref<1x8x4096xf32, #tpu.memory_space<vmem>>, vector<16xf32>,
          %mul3A_538 = arith.constant 16 : i32
          %mul3A_539 = arith.muli %scan3A_486, %mul3A_538 : i32
          %get3A_540 = arith.constant 0 : i32
          %get3A_541 = arith.constant 3 : i32
          %get3A_542 = arith.index_cast %get3A_540 : i32 to index
          %get3A_543 = arith.index_cast %get3A_541 : i32 to index
          %get3A_544 = arith.index_cast %mul3A_539 : i32 to index
          %get3A_545 = tpu.vector_load %arg8[%get3A_542, %get3A_543, %get3A_544] {strides = array<i32>} : memref<1x8x4096xf32, #tpu.memory_space<vmem>>, vector<16xf32>,
          %convert_element_type3A_546 = arith.fptosi %get3A_545 : vector<16xf32> to vector<16xi32>
          %add3A_547 = vector.broadcast %mul3A_480 : i32 to vector<16xi32>
          %add3A_548 = arith.addi %convert_element_type3A_546, %add3A_547 : vector<16xi32>
          %gather3A_549 = tpu.vector_load_idx %arg5[%add3A_548] : memref<10000xf32, #tpu.memory_space<vmem>>[vector<16xi32>], vector<16xf32>,
          %swap3A_550 = arith.constant 0 : i32
          %swap3A_551 = arith.constant 3 : i32
          %swap3A_552 = arith.index_cast %swap3A_550 : i32 to index
          %swap3A_553 = arith.index_cast %swap3A_551 : i32 to index
          %swap3A_554 = arith.index_cast %mul3A_539 : i32 to index
          %swap3A_555 = tpu.vector_load %arg8[%swap3A_552, %swap3A_553, %swap3A_554] {strides = array<i32>} : memref<1x8x4096xf32, #tpu.memory_space<vmem>>, vector<16xf32>,
          tpu.vector_store %arg8[%swap3A_552, %swap3A_553, %swap3A_554], %gather3A_549 {strides = array<i32>} : memref<1x8x4096xf32, #tpu.memory_space<vmem>>, vector<16xf32>,
          %mul3A_556 = arith.constant 16 : i32
          %mul3A_557 = arith.muli %scan3A_486, %mul3A_556 : i32
          %get3A_558 = arith.constant 0 : i32
          %get3A_559 = arith.constant 4 : i32
          %get3A_560 = arith.index_cast %get3A_558 : i32 to index
          %get3A_561 = arith.index_cast %get3A_559 : i32 to index
          %get3A_562 = arith.index_cast %mul3A_557 : i32 to index
          %get3A_563 = tpu.vector_load %arg8[%get3A_560, %get3A_561, %get3A_562] {strides = array<i32>} : memref<1x8x4096xf32, #tpu.memory_space<vmem>>, vector<16xf32>,
          %convert_element_type3A_564 = arith.fptosi %get3A_563 : vector<16xf32> to vector<16xi32>
          %add3A_565 = vector.broadcast %mul3A_480 : i32 to vector<16xi32>
          %add3A_566 = arith.addi %convert_element_type3A_564, %add3A_565 : vector<16xi32>
          %gather3A_567 = tpu.vector_load_idx %arg5[%add3A_566] : memref<10000xf32, #tpu.memory_space<vmem>>[vector<16xi32>], vector<16xf32>,
          %swap3A_568 = arith.constant 0 : i32
          %swap3A_569 = arith.constant 4 : i32
          %swap3A_570 = arith.index_cast %swap3A_568 : i32 to index
          %swap3A_571 = arith.index_cast %swap3A_569 : i32 to index
          %swap3A_572 = arith.index_cast %mul3A_557 : i32 to index
          %swap3A_573 = tpu.vector_load %arg8[%swap3A_570, %swap3A_571, %swap3A_572] {strides = array<i32>} : memref<1x8x4096xf32, #tpu.memory_space<vmem>>, vector<16xf32>,
          tpu.vector_store %arg8[%swap3A_570, %swap3A_571, %swap3A_572], %gather3A_567 {strides = array<i32>} : memref<1x8x4096xf32, #tpu.memory_space<vmem>>, vector<16xf32>,
          %mul3A_574 = arith.constant 16 : i32
          %mul3A_575 = arith.muli %scan3A_486, %mul3A_574 : i32
          %get3A_576 = arith.constant 0 : i32
          %get3A_577 = arith.constant 5 : i32
          %get3A_578 = arith.index_cast %get3A_576 : i32 to index
          %get3A_579 = arith.index_cast %get3A_577 : i32 to index
          %get3A_580 = arith.index_cast %mul3A_575 : i32 to index
          %get3A_581 = tpu.vector_load %arg8[%get3A_578, %get3A_579, %get3A_580] {strides = array<i32>} : memref<1x8x4096xf32, #tpu.memory_space<vmem>>, vector<16xf32>,
          %convert_element_type3A_582 = arith.fptosi %get3A_581 : vector<16xf32> to vector<16xi32>
          %add3A_583 = vector.broadcast %mul3A_480 : i32 to vector<16xi32>
          %add3A_584 = arith.addi %convert_element_type3A_582, %add3A_583 : vector<16xi32>
          %gather3A_585 = tpu.vector_load_idx %arg5[%add3A_584] : memref<10000xf32, #tpu.memory_space<vmem>>[vector<16xi32>], vector<16xf32>,
          %swap3A_586 = arith.constant 0 : i32
          %swap3A_587 = arith.constant 5 : i32
          %swap3A_588 = arith.index_cast %swap3A_586 : i32 to index
          %swap3A_589 = arith.index_cast %swap3A_587 : i32 to index
          %swap3A_590 = arith.index_cast %mul3A_575 : i32 to index
          %swap3A_591 = tpu.vector_load %arg8[%swap3A_588, %swap3A_589, %swap3A_590] {strides = array<i32>} : memref<1x8x4096xf32, #tpu.memory_space<vmem>>, vector<16xf32>,
          tpu.vector_store %arg8[%swap3A_588, %swap3A_589, %swap3A_590], %gather3A_585 {strides = array<i32>} : memref<1x8x4096xf32, #tpu.memory_space<vmem>>, vector<16xf32>,
          %mul3A_592 = arith.constant 16 : i32
          %mul3A_593 = arith.muli %scan3A_486, %mul3A_592 : i32
          %get3A_594 = arith.constant 0 : i32
          %get3A_595 = arith.constant 6 : i32
          %get3A_596 = arith.index_cast %get3A_594 : i32 to index
          %get3A_597 = arith.index_cast %get3A_595 : i32 to index
          %get3A_598 = arith.index_cast %mul3A_593 : i32 to index
          %get3A_599 = tpu.vector_load %arg8[%get3A_596, %get3A_597, %get3A_598] {strides = array<i32>} : memref<1x8x4096xf32, #tpu.memory_space<vmem>>, vector<16xf32>,
          %convert_element_type3A_600 = arith.fptosi %get3A_599 : vector<16xf32> to vector<16xi32>
          %add3A_601 = vector.broadcast %mul3A_480 : i32 to vector<16xi32>
          %add3A_602 = arith.addi %convert_element_type3A_600, %add3A_601 : vector<16xi32>
          %gather3A_603 = tpu.vector_load_idx %arg5[%add3A_602] : memref<10000xf32, #tpu.memory_space<vmem>>[vector<16xi32>], vector<16xf32>,
          %swap3A_604 = arith.constant 0 : i32
          %swap3A_605 = arith.constant 6 : i32
          %swap3A_606 = arith.index_cast %swap3A_604 : i32 to index
          %swap3A_607 = arith.index_cast %swap3A_605 : i32 to index
          %swap3A_608 = arith.index_cast %mul3A_593 : i32 to index
          %swap3A_609 = tpu.vector_load %arg8[%swap3A_606, %swap3A_607, %swap3A_608] {strides = array<i32>} : memref<1x8x4096xf32, #tpu.memory_space<vmem>>, vector<16xf32>,
          tpu.vector_store %arg8[%swap3A_606, %swap3A_607, %swap3A_608], %gather3A_603 {strides = array<i32>} : memref<1x8x4096xf32, #tpu.memory_space<vmem>>, vector<16xf32>,
          %mul3A_610 = arith.constant 16 : i32
          %mul3A_611 = arith.muli %scan3A_486, %mul3A_610 : i32
          %get3A_612 = arith.constant 0 : i32
          %get3A_613 = arith.constant 7 : i32
          %get3A_614 = arith.index_cast %get3A_612 : i32 to index
          %get3A_615 = arith.index_cast %get3A_613 : i32 to index
          %get3A_616 = arith.index_cast %mul3A_611 : i32 to index
          %get3A_617 = tpu.vector_load %arg8[%get3A_614, %get3A_615, %get3A_616] {strides = array<i32>} : memref<1x8x4096xf32, #tpu.memory_space<vmem>>, vector<16xf32>,
          %convert_element_type3A_618 = arith.fptosi %get3A_617 : vector<16xf32> to vector<16xi32>
          %add3A_619 = vector.broadcast %mul3A_480 : i32 to vector<16xi32>
          %add3A_620 = arith.addi %convert_element_type3A_618, %add3A_619 : vector<16xi32>
          %gather3A_621 = tpu.vector_load_idx %arg5[%add3A_620] : memref<10000xf32, #tpu.memory_space<vmem>>[vector<16xi32>], vector<16xf32>,
          %swap3A_622 = arith.constant 0 : i32
          %swap3A_623 = arith.constant 7 : i32
          %swap3A_624 = arith.index_cast %swap3A_622 : i32 to index
          %swap3A_625 = arith.index_cast %swap3A_623 : i32 to index
          %swap3A_626 = arith.index_cast %mul3A_611 : i32 to index
          %swap3A_627 = tpu.vector_load %arg8[%swap3A_624, %swap3A_625, %swap3A_626] {strides = array<i32>} : memref<1x8x4096xf32, #tpu.memory_space<vmem>>, vector<16xf32>,
          tpu.vector_store %arg8[%swap3A_624, %swap3A_625, %swap3A_626], %gather3A_621 {strides = array<i32>} : memref<1x8x4096xf32, #tpu.memory_space<vmem>>, vector<16xf32>,
        }
        %scan3A_485 = arith.constant 256 : i32
      } else {
      }
      %add3A_467 = arith.constant 352 : i32
      %add3A_468 = arith.addi %add3A, %add3A_467 : i32
      %dma_start3A = arith.constant 0 : i32
      %dma_start3A_469 = arith.constant 0 : i32
      %dma_start3A_470 = tpu.memref_slice %arg4[%add3A_468, %dma_start3A, %dma_start3A_469] : memref<650x8x4096xf32, #tpu.memory_space<hbm>> -> memref<1x8x4096xf32, #tpu.memory_space<hbm>>
      %dma_start3A_471 = arith.constant 0 : i32
      %dma_start3A_472 = arith.constant 0 : i32
      %dma_start3A_473 = tpu.memref_slice %arg4[%add3A_468, %dma_start3A_471, %dma_start3A_472] : memref<650x8x4096xf32, #tpu.memory_space<hbm>> -> memref<1x8x4096xf32, #tpu.memory_space<hbm>>
      tpu.enqueue_dma source(%arg8 : memref<1x8x4096xf32, #tpu.memory_space<vmem>>) target(%dma_start3A_473 : memref<1x8x4096xf32, #tpu.memory_space<hbm>>) target_semaphore(%arg14 : memref<!tpu.dma_semaphore, #tpu.memory_space<semaphore_mem>>)
    } else {
    }
    %add3A_243 = arith.constant 320 : i32
    %add3A_244 = arith.addi %add3A, %add3A_243 : i32
    %lt3A_245 = arith.constant 650 : i32
    %lt3A_246 = arith.cmpi slt, %add3A_244, %lt3A_245 : i32
    %convert_element_type3A_247 = arith.extui %lt3A_246 : i1 to i32
    %cond3A_248 = arith.constant 0 : i32
    %cond3A_249 = arith.cmpi ne, %convert_element_type3A_247, %cond3A_248 : i32
    scf.if %cond3A_249 {
      %add3A_453 = arith.constant 320 : i32
      %add3A_454 = arith.addi %add3A, %add3A_453 : i32
      %dma_wait3A = arith.constant 0 : i32
      %dma_wait3A_455 = arith.constant 0 : i32
      %dma_wait3A_456 = tpu.memref_slice %arg4[%add3A_454, %dma_wait3A, %dma_wait3A_455] : memref<650x8x4096xf32, #tpu.memory_space<hbm>> -> memref<1x8x4096xf32, #tpu.memory_space<hbm>>
      %dma_wait3A_457 = arith.constant 0 : i32
      %dma_wait3A_458 = arith.constant 0 : i32
      %dma_wait3A_459 = tpu.memref_slice %arg4[%add3A_454, %dma_wait3A_457, %dma_wait3A_458] : memref<650x8x4096xf32, #tpu.memory_space<hbm>> -> memref<1x8x4096xf32, #tpu.memory_space<hbm>>
      tpu.wait_dma2 semaphore(%arg13 : memref<!tpu.dma_semaphore, #tpu.memory_space<semaphore_mem>>) src(%arg7 : memref<1x8x4096xf32, #tpu.memory_space<vmem>>) dst(%dma_wait3A_459 : memref<1x8x4096xf32, #tpu.memory_space<hbm>>)
    } else {
    }
    %add3A_250 = arith.constant 416 : i32
    %add3A_251 = arith.addi %add3A, %add3A_250 : i32
    %lt3A_252 = arith.constant 650 : i32
    %lt3A_253 = arith.cmpi slt, %add3A_251, %lt3A_252 : i32
    %convert_element_type3A_254 = arith.extui %lt3A_253 : i1 to i32
    %cond3A_255 = arith.constant 0 : i32
    %cond3A_256 = arith.cmpi ne, %convert_element_type3A_254, %cond3A_255 : i32
    scf.if %cond3A_256 {
      %add3A_453 = arith.constant 416 : i32
      %add3A_454 = arith.addi %add3A, %add3A_453 : i32
      %dma_start3A = arith.constant 0 : i32
      %dma_start3A_455 = arith.constant 0 : i32
      %dma_start3A_456 = tpu.memref_slice %arg2[%add3A_454, %dma_start3A, %dma_start3A_455] : memref<650x8x4096xf32, #tpu.memory_space<hbm>> -> memref<1x8x4096xf32, #tpu.memory_space<hbm>>
      %dma_start3A_457 = arith.constant 0 : i32
      %dma_start3A_458 = arith.constant 0 : i32
      %dma_start3A_459 = tpu.memref_slice %arg2[%add3A_454, %dma_start3A_457, %dma_start3A_458] : memref<650x8x4096xf32, #tpu.memory_space<hbm>> -> memref<1x8x4096xf32, #tpu.memory_space<hbm>>
      tpu.enqueue_dma source(%dma_start3A_459 : memref<1x8x4096xf32, #tpu.memory_space<hbm>>) target(%arg7 : memref<1x8x4096xf32, #tpu.memory_space<vmem>>) target_semaphore(%arg10 : memref<!tpu.dma_semaphore, #tpu.memory_space<semaphore_mem>>)
    } else {
    }
    %add3A_257 = arith.constant 384 : i32
    %add3A_258 = arith.addi %add3A, %add3A_257 : i32
    %lt3A_259 = arith.constant 650 : i32
    %lt3A_260 = arith.cmpi slt, %add3A_258, %lt3A_259 : i32
    %convert_element_type3A_261 = arith.extui %lt3A_260 : i1 to i32
    %cond3A_262 = arith.constant 0 : i32
    %cond3A_263 = arith.cmpi ne, %convert_element_type3A_261, %cond3A_262 : i32
    scf.if %cond3A_263 {
      %add3A_453 = arith.constant 384 : i32
      %add3A_454 = arith.addi %add3A, %add3A_453 : i32
      %dma_wait3A = arith.constant 0 : i32
      %dma_wait3A_455 = arith.constant 0 : i32
      %dma_wait3A_456 = tpu.memref_slice %arg2[%add3A_454, %dma_wait3A, %dma_wait3A_455] : memref<650x8x4096xf32, #tpu.memory_space<hbm>> -> memref<1x8x4096xf32, #tpu.memory_space<hbm>>
      %dma_wait3A_457 = arith.constant 0 : i32
      %dma_wait3A_458 = arith.constant 0 : i32
      %dma_wait3A_459 = tpu.memref_slice %arg2[%add3A_454, %dma_wait3A_457, %dma_wait3A_458] : memref<650x8x4096xf32, #tpu.memory_space<hbm>> -> memref<1x8x4096xf32, #tpu.memory_space<hbm>>
      tpu.wait_dma2 semaphore(%arg9 : memref<!tpu.dma_semaphore, #tpu.memory_space<semaphore_mem>>) src(%dma_wait3A_459 : memref<1x8x4096xf32, #tpu.memory_space<hbm>>) dst(%arg6 : memref<1x8x4096xf32, #tpu.memory_space<vmem>>)
      %add3A_460 = arith.constant 384 : i32
      %add3A_461 = arith.addi %add3A, %add3A_460 : i32
      %lt3A_462 = arith.constant 250 : i32
      %lt3A_463 = arith.cmpi slt, %add3A_461, %lt3A_462 : i32
      %convert_element_type3A_464 = arith.extui %lt3A_463 : i1 to i32
      %cond3A_465 = arith.constant 0 : i32
      %cond3A_466 = arith.cmpi ne, %convert_element_type3A_464, %cond3A_465 : i32
      scf.if %cond3A_466 {
        %add3A_474 = arith.constant 384 : i32
        %add3A_475 = arith.addi %add3A, %add3A_474 : i32
        %mul3A_476 = arith.constant 41944 : i32
        %mul3A_477 = arith.muli %add3A_475, %mul3A_476 : i32
        %shift_right_arithmetic3A = arith.constant 20 : i32
        %shift_right_arithmetic3A_478 = arith.shrsi %mul3A_477, %shift_right_arithmetic3A : i32
        %mul3A_479 = arith.constant 1000 : i32
        %mul3A_480 = arith.muli %shift_right_arithmetic3A_478, %mul3A_479 : i32
        %scan3A = arith.constant 0 : i32
        %scan3A_481 = arith.constant 0 : i32
        %scan3A_482 = arith.constant 256 : i32
        %scan3A_483 = arith.addi %scan3A_481, %scan3A_482 : i32
        %scan3A_484 = arith.constant 1 : i32
        scf.for %scan3A_486 = %scan3A_481 to %scan3A_483 step %scan3A_484  : i32 {
          %mul3A_487 = arith.constant 16 : i32
          %mul3A_488 = arith.muli %scan3A_486, %mul3A_487 : i32
          %get3A = arith.constant 0 : i32
          %get3A_489 = arith.constant 0 : i32
          %get3A_490 = arith.index_cast %get3A : i32 to index
          %get3A_491 = arith.index_cast %get3A_489 : i32 to index
          %get3A_492 = arith.index_cast %mul3A_488 : i32 to index
          %get3A_493 = tpu.vector_load %arg6[%get3A_490, %get3A_491, %get3A_492] {strides = array<i32>} : memref<1x8x4096xf32, #tpu.memory_space<vmem>>, vector<16xf32>,
          %convert_element_type3A_494 = arith.fptosi %get3A_493 : vector<16xf32> to vector<16xi32>
          %add3A_495 = vector.broadcast %mul3A_480 : i32 to vector<16xi32>
          %add3A_496 = arith.addi %convert_element_type3A_494, %add3A_495 : vector<16xi32>
          %gather3A = tpu.vector_load_idx %arg5[%add3A_496] : memref<10000xf32, #tpu.memory_space<vmem>>[vector<16xi32>], vector<16xf32>,
          %swap3A = arith.constant 0 : i32
          %swap3A_497 = arith.constant 0 : i32
          %swap3A_498 = arith.index_cast %swap3A : i32 to index
          %swap3A_499 = arith.index_cast %swap3A_497 : i32 to index
          %swap3A_500 = arith.index_cast %mul3A_488 : i32 to index
          %swap3A_501 = tpu.vector_load %arg6[%swap3A_498, %swap3A_499, %swap3A_500] {strides = array<i32>} : memref<1x8x4096xf32, #tpu.memory_space<vmem>>, vector<16xf32>,
          tpu.vector_store %arg6[%swap3A_498, %swap3A_499, %swap3A_500], %gather3A {strides = array<i32>} : memref<1x8x4096xf32, #tpu.memory_space<vmem>>, vector<16xf32>,
          %mul3A_502 = arith.constant 16 : i32
          %mul3A_503 = arith.muli %scan3A_486, %mul3A_502 : i32
          %get3A_504 = arith.constant 0 : i32
          %get3A_505 = arith.constant 1 : i32
          %get3A_506 = arith.index_cast %get3A_504 : i32 to index
          %get3A_507 = arith.index_cast %get3A_505 : i32 to index
          %get3A_508 = arith.index_cast %mul3A_503 : i32 to index
          %get3A_509 = tpu.vector_load %arg6[%get3A_506, %get3A_507, %get3A_508] {strides = array<i32>} : memref<1x8x4096xf32, #tpu.memory_space<vmem>>, vector<16xf32>,
          %convert_element_type3A_510 = arith.fptosi %get3A_509 : vector<16xf32> to vector<16xi32>
          %add3A_511 = vector.broadcast %mul3A_480 : i32 to vector<16xi32>
          %add3A_512 = arith.addi %convert_element_type3A_510, %add3A_511 : vector<16xi32>
          %gather3A_513 = tpu.vector_load_idx %arg5[%add3A_512] : memref<10000xf32, #tpu.memory_space<vmem>>[vector<16xi32>], vector<16xf32>,
          %swap3A_514 = arith.constant 0 : i32
          %swap3A_515 = arith.constant 1 : i32
          %swap3A_516 = arith.index_cast %swap3A_514 : i32 to index
          %swap3A_517 = arith.index_cast %swap3A_515 : i32 to index
          %swap3A_518 = arith.index_cast %mul3A_503 : i32 to index
          %swap3A_519 = tpu.vector_load %arg6[%swap3A_516, %swap3A_517, %swap3A_518] {strides = array<i32>} : memref<1x8x4096xf32, #tpu.memory_space<vmem>>, vector<16xf32>,
          tpu.vector_store %arg6[%swap3A_516, %swap3A_517, %swap3A_518], %gather3A_513 {strides = array<i32>} : memref<1x8x4096xf32, #tpu.memory_space<vmem>>, vector<16xf32>,
          %mul3A_520 = arith.constant 16 : i32
          %mul3A_521 = arith.muli %scan3A_486, %mul3A_520 : i32
          %get3A_522 = arith.constant 0 : i32
          %get3A_523 = arith.constant 2 : i32
          %get3A_524 = arith.index_cast %get3A_522 : i32 to index
          %get3A_525 = arith.index_cast %get3A_523 : i32 to index
          %get3A_526 = arith.index_cast %mul3A_521 : i32 to index
          %get3A_527 = tpu.vector_load %arg6[%get3A_524, %get3A_525, %get3A_526] {strides = array<i32>} : memref<1x8x4096xf32, #tpu.memory_space<vmem>>, vector<16xf32>,
          %convert_element_type3A_528 = arith.fptosi %get3A_527 : vector<16xf32> to vector<16xi32>
          %add3A_529 = vector.broadcast %mul3A_480 : i32 to vector<16xi32>
          %add3A_530 = arith.addi %convert_element_type3A_528, %add3A_529 : vector<16xi32>
          %gather3A_531 = tpu.vector_load_idx %arg5[%add3A_530] : memref<10000xf32, #tpu.memory_space<vmem>>[vector<16xi32>], vector<16xf32>,
          %swap3A_532 = arith.constant 0 : i32
          %swap3A_533 = arith.constant 2 : i32
          %swap3A_534 = arith.index_cast %swap3A_532 : i32 to index
          %swap3A_535 = arith.index_cast %swap3A_533 : i32 to index
          %swap3A_536 = arith.index_cast %mul3A_521 : i32 to index
          %swap3A_537 = tpu.vector_load %arg6[%swap3A_534, %swap3A_535, %swap3A_536] {strides = array<i32>} : memref<1x8x4096xf32, #tpu.memory_space<vmem>>, vector<16xf32>,
          tpu.vector_store %arg6[%swap3A_534, %swap3A_535, %swap3A_536], %gather3A_531 {strides = array<i32>} : memref<1x8x4096xf32, #tpu.memory_space<vmem>>, vector<16xf32>,
          %mul3A_538 = arith.constant 16 : i32
          %mul3A_539 = arith.muli %scan3A_486, %mul3A_538 : i32
          %get3A_540 = arith.constant 0 : i32
          %get3A_541 = arith.constant 3 : i32
          %get3A_542 = arith.index_cast %get3A_540 : i32 to index
          %get3A_543 = arith.index_cast %get3A_541 : i32 to index
          %get3A_544 = arith.index_cast %mul3A_539 : i32 to index
          %get3A_545 = tpu.vector_load %arg6[%get3A_542, %get3A_543, %get3A_544] {strides = array<i32>} : memref<1x8x4096xf32, #tpu.memory_space<vmem>>, vector<16xf32>,
          %convert_element_type3A_546 = arith.fptosi %get3A_545 : vector<16xf32> to vector<16xi32>
          %add3A_547 = vector.broadcast %mul3A_480 : i32 to vector<16xi32>
          %add3A_548 = arith.addi %convert_element_type3A_546, %add3A_547 : vector<16xi32>
          %gather3A_549 = tpu.vector_load_idx %arg5[%add3A_548] : memref<10000xf32, #tpu.memory_space<vmem>>[vector<16xi32>], vector<16xf32>,
          %swap3A_550 = arith.constant 0 : i32
          %swap3A_551 = arith.constant 3 : i32
          %swap3A_552 = arith.index_cast %swap3A_550 : i32 to index
          %swap3A_553 = arith.index_cast %swap3A_551 : i32 to index
          %swap3A_554 = arith.index_cast %mul3A_539 : i32 to index
          %swap3A_555 = tpu.vector_load %arg6[%swap3A_552, %swap3A_553, %swap3A_554] {strides = array<i32>} : memref<1x8x4096xf32, #tpu.memory_space<vmem>>, vector<16xf32>,
          tpu.vector_store %arg6[%swap3A_552, %swap3A_553, %swap3A_554], %gather3A_549 {strides = array<i32>} : memref<1x8x4096xf32, #tpu.memory_space<vmem>>, vector<16xf32>,
          %mul3A_556 = arith.constant 16 : i32
          %mul3A_557 = arith.muli %scan3A_486, %mul3A_556 : i32
          %get3A_558 = arith.constant 0 : i32
          %get3A_559 = arith.constant 4 : i32
          %get3A_560 = arith.index_cast %get3A_558 : i32 to index
          %get3A_561 = arith.index_cast %get3A_559 : i32 to index
          %get3A_562 = arith.index_cast %mul3A_557 : i32 to index
          %get3A_563 = tpu.vector_load %arg6[%get3A_560, %get3A_561, %get3A_562] {strides = array<i32>} : memref<1x8x4096xf32, #tpu.memory_space<vmem>>, vector<16xf32>,
          %convert_element_type3A_564 = arith.fptosi %get3A_563 : vector<16xf32> to vector<16xi32>
          %add3A_565 = vector.broadcast %mul3A_480 : i32 to vector<16xi32>
          %add3A_566 = arith.addi %convert_element_type3A_564, %add3A_565 : vector<16xi32>
          %gather3A_567 = tpu.vector_load_idx %arg5[%add3A_566] : memref<10000xf32, #tpu.memory_space<vmem>>[vector<16xi32>], vector<16xf32>,
          %swap3A_568 = arith.constant 0 : i32
          %swap3A_569 = arith.constant 4 : i32
          %swap3A_570 = arith.index_cast %swap3A_568 : i32 to index
          %swap3A_571 = arith.index_cast %swap3A_569 : i32 to index
          %swap3A_572 = arith.index_cast %mul3A_557 : i32 to index
          %swap3A_573 = tpu.vector_load %arg6[%swap3A_570, %swap3A_571, %swap3A_572] {strides = array<i32>} : memref<1x8x4096xf32, #tpu.memory_space<vmem>>, vector<16xf32>,
          tpu.vector_store %arg6[%swap3A_570, %swap3A_571, %swap3A_572], %gather3A_567 {strides = array<i32>} : memref<1x8x4096xf32, #tpu.memory_space<vmem>>, vector<16xf32>,
          %mul3A_574 = arith.constant 16 : i32
          %mul3A_575 = arith.muli %scan3A_486, %mul3A_574 : i32
          %get3A_576 = arith.constant 0 : i32
          %get3A_577 = arith.constant 5 : i32
          %get3A_578 = arith.index_cast %get3A_576 : i32 to index
          %get3A_579 = arith.index_cast %get3A_577 : i32 to index
          %get3A_580 = arith.index_cast %mul3A_575 : i32 to index
          %get3A_581 = tpu.vector_load %arg6[%get3A_578, %get3A_579, %get3A_580] {strides = array<i32>} : memref<1x8x4096xf32, #tpu.memory_space<vmem>>, vector<16xf32>,
          %convert_element_type3A_582 = arith.fptosi %get3A_581 : vector<16xf32> to vector<16xi32>
          %add3A_583 = vector.broadcast %mul3A_480 : i32 to vector<16xi32>
          %add3A_584 = arith.addi %convert_element_type3A_582, %add3A_583 : vector<16xi32>
          %gather3A_585 = tpu.vector_load_idx %arg5[%add3A_584] : memref<10000xf32, #tpu.memory_space<vmem>>[vector<16xi32>], vector<16xf32>,
          %swap3A_586 = arith.constant 0 : i32
          %swap3A_587 = arith.constant 5 : i32
          %swap3A_588 = arith.index_cast %swap3A_586 : i32 to index
          %swap3A_589 = arith.index_cast %swap3A_587 : i32 to index
          %swap3A_590 = arith.index_cast %mul3A_575 : i32 to index
          %swap3A_591 = tpu.vector_load %arg6[%swap3A_588, %swap3A_589, %swap3A_590] {strides = array<i32>} : memref<1x8x4096xf32, #tpu.memory_space<vmem>>, vector<16xf32>,
          tpu.vector_store %arg6[%swap3A_588, %swap3A_589, %swap3A_590], %gather3A_585 {strides = array<i32>} : memref<1x8x4096xf32, #tpu.memory_space<vmem>>, vector<16xf32>,
          %mul3A_592 = arith.constant 16 : i32
          %mul3A_593 = arith.muli %scan3A_486, %mul3A_592 : i32
          %get3A_594 = arith.constant 0 : i32
          %get3A_595 = arith.constant 6 : i32
          %get3A_596 = arith.index_cast %get3A_594 : i32 to index
          %get3A_597 = arith.index_cast %get3A_595 : i32 to index
          %get3A_598 = arith.index_cast %mul3A_593 : i32 to index
          %get3A_599 = tpu.vector_load %arg6[%get3A_596, %get3A_597, %get3A_598] {strides = array<i32>} : memref<1x8x4096xf32, #tpu.memory_space<vmem>>, vector<16xf32>,
          %convert_element_type3A_600 = arith.fptosi %get3A_599 : vector<16xf32> to vector<16xi32>
          %add3A_601 = vector.broadcast %mul3A_480 : i32 to vector<16xi32>
          %add3A_602 = arith.addi %convert_element_type3A_600, %add3A_601 : vector<16xi32>
          %gather3A_603 = tpu.vector_load_idx %arg5[%add3A_602] : memref<10000xf32, #tpu.memory_space<vmem>>[vector<16xi32>], vector<16xf32>,
          %swap3A_604 = arith.constant 0 : i32
          %swap3A_605 = arith.constant 6 : i32
          %swap3A_606 = arith.index_cast %swap3A_604 : i32 to index
          %swap3A_607 = arith.index_cast %swap3A_605 : i32 to index
          %swap3A_608 = arith.index_cast %mul3A_593 : i32 to index
          %swap3A_609 = tpu.vector_load %arg6[%swap3A_606, %swap3A_607, %swap3A_608] {strides = array<i32>} : memref<1x8x4096xf32, #tpu.memory_space<vmem>>, vector<16xf32>,
          tpu.vector_store %arg6[%swap3A_606, %swap3A_607, %swap3A_608], %gather3A_603 {strides = array<i32>} : memref<1x8x4096xf32, #tpu.memory_space<vmem>>, vector<16xf32>,
          %mul3A_610 = arith.constant 16 : i32
          %mul3A_611 = arith.muli %scan3A_486, %mul3A_610 : i32
          %get3A_612 = arith.constant 0 : i32
          %get3A_613 = arith.constant 7 : i32
          %get3A_614 = arith.index_cast %get3A_612 : i32 to index
          %get3A_615 = arith.index_cast %get3A_613 : i32 to index
          %get3A_616 = arith.index_cast %mul3A_611 : i32 to index
          %get3A_617 = tpu.vector_load %arg6[%get3A_614, %get3A_615, %get3A_616] {strides = array<i32>} : memref<1x8x4096xf32, #tpu.memory_space<vmem>>, vector<16xf32>,
          %convert_element_type3A_618 = arith.fptosi %get3A_617 : vector<16xf32> to vector<16xi32>
          %add3A_619 = vector.broadcast %mul3A_480 : i32 to vector<16xi32>
          %add3A_620 = arith.addi %convert_element_type3A_618, %add3A_619 : vector<16xi32>
          %gather3A_621 = tpu.vector_load_idx %arg5[%add3A_620] : memref<10000xf32, #tpu.memory_space<vmem>>[vector<16xi32>], vector<16xf32>,
          %swap3A_622 = arith.constant 0 : i32
          %swap3A_623 = arith.constant 7 : i32
          %swap3A_624 = arith.index_cast %swap3A_622 : i32 to index
          %swap3A_625 = arith.index_cast %swap3A_623 : i32 to index
          %swap3A_626 = arith.index_cast %mul3A_611 : i32 to index
          %swap3A_627 = tpu.vector_load %arg6[%swap3A_624, %swap3A_625, %swap3A_626] {strides = array<i32>} : memref<1x8x4096xf32, #tpu.memory_space<vmem>>, vector<16xf32>,
          tpu.vector_store %arg6[%swap3A_624, %swap3A_625, %swap3A_626], %gather3A_621 {strides = array<i32>} : memref<1x8x4096xf32, #tpu.memory_space<vmem>>, vector<16xf32>,
        }
        %scan3A_485 = arith.constant 256 : i32
      } else {
      }
      %add3A_467 = arith.constant 384 : i32
      %add3A_468 = arith.addi %add3A, %add3A_467 : i32
      %dma_start3A = arith.constant 0 : i32
      %dma_start3A_469 = arith.constant 0 : i32
      %dma_start3A_470 = tpu.memref_slice %arg4[%add3A_468, %dma_start3A, %dma_start3A_469] : memref<650x8x4096xf32, #tpu.memory_space<hbm>> -> memref<1x8x4096xf32, #tpu.memory_space<hbm>>
      %dma_start3A_471 = arith.constant 0 : i32
      %dma_start3A_472 = arith.constant 0 : i32
      %dma_start3A_473 = tpu.memref_slice %arg4[%add3A_468, %dma_start3A_471, %dma_start3A_472] : memref<650x8x4096xf32, #tpu.memory_space<hbm>> -> memref<1x8x4096xf32, #tpu.memory_space<hbm>>
      tpu.enqueue_dma source(%arg6 : memref<1x8x4096xf32, #tpu.memory_space<vmem>>) target(%dma_start3A_473 : memref<1x8x4096xf32, #tpu.memory_space<hbm>>) target_semaphore(%arg12 : memref<!tpu.dma_semaphore, #tpu.memory_space<semaphore_mem>>)
    } else {
    }
    %add3A_264 = arith.constant 352 : i32
    %add3A_265 = arith.addi %add3A, %add3A_264 : i32
    %lt3A_266 = arith.constant 650 : i32
    %lt3A_267 = arith.cmpi slt, %add3A_265, %lt3A_266 : i32
    %convert_element_type3A_268 = arith.extui %lt3A_267 : i1 to i32
    %cond3A_269 = arith.constant 0 : i32
    %cond3A_270 = arith.cmpi ne, %convert_element_type3A_268, %cond3A_269 : i32
    scf.if %cond3A_270 {
      %add3A_453 = arith.constant 352 : i32
      %add3A_454 = arith.addi %add3A, %add3A_453 : i32
      %dma_wait3A = arith.constant 0 : i32
      %dma_wait3A_455 = arith.constant 0 : i32
      %dma_wait3A_456 = tpu.memref_slice %arg4[%add3A_454, %dma_wait3A, %dma_wait3A_455] : memref<650x8x4096xf32, #tpu.memory_space<hbm>> -> memref<1x8x4096xf32, #tpu.memory_space<hbm>>
      %dma_wait3A_457 = arith.constant 0 : i32
      %dma_wait3A_458 = arith.constant 0 : i32
      %dma_wait3A_459 = tpu.memref_slice %arg4[%add3A_454, %dma_wait3A_457, %dma_wait3A_458] : memref<650x8x4096xf32, #tpu.memory_space<hbm>> -> memref<1x8x4096xf32, #tpu.memory_space<hbm>>
      tpu.wait_dma2 semaphore(%arg14 : memref<!tpu.dma_semaphore, #tpu.memory_space<semaphore_mem>>) src(%arg8 : memref<1x8x4096xf32, #tpu.memory_space<vmem>>) dst(%dma_wait3A_459 : memref<1x8x4096xf32, #tpu.memory_space<hbm>>)
    } else {
    }
    %add3A_271 = arith.constant 448 : i32
    %add3A_272 = arith.addi %add3A, %add3A_271 : i32
    %lt3A_273 = arith.constant 650 : i32
    %lt3A_274 = arith.cmpi slt, %add3A_272, %lt3A_273 : i32
    %convert_element_type3A_275 = arith.extui %lt3A_274 : i1 to i32
    %cond3A_276 = arith.constant 0 : i32
    %cond3A_277 = arith.cmpi ne, %convert_element_type3A_275, %cond3A_276 : i32
    scf.if %cond3A_277 {
      %add3A_453 = arith.constant 448 : i32
      %add3A_454 = arith.addi %add3A, %add3A_453 : i32
      %dma_start3A = arith.constant 0 : i32
      %dma_start3A_455 = arith.constant 0 : i32
      %dma_start3A_456 = tpu.memref_slice %arg2[%add3A_454, %dma_start3A, %dma_start3A_455] : memref<650x8x4096xf32, #tpu.memory_space<hbm>> -> memref<1x8x4096xf32, #tpu.memory_space<hbm>>
      %dma_start3A_457 = arith.constant 0 : i32
      %dma_start3A_458 = arith.constant 0 : i32
      %dma_start3A_459 = tpu.memref_slice %arg2[%add3A_454, %dma_start3A_457, %dma_start3A_458] : memref<650x8x4096xf32, #tpu.memory_space<hbm>> -> memref<1x8x4096xf32, #tpu.memory_space<hbm>>
      tpu.enqueue_dma source(%dma_start3A_459 : memref<1x8x4096xf32, #tpu.memory_space<hbm>>) target(%arg8 : memref<1x8x4096xf32, #tpu.memory_space<vmem>>) target_semaphore(%arg11 : memref<!tpu.dma_semaphore, #tpu.memory_space<semaphore_mem>>)
    } else {
    }
    %add3A_278 = arith.constant 416 : i32
    %add3A_279 = arith.addi %add3A, %add3A_278 : i32
    %lt3A_280 = arith.constant 650 : i32
    %lt3A_281 = arith.cmpi slt, %add3A_279, %lt3A_280 : i32
    %convert_element_type3A_282 = arith.extui %lt3A_281 : i1 to i32
    %cond3A_283 = arith.constant 0 : i32
    %cond3A_284 = arith.cmpi ne, %convert_element_type3A_282, %cond3A_283 : i32
    scf.if %cond3A_284 {
      %add3A_453 = arith.constant 416 : i32
      %add3A_454 = arith.addi %add3A, %add3A_453 : i32
      %dma_wait3A = arith.constant 0 : i32
      %dma_wait3A_455 = arith.constant 0 : i32
      %dma_wait3A_456 = tpu.memref_slice %arg2[%add3A_454, %dma_wait3A, %dma_wait3A_455] : memref<650x8x4096xf32, #tpu.memory_space<hbm>> -> memref<1x8x4096xf32, #tpu.memory_space<hbm>>
      %dma_wait3A_457 = arith.constant 0 : i32
      %dma_wait3A_458 = arith.constant 0 : i32
      %dma_wait3A_459 = tpu.memref_slice %arg2[%add3A_454, %dma_wait3A_457, %dma_wait3A_458] : memref<650x8x4096xf32, #tpu.memory_space<hbm>> -> memref<1x8x4096xf32, #tpu.memory_space<hbm>>
      tpu.wait_dma2 semaphore(%arg10 : memref<!tpu.dma_semaphore, #tpu.memory_space<semaphore_mem>>) src(%dma_wait3A_459 : memref<1x8x4096xf32, #tpu.memory_space<hbm>>) dst(%arg7 : memref<1x8x4096xf32, #tpu.memory_space<vmem>>)
      %add3A_460 = arith.constant 416 : i32
      %add3A_461 = arith.addi %add3A, %add3A_460 : i32
      %lt3A_462 = arith.constant 250 : i32
      %lt3A_463 = arith.cmpi slt, %add3A_461, %lt3A_462 : i32
      %convert_element_type3A_464 = arith.extui %lt3A_463 : i1 to i32
      %cond3A_465 = arith.constant 0 : i32
      %cond3A_466 = arith.cmpi ne, %convert_element_type3A_464, %cond3A_465 : i32
      scf.if %cond3A_466 {
        %add3A_474 = arith.constant 416 : i32
        %add3A_475 = arith.addi %add3A, %add3A_474 : i32
        %mul3A_476 = arith.constant 41944 : i32
        %mul3A_477 = arith.muli %add3A_475, %mul3A_476 : i32
        %shift_right_arithmetic3A = arith.constant 20 : i32
        %shift_right_arithmetic3A_478 = arith.shrsi %mul3A_477, %shift_right_arithmetic3A : i32
        %mul3A_479 = arith.constant 1000 : i32
        %mul3A_480 = arith.muli %shift_right_arithmetic3A_478, %mul3A_479 : i32
        %scan3A = arith.constant 0 : i32
        %scan3A_481 = arith.constant 0 : i32
        %scan3A_482 = arith.constant 256 : i32
        %scan3A_483 = arith.addi %scan3A_481, %scan3A_482 : i32
        %scan3A_484 = arith.constant 1 : i32
        scf.for %scan3A_486 = %scan3A_481 to %scan3A_483 step %scan3A_484  : i32 {
          %mul3A_487 = arith.constant 16 : i32
          %mul3A_488 = arith.muli %scan3A_486, %mul3A_487 : i32
          %get3A = arith.constant 0 : i32
          %get3A_489 = arith.constant 0 : i32
          %get3A_490 = arith.index_cast %get3A : i32 to index
          %get3A_491 = arith.index_cast %get3A_489 : i32 to index
          %get3A_492 = arith.index_cast %mul3A_488 : i32 to index
          %get3A_493 = tpu.vector_load %arg7[%get3A_490, %get3A_491, %get3A_492] {strides = array<i32>} : memref<1x8x4096xf32, #tpu.memory_space<vmem>>, vector<16xf32>,
          %convert_element_type3A_494 = arith.fptosi %get3A_493 : vector<16xf32> to vector<16xi32>
          %add3A_495 = vector.broadcast %mul3A_480 : i32 to vector<16xi32>
          %add3A_496 = arith.addi %convert_element_type3A_494, %add3A_495 : vector<16xi32>
          %gather3A = tpu.vector_load_idx %arg5[%add3A_496] : memref<10000xf32, #tpu.memory_space<vmem>>[vector<16xi32>], vector<16xf32>,
          %swap3A = arith.constant 0 : i32
          %swap3A_497 = arith.constant 0 : i32
          %swap3A_498 = arith.index_cast %swap3A : i32 to index
          %swap3A_499 = arith.index_cast %swap3A_497 : i32 to index
          %swap3A_500 = arith.index_cast %mul3A_488 : i32 to index
          %swap3A_501 = tpu.vector_load %arg7[%swap3A_498, %swap3A_499, %swap3A_500] {strides = array<i32>} : memref<1x8x4096xf32, #tpu.memory_space<vmem>>, vector<16xf32>,
          tpu.vector_store %arg7[%swap3A_498, %swap3A_499, %swap3A_500], %gather3A {strides = array<i32>} : memref<1x8x4096xf32, #tpu.memory_space<vmem>>, vector<16xf32>,
          %mul3A_502 = arith.constant 16 : i32
          %mul3A_503 = arith.muli %scan3A_486, %mul3A_502 : i32
          %get3A_504 = arith.constant 0 : i32
          %get3A_505 = arith.constant 1 : i32
          %get3A_506 = arith.index_cast %get3A_504 : i32 to index
          %get3A_507 = arith.index_cast %get3A_505 : i32 to index
          %get3A_508 = arith.index_cast %mul3A_503 : i32 to index
          %get3A_509 = tpu.vector_load %arg7[%get3A_506, %get3A_507, %get3A_508] {strides = array<i32>} : memref<1x8x4096xf32, #tpu.memory_space<vmem>>, vector<16xf32>,
          %convert_element_type3A_510 = arith.fptosi %get3A_509 : vector<16xf32> to vector<16xi32>
          %add3A_511 = vector.broadcast %mul3A_480 : i32 to vector<16xi32>
          %add3A_512 = arith.addi %convert_element_type3A_510, %add3A_511 : vector<16xi32>
          %gather3A_513 = tpu.vector_load_idx %arg5[%add3A_512] : memref<10000xf32, #tpu.memory_space<vmem>>[vector<16xi32>], vector<16xf32>,
          %swap3A_514 = arith.constant 0 : i32
          %swap3A_515 = arith.constant 1 : i32
          %swap3A_516 = arith.index_cast %swap3A_514 : i32 to index
          %swap3A_517 = arith.index_cast %swap3A_515 : i32 to index
          %swap3A_518 = arith.index_cast %mul3A_503 : i32 to index
          %swap3A_519 = tpu.vector_load %arg7[%swap3A_516, %swap3A_517, %swap3A_518] {strides = array<i32>} : memref<1x8x4096xf32, #tpu.memory_space<vmem>>, vector<16xf32>,
          tpu.vector_store %arg7[%swap3A_516, %swap3A_517, %swap3A_518], %gather3A_513 {strides = array<i32>} : memref<1x8x4096xf32, #tpu.memory_space<vmem>>, vector<16xf32>,
          %mul3A_520 = arith.constant 16 : i32
          %mul3A_521 = arith.muli %scan3A_486, %mul3A_520 : i32
          %get3A_522 = arith.constant 0 : i32
          %get3A_523 = arith.constant 2 : i32
          %get3A_524 = arith.index_cast %get3A_522 : i32 to index
          %get3A_525 = arith.index_cast %get3A_523 : i32 to index
          %get3A_526 = arith.index_cast %mul3A_521 : i32 to index
          %get3A_527 = tpu.vector_load %arg7[%get3A_524, %get3A_525, %get3A_526] {strides = array<i32>} : memref<1x8x4096xf32, #tpu.memory_space<vmem>>, vector<16xf32>,
          %convert_element_type3A_528 = arith.fptosi %get3A_527 : vector<16xf32> to vector<16xi32>
          %add3A_529 = vector.broadcast %mul3A_480 : i32 to vector<16xi32>
          %add3A_530 = arith.addi %convert_element_type3A_528, %add3A_529 : vector<16xi32>
          %gather3A_531 = tpu.vector_load_idx %arg5[%add3A_530] : memref<10000xf32, #tpu.memory_space<vmem>>[vector<16xi32>], vector<16xf32>,
          %swap3A_532 = arith.constant 0 : i32
          %swap3A_533 = arith.constant 2 : i32
          %swap3A_534 = arith.index_cast %swap3A_532 : i32 to index
          %swap3A_535 = arith.index_cast %swap3A_533 : i32 to index
          %swap3A_536 = arith.index_cast %mul3A_521 : i32 to index
          %swap3A_537 = tpu.vector_load %arg7[%swap3A_534, %swap3A_535, %swap3A_536] {strides = array<i32>} : memref<1x8x4096xf32, #tpu.memory_space<vmem>>, vector<16xf32>,
          tpu.vector_store %arg7[%swap3A_534, %swap3A_535, %swap3A_536], %gather3A_531 {strides = array<i32>} : memref<1x8x4096xf32, #tpu.memory_space<vmem>>, vector<16xf32>,
          %mul3A_538 = arith.constant 16 : i32
          %mul3A_539 = arith.muli %scan3A_486, %mul3A_538 : i32
          %get3A_540 = arith.constant 0 : i32
          %get3A_541 = arith.constant 3 : i32
          %get3A_542 = arith.index_cast %get3A_540 : i32 to index
          %get3A_543 = arith.index_cast %get3A_541 : i32 to index
          %get3A_544 = arith.index_cast %mul3A_539 : i32 to index
          %get3A_545 = tpu.vector_load %arg7[%get3A_542, %get3A_543, %get3A_544] {strides = array<i32>} : memref<1x8x4096xf32, #tpu.memory_space<vmem>>, vector<16xf32>,
          %convert_element_type3A_546 = arith.fptosi %get3A_545 : vector<16xf32> to vector<16xi32>
          %add3A_547 = vector.broadcast %mul3A_480 : i32 to vector<16xi32>
          %add3A_548 = arith.addi %convert_element_type3A_546, %add3A_547 : vector<16xi32>
          %gather3A_549 = tpu.vector_load_idx %arg5[%add3A_548] : memref<10000xf32, #tpu.memory_space<vmem>>[vector<16xi32>], vector<16xf32>,
          %swap3A_550 = arith.constant 0 : i32
          %swap3A_551 = arith.constant 3 : i32
          %swap3A_552 = arith.index_cast %swap3A_550 : i32 to index
          %swap3A_553 = arith.index_cast %swap3A_551 : i32 to index
          %swap3A_554 = arith.index_cast %mul3A_539 : i32 to index
          %swap3A_555 = tpu.vector_load %arg7[%swap3A_552, %swap3A_553, %swap3A_554] {strides = array<i32>} : memref<1x8x4096xf32, #tpu.memory_space<vmem>>, vector<16xf32>,
          tpu.vector_store %arg7[%swap3A_552, %swap3A_553, %swap3A_554], %gather3A_549 {strides = array<i32>} : memref<1x8x4096xf32, #tpu.memory_space<vmem>>, vector<16xf32>,
          %mul3A_556 = arith.constant 16 : i32
          %mul3A_557 = arith.muli %scan3A_486, %mul3A_556 : i32
          %get3A_558 = arith.constant 0 : i32
          %get3A_559 = arith.constant 4 : i32
          %get3A_560 = arith.index_cast %get3A_558 : i32 to index
          %get3A_561 = arith.index_cast %get3A_559 : i32 to index
          %get3A_562 = arith.index_cast %mul3A_557 : i32 to index
          %get3A_563 = tpu.vector_load %arg7[%get3A_560, %get3A_561, %get3A_562] {strides = array<i32>} : memref<1x8x4096xf32, #tpu.memory_space<vmem>>, vector<16xf32>,
          %convert_element_type3A_564 = arith.fptosi %get3A_563 : vector<16xf32> to vector<16xi32>
          %add3A_565 = vector.broadcast %mul3A_480 : i32 to vector<16xi32>
          %add3A_566 = arith.addi %convert_element_type3A_564, %add3A_565 : vector<16xi32>
          %gather3A_567 = tpu.vector_load_idx %arg5[%add3A_566] : memref<10000xf32, #tpu.memory_space<vmem>>[vector<16xi32>], vector<16xf32>,
          %swap3A_568 = arith.constant 0 : i32
          %swap3A_569 = arith.constant 4 : i32
          %swap3A_570 = arith.index_cast %swap3A_568 : i32 to index
          %swap3A_571 = arith.index_cast %swap3A_569 : i32 to index
          %swap3A_572 = arith.index_cast %mul3A_557 : i32 to index
          %swap3A_573 = tpu.vector_load %arg7[%swap3A_570, %swap3A_571, %swap3A_572] {strides = array<i32>} : memref<1x8x4096xf32, #tpu.memory_space<vmem>>, vector<16xf32>,
          tpu.vector_store %arg7[%swap3A_570, %swap3A_571, %swap3A_572], %gather3A_567 {strides = array<i32>} : memref<1x8x4096xf32, #tpu.memory_space<vmem>>, vector<16xf32>,
          %mul3A_574 = arith.constant 16 : i32
          %mul3A_575 = arith.muli %scan3A_486, %mul3A_574 : i32
          %get3A_576 = arith.constant 0 : i32
          %get3A_577 = arith.constant 5 : i32
          %get3A_578 = arith.index_cast %get3A_576 : i32 to index
          %get3A_579 = arith.index_cast %get3A_577 : i32 to index
          %get3A_580 = arith.index_cast %mul3A_575 : i32 to index
          %get3A_581 = tpu.vector_load %arg7[%get3A_578, %get3A_579, %get3A_580] {strides = array<i32>} : memref<1x8x4096xf32, #tpu.memory_space<vmem>>, vector<16xf32>,
          %convert_element_type3A_582 = arith.fptosi %get3A_581 : vector<16xf32> to vector<16xi32>
          %add3A_583 = vector.broadcast %mul3A_480 : i32 to vector<16xi32>
          %add3A_584 = arith.addi %convert_element_type3A_582, %add3A_583 : vector<16xi32>
          %gather3A_585 = tpu.vector_load_idx %arg5[%add3A_584] : memref<10000xf32, #tpu.memory_space<vmem>>[vector<16xi32>], vector<16xf32>,
          %swap3A_586 = arith.constant 0 : i32
          %swap3A_587 = arith.constant 5 : i32
          %swap3A_588 = arith.index_cast %swap3A_586 : i32 to index
          %swap3A_589 = arith.index_cast %swap3A_587 : i32 to index
          %swap3A_590 = arith.index_cast %mul3A_575 : i32 to index
          %swap3A_591 = tpu.vector_load %arg7[%swap3A_588, %swap3A_589, %swap3A_590] {strides = array<i32>} : memref<1x8x4096xf32, #tpu.memory_space<vmem>>, vector<16xf32>,
          tpu.vector_store %arg7[%swap3A_588, %swap3A_589, %swap3A_590], %gather3A_585 {strides = array<i32>} : memref<1x8x4096xf32, #tpu.memory_space<vmem>>, vector<16xf32>,
          %mul3A_592 = arith.constant 16 : i32
          %mul3A_593 = arith.muli %scan3A_486, %mul3A_592 : i32
          %get3A_594 = arith.constant 0 : i32
          %get3A_595 = arith.constant 6 : i32
          %get3A_596 = arith.index_cast %get3A_594 : i32 to index
          %get3A_597 = arith.index_cast %get3A_595 : i32 to index
          %get3A_598 = arith.index_cast %mul3A_593 : i32 to index
          %get3A_599 = tpu.vector_load %arg7[%get3A_596, %get3A_597, %get3A_598] {strides = array<i32>} : memref<1x8x4096xf32, #tpu.memory_space<vmem>>, vector<16xf32>,
          %convert_element_type3A_600 = arith.fptosi %get3A_599 : vector<16xf32> to vector<16xi32>
          %add3A_601 = vector.broadcast %mul3A_480 : i32 to vector<16xi32>
          %add3A_602 = arith.addi %convert_element_type3A_600, %add3A_601 : vector<16xi32>
          %gather3A_603 = tpu.vector_load_idx %arg5[%add3A_602] : memref<10000xf32, #tpu.memory_space<vmem>>[vector<16xi32>], vector<16xf32>,
          %swap3A_604 = arith.constant 0 : i32
          %swap3A_605 = arith.constant 6 : i32
          %swap3A_606 = arith.index_cast %swap3A_604 : i32 to index
          %swap3A_607 = arith.index_cast %swap3A_605 : i32 to index
          %swap3A_608 = arith.index_cast %mul3A_593 : i32 to index
          %swap3A_609 = tpu.vector_load %arg7[%swap3A_606, %swap3A_607, %swap3A_608] {strides = array<i32>} : memref<1x8x4096xf32, #tpu.memory_space<vmem>>, vector<16xf32>,
          tpu.vector_store %arg7[%swap3A_606, %swap3A_607, %swap3A_608], %gather3A_603 {strides = array<i32>} : memref<1x8x4096xf32, #tpu.memory_space<vmem>>, vector<16xf32>,
          %mul3A_610 = arith.constant 16 : i32
          %mul3A_611 = arith.muli %scan3A_486, %mul3A_610 : i32
          %get3A_612 = arith.constant 0 : i32
          %get3A_613 = arith.constant 7 : i32
          %get3A_614 = arith.index_cast %get3A_612 : i32 to index
          %get3A_615 = arith.index_cast %get3A_613 : i32 to index
          %get3A_616 = arith.index_cast %mul3A_611 : i32 to index
          %get3A_617 = tpu.vector_load %arg7[%get3A_614, %get3A_615, %get3A_616] {strides = array<i32>} : memref<1x8x4096xf32, #tpu.memory_space<vmem>>, vector<16xf32>,
          %convert_element_type3A_618 = arith.fptosi %get3A_617 : vector<16xf32> to vector<16xi32>
          %add3A_619 = vector.broadcast %mul3A_480 : i32 to vector<16xi32>
          %add3A_620 = arith.addi %convert_element_type3A_618, %add3A_619 : vector<16xi32>
          %gather3A_621 = tpu.vector_load_idx %arg5[%add3A_620] : memref<10000xf32, #tpu.memory_space<vmem>>[vector<16xi32>], vector<16xf32>,
          %swap3A_622 = arith.constant 0 : i32
          %swap3A_623 = arith.constant 7 : i32
          %swap3A_624 = arith.index_cast %swap3A_622 : i32 to index
          %swap3A_625 = arith.index_cast %swap3A_623 : i32 to index
          %swap3A_626 = arith.index_cast %mul3A_611 : i32 to index
          %swap3A_627 = tpu.vector_load %arg7[%swap3A_624, %swap3A_625, %swap3A_626] {strides = array<i32>} : memref<1x8x4096xf32, #tpu.memory_space<vmem>>, vector<16xf32>,
          tpu.vector_store %arg7[%swap3A_624, %swap3A_625, %swap3A_626], %gather3A_621 {strides = array<i32>} : memref<1x8x4096xf32, #tpu.memory_space<vmem>>, vector<16xf32>,
        }
        %scan3A_485 = arith.constant 256 : i32
      } else {
      }
      %add3A_467 = arith.constant 416 : i32
      %add3A_468 = arith.addi %add3A, %add3A_467 : i32
      %dma_start3A = arith.constant 0 : i32
      %dma_start3A_469 = arith.constant 0 : i32
      %dma_start3A_470 = tpu.memref_slice %arg4[%add3A_468, %dma_start3A, %dma_start3A_469] : memref<650x8x4096xf32, #tpu.memory_space<hbm>> -> memref<1x8x4096xf32, #tpu.memory_space<hbm>>
      %dma_start3A_471 = arith.constant 0 : i32
      %dma_start3A_472 = arith.constant 0 : i32
      %dma_start3A_473 = tpu.memref_slice %arg4[%add3A_468, %dma_start3A_471, %dma_start3A_472] : memref<650x8x4096xf32, #tpu.memory_space<hbm>> -> memref<1x8x4096xf32, #tpu.memory_space<hbm>>
      tpu.enqueue_dma source(%arg7 : memref<1x8x4096xf32, #tpu.memory_space<vmem>>) target(%dma_start3A_473 : memref<1x8x4096xf32, #tpu.memory_space<hbm>>) target_semaphore(%arg13 : memref<!tpu.dma_semaphore, #tpu.memory_space<semaphore_mem>>)
    } else {
    }
    %add3A_285 = arith.constant 384 : i32
    %add3A_286 = arith.addi %add3A, %add3A_285 : i32
    %lt3A_287 = arith.constant 650 : i32
    %lt3A_288 = arith.cmpi slt, %add3A_286, %lt3A_287 : i32
    %convert_element_type3A_289 = arith.extui %lt3A_288 : i1 to i32
    %cond3A_290 = arith.constant 0 : i32
    %cond3A_291 = arith.cmpi ne, %convert_element_type3A_289, %cond3A_290 : i32
    scf.if %cond3A_291 {
      %add3A_453 = arith.constant 384 : i32
      %add3A_454 = arith.addi %add3A, %add3A_453 : i32
      %dma_wait3A = arith.constant 0 : i32
      %dma_wait3A_455 = arith.constant 0 : i32
      %dma_wait3A_456 = tpu.memref_slice %arg4[%add3A_454, %dma_wait3A, %dma_wait3A_455] : memref<650x8x4096xf32, #tpu.memory_space<hbm>> -> memref<1x8x4096xf32, #tpu.memory_space<hbm>>
      %dma_wait3A_457 = arith.constant 0 : i32
      %dma_wait3A_458 = arith.constant 0 : i32
      %dma_wait3A_459 = tpu.memref_slice %arg4[%add3A_454, %dma_wait3A_457, %dma_wait3A_458] : memref<650x8x4096xf32, #tpu.memory_space<hbm>> -> memref<1x8x4096xf32, #tpu.memory_space<hbm>>
      tpu.wait_dma2 semaphore(%arg12 : memref<!tpu.dma_semaphore, #tpu.memory_space<semaphore_mem>>) src(%arg6 : memref<1x8x4096xf32, #tpu.memory_space<vmem>>) dst(%dma_wait3A_459 : memref<1x8x4096xf32, #tpu.memory_space<hbm>>)
    } else {
    }
    %add3A_292 = arith.constant 480 : i32
    %add3A_293 = arith.addi %add3A, %add3A_292 : i32
    %lt3A_294 = arith.constant 650 : i32
    %lt3A_295 = arith.cmpi slt, %add3A_293, %lt3A_294 : i32
    %convert_element_type3A_296 = arith.extui %lt3A_295 : i1 to i32
    %cond3A_297 = arith.constant 0 : i32
    %cond3A_298 = arith.cmpi ne, %convert_element_type3A_296, %cond3A_297 : i32
    scf.if %cond3A_298 {
      %add3A_453 = arith.constant 480 : i32
      %add3A_454 = arith.addi %add3A, %add3A_453 : i32
      %dma_start3A = arith.constant 0 : i32
      %dma_start3A_455 = arith.constant 0 : i32
      %dma_start3A_456 = tpu.memref_slice %arg2[%add3A_454, %dma_start3A, %dma_start3A_455] : memref<650x8x4096xf32, #tpu.memory_space<hbm>> -> memref<1x8x4096xf32, #tpu.memory_space<hbm>>
      %dma_start3A_457 = arith.constant 0 : i32
      %dma_start3A_458 = arith.constant 0 : i32
      %dma_start3A_459 = tpu.memref_slice %arg2[%add3A_454, %dma_start3A_457, %dma_start3A_458] : memref<650x8x4096xf32, #tpu.memory_space<hbm>> -> memref<1x8x4096xf32, #tpu.memory_space<hbm>>
      tpu.enqueue_dma source(%dma_start3A_459 : memref<1x8x4096xf32, #tpu.memory_space<hbm>>) target(%arg6 : memref<1x8x4096xf32, #tpu.memory_space<vmem>>) target_semaphore(%arg9 : memref<!tpu.dma_semaphore, #tpu.memory_space<semaphore_mem>>)
    } else {
    }
    %add3A_299 = arith.constant 448 : i32
    %add3A_300 = arith.addi %add3A, %add3A_299 : i32
    %lt3A_301 = arith.constant 650 : i32
    %lt3A_302 = arith.cmpi slt, %add3A_300, %lt3A_301 : i32
    %convert_element_type3A_303 = arith.extui %lt3A_302 : i1 to i32
    %cond3A_304 = arith.constant 0 : i32
    %cond3A_305 = arith.cmpi ne, %convert_element_type3A_303, %cond3A_304 : i32
    scf.if %cond3A_305 {
      %add3A_453 = arith.constant 448 : i32
      %add3A_454 = arith.addi %add3A, %add3A_453 : i32
      %dma_wait3A = arith.constant 0 : i32
      %dma_wait3A_455 = arith.constant 0 : i32
      %dma_wait3A_456 = tpu.memref_slice %arg2[%add3A_454, %dma_wait3A, %dma_wait3A_455] : memref<650x8x4096xf32, #tpu.memory_space<hbm>> -> memref<1x8x4096xf32, #tpu.memory_space<hbm>>
      %dma_wait3A_457 = arith.constant 0 : i32
      %dma_wait3A_458 = arith.constant 0 : i32
      %dma_wait3A_459 = tpu.memref_slice %arg2[%add3A_454, %dma_wait3A_457, %dma_wait3A_458] : memref<650x8x4096xf32, #tpu.memory_space<hbm>> -> memref<1x8x4096xf32, #tpu.memory_space<hbm>>
      tpu.wait_dma2 semaphore(%arg11 : memref<!tpu.dma_semaphore, #tpu.memory_space<semaphore_mem>>) src(%dma_wait3A_459 : memref<1x8x4096xf32, #tpu.memory_space<hbm>>) dst(%arg8 : memref<1x8x4096xf32, #tpu.memory_space<vmem>>)
      %add3A_460 = arith.constant 448 : i32
      %add3A_461 = arith.addi %add3A, %add3A_460 : i32
      %lt3A_462 = arith.constant 250 : i32
      %lt3A_463 = arith.cmpi slt, %add3A_461, %lt3A_462 : i32
      %convert_element_type3A_464 = arith.extui %lt3A_463 : i1 to i32
      %cond3A_465 = arith.constant 0 : i32
      %cond3A_466 = arith.cmpi ne, %convert_element_type3A_464, %cond3A_465 : i32
      scf.if %cond3A_466 {
        %add3A_474 = arith.constant 448 : i32
        %add3A_475 = arith.addi %add3A, %add3A_474 : i32
        %mul3A_476 = arith.constant 41944 : i32
        %mul3A_477 = arith.muli %add3A_475, %mul3A_476 : i32
        %shift_right_arithmetic3A = arith.constant 20 : i32
        %shift_right_arithmetic3A_478 = arith.shrsi %mul3A_477, %shift_right_arithmetic3A : i32
        %mul3A_479 = arith.constant 1000 : i32
        %mul3A_480 = arith.muli %shift_right_arithmetic3A_478, %mul3A_479 : i32
        %scan3A = arith.constant 0 : i32
        %scan3A_481 = arith.constant 0 : i32
        %scan3A_482 = arith.constant 256 : i32
        %scan3A_483 = arith.addi %scan3A_481, %scan3A_482 : i32
        %scan3A_484 = arith.constant 1 : i32
        scf.for %scan3A_486 = %scan3A_481 to %scan3A_483 step %scan3A_484  : i32 {
          %mul3A_487 = arith.constant 16 : i32
          %mul3A_488 = arith.muli %scan3A_486, %mul3A_487 : i32
          %get3A = arith.constant 0 : i32
          %get3A_489 = arith.constant 0 : i32
          %get3A_490 = arith.index_cast %get3A : i32 to index
          %get3A_491 = arith.index_cast %get3A_489 : i32 to index
          %get3A_492 = arith.index_cast %mul3A_488 : i32 to index
          %get3A_493 = tpu.vector_load %arg8[%get3A_490, %get3A_491, %get3A_492] {strides = array<i32>} : memref<1x8x4096xf32, #tpu.memory_space<vmem>>, vector<16xf32>,
          %convert_element_type3A_494 = arith.fptosi %get3A_493 : vector<16xf32> to vector<16xi32>
          %add3A_495 = vector.broadcast %mul3A_480 : i32 to vector<16xi32>
          %add3A_496 = arith.addi %convert_element_type3A_494, %add3A_495 : vector<16xi32>
          %gather3A = tpu.vector_load_idx %arg5[%add3A_496] : memref<10000xf32, #tpu.memory_space<vmem>>[vector<16xi32>], vector<16xf32>,
          %swap3A = arith.constant 0 : i32
          %swap3A_497 = arith.constant 0 : i32
          %swap3A_498 = arith.index_cast %swap3A : i32 to index
          %swap3A_499 = arith.index_cast %swap3A_497 : i32 to index
          %swap3A_500 = arith.index_cast %mul3A_488 : i32 to index
          %swap3A_501 = tpu.vector_load %arg8[%swap3A_498, %swap3A_499, %swap3A_500] {strides = array<i32>} : memref<1x8x4096xf32, #tpu.memory_space<vmem>>, vector<16xf32>,
          tpu.vector_store %arg8[%swap3A_498, %swap3A_499, %swap3A_500], %gather3A {strides = array<i32>} : memref<1x8x4096xf32, #tpu.memory_space<vmem>>, vector<16xf32>,
          %mul3A_502 = arith.constant 16 : i32
          %mul3A_503 = arith.muli %scan3A_486, %mul3A_502 : i32
          %get3A_504 = arith.constant 0 : i32
          %get3A_505 = arith.constant 1 : i32
          %get3A_506 = arith.index_cast %get3A_504 : i32 to index
          %get3A_507 = arith.index_cast %get3A_505 : i32 to index
          %get3A_508 = arith.index_cast %mul3A_503 : i32 to index
          %get3A_509 = tpu.vector_load %arg8[%get3A_506, %get3A_507, %get3A_508] {strides = array<i32>} : memref<1x8x4096xf32, #tpu.memory_space<vmem>>, vector<16xf32>,
          %convert_element_type3A_510 = arith.fptosi %get3A_509 : vector<16xf32> to vector<16xi32>
          %add3A_511 = vector.broadcast %mul3A_480 : i32 to vector<16xi32>
          %add3A_512 = arith.addi %convert_element_type3A_510, %add3A_511 : vector<16xi32>
          %gather3A_513 = tpu.vector_load_idx %arg5[%add3A_512] : memref<10000xf32, #tpu.memory_space<vmem>>[vector<16xi32>], vector<16xf32>,
          %swap3A_514 = arith.constant 0 : i32
          %swap3A_515 = arith.constant 1 : i32
          %swap3A_516 = arith.index_cast %swap3A_514 : i32 to index
          %swap3A_517 = arith.index_cast %swap3A_515 : i32 to index
          %swap3A_518 = arith.index_cast %mul3A_503 : i32 to index
          %swap3A_519 = tpu.vector_load %arg8[%swap3A_516, %swap3A_517, %swap3A_518] {strides = array<i32>} : memref<1x8x4096xf32, #tpu.memory_space<vmem>>, vector<16xf32>,
          tpu.vector_store %arg8[%swap3A_516, %swap3A_517, %swap3A_518], %gather3A_513 {strides = array<i32>} : memref<1x8x4096xf32, #tpu.memory_space<vmem>>, vector<16xf32>,
          %mul3A_520 = arith.constant 16 : i32
          %mul3A_521 = arith.muli %scan3A_486, %mul3A_520 : i32
          %get3A_522 = arith.constant 0 : i32
          %get3A_523 = arith.constant 2 : i32
          %get3A_524 = arith.index_cast %get3A_522 : i32 to index
          %get3A_525 = arith.index_cast %get3A_523 : i32 to index
          %get3A_526 = arith.index_cast %mul3A_521 : i32 to index
          %get3A_527 = tpu.vector_load %arg8[%get3A_524, %get3A_525, %get3A_526] {strides = array<i32>} : memref<1x8x4096xf32, #tpu.memory_space<vmem>>, vector<16xf32>,
          %convert_element_type3A_528 = arith.fptosi %get3A_527 : vector<16xf32> to vector<16xi32>
          %add3A_529 = vector.broadcast %mul3A_480 : i32 to vector<16xi32>
          %add3A_530 = arith.addi %convert_element_type3A_528, %add3A_529 : vector<16xi32>
          %gather3A_531 = tpu.vector_load_idx %arg5[%add3A_530] : memref<10000xf32, #tpu.memory_space<vmem>>[vector<16xi32>], vector<16xf32>,
          %swap3A_532 = arith.constant 0 : i32
          %swap3A_533 = arith.constant 2 : i32
          %swap3A_534 = arith.index_cast %swap3A_532 : i32 to index
          %swap3A_535 = arith.index_cast %swap3A_533 : i32 to index
          %swap3A_536 = arith.index_cast %mul3A_521 : i32 to index
          %swap3A_537 = tpu.vector_load %arg8[%swap3A_534, %swap3A_535, %swap3A_536] {strides = array<i32>} : memref<1x8x4096xf32, #tpu.memory_space<vmem>>, vector<16xf32>,
          tpu.vector_store %arg8[%swap3A_534, %swap3A_535, %swap3A_536], %gather3A_531 {strides = array<i32>} : memref<1x8x4096xf32, #tpu.memory_space<vmem>>, vector<16xf32>,
          %mul3A_538 = arith.constant 16 : i32
          %mul3A_539 = arith.muli %scan3A_486, %mul3A_538 : i32
          %get3A_540 = arith.constant 0 : i32
          %get3A_541 = arith.constant 3 : i32
          %get3A_542 = arith.index_cast %get3A_540 : i32 to index
          %get3A_543 = arith.index_cast %get3A_541 : i32 to index
          %get3A_544 = arith.index_cast %mul3A_539 : i32 to index
          %get3A_545 = tpu.vector_load %arg8[%get3A_542, %get3A_543, %get3A_544] {strides = array<i32>} : memref<1x8x4096xf32, #tpu.memory_space<vmem>>, vector<16xf32>,
          %convert_element_type3A_546 = arith.fptosi %get3A_545 : vector<16xf32> to vector<16xi32>
          %add3A_547 = vector.broadcast %mul3A_480 : i32 to vector<16xi32>
          %add3A_548 = arith.addi %convert_element_type3A_546, %add3A_547 : vector<16xi32>
          %gather3A_549 = tpu.vector_load_idx %arg5[%add3A_548] : memref<10000xf32, #tpu.memory_space<vmem>>[vector<16xi32>], vector<16xf32>,
          %swap3A_550 = arith.constant 0 : i32
          %swap3A_551 = arith.constant 3 : i32
          %swap3A_552 = arith.index_cast %swap3A_550 : i32 to index
          %swap3A_553 = arith.index_cast %swap3A_551 : i32 to index
          %swap3A_554 = arith.index_cast %mul3A_539 : i32 to index
          %swap3A_555 = tpu.vector_load %arg8[%swap3A_552, %swap3A_553, %swap3A_554] {strides = array<i32>} : memref<1x8x4096xf32, #tpu.memory_space<vmem>>, vector<16xf32>,
          tpu.vector_store %arg8[%swap3A_552, %swap3A_553, %swap3A_554], %gather3A_549 {strides = array<i32>} : memref<1x8x4096xf32, #tpu.memory_space<vmem>>, vector<16xf32>,
          %mul3A_556 = arith.constant 16 : i32
          %mul3A_557 = arith.muli %scan3A_486, %mul3A_556 : i32
          %get3A_558 = arith.constant 0 : i32
          %get3A_559 = arith.constant 4 : i32
          %get3A_560 = arith.index_cast %get3A_558 : i32 to index
          %get3A_561 = arith.index_cast %get3A_559 : i32 to index
          %get3A_562 = arith.index_cast %mul3A_557 : i32 to index
          %get3A_563 = tpu.vector_load %arg8[%get3A_560, %get3A_561, %get3A_562] {strides = array<i32>} : memref<1x8x4096xf32, #tpu.memory_space<vmem>>, vector<16xf32>,
          %convert_element_type3A_564 = arith.fptosi %get3A_563 : vector<16xf32> to vector<16xi32>
          %add3A_565 = vector.broadcast %mul3A_480 : i32 to vector<16xi32>
          %add3A_566 = arith.addi %convert_element_type3A_564, %add3A_565 : vector<16xi32>
          %gather3A_567 = tpu.vector_load_idx %arg5[%add3A_566] : memref<10000xf32, #tpu.memory_space<vmem>>[vector<16xi32>], vector<16xf32>,
          %swap3A_568 = arith.constant 0 : i32
          %swap3A_569 = arith.constant 4 : i32
          %swap3A_570 = arith.index_cast %swap3A_568 : i32 to index
          %swap3A_571 = arith.index_cast %swap3A_569 : i32 to index
          %swap3A_572 = arith.index_cast %mul3A_557 : i32 to index
          %swap3A_573 = tpu.vector_load %arg8[%swap3A_570, %swap3A_571, %swap3A_572] {strides = array<i32>} : memref<1x8x4096xf32, #tpu.memory_space<vmem>>, vector<16xf32>,
          tpu.vector_store %arg8[%swap3A_570, %swap3A_571, %swap3A_572], %gather3A_567 {strides = array<i32>} : memref<1x8x4096xf32, #tpu.memory_space<vmem>>, vector<16xf32>,
          %mul3A_574 = arith.constant 16 : i32
          %mul3A_575 = arith.muli %scan3A_486, %mul3A_574 : i32
          %get3A_576 = arith.constant 0 : i32
          %get3A_577 = arith.constant 5 : i32
          %get3A_578 = arith.index_cast %get3A_576 : i32 to index
          %get3A_579 = arith.index_cast %get3A_577 : i32 to index
          %get3A_580 = arith.index_cast %mul3A_575 : i32 to index
          %get3A_581 = tpu.vector_load %arg8[%get3A_578, %get3A_579, %get3A_580] {strides = array<i32>} : memref<1x8x4096xf32, #tpu.memory_space<vmem>>, vector<16xf32>,
          %convert_element_type3A_582 = arith.fptosi %get3A_581 : vector<16xf32> to vector<16xi32>
          %add3A_583 = vector.broadcast %mul3A_480 : i32 to vector<16xi32>
          %add3A_584 = arith.addi %convert_element_type3A_582, %add3A_583 : vector<16xi32>
          %gather3A_585 = tpu.vector_load_idx %arg5[%add3A_584] : memref<10000xf32, #tpu.memory_space<vmem>>[vector<16xi32>], vector<16xf32>,
          %swap3A_586 = arith.constant 0 : i32
          %swap3A_587 = arith.constant 5 : i32
          %swap3A_588 = arith.index_cast %swap3A_586 : i32 to index
          %swap3A_589 = arith.index_cast %swap3A_587 : i32 to index
          %swap3A_590 = arith.index_cast %mul3A_575 : i32 to index
          %swap3A_591 = tpu.vector_load %arg8[%swap3A_588, %swap3A_589, %swap3A_590] {strides = array<i32>} : memref<1x8x4096xf32, #tpu.memory_space<vmem>>, vector<16xf32>,
          tpu.vector_store %arg8[%swap3A_588, %swap3A_589, %swap3A_590], %gather3A_585 {strides = array<i32>} : memref<1x8x4096xf32, #tpu.memory_space<vmem>>, vector<16xf32>,
          %mul3A_592 = arith.constant 16 : i32
          %mul3A_593 = arith.muli %scan3A_486, %mul3A_592 : i32
          %get3A_594 = arith.constant 0 : i32
          %get3A_595 = arith.constant 6 : i32
          %get3A_596 = arith.index_cast %get3A_594 : i32 to index
          %get3A_597 = arith.index_cast %get3A_595 : i32 to index
          %get3A_598 = arith.index_cast %mul3A_593 : i32 to index
          %get3A_599 = tpu.vector_load %arg8[%get3A_596, %get3A_597, %get3A_598] {strides = array<i32>} : memref<1x8x4096xf32, #tpu.memory_space<vmem>>, vector<16xf32>,
          %convert_element_type3A_600 = arith.fptosi %get3A_599 : vector<16xf32> to vector<16xi32>
          %add3A_601 = vector.broadcast %mul3A_480 : i32 to vector<16xi32>
          %add3A_602 = arith.addi %convert_element_type3A_600, %add3A_601 : vector<16xi32>
          %gather3A_603 = tpu.vector_load_idx %arg5[%add3A_602] : memref<10000xf32, #tpu.memory_space<vmem>>[vector<16xi32>], vector<16xf32>,
          %swap3A_604 = arith.constant 0 : i32
          %swap3A_605 = arith.constant 6 : i32
          %swap3A_606 = arith.index_cast %swap3A_604 : i32 to index
          %swap3A_607 = arith.index_cast %swap3A_605 : i32 to index
          %swap3A_608 = arith.index_cast %mul3A_593 : i32 to index
          %swap3A_609 = tpu.vector_load %arg8[%swap3A_606, %swap3A_607, %swap3A_608] {strides = array<i32>} : memref<1x8x4096xf32, #tpu.memory_space<vmem>>, vector<16xf32>,
          tpu.vector_store %arg8[%swap3A_606, %swap3A_607, %swap3A_608], %gather3A_603 {strides = array<i32>} : memref<1x8x4096xf32, #tpu.memory_space<vmem>>, vector<16xf32>,
          %mul3A_610 = arith.constant 16 : i32
          %mul3A_611 = arith.muli %scan3A_486, %mul3A_610 : i32
          %get3A_612 = arith.constant 0 : i32
          %get3A_613 = arith.constant 7 : i32
          %get3A_614 = arith.index_cast %get3A_612 : i32 to index
          %get3A_615 = arith.index_cast %get3A_613 : i32 to index
          %get3A_616 = arith.index_cast %mul3A_611 : i32 to index
          %get3A_617 = tpu.vector_load %arg8[%get3A_614, %get3A_615, %get3A_616] {strides = array<i32>} : memref<1x8x4096xf32, #tpu.memory_space<vmem>>, vector<16xf32>,
          %convert_element_type3A_618 = arith.fptosi %get3A_617 : vector<16xf32> to vector<16xi32>
          %add3A_619 = vector.broadcast %mul3A_480 : i32 to vector<16xi32>
          %add3A_620 = arith.addi %convert_element_type3A_618, %add3A_619 : vector<16xi32>
          %gather3A_621 = tpu.vector_load_idx %arg5[%add3A_620] : memref<10000xf32, #tpu.memory_space<vmem>>[vector<16xi32>], vector<16xf32>,
          %swap3A_622 = arith.constant 0 : i32
          %swap3A_623 = arith.constant 7 : i32
          %swap3A_624 = arith.index_cast %swap3A_622 : i32 to index
          %swap3A_625 = arith.index_cast %swap3A_623 : i32 to index
          %swap3A_626 = arith.index_cast %mul3A_611 : i32 to index
          %swap3A_627 = tpu.vector_load %arg8[%swap3A_624, %swap3A_625, %swap3A_626] {strides = array<i32>} : memref<1x8x4096xf32, #tpu.memory_space<vmem>>, vector<16xf32>,
          tpu.vector_store %arg8[%swap3A_624, %swap3A_625, %swap3A_626], %gather3A_621 {strides = array<i32>} : memref<1x8x4096xf32, #tpu.memory_space<vmem>>, vector<16xf32>,
        }
        %scan3A_485 = arith.constant 256 : i32
      } else {
      }
      %add3A_467 = arith.constant 448 : i32
      %add3A_468 = arith.addi %add3A, %add3A_467 : i32
      %dma_start3A = arith.constant 0 : i32
      %dma_start3A_469 = arith.constant 0 : i32
      %dma_start3A_470 = tpu.memref_slice %arg4[%add3A_468, %dma_start3A, %dma_start3A_469] : memref<650x8x4096xf32, #tpu.memory_space<hbm>> -> memref<1x8x4096xf32, #tpu.memory_space<hbm>>
      %dma_start3A_471 = arith.constant 0 : i32
      %dma_start3A_472 = arith.constant 0 : i32
      %dma_start3A_473 = tpu.memref_slice %arg4[%add3A_468, %dma_start3A_471, %dma_start3A_472] : memref<650x8x4096xf32, #tpu.memory_space<hbm>> -> memref<1x8x4096xf32, #tpu.memory_space<hbm>>
      tpu.enqueue_dma source(%arg8 : memref<1x8x4096xf32, #tpu.memory_space<vmem>>) target(%dma_start3A_473 : memref<1x8x4096xf32, #tpu.memory_space<hbm>>) target_semaphore(%arg14 : memref<!tpu.dma_semaphore, #tpu.memory_space<semaphore_mem>>)
    } else {
    }
    %add3A_306 = arith.constant 416 : i32
    %add3A_307 = arith.addi %add3A, %add3A_306 : i32
    %lt3A_308 = arith.constant 650 : i32
    %lt3A_309 = arith.cmpi slt, %add3A_307, %lt3A_308 : i32
    %convert_element_type3A_310 = arith.extui %lt3A_309 : i1 to i32
    %cond3A_311 = arith.constant 0 : i32
    %cond3A_312 = arith.cmpi ne, %convert_element_type3A_310, %cond3A_311 : i32
    scf.if %cond3A_312 {
      %add3A_453 = arith.constant 416 : i32
      %add3A_454 = arith.addi %add3A, %add3A_453 : i32
      %dma_wait3A = arith.constant 0 : i32
      %dma_wait3A_455 = arith.constant 0 : i32
      %dma_wait3A_456 = tpu.memref_slice %arg4[%add3A_454, %dma_wait3A, %dma_wait3A_455] : memref<650x8x4096xf32, #tpu.memory_space<hbm>> -> memref<1x8x4096xf32, #tpu.memory_space<hbm>>
      %dma_wait3A_457 = arith.constant 0 : i32
      %dma_wait3A_458 = arith.constant 0 : i32
      %dma_wait3A_459 = tpu.memref_slice %arg4[%add3A_454, %dma_wait3A_457, %dma_wait3A_458] : memref<650x8x4096xf32, #tpu.memory_space<hbm>> -> memref<1x8x4096xf32, #tpu.memory_space<hbm>>
      tpu.wait_dma2 semaphore(%arg13 : memref<!tpu.dma_semaphore, #tpu.memory_space<semaphore_mem>>) src(%arg7 : memref<1x8x4096xf32, #tpu.memory_space<vmem>>) dst(%dma_wait3A_459 : memref<1x8x4096xf32, #tpu.memory_space<hbm>>)
    } else {
    }
    %add3A_313 = arith.constant 512 : i32
    %add3A_314 = arith.addi %add3A, %add3A_313 : i32
    %lt3A_315 = arith.constant 650 : i32
    %lt3A_316 = arith.cmpi slt, %add3A_314, %lt3A_315 : i32
    %convert_element_type3A_317 = arith.extui %lt3A_316 : i1 to i32
    %cond3A_318 = arith.constant 0 : i32
    %cond3A_319 = arith.cmpi ne, %convert_element_type3A_317, %cond3A_318 : i32
    scf.if %cond3A_319 {
      %add3A_453 = arith.constant 512 : i32
      %add3A_454 = arith.addi %add3A, %add3A_453 : i32
      %dma_start3A = arith.constant 0 : i32
      %dma_start3A_455 = arith.constant 0 : i32
      %dma_start3A_456 = tpu.memref_slice %arg2[%add3A_454, %dma_start3A, %dma_start3A_455] : memref<650x8x4096xf32, #tpu.memory_space<hbm>> -> memref<1x8x4096xf32, #tpu.memory_space<hbm>>
      %dma_start3A_457 = arith.constant 0 : i32
      %dma_start3A_458 = arith.constant 0 : i32
      %dma_start3A_459 = tpu.memref_slice %arg2[%add3A_454, %dma_start3A_457, %dma_start3A_458] : memref<650x8x4096xf32, #tpu.memory_space<hbm>> -> memref<1x8x4096xf32, #tpu.memory_space<hbm>>
      tpu.enqueue_dma source(%dma_start3A_459 : memref<1x8x4096xf32, #tpu.memory_space<hbm>>) target(%arg7 : memref<1x8x4096xf32, #tpu.memory_space<vmem>>) target_semaphore(%arg10 : memref<!tpu.dma_semaphore, #tpu.memory_space<semaphore_mem>>)
    } else {
    }
    %add3A_320 = arith.constant 480 : i32
    %add3A_321 = arith.addi %add3A, %add3A_320 : i32
    %lt3A_322 = arith.constant 650 : i32
    %lt3A_323 = arith.cmpi slt, %add3A_321, %lt3A_322 : i32
    %convert_element_type3A_324 = arith.extui %lt3A_323 : i1 to i32
    %cond3A_325 = arith.constant 0 : i32
    %cond3A_326 = arith.cmpi ne, %convert_element_type3A_324, %cond3A_325 : i32
    scf.if %cond3A_326 {
      %add3A_453 = arith.constant 480 : i32
      %add3A_454 = arith.addi %add3A, %add3A_453 : i32
      %dma_wait3A = arith.constant 0 : i32
      %dma_wait3A_455 = arith.constant 0 : i32
      %dma_wait3A_456 = tpu.memref_slice %arg2[%add3A_454, %dma_wait3A, %dma_wait3A_455] : memref<650x8x4096xf32, #tpu.memory_space<hbm>> -> memref<1x8x4096xf32, #tpu.memory_space<hbm>>
      %dma_wait3A_457 = arith.constant 0 : i32
      %dma_wait3A_458 = arith.constant 0 : i32
      %dma_wait3A_459 = tpu.memref_slice %arg2[%add3A_454, %dma_wait3A_457, %dma_wait3A_458] : memref<650x8x4096xf32, #tpu.memory_space<hbm>> -> memref<1x8x4096xf32, #tpu.memory_space<hbm>>
      tpu.wait_dma2 semaphore(%arg9 : memref<!tpu.dma_semaphore, #tpu.memory_space<semaphore_mem>>) src(%dma_wait3A_459 : memref<1x8x4096xf32, #tpu.memory_space<hbm>>) dst(%arg6 : memref<1x8x4096xf32, #tpu.memory_space<vmem>>)
      %add3A_460 = arith.constant 480 : i32
      %add3A_461 = arith.addi %add3A, %add3A_460 : i32
      %lt3A_462 = arith.constant 250 : i32
      %lt3A_463 = arith.cmpi slt, %add3A_461, %lt3A_462 : i32
      %convert_element_type3A_464 = arith.extui %lt3A_463 : i1 to i32
      %cond3A_465 = arith.constant 0 : i32
      %cond3A_466 = arith.cmpi ne, %convert_element_type3A_464, %cond3A_465 : i32
      scf.if %cond3A_466 {
        %add3A_474 = arith.constant 480 : i32
        %add3A_475 = arith.addi %add3A, %add3A_474 : i32
        %mul3A_476 = arith.constant 41944 : i32
        %mul3A_477 = arith.muli %add3A_475, %mul3A_476 : i32
        %shift_right_arithmetic3A = arith.constant 20 : i32
        %shift_right_arithmetic3A_478 = arith.shrsi %mul3A_477, %shift_right_arithmetic3A : i32
        %mul3A_479 = arith.constant 1000 : i32
        %mul3A_480 = arith.muli %shift_right_arithmetic3A_478, %mul3A_479 : i32
        %scan3A = arith.constant 0 : i32
        %scan3A_481 = arith.constant 0 : i32
        %scan3A_482 = arith.constant 256 : i32
        %scan3A_483 = arith.addi %scan3A_481, %scan3A_482 : i32
        %scan3A_484 = arith.constant 1 : i32
        scf.for %scan3A_486 = %scan3A_481 to %scan3A_483 step %scan3A_484  : i32 {
          %mul3A_487 = arith.constant 16 : i32
          %mul3A_488 = arith.muli %scan3A_486, %mul3A_487 : i32
          %get3A = arith.constant 0 : i32
          %get3A_489 = arith.constant 0 : i32
          %get3A_490 = arith.index_cast %get3A : i32 to index
          %get3A_491 = arith.index_cast %get3A_489 : i32 to index
          %get3A_492 = arith.index_cast %mul3A_488 : i32 to index
          %get3A_493 = tpu.vector_load %arg6[%get3A_490, %get3A_491, %get3A_492] {strides = array<i32>} : memref<1x8x4096xf32, #tpu.memory_space<vmem>>, vector<16xf32>,
          %convert_element_type3A_494 = arith.fptosi %get3A_493 : vector<16xf32> to vector<16xi32>
          %add3A_495 = vector.broadcast %mul3A_480 : i32 to vector<16xi32>
          %add3A_496 = arith.addi %convert_element_type3A_494, %add3A_495 : vector<16xi32>
          %gather3A = tpu.vector_load_idx %arg5[%add3A_496] : memref<10000xf32, #tpu.memory_space<vmem>>[vector<16xi32>], vector<16xf32>,
          %swap3A = arith.constant 0 : i32
          %swap3A_497 = arith.constant 0 : i32
          %swap3A_498 = arith.index_cast %swap3A : i32 to index
          %swap3A_499 = arith.index_cast %swap3A_497 : i32 to index
          %swap3A_500 = arith.index_cast %mul3A_488 : i32 to index
          %swap3A_501 = tpu.vector_load %arg6[%swap3A_498, %swap3A_499, %swap3A_500] {strides = array<i32>} : memref<1x8x4096xf32, #tpu.memory_space<vmem>>, vector<16xf32>,
          tpu.vector_store %arg6[%swap3A_498, %swap3A_499, %swap3A_500], %gather3A {strides = array<i32>} : memref<1x8x4096xf32, #tpu.memory_space<vmem>>, vector<16xf32>,
          %mul3A_502 = arith.constant 16 : i32
          %mul3A_503 = arith.muli %scan3A_486, %mul3A_502 : i32
          %get3A_504 = arith.constant 0 : i32
          %get3A_505 = arith.constant 1 : i32
          %get3A_506 = arith.index_cast %get3A_504 : i32 to index
          %get3A_507 = arith.index_cast %get3A_505 : i32 to index
          %get3A_508 = arith.index_cast %mul3A_503 : i32 to index
          %get3A_509 = tpu.vector_load %arg6[%get3A_506, %get3A_507, %get3A_508] {strides = array<i32>} : memref<1x8x4096xf32, #tpu.memory_space<vmem>>, vector<16xf32>,
          %convert_element_type3A_510 = arith.fptosi %get3A_509 : vector<16xf32> to vector<16xi32>
          %add3A_511 = vector.broadcast %mul3A_480 : i32 to vector<16xi32>
          %add3A_512 = arith.addi %convert_element_type3A_510, %add3A_511 : vector<16xi32>
          %gather3A_513 = tpu.vector_load_idx %arg5[%add3A_512] : memref<10000xf32, #tpu.memory_space<vmem>>[vector<16xi32>], vector<16xf32>,
          %swap3A_514 = arith.constant 0 : i32
          %swap3A_515 = arith.constant 1 : i32
          %swap3A_516 = arith.index_cast %swap3A_514 : i32 to index
          %swap3A_517 = arith.index_cast %swap3A_515 : i32 to index
          %swap3A_518 = arith.index_cast %mul3A_503 : i32 to index
          %swap3A_519 = tpu.vector_load %arg6[%swap3A_516, %swap3A_517, %swap3A_518] {strides = array<i32>} : memref<1x8x4096xf32, #tpu.memory_space<vmem>>, vector<16xf32>,
          tpu.vector_store %arg6[%swap3A_516, %swap3A_517, %swap3A_518], %gather3A_513 {strides = array<i32>} : memref<1x8x4096xf32, #tpu.memory_space<vmem>>, vector<16xf32>,
          %mul3A_520 = arith.constant 16 : i32
          %mul3A_521 = arith.muli %scan3A_486, %mul3A_520 : i32
          %get3A_522 = arith.constant 0 : i32
          %get3A_523 = arith.constant 2 : i32
          %get3A_524 = arith.index_cast %get3A_522 : i32 to index
          %get3A_525 = arith.index_cast %get3A_523 : i32 to index
          %get3A_526 = arith.index_cast %mul3A_521 : i32 to index
          %get3A_527 = tpu.vector_load %arg6[%get3A_524, %get3A_525, %get3A_526] {strides = array<i32>} : memref<1x8x4096xf32, #tpu.memory_space<vmem>>, vector<16xf32>,
          %convert_element_type3A_528 = arith.fptosi %get3A_527 : vector<16xf32> to vector<16xi32>
          %add3A_529 = vector.broadcast %mul3A_480 : i32 to vector<16xi32>
          %add3A_530 = arith.addi %convert_element_type3A_528, %add3A_529 : vector<16xi32>
          %gather3A_531 = tpu.vector_load_idx %arg5[%add3A_530] : memref<10000xf32, #tpu.memory_space<vmem>>[vector<16xi32>], vector<16xf32>,
          %swap3A_532 = arith.constant 0 : i32
          %swap3A_533 = arith.constant 2 : i32
          %swap3A_534 = arith.index_cast %swap3A_532 : i32 to index
          %swap3A_535 = arith.index_cast %swap3A_533 : i32 to index
          %swap3A_536 = arith.index_cast %mul3A_521 : i32 to index
          %swap3A_537 = tpu.vector_load %arg6[%swap3A_534, %swap3A_535, %swap3A_536] {strides = array<i32>} : memref<1x8x4096xf32, #tpu.memory_space<vmem>>, vector<16xf32>,
          tpu.vector_store %arg6[%swap3A_534, %swap3A_535, %swap3A_536], %gather3A_531 {strides = array<i32>} : memref<1x8x4096xf32, #tpu.memory_space<vmem>>, vector<16xf32>,
          %mul3A_538 = arith.constant 16 : i32
          %mul3A_539 = arith.muli %scan3A_486, %mul3A_538 : i32
          %get3A_540 = arith.constant 0 : i32
          %get3A_541 = arith.constant 3 : i32
          %get3A_542 = arith.index_cast %get3A_540 : i32 to index
          %get3A_543 = arith.index_cast %get3A_541 : i32 to index
          %get3A_544 = arith.index_cast %mul3A_539 : i32 to index
          %get3A_545 = tpu.vector_load %arg6[%get3A_542, %get3A_543, %get3A_544] {strides = array<i32>} : memref<1x8x4096xf32, #tpu.memory_space<vmem>>, vector<16xf32>,
          %convert_element_type3A_546 = arith.fptosi %get3A_545 : vector<16xf32> to vector<16xi32>
          %add3A_547 = vector.broadcast %mul3A_480 : i32 to vector<16xi32>
          %add3A_548 = arith.addi %convert_element_type3A_546, %add3A_547 : vector<16xi32>
          %gather3A_549 = tpu.vector_load_idx %arg5[%add3A_548] : memref<10000xf32, #tpu.memory_space<vmem>>[vector<16xi32>], vector<16xf32>,
          %swap3A_550 = arith.constant 0 : i32
          %swap3A_551 = arith.constant 3 : i32
          %swap3A_552 = arith.index_cast %swap3A_550 : i32 to index
          %swap3A_553 = arith.index_cast %swap3A_551 : i32 to index
          %swap3A_554 = arith.index_cast %mul3A_539 : i32 to index
          %swap3A_555 = tpu.vector_load %arg6[%swap3A_552, %swap3A_553, %swap3A_554] {strides = array<i32>} : memref<1x8x4096xf32, #tpu.memory_space<vmem>>, vector<16xf32>,
          tpu.vector_store %arg6[%swap3A_552, %swap3A_553, %swap3A_554], %gather3A_549 {strides = array<i32>} : memref<1x8x4096xf32, #tpu.memory_space<vmem>>, vector<16xf32>,
          %mul3A_556 = arith.constant 16 : i32
          %mul3A_557 = arith.muli %scan3A_486, %mul3A_556 : i32
          %get3A_558 = arith.constant 0 : i32
          %get3A_559 = arith.constant 4 : i32
          %get3A_560 = arith.index_cast %get3A_558 : i32 to index
          %get3A_561 = arith.index_cast %get3A_559 : i32 to index
          %get3A_562 = arith.index_cast %mul3A_557 : i32 to index
          %get3A_563 = tpu.vector_load %arg6[%get3A_560, %get3A_561, %get3A_562] {strides = array<i32>} : memref<1x8x4096xf32, #tpu.memory_space<vmem>>, vector<16xf32>,
          %convert_element_type3A_564 = arith.fptosi %get3A_563 : vector<16xf32> to vector<16xi32>
          %add3A_565 = vector.broadcast %mul3A_480 : i32 to vector<16xi32>
          %add3A_566 = arith.addi %convert_element_type3A_564, %add3A_565 : vector<16xi32>
          %gather3A_567 = tpu.vector_load_idx %arg5[%add3A_566] : memref<10000xf32, #tpu.memory_space<vmem>>[vector<16xi32>], vector<16xf32>,
          %swap3A_568 = arith.constant 0 : i32
          %swap3A_569 = arith.constant 4 : i32
          %swap3A_570 = arith.index_cast %swap3A_568 : i32 to index
          %swap3A_571 = arith.index_cast %swap3A_569 : i32 to index
          %swap3A_572 = arith.index_cast %mul3A_557 : i32 to index
          %swap3A_573 = tpu.vector_load %arg6[%swap3A_570, %swap3A_571, %swap3A_572] {strides = array<i32>} : memref<1x8x4096xf32, #tpu.memory_space<vmem>>, vector<16xf32>,
          tpu.vector_store %arg6[%swap3A_570, %swap3A_571, %swap3A_572], %gather3A_567 {strides = array<i32>} : memref<1x8x4096xf32, #tpu.memory_space<vmem>>, vector<16xf32>,
          %mul3A_574 = arith.constant 16 : i32
          %mul3A_575 = arith.muli %scan3A_486, %mul3A_574 : i32
          %get3A_576 = arith.constant 0 : i32
          %get3A_577 = arith.constant 5 : i32
          %get3A_578 = arith.index_cast %get3A_576 : i32 to index
          %get3A_579 = arith.index_cast %get3A_577 : i32 to index
          %get3A_580 = arith.index_cast %mul3A_575 : i32 to index
          %get3A_581 = tpu.vector_load %arg6[%get3A_578, %get3A_579, %get3A_580] {strides = array<i32>} : memref<1x8x4096xf32, #tpu.memory_space<vmem>>, vector<16xf32>,
          %convert_element_type3A_582 = arith.fptosi %get3A_581 : vector<16xf32> to vector<16xi32>
          %add3A_583 = vector.broadcast %mul3A_480 : i32 to vector<16xi32>
          %add3A_584 = arith.addi %convert_element_type3A_582, %add3A_583 : vector<16xi32>
          %gather3A_585 = tpu.vector_load_idx %arg5[%add3A_584] : memref<10000xf32, #tpu.memory_space<vmem>>[vector<16xi32>], vector<16xf32>,
          %swap3A_586 = arith.constant 0 : i32
          %swap3A_587 = arith.constant 5 : i32
          %swap3A_588 = arith.index_cast %swap3A_586 : i32 to index
          %swap3A_589 = arith.index_cast %swap3A_587 : i32 to index
          %swap3A_590 = arith.index_cast %mul3A_575 : i32 to index
          %swap3A_591 = tpu.vector_load %arg6[%swap3A_588, %swap3A_589, %swap3A_590] {strides = array<i32>} : memref<1x8x4096xf32, #tpu.memory_space<vmem>>, vector<16xf32>,
          tpu.vector_store %arg6[%swap3A_588, %swap3A_589, %swap3A_590], %gather3A_585 {strides = array<i32>} : memref<1x8x4096xf32, #tpu.memory_space<vmem>>, vector<16xf32>,
          %mul3A_592 = arith.constant 16 : i32
          %mul3A_593 = arith.muli %scan3A_486, %mul3A_592 : i32
          %get3A_594 = arith.constant 0 : i32
          %get3A_595 = arith.constant 6 : i32
          %get3A_596 = arith.index_cast %get3A_594 : i32 to index
          %get3A_597 = arith.index_cast %get3A_595 : i32 to index
          %get3A_598 = arith.index_cast %mul3A_593 : i32 to index
          %get3A_599 = tpu.vector_load %arg6[%get3A_596, %get3A_597, %get3A_598] {strides = array<i32>} : memref<1x8x4096xf32, #tpu.memory_space<vmem>>, vector<16xf32>,
          %convert_element_type3A_600 = arith.fptosi %get3A_599 : vector<16xf32> to vector<16xi32>
          %add3A_601 = vector.broadcast %mul3A_480 : i32 to vector<16xi32>
          %add3A_602 = arith.addi %convert_element_type3A_600, %add3A_601 : vector<16xi32>
          %gather3A_603 = tpu.vector_load_idx %arg5[%add3A_602] : memref<10000xf32, #tpu.memory_space<vmem>>[vector<16xi32>], vector<16xf32>,
          %swap3A_604 = arith.constant 0 : i32
          %swap3A_605 = arith.constant 6 : i32
          %swap3A_606 = arith.index_cast %swap3A_604 : i32 to index
          %swap3A_607 = arith.index_cast %swap3A_605 : i32 to index
          %swap3A_608 = arith.index_cast %mul3A_593 : i32 to index
          %swap3A_609 = tpu.vector_load %arg6[%swap3A_606, %swap3A_607, %swap3A_608] {strides = array<i32>} : memref<1x8x4096xf32, #tpu.memory_space<vmem>>, vector<16xf32>,
          tpu.vector_store %arg6[%swap3A_606, %swap3A_607, %swap3A_608], %gather3A_603 {strides = array<i32>} : memref<1x8x4096xf32, #tpu.memory_space<vmem>>, vector<16xf32>,
          %mul3A_610 = arith.constant 16 : i32
          %mul3A_611 = arith.muli %scan3A_486, %mul3A_610 : i32
          %get3A_612 = arith.constant 0 : i32
          %get3A_613 = arith.constant 7 : i32
          %get3A_614 = arith.index_cast %get3A_612 : i32 to index
          %get3A_615 = arith.index_cast %get3A_613 : i32 to index
          %get3A_616 = arith.index_cast %mul3A_611 : i32 to index
          %get3A_617 = tpu.vector_load %arg6[%get3A_614, %get3A_615, %get3A_616] {strides = array<i32>} : memref<1x8x4096xf32, #tpu.memory_space<vmem>>, vector<16xf32>,
          %convert_element_type3A_618 = arith.fptosi %get3A_617 : vector<16xf32> to vector<16xi32>
          %add3A_619 = vector.broadcast %mul3A_480 : i32 to vector<16xi32>
          %add3A_620 = arith.addi %convert_element_type3A_618, %add3A_619 : vector<16xi32>
          %gather3A_621 = tpu.vector_load_idx %arg5[%add3A_620] : memref<10000xf32, #tpu.memory_space<vmem>>[vector<16xi32>], vector<16xf32>,
          %swap3A_622 = arith.constant 0 : i32
          %swap3A_623 = arith.constant 7 : i32
          %swap3A_624 = arith.index_cast %swap3A_622 : i32 to index
          %swap3A_625 = arith.index_cast %swap3A_623 : i32 to index
          %swap3A_626 = arith.index_cast %mul3A_611 : i32 to index
          %swap3A_627 = tpu.vector_load %arg6[%swap3A_624, %swap3A_625, %swap3A_626] {strides = array<i32>} : memref<1x8x4096xf32, #tpu.memory_space<vmem>>, vector<16xf32>,
          tpu.vector_store %arg6[%swap3A_624, %swap3A_625, %swap3A_626], %gather3A_621 {strides = array<i32>} : memref<1x8x4096xf32, #tpu.memory_space<vmem>>, vector<16xf32>,
        }
        %scan3A_485 = arith.constant 256 : i32
      } else {
      }
      %add3A_467 = arith.constant 480 : i32
      %add3A_468 = arith.addi %add3A, %add3A_467 : i32
      %dma_start3A = arith.constant 0 : i32
      %dma_start3A_469 = arith.constant 0 : i32
      %dma_start3A_470 = tpu.memref_slice %arg4[%add3A_468, %dma_start3A, %dma_start3A_469] : memref<650x8x4096xf32, #tpu.memory_space<hbm>> -> memref<1x8x4096xf32, #tpu.memory_space<hbm>>
      %dma_start3A_471 = arith.constant 0 : i32
      %dma_start3A_472 = arith.constant 0 : i32
      %dma_start3A_473 = tpu.memref_slice %arg4[%add3A_468, %dma_start3A_471, %dma_start3A_472] : memref<650x8x4096xf32, #tpu.memory_space<hbm>> -> memref<1x8x4096xf32, #tpu.memory_space<hbm>>
      tpu.enqueue_dma source(%arg6 : memref<1x8x4096xf32, #tpu.memory_space<vmem>>) target(%dma_start3A_473 : memref<1x8x4096xf32, #tpu.memory_space<hbm>>) target_semaphore(%arg12 : memref<!tpu.dma_semaphore, #tpu.memory_space<semaphore_mem>>)
    } else {
    }
    %add3A_327 = arith.constant 448 : i32
    %add3A_328 = arith.addi %add3A, %add3A_327 : i32
    %lt3A_329 = arith.constant 650 : i32
    %lt3A_330 = arith.cmpi slt, %add3A_328, %lt3A_329 : i32
    %convert_element_type3A_331 = arith.extui %lt3A_330 : i1 to i32
    %cond3A_332 = arith.constant 0 : i32
    %cond3A_333 = arith.cmpi ne, %convert_element_type3A_331, %cond3A_332 : i32
    scf.if %cond3A_333 {
      %add3A_453 = arith.constant 448 : i32
      %add3A_454 = arith.addi %add3A, %add3A_453 : i32
      %dma_wait3A = arith.constant 0 : i32
      %dma_wait3A_455 = arith.constant 0 : i32
      %dma_wait3A_456 = tpu.memref_slice %arg4[%add3A_454, %dma_wait3A, %dma_wait3A_455] : memref<650x8x4096xf32, #tpu.memory_space<hbm>> -> memref<1x8x4096xf32, #tpu.memory_space<hbm>>
      %dma_wait3A_457 = arith.constant 0 : i32
      %dma_wait3A_458 = arith.constant 0 : i32
      %dma_wait3A_459 = tpu.memref_slice %arg4[%add3A_454, %dma_wait3A_457, %dma_wait3A_458] : memref<650x8x4096xf32, #tpu.memory_space<hbm>> -> memref<1x8x4096xf32, #tpu.memory_space<hbm>>
      tpu.wait_dma2 semaphore(%arg14 : memref<!tpu.dma_semaphore, #tpu.memory_space<semaphore_mem>>) src(%arg8 : memref<1x8x4096xf32, #tpu.memory_space<vmem>>) dst(%dma_wait3A_459 : memref<1x8x4096xf32, #tpu.memory_space<hbm>>)
    } else {
    }
    %add3A_334 = arith.constant 544 : i32
    %add3A_335 = arith.addi %add3A, %add3A_334 : i32
    %lt3A_336 = arith.constant 650 : i32
    %lt3A_337 = arith.cmpi slt, %add3A_335, %lt3A_336 : i32
    %convert_element_type3A_338 = arith.extui %lt3A_337 : i1 to i32
    %cond3A_339 = arith.constant 0 : i32
    %cond3A_340 = arith.cmpi ne, %convert_element_type3A_338, %cond3A_339 : i32
    scf.if %cond3A_340 {
      %add3A_453 = arith.constant 544 : i32
      %add3A_454 = arith.addi %add3A, %add3A_453 : i32
      %dma_start3A = arith.constant 0 : i32
      %dma_start3A_455 = arith.constant 0 : i32
      %dma_start3A_456 = tpu.memref_slice %arg2[%add3A_454, %dma_start3A, %dma_start3A_455] : memref<650x8x4096xf32, #tpu.memory_space<hbm>> -> memref<1x8x4096xf32, #tpu.memory_space<hbm>>
      %dma_start3A_457 = arith.constant 0 : i32
      %dma_start3A_458 = arith.constant 0 : i32
      %dma_start3A_459 = tpu.memref_slice %arg2[%add3A_454, %dma_start3A_457, %dma_start3A_458] : memref<650x8x4096xf32, #tpu.memory_space<hbm>> -> memref<1x8x4096xf32, #tpu.memory_space<hbm>>
      tpu.enqueue_dma source(%dma_start3A_459 : memref<1x8x4096xf32, #tpu.memory_space<hbm>>) target(%arg8 : memref<1x8x4096xf32, #tpu.memory_space<vmem>>) target_semaphore(%arg11 : memref<!tpu.dma_semaphore, #tpu.memory_space<semaphore_mem>>)
    } else {
    }
    %add3A_341 = arith.constant 512 : i32
    %add3A_342 = arith.addi %add3A, %add3A_341 : i32
    %lt3A_343 = arith.constant 650 : i32
    %lt3A_344 = arith.cmpi slt, %add3A_342, %lt3A_343 : i32
    %convert_element_type3A_345 = arith.extui %lt3A_344 : i1 to i32
    %cond3A_346 = arith.constant 0 : i32
    %cond3A_347 = arith.cmpi ne, %convert_element_type3A_345, %cond3A_346 : i32
    scf.if %cond3A_347 {
      %add3A_453 = arith.constant 512 : i32
      %add3A_454 = arith.addi %add3A, %add3A_453 : i32
      %dma_wait3A = arith.constant 0 : i32
      %dma_wait3A_455 = arith.constant 0 : i32
      %dma_wait3A_456 = tpu.memref_slice %arg2[%add3A_454, %dma_wait3A, %dma_wait3A_455] : memref<650x8x4096xf32, #tpu.memory_space<hbm>> -> memref<1x8x4096xf32, #tpu.memory_space<hbm>>
      %dma_wait3A_457 = arith.constant 0 : i32
      %dma_wait3A_458 = arith.constant 0 : i32
      %dma_wait3A_459 = tpu.memref_slice %arg2[%add3A_454, %dma_wait3A_457, %dma_wait3A_458] : memref<650x8x4096xf32, #tpu.memory_space<hbm>> -> memref<1x8x4096xf32, #tpu.memory_space<hbm>>
      tpu.wait_dma2 semaphore(%arg10 : memref<!tpu.dma_semaphore, #tpu.memory_space<semaphore_mem>>) src(%dma_wait3A_459 : memref<1x8x4096xf32, #tpu.memory_space<hbm>>) dst(%arg7 : memref<1x8x4096xf32, #tpu.memory_space<vmem>>)
      %add3A_460 = arith.constant 512 : i32
      %add3A_461 = arith.addi %add3A, %add3A_460 : i32
      %lt3A_462 = arith.constant 250 : i32
      %lt3A_463 = arith.cmpi slt, %add3A_461, %lt3A_462 : i32
      %convert_element_type3A_464 = arith.extui %lt3A_463 : i1 to i32
      %cond3A_465 = arith.constant 0 : i32
      %cond3A_466 = arith.cmpi ne, %convert_element_type3A_464, %cond3A_465 : i32
      scf.if %cond3A_466 {
        %add3A_474 = arith.constant 512 : i32
        %add3A_475 = arith.addi %add3A, %add3A_474 : i32
        %mul3A_476 = arith.constant 41944 : i32
        %mul3A_477 = arith.muli %add3A_475, %mul3A_476 : i32
        %shift_right_arithmetic3A = arith.constant 20 : i32
        %shift_right_arithmetic3A_478 = arith.shrsi %mul3A_477, %shift_right_arithmetic3A : i32
        %mul3A_479 = arith.constant 1000 : i32
        %mul3A_480 = arith.muli %shift_right_arithmetic3A_478, %mul3A_479 : i32
        %scan3A = arith.constant 0 : i32
        %scan3A_481 = arith.constant 0 : i32
        %scan3A_482 = arith.constant 256 : i32
        %scan3A_483 = arith.addi %scan3A_481, %scan3A_482 : i32
        %scan3A_484 = arith.constant 1 : i32
        scf.for %scan3A_486 = %scan3A_481 to %scan3A_483 step %scan3A_484  : i32 {
          %mul3A_487 = arith.constant 16 : i32
          %mul3A_488 = arith.muli %scan3A_486, %mul3A_487 : i32
          %get3A = arith.constant 0 : i32
          %get3A_489 = arith.constant 0 : i32
          %get3A_490 = arith.index_cast %get3A : i32 to index
          %get3A_491 = arith.index_cast %get3A_489 : i32 to index
          %get3A_492 = arith.index_cast %mul3A_488 : i32 to index
          %get3A_493 = tpu.vector_load %arg7[%get3A_490, %get3A_491, %get3A_492] {strides = array<i32>} : memref<1x8x4096xf32, #tpu.memory_space<vmem>>, vector<16xf32>,
          %convert_element_type3A_494 = arith.fptosi %get3A_493 : vector<16xf32> to vector<16xi32>
          %add3A_495 = vector.broadcast %mul3A_480 : i32 to vector<16xi32>
          %add3A_496 = arith.addi %convert_element_type3A_494, %add3A_495 : vector<16xi32>
          %gather3A = tpu.vector_load_idx %arg5[%add3A_496] : memref<10000xf32, #tpu.memory_space<vmem>>[vector<16xi32>], vector<16xf32>,
          %swap3A = arith.constant 0 : i32
          %swap3A_497 = arith.constant 0 : i32
          %swap3A_498 = arith.index_cast %swap3A : i32 to index
          %swap3A_499 = arith.index_cast %swap3A_497 : i32 to index
          %swap3A_500 = arith.index_cast %mul3A_488 : i32 to index
          %swap3A_501 = tpu.vector_load %arg7[%swap3A_498, %swap3A_499, %swap3A_500] {strides = array<i32>} : memref<1x8x4096xf32, #tpu.memory_space<vmem>>, vector<16xf32>,
          tpu.vector_store %arg7[%swap3A_498, %swap3A_499, %swap3A_500], %gather3A {strides = array<i32>} : memref<1x8x4096xf32, #tpu.memory_space<vmem>>, vector<16xf32>,
          %mul3A_502 = arith.constant 16 : i32
          %mul3A_503 = arith.muli %scan3A_486, %mul3A_502 : i32
          %get3A_504 = arith.constant 0 : i32
          %get3A_505 = arith.constant 1 : i32
          %get3A_506 = arith.index_cast %get3A_504 : i32 to index
          %get3A_507 = arith.index_cast %get3A_505 : i32 to index
          %get3A_508 = arith.index_cast %mul3A_503 : i32 to index
          %get3A_509 = tpu.vector_load %arg7[%get3A_506, %get3A_507, %get3A_508] {strides = array<i32>} : memref<1x8x4096xf32, #tpu.memory_space<vmem>>, vector<16xf32>,
          %convert_element_type3A_510 = arith.fptosi %get3A_509 : vector<16xf32> to vector<16xi32>
          %add3A_511 = vector.broadcast %mul3A_480 : i32 to vector<16xi32>
          %add3A_512 = arith.addi %convert_element_type3A_510, %add3A_511 : vector<16xi32>
          %gather3A_513 = tpu.vector_load_idx %arg5[%add3A_512] : memref<10000xf32, #tpu.memory_space<vmem>>[vector<16xi32>], vector<16xf32>,
          %swap3A_514 = arith.constant 0 : i32
          %swap3A_515 = arith.constant 1 : i32
          %swap3A_516 = arith.index_cast %swap3A_514 : i32 to index
          %swap3A_517 = arith.index_cast %swap3A_515 : i32 to index
          %swap3A_518 = arith.index_cast %mul3A_503 : i32 to index
          %swap3A_519 = tpu.vector_load %arg7[%swap3A_516, %swap3A_517, %swap3A_518] {strides = array<i32>} : memref<1x8x4096xf32, #tpu.memory_space<vmem>>, vector<16xf32>,
          tpu.vector_store %arg7[%swap3A_516, %swap3A_517, %swap3A_518], %gather3A_513 {strides = array<i32>} : memref<1x8x4096xf32, #tpu.memory_space<vmem>>, vector<16xf32>,
          %mul3A_520 = arith.constant 16 : i32
          %mul3A_521 = arith.muli %scan3A_486, %mul3A_520 : i32
          %get3A_522 = arith.constant 0 : i32
          %get3A_523 = arith.constant 2 : i32
          %get3A_524 = arith.index_cast %get3A_522 : i32 to index
          %get3A_525 = arith.index_cast %get3A_523 : i32 to index
          %get3A_526 = arith.index_cast %mul3A_521 : i32 to index
          %get3A_527 = tpu.vector_load %arg7[%get3A_524, %get3A_525, %get3A_526] {strides = array<i32>} : memref<1x8x4096xf32, #tpu.memory_space<vmem>>, vector<16xf32>,
          %convert_element_type3A_528 = arith.fptosi %get3A_527 : vector<16xf32> to vector<16xi32>
          %add3A_529 = vector.broadcast %mul3A_480 : i32 to vector<16xi32>
          %add3A_530 = arith.addi %convert_element_type3A_528, %add3A_529 : vector<16xi32>
          %gather3A_531 = tpu.vector_load_idx %arg5[%add3A_530] : memref<10000xf32, #tpu.memory_space<vmem>>[vector<16xi32>], vector<16xf32>,
          %swap3A_532 = arith.constant 0 : i32
          %swap3A_533 = arith.constant 2 : i32
          %swap3A_534 = arith.index_cast %swap3A_532 : i32 to index
          %swap3A_535 = arith.index_cast %swap3A_533 : i32 to index
          %swap3A_536 = arith.index_cast %mul3A_521 : i32 to index
          %swap3A_537 = tpu.vector_load %arg7[%swap3A_534, %swap3A_535, %swap3A_536] {strides = array<i32>} : memref<1x8x4096xf32, #tpu.memory_space<vmem>>, vector<16xf32>,
          tpu.vector_store %arg7[%swap3A_534, %swap3A_535, %swap3A_536], %gather3A_531 {strides = array<i32>} : memref<1x8x4096xf32, #tpu.memory_space<vmem>>, vector<16xf32>,
          %mul3A_538 = arith.constant 16 : i32
          %mul3A_539 = arith.muli %scan3A_486, %mul3A_538 : i32
          %get3A_540 = arith.constant 0 : i32
          %get3A_541 = arith.constant 3 : i32
          %get3A_542 = arith.index_cast %get3A_540 : i32 to index
          %get3A_543 = arith.index_cast %get3A_541 : i32 to index
          %get3A_544 = arith.index_cast %mul3A_539 : i32 to index
          %get3A_545 = tpu.vector_load %arg7[%get3A_542, %get3A_543, %get3A_544] {strides = array<i32>} : memref<1x8x4096xf32, #tpu.memory_space<vmem>>, vector<16xf32>,
          %convert_element_type3A_546 = arith.fptosi %get3A_545 : vector<16xf32> to vector<16xi32>
          %add3A_547 = vector.broadcast %mul3A_480 : i32 to vector<16xi32>
          %add3A_548 = arith.addi %convert_element_type3A_546, %add3A_547 : vector<16xi32>
          %gather3A_549 = tpu.vector_load_idx %arg5[%add3A_548] : memref<10000xf32, #tpu.memory_space<vmem>>[vector<16xi32>], vector<16xf32>,
          %swap3A_550 = arith.constant 0 : i32
          %swap3A_551 = arith.constant 3 : i32
          %swap3A_552 = arith.index_cast %swap3A_550 : i32 to index
          %swap3A_553 = arith.index_cast %swap3A_551 : i32 to index
          %swap3A_554 = arith.index_cast %mul3A_539 : i32 to index
          %swap3A_555 = tpu.vector_load %arg7[%swap3A_552, %swap3A_553, %swap3A_554] {strides = array<i32>} : memref<1x8x4096xf32, #tpu.memory_space<vmem>>, vector<16xf32>,
          tpu.vector_store %arg7[%swap3A_552, %swap3A_553, %swap3A_554], %gather3A_549 {strides = array<i32>} : memref<1x8x4096xf32, #tpu.memory_space<vmem>>, vector<16xf32>,
          %mul3A_556 = arith.constant 16 : i32
          %mul3A_557 = arith.muli %scan3A_486, %mul3A_556 : i32
          %get3A_558 = arith.constant 0 : i32
          %get3A_559 = arith.constant 4 : i32
          %get3A_560 = arith.index_cast %get3A_558 : i32 to index
          %get3A_561 = arith.index_cast %get3A_559 : i32 to index
          %get3A_562 = arith.index_cast %mul3A_557 : i32 to index
          %get3A_563 = tpu.vector_load %arg7[%get3A_560, %get3A_561, %get3A_562] {strides = array<i32>} : memref<1x8x4096xf32, #tpu.memory_space<vmem>>, vector<16xf32>,
          %convert_element_type3A_564 = arith.fptosi %get3A_563 : vector<16xf32> to vector<16xi32>
          %add3A_565 = vector.broadcast %mul3A_480 : i32 to vector<16xi32>
          %add3A_566 = arith.addi %convert_element_type3A_564, %add3A_565 : vector<16xi32>
          %gather3A_567 = tpu.vector_load_idx %arg5[%add3A_566] : memref<10000xf32, #tpu.memory_space<vmem>>[vector<16xi32>], vector<16xf32>,
          %swap3A_568 = arith.constant 0 : i32
          %swap3A_569 = arith.constant 4 : i32
          %swap3A_570 = arith.index_cast %swap3A_568 : i32 to index
          %swap3A_571 = arith.index_cast %swap3A_569 : i32 to index
          %swap3A_572 = arith.index_cast %mul3A_557 : i32 to index
          %swap3A_573 = tpu.vector_load %arg7[%swap3A_570, %swap3A_571, %swap3A_572] {strides = array<i32>} : memref<1x8x4096xf32, #tpu.memory_space<vmem>>, vector<16xf32>,
          tpu.vector_store %arg7[%swap3A_570, %swap3A_571, %swap3A_572], %gather3A_567 {strides = array<i32>} : memref<1x8x4096xf32, #tpu.memory_space<vmem>>, vector<16xf32>,
          %mul3A_574 = arith.constant 16 : i32
          %mul3A_575 = arith.muli %scan3A_486, %mul3A_574 : i32
          %get3A_576 = arith.constant 0 : i32
          %get3A_577 = arith.constant 5 : i32
          %get3A_578 = arith.index_cast %get3A_576 : i32 to index
          %get3A_579 = arith.index_cast %get3A_577 : i32 to index
          %get3A_580 = arith.index_cast %mul3A_575 : i32 to index
          %get3A_581 = tpu.vector_load %arg7[%get3A_578, %get3A_579, %get3A_580] {strides = array<i32>} : memref<1x8x4096xf32, #tpu.memory_space<vmem>>, vector<16xf32>,
          %convert_element_type3A_582 = arith.fptosi %get3A_581 : vector<16xf32> to vector<16xi32>
          %add3A_583 = vector.broadcast %mul3A_480 : i32 to vector<16xi32>
          %add3A_584 = arith.addi %convert_element_type3A_582, %add3A_583 : vector<16xi32>
          %gather3A_585 = tpu.vector_load_idx %arg5[%add3A_584] : memref<10000xf32, #tpu.memory_space<vmem>>[vector<16xi32>], vector<16xf32>,
          %swap3A_586 = arith.constant 0 : i32
          %swap3A_587 = arith.constant 5 : i32
          %swap3A_588 = arith.index_cast %swap3A_586 : i32 to index
          %swap3A_589 = arith.index_cast %swap3A_587 : i32 to index
          %swap3A_590 = arith.index_cast %mul3A_575 : i32 to index
          %swap3A_591 = tpu.vector_load %arg7[%swap3A_588, %swap3A_589, %swap3A_590] {strides = array<i32>} : memref<1x8x4096xf32, #tpu.memory_space<vmem>>, vector<16xf32>,
          tpu.vector_store %arg7[%swap3A_588, %swap3A_589, %swap3A_590], %gather3A_585 {strides = array<i32>} : memref<1x8x4096xf32, #tpu.memory_space<vmem>>, vector<16xf32>,
          %mul3A_592 = arith.constant 16 : i32
          %mul3A_593 = arith.muli %scan3A_486, %mul3A_592 : i32
          %get3A_594 = arith.constant 0 : i32
          %get3A_595 = arith.constant 6 : i32
          %get3A_596 = arith.index_cast %get3A_594 : i32 to index
          %get3A_597 = arith.index_cast %get3A_595 : i32 to index
          %get3A_598 = arith.index_cast %mul3A_593 : i32 to index
          %get3A_599 = tpu.vector_load %arg7[%get3A_596, %get3A_597, %get3A_598] {strides = array<i32>} : memref<1x8x4096xf32, #tpu.memory_space<vmem>>, vector<16xf32>,
          %convert_element_type3A_600 = arith.fptosi %get3A_599 : vector<16xf32> to vector<16xi32>
          %add3A_601 = vector.broadcast %mul3A_480 : i32 to vector<16xi32>
          %add3A_602 = arith.addi %convert_element_type3A_600, %add3A_601 : vector<16xi32>
          %gather3A_603 = tpu.vector_load_idx %arg5[%add3A_602] : memref<10000xf32, #tpu.memory_space<vmem>>[vector<16xi32>], vector<16xf32>,
          %swap3A_604 = arith.constant 0 : i32
          %swap3A_605 = arith.constant 6 : i32
          %swap3A_606 = arith.index_cast %swap3A_604 : i32 to index
          %swap3A_607 = arith.index_cast %swap3A_605 : i32 to index
          %swap3A_608 = arith.index_cast %mul3A_593 : i32 to index
          %swap3A_609 = tpu.vector_load %arg7[%swap3A_606, %swap3A_607, %swap3A_608] {strides = array<i32>} : memref<1x8x4096xf32, #tpu.memory_space<vmem>>, vector<16xf32>,
          tpu.vector_store %arg7[%swap3A_606, %swap3A_607, %swap3A_608], %gather3A_603 {strides = array<i32>} : memref<1x8x4096xf32, #tpu.memory_space<vmem>>, vector<16xf32>,
          %mul3A_610 = arith.constant 16 : i32
          %mul3A_611 = arith.muli %scan3A_486, %mul3A_610 : i32
          %get3A_612 = arith.constant 0 : i32
          %get3A_613 = arith.constant 7 : i32
          %get3A_614 = arith.index_cast %get3A_612 : i32 to index
          %get3A_615 = arith.index_cast %get3A_613 : i32 to index
          %get3A_616 = arith.index_cast %mul3A_611 : i32 to index
          %get3A_617 = tpu.vector_load %arg7[%get3A_614, %get3A_615, %get3A_616] {strides = array<i32>} : memref<1x8x4096xf32, #tpu.memory_space<vmem>>, vector<16xf32>,
          %convert_element_type3A_618 = arith.fptosi %get3A_617 : vector<16xf32> to vector<16xi32>
          %add3A_619 = vector.broadcast %mul3A_480 : i32 to vector<16xi32>
          %add3A_620 = arith.addi %convert_element_type3A_618, %add3A_619 : vector<16xi32>
          %gather3A_621 = tpu.vector_load_idx %arg5[%add3A_620] : memref<10000xf32, #tpu.memory_space<vmem>>[vector<16xi32>], vector<16xf32>,
          %swap3A_622 = arith.constant 0 : i32
          %swap3A_623 = arith.constant 7 : i32
          %swap3A_624 = arith.index_cast %swap3A_622 : i32 to index
          %swap3A_625 = arith.index_cast %swap3A_623 : i32 to index
          %swap3A_626 = arith.index_cast %mul3A_611 : i32 to index
          %swap3A_627 = tpu.vector_load %arg7[%swap3A_624, %swap3A_625, %swap3A_626] {strides = array<i32>} : memref<1x8x4096xf32, #tpu.memory_space<vmem>>, vector<16xf32>,
          tpu.vector_store %arg7[%swap3A_624, %swap3A_625, %swap3A_626], %gather3A_621 {strides = array<i32>} : memref<1x8x4096xf32, #tpu.memory_space<vmem>>, vector<16xf32>,
        }
        %scan3A_485 = arith.constant 256 : i32
      } else {
      }
      %add3A_467 = arith.constant 512 : i32
      %add3A_468 = arith.addi %add3A, %add3A_467 : i32
      %dma_start3A = arith.constant 0 : i32
      %dma_start3A_469 = arith.constant 0 : i32
      %dma_start3A_470 = tpu.memref_slice %arg4[%add3A_468, %dma_start3A, %dma_start3A_469] : memref<650x8x4096xf32, #tpu.memory_space<hbm>> -> memref<1x8x4096xf32, #tpu.memory_space<hbm>>
      %dma_start3A_471 = arith.constant 0 : i32
      %dma_start3A_472 = arith.constant 0 : i32
      %dma_start3A_473 = tpu.memref_slice %arg4[%add3A_468, %dma_start3A_471, %dma_start3A_472] : memref<650x8x4096xf32, #tpu.memory_space<hbm>> -> memref<1x8x4096xf32, #tpu.memory_space<hbm>>
      tpu.enqueue_dma source(%arg7 : memref<1x8x4096xf32, #tpu.memory_space<vmem>>) target(%dma_start3A_473 : memref<1x8x4096xf32, #tpu.memory_space<hbm>>) target_semaphore(%arg13 : memref<!tpu.dma_semaphore, #tpu.memory_space<semaphore_mem>>)
    } else {
    }
    %add3A_348 = arith.constant 480 : i32
    %add3A_349 = arith.addi %add3A, %add3A_348 : i32
    %lt3A_350 = arith.constant 650 : i32
    %lt3A_351 = arith.cmpi slt, %add3A_349, %lt3A_350 : i32
    %convert_element_type3A_352 = arith.extui %lt3A_351 : i1 to i32
    %cond3A_353 = arith.constant 0 : i32
    %cond3A_354 = arith.cmpi ne, %convert_element_type3A_352, %cond3A_353 : i32
    scf.if %cond3A_354 {
      %add3A_453 = arith.constant 480 : i32
      %add3A_454 = arith.addi %add3A, %add3A_453 : i32
      %dma_wait3A = arith.constant 0 : i32
      %dma_wait3A_455 = arith.constant 0 : i32
      %dma_wait3A_456 = tpu.memref_slice %arg4[%add3A_454, %dma_wait3A, %dma_wait3A_455] : memref<650x8x4096xf32, #tpu.memory_space<hbm>> -> memref<1x8x4096xf32, #tpu.memory_space<hbm>>
      %dma_wait3A_457 = arith.constant 0 : i32
      %dma_wait3A_458 = arith.constant 0 : i32
      %dma_wait3A_459 = tpu.memref_slice %arg4[%add3A_454, %dma_wait3A_457, %dma_wait3A_458] : memref<650x8x4096xf32, #tpu.memory_space<hbm>> -> memref<1x8x4096xf32, #tpu.memory_space<hbm>>
      tpu.wait_dma2 semaphore(%arg12 : memref<!tpu.dma_semaphore, #tpu.memory_space<semaphore_mem>>) src(%arg6 : memref<1x8x4096xf32, #tpu.memory_space<vmem>>) dst(%dma_wait3A_459 : memref<1x8x4096xf32, #tpu.memory_space<hbm>>)
    } else {
    }
    %add3A_355 = arith.constant 576 : i32
    %add3A_356 = arith.addi %add3A, %add3A_355 : i32
    %lt3A_357 = arith.constant 650 : i32
    %lt3A_358 = arith.cmpi slt, %add3A_356, %lt3A_357 : i32
    %convert_element_type3A_359 = arith.extui %lt3A_358 : i1 to i32
    %cond3A_360 = arith.constant 0 : i32
    %cond3A_361 = arith.cmpi ne, %convert_element_type3A_359, %cond3A_360 : i32
    scf.if %cond3A_361 {
      %add3A_453 = arith.constant 576 : i32
      %add3A_454 = arith.addi %add3A, %add3A_453 : i32
      %dma_start3A = arith.constant 0 : i32
      %dma_start3A_455 = arith.constant 0 : i32
      %dma_start3A_456 = tpu.memref_slice %arg2[%add3A_454, %dma_start3A, %dma_start3A_455] : memref<650x8x4096xf32, #tpu.memory_space<hbm>> -> memref<1x8x4096xf32, #tpu.memory_space<hbm>>
      %dma_start3A_457 = arith.constant 0 : i32
      %dma_start3A_458 = arith.constant 0 : i32
      %dma_start3A_459 = tpu.memref_slice %arg2[%add3A_454, %dma_start3A_457, %dma_start3A_458] : memref<650x8x4096xf32, #tpu.memory_space<hbm>> -> memref<1x8x4096xf32, #tpu.memory_space<hbm>>
      tpu.enqueue_dma source(%dma_start3A_459 : memref<1x8x4096xf32, #tpu.memory_space<hbm>>) target(%arg6 : memref<1x8x4096xf32, #tpu.memory_space<vmem>>) target_semaphore(%arg9 : memref<!tpu.dma_semaphore, #tpu.memory_space<semaphore_mem>>)
    } else {
    }
    %add3A_362 = arith.constant 544 : i32
    %add3A_363 = arith.addi %add3A, %add3A_362 : i32
    %lt3A_364 = arith.constant 650 : i32
    %lt3A_365 = arith.cmpi slt, %add3A_363, %lt3A_364 : i32
    %convert_element_type3A_366 = arith.extui %lt3A_365 : i1 to i32
    %cond3A_367 = arith.constant 0 : i32
    %cond3A_368 = arith.cmpi ne, %convert_element_type3A_366, %cond3A_367 : i32
    scf.if %cond3A_368 {
      %add3A_453 = arith.constant 544 : i32
      %add3A_454 = arith.addi %add3A, %add3A_453 : i32
      %dma_wait3A = arith.constant 0 : i32
      %dma_wait3A_455 = arith.constant 0 : i32
      %dma_wait3A_456 = tpu.memref_slice %arg2[%add3A_454, %dma_wait3A, %dma_wait3A_455] : memref<650x8x4096xf32, #tpu.memory_space<hbm>> -> memref<1x8x4096xf32, #tpu.memory_space<hbm>>
      %dma_wait3A_457 = arith.constant 0 : i32
      %dma_wait3A_458 = arith.constant 0 : i32
      %dma_wait3A_459 = tpu.memref_slice %arg2[%add3A_454, %dma_wait3A_457, %dma_wait3A_458] : memref<650x8x4096xf32, #tpu.memory_space<hbm>> -> memref<1x8x4096xf32, #tpu.memory_space<hbm>>
      tpu.wait_dma2 semaphore(%arg11 : memref<!tpu.dma_semaphore, #tpu.memory_space<semaphore_mem>>) src(%dma_wait3A_459 : memref<1x8x4096xf32, #tpu.memory_space<hbm>>) dst(%arg8 : memref<1x8x4096xf32, #tpu.memory_space<vmem>>)
      %add3A_460 = arith.constant 544 : i32
      %add3A_461 = arith.addi %add3A, %add3A_460 : i32
      %lt3A_462 = arith.constant 250 : i32
      %lt3A_463 = arith.cmpi slt, %add3A_461, %lt3A_462 : i32
      %convert_element_type3A_464 = arith.extui %lt3A_463 : i1 to i32
      %cond3A_465 = arith.constant 0 : i32
      %cond3A_466 = arith.cmpi ne, %convert_element_type3A_464, %cond3A_465 : i32
      scf.if %cond3A_466 {
        %add3A_474 = arith.constant 544 : i32
        %add3A_475 = arith.addi %add3A, %add3A_474 : i32
        %mul3A_476 = arith.constant 41944 : i32
        %mul3A_477 = arith.muli %add3A_475, %mul3A_476 : i32
        %shift_right_arithmetic3A = arith.constant 20 : i32
        %shift_right_arithmetic3A_478 = arith.shrsi %mul3A_477, %shift_right_arithmetic3A : i32
        %mul3A_479 = arith.constant 1000 : i32
        %mul3A_480 = arith.muli %shift_right_arithmetic3A_478, %mul3A_479 : i32
        %scan3A = arith.constant 0 : i32
        %scan3A_481 = arith.constant 0 : i32
        %scan3A_482 = arith.constant 256 : i32
        %scan3A_483 = arith.addi %scan3A_481, %scan3A_482 : i32
        %scan3A_484 = arith.constant 1 : i32
        scf.for %scan3A_486 = %scan3A_481 to %scan3A_483 step %scan3A_484  : i32 {
          %mul3A_487 = arith.constant 16 : i32
          %mul3A_488 = arith.muli %scan3A_486, %mul3A_487 : i32
          %get3A = arith.constant 0 : i32
          %get3A_489 = arith.constant 0 : i32
          %get3A_490 = arith.index_cast %get3A : i32 to index
          %get3A_491 = arith.index_cast %get3A_489 : i32 to index
          %get3A_492 = arith.index_cast %mul3A_488 : i32 to index
          %get3A_493 = tpu.vector_load %arg8[%get3A_490, %get3A_491, %get3A_492] {strides = array<i32>} : memref<1x8x4096xf32, #tpu.memory_space<vmem>>, vector<16xf32>,
          %convert_element_type3A_494 = arith.fptosi %get3A_493 : vector<16xf32> to vector<16xi32>
          %add3A_495 = vector.broadcast %mul3A_480 : i32 to vector<16xi32>
          %add3A_496 = arith.addi %convert_element_type3A_494, %add3A_495 : vector<16xi32>
          %gather3A = tpu.vector_load_idx %arg5[%add3A_496] : memref<10000xf32, #tpu.memory_space<vmem>>[vector<16xi32>], vector<16xf32>,
          %swap3A = arith.constant 0 : i32
          %swap3A_497 = arith.constant 0 : i32
          %swap3A_498 = arith.index_cast %swap3A : i32 to index
          %swap3A_499 = arith.index_cast %swap3A_497 : i32 to index
          %swap3A_500 = arith.index_cast %mul3A_488 : i32 to index
          %swap3A_501 = tpu.vector_load %arg8[%swap3A_498, %swap3A_499, %swap3A_500] {strides = array<i32>} : memref<1x8x4096xf32, #tpu.memory_space<vmem>>, vector<16xf32>,
          tpu.vector_store %arg8[%swap3A_498, %swap3A_499, %swap3A_500], %gather3A {strides = array<i32>} : memref<1x8x4096xf32, #tpu.memory_space<vmem>>, vector<16xf32>,
          %mul3A_502 = arith.constant 16 : i32
          %mul3A_503 = arith.muli %scan3A_486, %mul3A_502 : i32
          %get3A_504 = arith.constant 0 : i32
          %get3A_505 = arith.constant 1 : i32
          %get3A_506 = arith.index_cast %get3A_504 : i32 to index
          %get3A_507 = arith.index_cast %get3A_505 : i32 to index
          %get3A_508 = arith.index_cast %mul3A_503 : i32 to index
          %get3A_509 = tpu.vector_load %arg8[%get3A_506, %get3A_507, %get3A_508] {strides = array<i32>} : memref<1x8x4096xf32, #tpu.memory_space<vmem>>, vector<16xf32>,
          %convert_element_type3A_510 = arith.fptosi %get3A_509 : vector<16xf32> to vector<16xi32>
          %add3A_511 = vector.broadcast %mul3A_480 : i32 to vector<16xi32>
          %add3A_512 = arith.addi %convert_element_type3A_510, %add3A_511 : vector<16xi32>
          %gather3A_513 = tpu.vector_load_idx %arg5[%add3A_512] : memref<10000xf32, #tpu.memory_space<vmem>>[vector<16xi32>], vector<16xf32>,
          %swap3A_514 = arith.constant 0 : i32
          %swap3A_515 = arith.constant 1 : i32
          %swap3A_516 = arith.index_cast %swap3A_514 : i32 to index
          %swap3A_517 = arith.index_cast %swap3A_515 : i32 to index
          %swap3A_518 = arith.index_cast %mul3A_503 : i32 to index
          %swap3A_519 = tpu.vector_load %arg8[%swap3A_516, %swap3A_517, %swap3A_518] {strides = array<i32>} : memref<1x8x4096xf32, #tpu.memory_space<vmem>>, vector<16xf32>,
          tpu.vector_store %arg8[%swap3A_516, %swap3A_517, %swap3A_518], %gather3A_513 {strides = array<i32>} : memref<1x8x4096xf32, #tpu.memory_space<vmem>>, vector<16xf32>,
          %mul3A_520 = arith.constant 16 : i32
          %mul3A_521 = arith.muli %scan3A_486, %mul3A_520 : i32
          %get3A_522 = arith.constant 0 : i32
          %get3A_523 = arith.constant 2 : i32
          %get3A_524 = arith.index_cast %get3A_522 : i32 to index
          %get3A_525 = arith.index_cast %get3A_523 : i32 to index
          %get3A_526 = arith.index_cast %mul3A_521 : i32 to index
          %get3A_527 = tpu.vector_load %arg8[%get3A_524, %get3A_525, %get3A_526] {strides = array<i32>} : memref<1x8x4096xf32, #tpu.memory_space<vmem>>, vector<16xf32>,
          %convert_element_type3A_528 = arith.fptosi %get3A_527 : vector<16xf32> to vector<16xi32>
          %add3A_529 = vector.broadcast %mul3A_480 : i32 to vector<16xi32>
          %add3A_530 = arith.addi %convert_element_type3A_528, %add3A_529 : vector<16xi32>
          %gather3A_531 = tpu.vector_load_idx %arg5[%add3A_530] : memref<10000xf32, #tpu.memory_space<vmem>>[vector<16xi32>], vector<16xf32>,
          %swap3A_532 = arith.constant 0 : i32
          %swap3A_533 = arith.constant 2 : i32
          %swap3A_534 = arith.index_cast %swap3A_532 : i32 to index
          %swap3A_535 = arith.index_cast %swap3A_533 : i32 to index
          %swap3A_536 = arith.index_cast %mul3A_521 : i32 to index
          %swap3A_537 = tpu.vector_load %arg8[%swap3A_534, %swap3A_535, %swap3A_536] {strides = array<i32>} : memref<1x8x4096xf32, #tpu.memory_space<vmem>>, vector<16xf32>,
          tpu.vector_store %arg8[%swap3A_534, %swap3A_535, %swap3A_536], %gather3A_531 {strides = array<i32>} : memref<1x8x4096xf32, #tpu.memory_space<vmem>>, vector<16xf32>,
          %mul3A_538 = arith.constant 16 : i32
          %mul3A_539 = arith.muli %scan3A_486, %mul3A_538 : i32
          %get3A_540 = arith.constant 0 : i32
          %get3A_541 = arith.constant 3 : i32
          %get3A_542 = arith.index_cast %get3A_540 : i32 to index
          %get3A_543 = arith.index_cast %get3A_541 : i32 to index
          %get3A_544 = arith.index_cast %mul3A_539 : i32 to index
          %get3A_545 = tpu.vector_load %arg8[%get3A_542, %get3A_543, %get3A_544] {strides = array<i32>} : memref<1x8x4096xf32, #tpu.memory_space<vmem>>, vector<16xf32>,
          %convert_element_type3A_546 = arith.fptosi %get3A_545 : vector<16xf32> to vector<16xi32>
          %add3A_547 = vector.broadcast %mul3A_480 : i32 to vector<16xi32>
          %add3A_548 = arith.addi %convert_element_type3A_546, %add3A_547 : vector<16xi32>
          %gather3A_549 = tpu.vector_load_idx %arg5[%add3A_548] : memref<10000xf32, #tpu.memory_space<vmem>>[vector<16xi32>], vector<16xf32>,
          %swap3A_550 = arith.constant 0 : i32
          %swap3A_551 = arith.constant 3 : i32
          %swap3A_552 = arith.index_cast %swap3A_550 : i32 to index
          %swap3A_553 = arith.index_cast %swap3A_551 : i32 to index
          %swap3A_554 = arith.index_cast %mul3A_539 : i32 to index
          %swap3A_555 = tpu.vector_load %arg8[%swap3A_552, %swap3A_553, %swap3A_554] {strides = array<i32>} : memref<1x8x4096xf32, #tpu.memory_space<vmem>>, vector<16xf32>,
          tpu.vector_store %arg8[%swap3A_552, %swap3A_553, %swap3A_554], %gather3A_549 {strides = array<i32>} : memref<1x8x4096xf32, #tpu.memory_space<vmem>>, vector<16xf32>,
          %mul3A_556 = arith.constant 16 : i32
          %mul3A_557 = arith.muli %scan3A_486, %mul3A_556 : i32
          %get3A_558 = arith.constant 0 : i32
          %get3A_559 = arith.constant 4 : i32
          %get3A_560 = arith.index_cast %get3A_558 : i32 to index
          %get3A_561 = arith.index_cast %get3A_559 : i32 to index
          %get3A_562 = arith.index_cast %mul3A_557 : i32 to index
          %get3A_563 = tpu.vector_load %arg8[%get3A_560, %get3A_561, %get3A_562] {strides = array<i32>} : memref<1x8x4096xf32, #tpu.memory_space<vmem>>, vector<16xf32>,
          %convert_element_type3A_564 = arith.fptosi %get3A_563 : vector<16xf32> to vector<16xi32>
          %add3A_565 = vector.broadcast %mul3A_480 : i32 to vector<16xi32>
          %add3A_566 = arith.addi %convert_element_type3A_564, %add3A_565 : vector<16xi32>
          %gather3A_567 = tpu.vector_load_idx %arg5[%add3A_566] : memref<10000xf32, #tpu.memory_space<vmem>>[vector<16xi32>], vector<16xf32>,
          %swap3A_568 = arith.constant 0 : i32
          %swap3A_569 = arith.constant 4 : i32
          %swap3A_570 = arith.index_cast %swap3A_568 : i32 to index
          %swap3A_571 = arith.index_cast %swap3A_569 : i32 to index
          %swap3A_572 = arith.index_cast %mul3A_557 : i32 to index
          %swap3A_573 = tpu.vector_load %arg8[%swap3A_570, %swap3A_571, %swap3A_572] {strides = array<i32>} : memref<1x8x4096xf32, #tpu.memory_space<vmem>>, vector<16xf32>,
          tpu.vector_store %arg8[%swap3A_570, %swap3A_571, %swap3A_572], %gather3A_567 {strides = array<i32>} : memref<1x8x4096xf32, #tpu.memory_space<vmem>>, vector<16xf32>,
          %mul3A_574 = arith.constant 16 : i32
          %mul3A_575 = arith.muli %scan3A_486, %mul3A_574 : i32
          %get3A_576 = arith.constant 0 : i32
          %get3A_577 = arith.constant 5 : i32
          %get3A_578 = arith.index_cast %get3A_576 : i32 to index
          %get3A_579 = arith.index_cast %get3A_577 : i32 to index
          %get3A_580 = arith.index_cast %mul3A_575 : i32 to index
          %get3A_581 = tpu.vector_load %arg8[%get3A_578, %get3A_579, %get3A_580] {strides = array<i32>} : memref<1x8x4096xf32, #tpu.memory_space<vmem>>, vector<16xf32>,
          %convert_element_type3A_582 = arith.fptosi %get3A_581 : vector<16xf32> to vector<16xi32>
          %add3A_583 = vector.broadcast %mul3A_480 : i32 to vector<16xi32>
          %add3A_584 = arith.addi %convert_element_type3A_582, %add3A_583 : vector<16xi32>
          %gather3A_585 = tpu.vector_load_idx %arg5[%add3A_584] : memref<10000xf32, #tpu.memory_space<vmem>>[vector<16xi32>], vector<16xf32>,
          %swap3A_586 = arith.constant 0 : i32
          %swap3A_587 = arith.constant 5 : i32
          %swap3A_588 = arith.index_cast %swap3A_586 : i32 to index
          %swap3A_589 = arith.index_cast %swap3A_587 : i32 to index
          %swap3A_590 = arith.index_cast %mul3A_575 : i32 to index
          %swap3A_591 = tpu.vector_load %arg8[%swap3A_588, %swap3A_589, %swap3A_590] {strides = array<i32>} : memref<1x8x4096xf32, #tpu.memory_space<vmem>>, vector<16xf32>,
          tpu.vector_store %arg8[%swap3A_588, %swap3A_589, %swap3A_590], %gather3A_585 {strides = array<i32>} : memref<1x8x4096xf32, #tpu.memory_space<vmem>>, vector<16xf32>,
          %mul3A_592 = arith.constant 16 : i32
          %mul3A_593 = arith.muli %scan3A_486, %mul3A_592 : i32
          %get3A_594 = arith.constant 0 : i32
          %get3A_595 = arith.constant 6 : i32
          %get3A_596 = arith.index_cast %get3A_594 : i32 to index
          %get3A_597 = arith.index_cast %get3A_595 : i32 to index
          %get3A_598 = arith.index_cast %mul3A_593 : i32 to index
          %get3A_599 = tpu.vector_load %arg8[%get3A_596, %get3A_597, %get3A_598] {strides = array<i32>} : memref<1x8x4096xf32, #tpu.memory_space<vmem>>, vector<16xf32>,
          %convert_element_type3A_600 = arith.fptosi %get3A_599 : vector<16xf32> to vector<16xi32>
          %add3A_601 = vector.broadcast %mul3A_480 : i32 to vector<16xi32>
          %add3A_602 = arith.addi %convert_element_type3A_600, %add3A_601 : vector<16xi32>
          %gather3A_603 = tpu.vector_load_idx %arg5[%add3A_602] : memref<10000xf32, #tpu.memory_space<vmem>>[vector<16xi32>], vector<16xf32>,
          %swap3A_604 = arith.constant 0 : i32
          %swap3A_605 = arith.constant 6 : i32
          %swap3A_606 = arith.index_cast %swap3A_604 : i32 to index
          %swap3A_607 = arith.index_cast %swap3A_605 : i32 to index
          %swap3A_608 = arith.index_cast %mul3A_593 : i32 to index
          %swap3A_609 = tpu.vector_load %arg8[%swap3A_606, %swap3A_607, %swap3A_608] {strides = array<i32>} : memref<1x8x4096xf32, #tpu.memory_space<vmem>>, vector<16xf32>,
          tpu.vector_store %arg8[%swap3A_606, %swap3A_607, %swap3A_608], %gather3A_603 {strides = array<i32>} : memref<1x8x4096xf32, #tpu.memory_space<vmem>>, vector<16xf32>,
          %mul3A_610 = arith.constant 16 : i32
          %mul3A_611 = arith.muli %scan3A_486, %mul3A_610 : i32
          %get3A_612 = arith.constant 0 : i32
          %get3A_613 = arith.constant 7 : i32
          %get3A_614 = arith.index_cast %get3A_612 : i32 to index
          %get3A_615 = arith.index_cast %get3A_613 : i32 to index
          %get3A_616 = arith.index_cast %mul3A_611 : i32 to index
          %get3A_617 = tpu.vector_load %arg8[%get3A_614, %get3A_615, %get3A_616] {strides = array<i32>} : memref<1x8x4096xf32, #tpu.memory_space<vmem>>, vector<16xf32>,
          %convert_element_type3A_618 = arith.fptosi %get3A_617 : vector<16xf32> to vector<16xi32>
          %add3A_619 = vector.broadcast %mul3A_480 : i32 to vector<16xi32>
          %add3A_620 = arith.addi %convert_element_type3A_618, %add3A_619 : vector<16xi32>
          %gather3A_621 = tpu.vector_load_idx %arg5[%add3A_620] : memref<10000xf32, #tpu.memory_space<vmem>>[vector<16xi32>], vector<16xf32>,
          %swap3A_622 = arith.constant 0 : i32
          %swap3A_623 = arith.constant 7 : i32
          %swap3A_624 = arith.index_cast %swap3A_622 : i32 to index
          %swap3A_625 = arith.index_cast %swap3A_623 : i32 to index
          %swap3A_626 = arith.index_cast %mul3A_611 : i32 to index
          %swap3A_627 = tpu.vector_load %arg8[%swap3A_624, %swap3A_625, %swap3A_626] {strides = array<i32>} : memref<1x8x4096xf32, #tpu.memory_space<vmem>>, vector<16xf32>,
          tpu.vector_store %arg8[%swap3A_624, %swap3A_625, %swap3A_626], %gather3A_621 {strides = array<i32>} : memref<1x8x4096xf32, #tpu.memory_space<vmem>>, vector<16xf32>,
        }
        %scan3A_485 = arith.constant 256 : i32
      } else {
      }
      %add3A_467 = arith.constant 544 : i32
      %add3A_468 = arith.addi %add3A, %add3A_467 : i32
      %dma_start3A = arith.constant 0 : i32
      %dma_start3A_469 = arith.constant 0 : i32
      %dma_start3A_470 = tpu.memref_slice %arg4[%add3A_468, %dma_start3A, %dma_start3A_469] : memref<650x8x4096xf32, #tpu.memory_space<hbm>> -> memref<1x8x4096xf32, #tpu.memory_space<hbm>>
      %dma_start3A_471 = arith.constant 0 : i32
      %dma_start3A_472 = arith.constant 0 : i32
      %dma_start3A_473 = tpu.memref_slice %arg4[%add3A_468, %dma_start3A_471, %dma_start3A_472] : memref<650x8x4096xf32, #tpu.memory_space<hbm>> -> memref<1x8x4096xf32, #tpu.memory_space<hbm>>
      tpu.enqueue_dma source(%arg8 : memref<1x8x4096xf32, #tpu.memory_space<vmem>>) target(%dma_start3A_473 : memref<1x8x4096xf32, #tpu.memory_space<hbm>>) target_semaphore(%arg14 : memref<!tpu.dma_semaphore, #tpu.memory_space<semaphore_mem>>)
    } else {
    }
    %add3A_369 = arith.constant 512 : i32
    %add3A_370 = arith.addi %add3A, %add3A_369 : i32
    %lt3A_371 = arith.constant 650 : i32
    %lt3A_372 = arith.cmpi slt, %add3A_370, %lt3A_371 : i32
    %convert_element_type3A_373 = arith.extui %lt3A_372 : i1 to i32
    %cond3A_374 = arith.constant 0 : i32
    %cond3A_375 = arith.cmpi ne, %convert_element_type3A_373, %cond3A_374 : i32
    scf.if %cond3A_375 {
      %add3A_453 = arith.constant 512 : i32
      %add3A_454 = arith.addi %add3A, %add3A_453 : i32
      %dma_wait3A = arith.constant 0 : i32
      %dma_wait3A_455 = arith.constant 0 : i32
      %dma_wait3A_456 = tpu.memref_slice %arg4[%add3A_454, %dma_wait3A, %dma_wait3A_455] : memref<650x8x4096xf32, #tpu.memory_space<hbm>> -> memref<1x8x4096xf32, #tpu.memory_space<hbm>>
      %dma_wait3A_457 = arith.constant 0 : i32
      %dma_wait3A_458 = arith.constant 0 : i32
      %dma_wait3A_459 = tpu.memref_slice %arg4[%add3A_454, %dma_wait3A_457, %dma_wait3A_458] : memref<650x8x4096xf32, #tpu.memory_space<hbm>> -> memref<1x8x4096xf32, #tpu.memory_space<hbm>>
      tpu.wait_dma2 semaphore(%arg13 : memref<!tpu.dma_semaphore, #tpu.memory_space<semaphore_mem>>) src(%arg7 : memref<1x8x4096xf32, #tpu.memory_space<vmem>>) dst(%dma_wait3A_459 : memref<1x8x4096xf32, #tpu.memory_space<hbm>>)
    } else {
    }
    %add3A_376 = arith.constant 608 : i32
    %add3A_377 = arith.addi %add3A, %add3A_376 : i32
    %lt3A_378 = arith.constant 650 : i32
    %lt3A_379 = arith.cmpi slt, %add3A_377, %lt3A_378 : i32
    %convert_element_type3A_380 = arith.extui %lt3A_379 : i1 to i32
    %cond3A_381 = arith.constant 0 : i32
    %cond3A_382 = arith.cmpi ne, %convert_element_type3A_380, %cond3A_381 : i32
    scf.if %cond3A_382 {
      %add3A_453 = arith.constant 608 : i32
      %add3A_454 = arith.addi %add3A, %add3A_453 : i32
      %dma_start3A = arith.constant 0 : i32
      %dma_start3A_455 = arith.constant 0 : i32
      %dma_start3A_456 = tpu.memref_slice %arg2[%add3A_454, %dma_start3A, %dma_start3A_455] : memref<650x8x4096xf32, #tpu.memory_space<hbm>> -> memref<1x8x4096xf32, #tpu.memory_space<hbm>>
      %dma_start3A_457 = arith.constant 0 : i32
      %dma_start3A_458 = arith.constant 0 : i32
      %dma_start3A_459 = tpu.memref_slice %arg2[%add3A_454, %dma_start3A_457, %dma_start3A_458] : memref<650x8x4096xf32, #tpu.memory_space<hbm>> -> memref<1x8x4096xf32, #tpu.memory_space<hbm>>
      tpu.enqueue_dma source(%dma_start3A_459 : memref<1x8x4096xf32, #tpu.memory_space<hbm>>) target(%arg7 : memref<1x8x4096xf32, #tpu.memory_space<vmem>>) target_semaphore(%arg10 : memref<!tpu.dma_semaphore, #tpu.memory_space<semaphore_mem>>)
    } else {
    }
    %add3A_383 = arith.constant 576 : i32
    %add3A_384 = arith.addi %add3A, %add3A_383 : i32
    %lt3A_385 = arith.constant 650 : i32
    %lt3A_386 = arith.cmpi slt, %add3A_384, %lt3A_385 : i32
    %convert_element_type3A_387 = arith.extui %lt3A_386 : i1 to i32
    %cond3A_388 = arith.constant 0 : i32
    %cond3A_389 = arith.cmpi ne, %convert_element_type3A_387, %cond3A_388 : i32
    scf.if %cond3A_389 {
      %add3A_453 = arith.constant 576 : i32
      %add3A_454 = arith.addi %add3A, %add3A_453 : i32
      %dma_wait3A = arith.constant 0 : i32
      %dma_wait3A_455 = arith.constant 0 : i32
      %dma_wait3A_456 = tpu.memref_slice %arg2[%add3A_454, %dma_wait3A, %dma_wait3A_455] : memref<650x8x4096xf32, #tpu.memory_space<hbm>> -> memref<1x8x4096xf32, #tpu.memory_space<hbm>>
      %dma_wait3A_457 = arith.constant 0 : i32
      %dma_wait3A_458 = arith.constant 0 : i32
      %dma_wait3A_459 = tpu.memref_slice %arg2[%add3A_454, %dma_wait3A_457, %dma_wait3A_458] : memref<650x8x4096xf32, #tpu.memory_space<hbm>> -> memref<1x8x4096xf32, #tpu.memory_space<hbm>>
      tpu.wait_dma2 semaphore(%arg9 : memref<!tpu.dma_semaphore, #tpu.memory_space<semaphore_mem>>) src(%dma_wait3A_459 : memref<1x8x4096xf32, #tpu.memory_space<hbm>>) dst(%arg6 : memref<1x8x4096xf32, #tpu.memory_space<vmem>>)
      %add3A_460 = arith.constant 576 : i32
      %add3A_461 = arith.addi %add3A, %add3A_460 : i32
      %lt3A_462 = arith.constant 250 : i32
      %lt3A_463 = arith.cmpi slt, %add3A_461, %lt3A_462 : i32
      %convert_element_type3A_464 = arith.extui %lt3A_463 : i1 to i32
      %cond3A_465 = arith.constant 0 : i32
      %cond3A_466 = arith.cmpi ne, %convert_element_type3A_464, %cond3A_465 : i32
      scf.if %cond3A_466 {
        %add3A_474 = arith.constant 576 : i32
        %add3A_475 = arith.addi %add3A, %add3A_474 : i32
        %mul3A_476 = arith.constant 41944 : i32
        %mul3A_477 = arith.muli %add3A_475, %mul3A_476 : i32
        %shift_right_arithmetic3A = arith.constant 20 : i32
        %shift_right_arithmetic3A_478 = arith.shrsi %mul3A_477, %shift_right_arithmetic3A : i32
        %mul3A_479 = arith.constant 1000 : i32
        %mul3A_480 = arith.muli %shift_right_arithmetic3A_478, %mul3A_479 : i32
        %scan3A = arith.constant 0 : i32
        %scan3A_481 = arith.constant 0 : i32
        %scan3A_482 = arith.constant 256 : i32
        %scan3A_483 = arith.addi %scan3A_481, %scan3A_482 : i32
        %scan3A_484 = arith.constant 1 : i32
        scf.for %scan3A_486 = %scan3A_481 to %scan3A_483 step %scan3A_484  : i32 {
          %mul3A_487 = arith.constant 16 : i32
          %mul3A_488 = arith.muli %scan3A_486, %mul3A_487 : i32
          %get3A = arith.constant 0 : i32
          %get3A_489 = arith.constant 0 : i32
          %get3A_490 = arith.index_cast %get3A : i32 to index
          %get3A_491 = arith.index_cast %get3A_489 : i32 to index
          %get3A_492 = arith.index_cast %mul3A_488 : i32 to index
          %get3A_493 = tpu.vector_load %arg6[%get3A_490, %get3A_491, %get3A_492] {strides = array<i32>} : memref<1x8x4096xf32, #tpu.memory_space<vmem>>, vector<16xf32>,
          %convert_element_type3A_494 = arith.fptosi %get3A_493 : vector<16xf32> to vector<16xi32>
          %add3A_495 = vector.broadcast %mul3A_480 : i32 to vector<16xi32>
          %add3A_496 = arith.addi %convert_element_type3A_494, %add3A_495 : vector<16xi32>
          %gather3A = tpu.vector_load_idx %arg5[%add3A_496] : memref<10000xf32, #tpu.memory_space<vmem>>[vector<16xi32>], vector<16xf32>,
          %swap3A = arith.constant 0 : i32
          %swap3A_497 = arith.constant 0 : i32
          %swap3A_498 = arith.index_cast %swap3A : i32 to index
          %swap3A_499 = arith.index_cast %swap3A_497 : i32 to index
          %swap3A_500 = arith.index_cast %mul3A_488 : i32 to index
          %swap3A_501 = tpu.vector_load %arg6[%swap3A_498, %swap3A_499, %swap3A_500] {strides = array<i32>} : memref<1x8x4096xf32, #tpu.memory_space<vmem>>, vector<16xf32>,
          tpu.vector_store %arg6[%swap3A_498, %swap3A_499, %swap3A_500], %gather3A {strides = array<i32>} : memref<1x8x4096xf32, #tpu.memory_space<vmem>>, vector<16xf32>,
          %mul3A_502 = arith.constant 16 : i32
          %mul3A_503 = arith.muli %scan3A_486, %mul3A_502 : i32
          %get3A_504 = arith.constant 0 : i32
          %get3A_505 = arith.constant 1 : i32
          %get3A_506 = arith.index_cast %get3A_504 : i32 to index
          %get3A_507 = arith.index_cast %get3A_505 : i32 to index
          %get3A_508 = arith.index_cast %mul3A_503 : i32 to index
          %get3A_509 = tpu.vector_load %arg6[%get3A_506, %get3A_507, %get3A_508] {strides = array<i32>} : memref<1x8x4096xf32, #tpu.memory_space<vmem>>, vector<16xf32>,
          %convert_element_type3A_510 = arith.fptosi %get3A_509 : vector<16xf32> to vector<16xi32>
          %add3A_511 = vector.broadcast %mul3A_480 : i32 to vector<16xi32>
          %add3A_512 = arith.addi %convert_element_type3A_510, %add3A_511 : vector<16xi32>
          %gather3A_513 = tpu.vector_load_idx %arg5[%add3A_512] : memref<10000xf32, #tpu.memory_space<vmem>>[vector<16xi32>], vector<16xf32>,
          %swap3A_514 = arith.constant 0 : i32
          %swap3A_515 = arith.constant 1 : i32
          %swap3A_516 = arith.index_cast %swap3A_514 : i32 to index
          %swap3A_517 = arith.index_cast %swap3A_515 : i32 to index
          %swap3A_518 = arith.index_cast %mul3A_503 : i32 to index
          %swap3A_519 = tpu.vector_load %arg6[%swap3A_516, %swap3A_517, %swap3A_518] {strides = array<i32>} : memref<1x8x4096xf32, #tpu.memory_space<vmem>>, vector<16xf32>,
          tpu.vector_store %arg6[%swap3A_516, %swap3A_517, %swap3A_518], %gather3A_513 {strides = array<i32>} : memref<1x8x4096xf32, #tpu.memory_space<vmem>>, vector<16xf32>,
          %mul3A_520 = arith.constant 16 : i32
          %mul3A_521 = arith.muli %scan3A_486, %mul3A_520 : i32
          %get3A_522 = arith.constant 0 : i32
          %get3A_523 = arith.constant 2 : i32
          %get3A_524 = arith.index_cast %get3A_522 : i32 to index
          %get3A_525 = arith.index_cast %get3A_523 : i32 to index
          %get3A_526 = arith.index_cast %mul3A_521 : i32 to index
          %get3A_527 = tpu.vector_load %arg6[%get3A_524, %get3A_525, %get3A_526] {strides = array<i32>} : memref<1x8x4096xf32, #tpu.memory_space<vmem>>, vector<16xf32>,
          %convert_element_type3A_528 = arith.fptosi %get3A_527 : vector<16xf32> to vector<16xi32>
          %add3A_529 = vector.broadcast %mul3A_480 : i32 to vector<16xi32>
          %add3A_530 = arith.addi %convert_element_type3A_528, %add3A_529 : vector<16xi32>
          %gather3A_531 = tpu.vector_load_idx %arg5[%add3A_530] : memref<10000xf32, #tpu.memory_space<vmem>>[vector<16xi32>], vector<16xf32>,
          %swap3A_532 = arith.constant 0 : i32
          %swap3A_533 = arith.constant 2 : i32
          %swap3A_534 = arith.index_cast %swap3A_532 : i32 to index
          %swap3A_535 = arith.index_cast %swap3A_533 : i32 to index
          %swap3A_536 = arith.index_cast %mul3A_521 : i32 to index
          %swap3A_537 = tpu.vector_load %arg6[%swap3A_534, %swap3A_535, %swap3A_536] {strides = array<i32>} : memref<1x8x4096xf32, #tpu.memory_space<vmem>>, vector<16xf32>,
          tpu.vector_store %arg6[%swap3A_534, %swap3A_535, %swap3A_536], %gather3A_531 {strides = array<i32>} : memref<1x8x4096xf32, #tpu.memory_space<vmem>>, vector<16xf32>,
          %mul3A_538 = arith.constant 16 : i32
          %mul3A_539 = arith.muli %scan3A_486, %mul3A_538 : i32
          %get3A_540 = arith.constant 0 : i32
          %get3A_541 = arith.constant 3 : i32
          %get3A_542 = arith.index_cast %get3A_540 : i32 to index
          %get3A_543 = arith.index_cast %get3A_541 : i32 to index
          %get3A_544 = arith.index_cast %mul3A_539 : i32 to index
          %get3A_545 = tpu.vector_load %arg6[%get3A_542, %get3A_543, %get3A_544] {strides = array<i32>} : memref<1x8x4096xf32, #tpu.memory_space<vmem>>, vector<16xf32>,
          %convert_element_type3A_546 = arith.fptosi %get3A_545 : vector<16xf32> to vector<16xi32>
          %add3A_547 = vector.broadcast %mul3A_480 : i32 to vector<16xi32>
          %add3A_548 = arith.addi %convert_element_type3A_546, %add3A_547 : vector<16xi32>
          %gather3A_549 = tpu.vector_load_idx %arg5[%add3A_548] : memref<10000xf32, #tpu.memory_space<vmem>>[vector<16xi32>], vector<16xf32>,
          %swap3A_550 = arith.constant 0 : i32
          %swap3A_551 = arith.constant 3 : i32
          %swap3A_552 = arith.index_cast %swap3A_550 : i32 to index
          %swap3A_553 = arith.index_cast %swap3A_551 : i32 to index
          %swap3A_554 = arith.index_cast %mul3A_539 : i32 to index
          %swap3A_555 = tpu.vector_load %arg6[%swap3A_552, %swap3A_553, %swap3A_554] {strides = array<i32>} : memref<1x8x4096xf32, #tpu.memory_space<vmem>>, vector<16xf32>,
          tpu.vector_store %arg6[%swap3A_552, %swap3A_553, %swap3A_554], %gather3A_549 {strides = array<i32>} : memref<1x8x4096xf32, #tpu.memory_space<vmem>>, vector<16xf32>,
          %mul3A_556 = arith.constant 16 : i32
          %mul3A_557 = arith.muli %scan3A_486, %mul3A_556 : i32
          %get3A_558 = arith.constant 0 : i32
          %get3A_559 = arith.constant 4 : i32
          %get3A_560 = arith.index_cast %get3A_558 : i32 to index
          %get3A_561 = arith.index_cast %get3A_559 : i32 to index
          %get3A_562 = arith.index_cast %mul3A_557 : i32 to index
          %get3A_563 = tpu.vector_load %arg6[%get3A_560, %get3A_561, %get3A_562] {strides = array<i32>} : memref<1x8x4096xf32, #tpu.memory_space<vmem>>, vector<16xf32>,
          %convert_element_type3A_564 = arith.fptosi %get3A_563 : vector<16xf32> to vector<16xi32>
          %add3A_565 = vector.broadcast %mul3A_480 : i32 to vector<16xi32>
          %add3A_566 = arith.addi %convert_element_type3A_564, %add3A_565 : vector<16xi32>
          %gather3A_567 = tpu.vector_load_idx %arg5[%add3A_566] : memref<10000xf32, #tpu.memory_space<vmem>>[vector<16xi32>], vector<16xf32>,
          %swap3A_568 = arith.constant 0 : i32
          %swap3A_569 = arith.constant 4 : i32
          %swap3A_570 = arith.index_cast %swap3A_568 : i32 to index
          %swap3A_571 = arith.index_cast %swap3A_569 : i32 to index
          %swap3A_572 = arith.index_cast %mul3A_557 : i32 to index
          %swap3A_573 = tpu.vector_load %arg6[%swap3A_570, %swap3A_571, %swap3A_572] {strides = array<i32>} : memref<1x8x4096xf32, #tpu.memory_space<vmem>>, vector<16xf32>,
          tpu.vector_store %arg6[%swap3A_570, %swap3A_571, %swap3A_572], %gather3A_567 {strides = array<i32>} : memref<1x8x4096xf32, #tpu.memory_space<vmem>>, vector<16xf32>,
          %mul3A_574 = arith.constant 16 : i32
          %mul3A_575 = arith.muli %scan3A_486, %mul3A_574 : i32
          %get3A_576 = arith.constant 0 : i32
          %get3A_577 = arith.constant 5 : i32
          %get3A_578 = arith.index_cast %get3A_576 : i32 to index
          %get3A_579 = arith.index_cast %get3A_577 : i32 to index
          %get3A_580 = arith.index_cast %mul3A_575 : i32 to index
          %get3A_581 = tpu.vector_load %arg6[%get3A_578, %get3A_579, %get3A_580] {strides = array<i32>} : memref<1x8x4096xf32, #tpu.memory_space<vmem>>, vector<16xf32>,
          %convert_element_type3A_582 = arith.fptosi %get3A_581 : vector<16xf32> to vector<16xi32>
          %add3A_583 = vector.broadcast %mul3A_480 : i32 to vector<16xi32>
          %add3A_584 = arith.addi %convert_element_type3A_582, %add3A_583 : vector<16xi32>
          %gather3A_585 = tpu.vector_load_idx %arg5[%add3A_584] : memref<10000xf32, #tpu.memory_space<vmem>>[vector<16xi32>], vector<16xf32>,
          %swap3A_586 = arith.constant 0 : i32
          %swap3A_587 = arith.constant 5 : i32
          %swap3A_588 = arith.index_cast %swap3A_586 : i32 to index
          %swap3A_589 = arith.index_cast %swap3A_587 : i32 to index
          %swap3A_590 = arith.index_cast %mul3A_575 : i32 to index
          %swap3A_591 = tpu.vector_load %arg6[%swap3A_588, %swap3A_589, %swap3A_590] {strides = array<i32>} : memref<1x8x4096xf32, #tpu.memory_space<vmem>>, vector<16xf32>,
          tpu.vector_store %arg6[%swap3A_588, %swap3A_589, %swap3A_590], %gather3A_585 {strides = array<i32>} : memref<1x8x4096xf32, #tpu.memory_space<vmem>>, vector<16xf32>,
          %mul3A_592 = arith.constant 16 : i32
          %mul3A_593 = arith.muli %scan3A_486, %mul3A_592 : i32
          %get3A_594 = arith.constant 0 : i32
          %get3A_595 = arith.constant 6 : i32
          %get3A_596 = arith.index_cast %get3A_594 : i32 to index
          %get3A_597 = arith.index_cast %get3A_595 : i32 to index
          %get3A_598 = arith.index_cast %mul3A_593 : i32 to index
          %get3A_599 = tpu.vector_load %arg6[%get3A_596, %get3A_597, %get3A_598] {strides = array<i32>} : memref<1x8x4096xf32, #tpu.memory_space<vmem>>, vector<16xf32>,
          %convert_element_type3A_600 = arith.fptosi %get3A_599 : vector<16xf32> to vector<16xi32>
          %add3A_601 = vector.broadcast %mul3A_480 : i32 to vector<16xi32>
          %add3A_602 = arith.addi %convert_element_type3A_600, %add3A_601 : vector<16xi32>
          %gather3A_603 = tpu.vector_load_idx %arg5[%add3A_602] : memref<10000xf32, #tpu.memory_space<vmem>>[vector<16xi32>], vector<16xf32>,
          %swap3A_604 = arith.constant 0 : i32
          %swap3A_605 = arith.constant 6 : i32
          %swap3A_606 = arith.index_cast %swap3A_604 : i32 to index
          %swap3A_607 = arith.index_cast %swap3A_605 : i32 to index
          %swap3A_608 = arith.index_cast %mul3A_593 : i32 to index
          %swap3A_609 = tpu.vector_load %arg6[%swap3A_606, %swap3A_607, %swap3A_608] {strides = array<i32>} : memref<1x8x4096xf32, #tpu.memory_space<vmem>>, vector<16xf32>,
          tpu.vector_store %arg6[%swap3A_606, %swap3A_607, %swap3A_608], %gather3A_603 {strides = array<i32>} : memref<1x8x4096xf32, #tpu.memory_space<vmem>>, vector<16xf32>,
          %mul3A_610 = arith.constant 16 : i32
          %mul3A_611 = arith.muli %scan3A_486, %mul3A_610 : i32
          %get3A_612 = arith.constant 0 : i32
          %get3A_613 = arith.constant 7 : i32
          %get3A_614 = arith.index_cast %get3A_612 : i32 to index
          %get3A_615 = arith.index_cast %get3A_613 : i32 to index
          %get3A_616 = arith.index_cast %mul3A_611 : i32 to index
          %get3A_617 = tpu.vector_load %arg6[%get3A_614, %get3A_615, %get3A_616] {strides = array<i32>} : memref<1x8x4096xf32, #tpu.memory_space<vmem>>, vector<16xf32>,
          %convert_element_type3A_618 = arith.fptosi %get3A_617 : vector<16xf32> to vector<16xi32>
          %add3A_619 = vector.broadcast %mul3A_480 : i32 to vector<16xi32>
          %add3A_620 = arith.addi %convert_element_type3A_618, %add3A_619 : vector<16xi32>
          %gather3A_621 = tpu.vector_load_idx %arg5[%add3A_620] : memref<10000xf32, #tpu.memory_space<vmem>>[vector<16xi32>], vector<16xf32>,
          %swap3A_622 = arith.constant 0 : i32
          %swap3A_623 = arith.constant 7 : i32
          %swap3A_624 = arith.index_cast %swap3A_622 : i32 to index
          %swap3A_625 = arith.index_cast %swap3A_623 : i32 to index
          %swap3A_626 = arith.index_cast %mul3A_611 : i32 to index
          %swap3A_627 = tpu.vector_load %arg6[%swap3A_624, %swap3A_625, %swap3A_626] {strides = array<i32>} : memref<1x8x4096xf32, #tpu.memory_space<vmem>>, vector<16xf32>,
          tpu.vector_store %arg6[%swap3A_624, %swap3A_625, %swap3A_626], %gather3A_621 {strides = array<i32>} : memref<1x8x4096xf32, #tpu.memory_space<vmem>>, vector<16xf32>,
        }
        %scan3A_485 = arith.constant 256 : i32
      } else {
      }
      %add3A_467 = arith.constant 576 : i32
      %add3A_468 = arith.addi %add3A, %add3A_467 : i32
      %dma_start3A = arith.constant 0 : i32
      %dma_start3A_469 = arith.constant 0 : i32
      %dma_start3A_470 = tpu.memref_slice %arg4[%add3A_468, %dma_start3A, %dma_start3A_469] : memref<650x8x4096xf32, #tpu.memory_space<hbm>> -> memref<1x8x4096xf32, #tpu.memory_space<hbm>>
      %dma_start3A_471 = arith.constant 0 : i32
      %dma_start3A_472 = arith.constant 0 : i32
      %dma_start3A_473 = tpu.memref_slice %arg4[%add3A_468, %dma_start3A_471, %dma_start3A_472] : memref<650x8x4096xf32, #tpu.memory_space<hbm>> -> memref<1x8x4096xf32, #tpu.memory_space<hbm>>
      tpu.enqueue_dma source(%arg6 : memref<1x8x4096xf32, #tpu.memory_space<vmem>>) target(%dma_start3A_473 : memref<1x8x4096xf32, #tpu.memory_space<hbm>>) target_semaphore(%arg12 : memref<!tpu.dma_semaphore, #tpu.memory_space<semaphore_mem>>)
    } else {
    }
    %add3A_390 = arith.constant 544 : i32
    %add3A_391 = arith.addi %add3A, %add3A_390 : i32
    %lt3A_392 = arith.constant 650 : i32
    %lt3A_393 = arith.cmpi slt, %add3A_391, %lt3A_392 : i32
    %convert_element_type3A_394 = arith.extui %lt3A_393 : i1 to i32
    %cond3A_395 = arith.constant 0 : i32
    %cond3A_396 = arith.cmpi ne, %convert_element_type3A_394, %cond3A_395 : i32
    scf.if %cond3A_396 {
      %add3A_453 = arith.constant 544 : i32
      %add3A_454 = arith.addi %add3A, %add3A_453 : i32
      %dma_wait3A = arith.constant 0 : i32
      %dma_wait3A_455 = arith.constant 0 : i32
      %dma_wait3A_456 = tpu.memref_slice %arg4[%add3A_454, %dma_wait3A, %dma_wait3A_455] : memref<650x8x4096xf32, #tpu.memory_space<hbm>> -> memref<1x8x4096xf32, #tpu.memory_space<hbm>>
      %dma_wait3A_457 = arith.constant 0 : i32
      %dma_wait3A_458 = arith.constant 0 : i32
      %dma_wait3A_459 = tpu.memref_slice %arg4[%add3A_454, %dma_wait3A_457, %dma_wait3A_458] : memref<650x8x4096xf32, #tpu.memory_space<hbm>> -> memref<1x8x4096xf32, #tpu.memory_space<hbm>>
      tpu.wait_dma2 semaphore(%arg14 : memref<!tpu.dma_semaphore, #tpu.memory_space<semaphore_mem>>) src(%arg8 : memref<1x8x4096xf32, #tpu.memory_space<vmem>>) dst(%dma_wait3A_459 : memref<1x8x4096xf32, #tpu.memory_space<hbm>>)
    } else {
    }
    %add3A_397 = arith.constant 640 : i32
    %add3A_398 = arith.addi %add3A, %add3A_397 : i32
    %lt3A_399 = arith.constant 650 : i32
    %lt3A_400 = arith.cmpi slt, %add3A_398, %lt3A_399 : i32
    %convert_element_type3A_401 = arith.extui %lt3A_400 : i1 to i32
    %cond3A_402 = arith.constant 0 : i32
    %cond3A_403 = arith.cmpi ne, %convert_element_type3A_401, %cond3A_402 : i32
    scf.if %cond3A_403 {
      %add3A_453 = arith.constant 640 : i32
      %add3A_454 = arith.addi %add3A, %add3A_453 : i32
      %dma_start3A = arith.constant 0 : i32
      %dma_start3A_455 = arith.constant 0 : i32
      %dma_start3A_456 = tpu.memref_slice %arg2[%add3A_454, %dma_start3A, %dma_start3A_455] : memref<650x8x4096xf32, #tpu.memory_space<hbm>> -> memref<1x8x4096xf32, #tpu.memory_space<hbm>>
      %dma_start3A_457 = arith.constant 0 : i32
      %dma_start3A_458 = arith.constant 0 : i32
      %dma_start3A_459 = tpu.memref_slice %arg2[%add3A_454, %dma_start3A_457, %dma_start3A_458] : memref<650x8x4096xf32, #tpu.memory_space<hbm>> -> memref<1x8x4096xf32, #tpu.memory_space<hbm>>
      tpu.enqueue_dma source(%dma_start3A_459 : memref<1x8x4096xf32, #tpu.memory_space<hbm>>) target(%arg8 : memref<1x8x4096xf32, #tpu.memory_space<vmem>>) target_semaphore(%arg11 : memref<!tpu.dma_semaphore, #tpu.memory_space<semaphore_mem>>)
    } else {
    }
    %add3A_404 = arith.constant 608 : i32
    %add3A_405 = arith.addi %add3A, %add3A_404 : i32
    %lt3A_406 = arith.constant 650 : i32
    %lt3A_407 = arith.cmpi slt, %add3A_405, %lt3A_406 : i32
    %convert_element_type3A_408 = arith.extui %lt3A_407 : i1 to i32
    %cond3A_409 = arith.constant 0 : i32
    %cond3A_410 = arith.cmpi ne, %convert_element_type3A_408, %cond3A_409 : i32
    scf.if %cond3A_410 {
      %add3A_453 = arith.constant 608 : i32
      %add3A_454 = arith.addi %add3A, %add3A_453 : i32
      %dma_wait3A = arith.constant 0 : i32
      %dma_wait3A_455 = arith.constant 0 : i32
      %dma_wait3A_456 = tpu.memref_slice %arg2[%add3A_454, %dma_wait3A, %dma_wait3A_455] : memref<650x8x4096xf32, #tpu.memory_space<hbm>> -> memref<1x8x4096xf32, #tpu.memory_space<hbm>>
      %dma_wait3A_457 = arith.constant 0 : i32
      %dma_wait3A_458 = arith.constant 0 : i32
      %dma_wait3A_459 = tpu.memref_slice %arg2[%add3A_454, %dma_wait3A_457, %dma_wait3A_458] : memref<650x8x4096xf32, #tpu.memory_space<hbm>> -> memref<1x8x4096xf32, #tpu.memory_space<hbm>>
      tpu.wait_dma2 semaphore(%arg10 : memref<!tpu.dma_semaphore, #tpu.memory_space<semaphore_mem>>) src(%dma_wait3A_459 : memref<1x8x4096xf32, #tpu.memory_space<hbm>>) dst(%arg7 : memref<1x8x4096xf32, #tpu.memory_space<vmem>>)
      %add3A_460 = arith.constant 608 : i32
      %add3A_461 = arith.addi %add3A, %add3A_460 : i32
      %lt3A_462 = arith.constant 250 : i32
      %lt3A_463 = arith.cmpi slt, %add3A_461, %lt3A_462 : i32
      %convert_element_type3A_464 = arith.extui %lt3A_463 : i1 to i32
      %cond3A_465 = arith.constant 0 : i32
      %cond3A_466 = arith.cmpi ne, %convert_element_type3A_464, %cond3A_465 : i32
      scf.if %cond3A_466 {
        %add3A_474 = arith.constant 608 : i32
        %add3A_475 = arith.addi %add3A, %add3A_474 : i32
        %mul3A_476 = arith.constant 41944 : i32
        %mul3A_477 = arith.muli %add3A_475, %mul3A_476 : i32
        %shift_right_arithmetic3A = arith.constant 20 : i32
        %shift_right_arithmetic3A_478 = arith.shrsi %mul3A_477, %shift_right_arithmetic3A : i32
        %mul3A_479 = arith.constant 1000 : i32
        %mul3A_480 = arith.muli %shift_right_arithmetic3A_478, %mul3A_479 : i32
        %scan3A = arith.constant 0 : i32
        %scan3A_481 = arith.constant 0 : i32
        %scan3A_482 = arith.constant 256 : i32
        %scan3A_483 = arith.addi %scan3A_481, %scan3A_482 : i32
        %scan3A_484 = arith.constant 1 : i32
        scf.for %scan3A_486 = %scan3A_481 to %scan3A_483 step %scan3A_484  : i32 {
          %mul3A_487 = arith.constant 16 : i32
          %mul3A_488 = arith.muli %scan3A_486, %mul3A_487 : i32
          %get3A = arith.constant 0 : i32
          %get3A_489 = arith.constant 0 : i32
          %get3A_490 = arith.index_cast %get3A : i32 to index
          %get3A_491 = arith.index_cast %get3A_489 : i32 to index
          %get3A_492 = arith.index_cast %mul3A_488 : i32 to index
          %get3A_493 = tpu.vector_load %arg7[%get3A_490, %get3A_491, %get3A_492] {strides = array<i32>} : memref<1x8x4096xf32, #tpu.memory_space<vmem>>, vector<16xf32>,
          %convert_element_type3A_494 = arith.fptosi %get3A_493 : vector<16xf32> to vector<16xi32>
          %add3A_495 = vector.broadcast %mul3A_480 : i32 to vector<16xi32>
          %add3A_496 = arith.addi %convert_element_type3A_494, %add3A_495 : vector<16xi32>
          %gather3A = tpu.vector_load_idx %arg5[%add3A_496] : memref<10000xf32, #tpu.memory_space<vmem>>[vector<16xi32>], vector<16xf32>,
          %swap3A = arith.constant 0 : i32
          %swap3A_497 = arith.constant 0 : i32
          %swap3A_498 = arith.index_cast %swap3A : i32 to index
          %swap3A_499 = arith.index_cast %swap3A_497 : i32 to index
          %swap3A_500 = arith.index_cast %mul3A_488 : i32 to index
          %swap3A_501 = tpu.vector_load %arg7[%swap3A_498, %swap3A_499, %swap3A_500] {strides = array<i32>} : memref<1x8x4096xf32, #tpu.memory_space<vmem>>, vector<16xf32>,
          tpu.vector_store %arg7[%swap3A_498, %swap3A_499, %swap3A_500], %gather3A {strides = array<i32>} : memref<1x8x4096xf32, #tpu.memory_space<vmem>>, vector<16xf32>,
          %mul3A_502 = arith.constant 16 : i32
          %mul3A_503 = arith.muli %scan3A_486, %mul3A_502 : i32
          %get3A_504 = arith.constant 0 : i32
          %get3A_505 = arith.constant 1 : i32
          %get3A_506 = arith.index_cast %get3A_504 : i32 to index
          %get3A_507 = arith.index_cast %get3A_505 : i32 to index
          %get3A_508 = arith.index_cast %mul3A_503 : i32 to index
          %get3A_509 = tpu.vector_load %arg7[%get3A_506, %get3A_507, %get3A_508] {strides = array<i32>} : memref<1x8x4096xf32, #tpu.memory_space<vmem>>, vector<16xf32>,
          %convert_element_type3A_510 = arith.fptosi %get3A_509 : vector<16xf32> to vector<16xi32>
          %add3A_511 = vector.broadcast %mul3A_480 : i32 to vector<16xi32>
          %add3A_512 = arith.addi %convert_element_type3A_510, %add3A_511 : vector<16xi32>
          %gather3A_513 = tpu.vector_load_idx %arg5[%add3A_512] : memref<10000xf32, #tpu.memory_space<vmem>>[vector<16xi32>], vector<16xf32>,
          %swap3A_514 = arith.constant 0 : i32
          %swap3A_515 = arith.constant 1 : i32
          %swap3A_516 = arith.index_cast %swap3A_514 : i32 to index
          %swap3A_517 = arith.index_cast %swap3A_515 : i32 to index
          %swap3A_518 = arith.index_cast %mul3A_503 : i32 to index
          %swap3A_519 = tpu.vector_load %arg7[%swap3A_516, %swap3A_517, %swap3A_518] {strides = array<i32>} : memref<1x8x4096xf32, #tpu.memory_space<vmem>>, vector<16xf32>,
          tpu.vector_store %arg7[%swap3A_516, %swap3A_517, %swap3A_518], %gather3A_513 {strides = array<i32>} : memref<1x8x4096xf32, #tpu.memory_space<vmem>>, vector<16xf32>,
          %mul3A_520 = arith.constant 16 : i32
          %mul3A_521 = arith.muli %scan3A_486, %mul3A_520 : i32
          %get3A_522 = arith.constant 0 : i32
          %get3A_523 = arith.constant 2 : i32
          %get3A_524 = arith.index_cast %get3A_522 : i32 to index
          %get3A_525 = arith.index_cast %get3A_523 : i32 to index
          %get3A_526 = arith.index_cast %mul3A_521 : i32 to index
          %get3A_527 = tpu.vector_load %arg7[%get3A_524, %get3A_525, %get3A_526] {strides = array<i32>} : memref<1x8x4096xf32, #tpu.memory_space<vmem>>, vector<16xf32>,
          %convert_element_type3A_528 = arith.fptosi %get3A_527 : vector<16xf32> to vector<16xi32>
          %add3A_529 = vector.broadcast %mul3A_480 : i32 to vector<16xi32>
          %add3A_530 = arith.addi %convert_element_type3A_528, %add3A_529 : vector<16xi32>
          %gather3A_531 = tpu.vector_load_idx %arg5[%add3A_530] : memref<10000xf32, #tpu.memory_space<vmem>>[vector<16xi32>], vector<16xf32>,
          %swap3A_532 = arith.constant 0 : i32
          %swap3A_533 = arith.constant 2 : i32
          %swap3A_534 = arith.index_cast %swap3A_532 : i32 to index
          %swap3A_535 = arith.index_cast %swap3A_533 : i32 to index
          %swap3A_536 = arith.index_cast %mul3A_521 : i32 to index
          %swap3A_537 = tpu.vector_load %arg7[%swap3A_534, %swap3A_535, %swap3A_536] {strides = array<i32>} : memref<1x8x4096xf32, #tpu.memory_space<vmem>>, vector<16xf32>,
          tpu.vector_store %arg7[%swap3A_534, %swap3A_535, %swap3A_536], %gather3A_531 {strides = array<i32>} : memref<1x8x4096xf32, #tpu.memory_space<vmem>>, vector<16xf32>,
          %mul3A_538 = arith.constant 16 : i32
          %mul3A_539 = arith.muli %scan3A_486, %mul3A_538 : i32
          %get3A_540 = arith.constant 0 : i32
          %get3A_541 = arith.constant 3 : i32
          %get3A_542 = arith.index_cast %get3A_540 : i32 to index
          %get3A_543 = arith.index_cast %get3A_541 : i32 to index
          %get3A_544 = arith.index_cast %mul3A_539 : i32 to index
          %get3A_545 = tpu.vector_load %arg7[%get3A_542, %get3A_543, %get3A_544] {strides = array<i32>} : memref<1x8x4096xf32, #tpu.memory_space<vmem>>, vector<16xf32>,
          %convert_element_type3A_546 = arith.fptosi %get3A_545 : vector<16xf32> to vector<16xi32>
          %add3A_547 = vector.broadcast %mul3A_480 : i32 to vector<16xi32>
          %add3A_548 = arith.addi %convert_element_type3A_546, %add3A_547 : vector<16xi32>
          %gather3A_549 = tpu.vector_load_idx %arg5[%add3A_548] : memref<10000xf32, #tpu.memory_space<vmem>>[vector<16xi32>], vector<16xf32>,
          %swap3A_550 = arith.constant 0 : i32
          %swap3A_551 = arith.constant 3 : i32
          %swap3A_552 = arith.index_cast %swap3A_550 : i32 to index
          %swap3A_553 = arith.index_cast %swap3A_551 : i32 to index
          %swap3A_554 = arith.index_cast %mul3A_539 : i32 to index
          %swap3A_555 = tpu.vector_load %arg7[%swap3A_552, %swap3A_553, %swap3A_554] {strides = array<i32>} : memref<1x8x4096xf32, #tpu.memory_space<vmem>>, vector<16xf32>,
          tpu.vector_store %arg7[%swap3A_552, %swap3A_553, %swap3A_554], %gather3A_549 {strides = array<i32>} : memref<1x8x4096xf32, #tpu.memory_space<vmem>>, vector<16xf32>,
          %mul3A_556 = arith.constant 16 : i32
          %mul3A_557 = arith.muli %scan3A_486, %mul3A_556 : i32
          %get3A_558 = arith.constant 0 : i32
          %get3A_559 = arith.constant 4 : i32
          %get3A_560 = arith.index_cast %get3A_558 : i32 to index
          %get3A_561 = arith.index_cast %get3A_559 : i32 to index
          %get3A_562 = arith.index_cast %mul3A_557 : i32 to index
          %get3A_563 = tpu.vector_load %arg7[%get3A_560, %get3A_561, %get3A_562] {strides = array<i32>} : memref<1x8x4096xf32, #tpu.memory_space<vmem>>, vector<16xf32>,
          %convert_element_type3A_564 = arith.fptosi %get3A_563 : vector<16xf32> to vector<16xi32>
          %add3A_565 = vector.broadcast %mul3A_480 : i32 to vector<16xi32>
          %add3A_566 = arith.addi %convert_element_type3A_564, %add3A_565 : vector<16xi32>
          %gather3A_567 = tpu.vector_load_idx %arg5[%add3A_566] : memref<10000xf32, #tpu.memory_space<vmem>>[vector<16xi32>], vector<16xf32>,
          %swap3A_568 = arith.constant 0 : i32
          %swap3A_569 = arith.constant 4 : i32
          %swap3A_570 = arith.index_cast %swap3A_568 : i32 to index
          %swap3A_571 = arith.index_cast %swap3A_569 : i32 to index
          %swap3A_572 = arith.index_cast %mul3A_557 : i32 to index
          %swap3A_573 = tpu.vector_load %arg7[%swap3A_570, %swap3A_571, %swap3A_572] {strides = array<i32>} : memref<1x8x4096xf32, #tpu.memory_space<vmem>>, vector<16xf32>,
          tpu.vector_store %arg7[%swap3A_570, %swap3A_571, %swap3A_572], %gather3A_567 {strides = array<i32>} : memref<1x8x4096xf32, #tpu.memory_space<vmem>>, vector<16xf32>,
          %mul3A_574 = arith.constant 16 : i32
          %mul3A_575 = arith.muli %scan3A_486, %mul3A_574 : i32
          %get3A_576 = arith.constant 0 : i32
          %get3A_577 = arith.constant 5 : i32
          %get3A_578 = arith.index_cast %get3A_576 : i32 to index
          %get3A_579 = arith.index_cast %get3A_577 : i32 to index
          %get3A_580 = arith.index_cast %mul3A_575 : i32 to index
          %get3A_581 = tpu.vector_load %arg7[%get3A_578, %get3A_579, %get3A_580] {strides = array<i32>} : memref<1x8x4096xf32, #tpu.memory_space<vmem>>, vector<16xf32>,
          %convert_element_type3A_582 = arith.fptosi %get3A_581 : vector<16xf32> to vector<16xi32>
          %add3A_583 = vector.broadcast %mul3A_480 : i32 to vector<16xi32>
          %add3A_584 = arith.addi %convert_element_type3A_582, %add3A_583 : vector<16xi32>
          %gather3A_585 = tpu.vector_load_idx %arg5[%add3A_584] : memref<10000xf32, #tpu.memory_space<vmem>>[vector<16xi32>], vector<16xf32>,
          %swap3A_586 = arith.constant 0 : i32
          %swap3A_587 = arith.constant 5 : i32
          %swap3A_588 = arith.index_cast %swap3A_586 : i32 to index
          %swap3A_589 = arith.index_cast %swap3A_587 : i32 to index
          %swap3A_590 = arith.index_cast %mul3A_575 : i32 to index
          %swap3A_591 = tpu.vector_load %arg7[%swap3A_588, %swap3A_589, %swap3A_590] {strides = array<i32>} : memref<1x8x4096xf32, #tpu.memory_space<vmem>>, vector<16xf32>,
          tpu.vector_store %arg7[%swap3A_588, %swap3A_589, %swap3A_590], %gather3A_585 {strides = array<i32>} : memref<1x8x4096xf32, #tpu.memory_space<vmem>>, vector<16xf32>,
          %mul3A_592 = arith.constant 16 : i32
          %mul3A_593 = arith.muli %scan3A_486, %mul3A_592 : i32
          %get3A_594 = arith.constant 0 : i32
          %get3A_595 = arith.constant 6 : i32
          %get3A_596 = arith.index_cast %get3A_594 : i32 to index
          %get3A_597 = arith.index_cast %get3A_595 : i32 to index
          %get3A_598 = arith.index_cast %mul3A_593 : i32 to index
          %get3A_599 = tpu.vector_load %arg7[%get3A_596, %get3A_597, %get3A_598] {strides = array<i32>} : memref<1x8x4096xf32, #tpu.memory_space<vmem>>, vector<16xf32>,
          %convert_element_type3A_600 = arith.fptosi %get3A_599 : vector<16xf32> to vector<16xi32>
          %add3A_601 = vector.broadcast %mul3A_480 : i32 to vector<16xi32>
          %add3A_602 = arith.addi %convert_element_type3A_600, %add3A_601 : vector<16xi32>
          %gather3A_603 = tpu.vector_load_idx %arg5[%add3A_602] : memref<10000xf32, #tpu.memory_space<vmem>>[vector<16xi32>], vector<16xf32>,
          %swap3A_604 = arith.constant 0 : i32
          %swap3A_605 = arith.constant 6 : i32
          %swap3A_606 = arith.index_cast %swap3A_604 : i32 to index
          %swap3A_607 = arith.index_cast %swap3A_605 : i32 to index
          %swap3A_608 = arith.index_cast %mul3A_593 : i32 to index
          %swap3A_609 = tpu.vector_load %arg7[%swap3A_606, %swap3A_607, %swap3A_608] {strides = array<i32>} : memref<1x8x4096xf32, #tpu.memory_space<vmem>>, vector<16xf32>,
          tpu.vector_store %arg7[%swap3A_606, %swap3A_607, %swap3A_608], %gather3A_603 {strides = array<i32>} : memref<1x8x4096xf32, #tpu.memory_space<vmem>>, vector<16xf32>,
          %mul3A_610 = arith.constant 16 : i32
          %mul3A_611 = arith.muli %scan3A_486, %mul3A_610 : i32
          %get3A_612 = arith.constant 0 : i32
          %get3A_613 = arith.constant 7 : i32
          %get3A_614 = arith.index_cast %get3A_612 : i32 to index
          %get3A_615 = arith.index_cast %get3A_613 : i32 to index
          %get3A_616 = arith.index_cast %mul3A_611 : i32 to index
          %get3A_617 = tpu.vector_load %arg7[%get3A_614, %get3A_615, %get3A_616] {strides = array<i32>} : memref<1x8x4096xf32, #tpu.memory_space<vmem>>, vector<16xf32>,
          %convert_element_type3A_618 = arith.fptosi %get3A_617 : vector<16xf32> to vector<16xi32>
          %add3A_619 = vector.broadcast %mul3A_480 : i32 to vector<16xi32>
          %add3A_620 = arith.addi %convert_element_type3A_618, %add3A_619 : vector<16xi32>
          %gather3A_621 = tpu.vector_load_idx %arg5[%add3A_620] : memref<10000xf32, #tpu.memory_space<vmem>>[vector<16xi32>], vector<16xf32>,
          %swap3A_622 = arith.constant 0 : i32
          %swap3A_623 = arith.constant 7 : i32
          %swap3A_624 = arith.index_cast %swap3A_622 : i32 to index
          %swap3A_625 = arith.index_cast %swap3A_623 : i32 to index
          %swap3A_626 = arith.index_cast %mul3A_611 : i32 to index
          %swap3A_627 = tpu.vector_load %arg7[%swap3A_624, %swap3A_625, %swap3A_626] {strides = array<i32>} : memref<1x8x4096xf32, #tpu.memory_space<vmem>>, vector<16xf32>,
          tpu.vector_store %arg7[%swap3A_624, %swap3A_625, %swap3A_626], %gather3A_621 {strides = array<i32>} : memref<1x8x4096xf32, #tpu.memory_space<vmem>>, vector<16xf32>,
        }
        %scan3A_485 = arith.constant 256 : i32
      } else {
      }
      %add3A_467 = arith.constant 608 : i32
      %add3A_468 = arith.addi %add3A, %add3A_467 : i32
      %dma_start3A = arith.constant 0 : i32
      %dma_start3A_469 = arith.constant 0 : i32
      %dma_start3A_470 = tpu.memref_slice %arg4[%add3A_468, %dma_start3A, %dma_start3A_469] : memref<650x8x4096xf32, #tpu.memory_space<hbm>> -> memref<1x8x4096xf32, #tpu.memory_space<hbm>>
      %dma_start3A_471 = arith.constant 0 : i32
      %dma_start3A_472 = arith.constant 0 : i32
      %dma_start3A_473 = tpu.memref_slice %arg4[%add3A_468, %dma_start3A_471, %dma_start3A_472] : memref<650x8x4096xf32, #tpu.memory_space<hbm>> -> memref<1x8x4096xf32, #tpu.memory_space<hbm>>
      tpu.enqueue_dma source(%arg7 : memref<1x8x4096xf32, #tpu.memory_space<vmem>>) target(%dma_start3A_473 : memref<1x8x4096xf32, #tpu.memory_space<hbm>>) target_semaphore(%arg13 : memref<!tpu.dma_semaphore, #tpu.memory_space<semaphore_mem>>)
    } else {
    }
    %add3A_411 = arith.constant 576 : i32
    %add3A_412 = arith.addi %add3A, %add3A_411 : i32
    %lt3A_413 = arith.constant 650 : i32
    %lt3A_414 = arith.cmpi slt, %add3A_412, %lt3A_413 : i32
    %convert_element_type3A_415 = arith.extui %lt3A_414 : i1 to i32
    %cond3A_416 = arith.constant 0 : i32
    %cond3A_417 = arith.cmpi ne, %convert_element_type3A_415, %cond3A_416 : i32
    scf.if %cond3A_417 {
      %add3A_453 = arith.constant 576 : i32
      %add3A_454 = arith.addi %add3A, %add3A_453 : i32
      %dma_wait3A = arith.constant 0 : i32
      %dma_wait3A_455 = arith.constant 0 : i32
      %dma_wait3A_456 = tpu.memref_slice %arg4[%add3A_454, %dma_wait3A, %dma_wait3A_455] : memref<650x8x4096xf32, #tpu.memory_space<hbm>> -> memref<1x8x4096xf32, #tpu.memory_space<hbm>>
      %dma_wait3A_457 = arith.constant 0 : i32
      %dma_wait3A_458 = arith.constant 0 : i32
      %dma_wait3A_459 = tpu.memref_slice %arg4[%add3A_454, %dma_wait3A_457, %dma_wait3A_458] : memref<650x8x4096xf32, #tpu.memory_space<hbm>> -> memref<1x8x4096xf32, #tpu.memory_space<hbm>>
      tpu.wait_dma2 semaphore(%arg12 : memref<!tpu.dma_semaphore, #tpu.memory_space<semaphore_mem>>) src(%arg6 : memref<1x8x4096xf32, #tpu.memory_space<vmem>>) dst(%dma_wait3A_459 : memref<1x8x4096xf32, #tpu.memory_space<hbm>>)
    } else {
    }
    %add3A_418 = arith.constant 672 : i32
    %add3A_419 = arith.addi %add3A, %add3A_418 : i32
    %lt3A_420 = arith.constant 650 : i32
    %lt3A_421 = arith.cmpi slt, %add3A_419, %lt3A_420 : i32
    %convert_element_type3A_422 = arith.extui %lt3A_421 : i1 to i32
    %cond3A_423 = arith.constant 0 : i32
    %cond3A_424 = arith.cmpi ne, %convert_element_type3A_422, %cond3A_423 : i32
    scf.if %cond3A_424 {
      %add3A_453 = arith.constant 672 : i32
      %add3A_454 = arith.addi %add3A, %add3A_453 : i32
      %dma_start3A = arith.constant 0 : i32
      %dma_start3A_455 = arith.constant 0 : i32
      %dma_start3A_456 = tpu.memref_slice %arg2[%add3A_454, %dma_start3A, %dma_start3A_455] : memref<650x8x4096xf32, #tpu.memory_space<hbm>> -> memref<1x8x4096xf32, #tpu.memory_space<hbm>>
      %dma_start3A_457 = arith.constant 0 : i32
      %dma_start3A_458 = arith.constant 0 : i32
      %dma_start3A_459 = tpu.memref_slice %arg2[%add3A_454, %dma_start3A_457, %dma_start3A_458] : memref<650x8x4096xf32, #tpu.memory_space<hbm>> -> memref<1x8x4096xf32, #tpu.memory_space<hbm>>
      tpu.enqueue_dma source(%dma_start3A_459 : memref<1x8x4096xf32, #tpu.memory_space<hbm>>) target(%arg6 : memref<1x8x4096xf32, #tpu.memory_space<vmem>>) target_semaphore(%arg9 : memref<!tpu.dma_semaphore, #tpu.memory_space<semaphore_mem>>)
    } else {
    }
    %add3A_425 = arith.constant 640 : i32
    %add3A_426 = arith.addi %add3A, %add3A_425 : i32
    %lt3A_427 = arith.constant 650 : i32
    %lt3A_428 = arith.cmpi slt, %add3A_426, %lt3A_427 : i32
    %convert_element_type3A_429 = arith.extui %lt3A_428 : i1 to i32
    %cond3A_430 = arith.constant 0 : i32
    %cond3A_431 = arith.cmpi ne, %convert_element_type3A_429, %cond3A_430 : i32
    scf.if %cond3A_431 {
      %add3A_453 = arith.constant 640 : i32
      %add3A_454 = arith.addi %add3A, %add3A_453 : i32
      %dma_wait3A = arith.constant 0 : i32
      %dma_wait3A_455 = arith.constant 0 : i32
      %dma_wait3A_456 = tpu.memref_slice %arg2[%add3A_454, %dma_wait3A, %dma_wait3A_455] : memref<650x8x4096xf32, #tpu.memory_space<hbm>> -> memref<1x8x4096xf32, #tpu.memory_space<hbm>>
      %dma_wait3A_457 = arith.constant 0 : i32
      %dma_wait3A_458 = arith.constant 0 : i32
      %dma_wait3A_459 = tpu.memref_slice %arg2[%add3A_454, %dma_wait3A_457, %dma_wait3A_458] : memref<650x8x4096xf32, #tpu.memory_space<hbm>> -> memref<1x8x4096xf32, #tpu.memory_space<hbm>>
      tpu.wait_dma2 semaphore(%arg11 : memref<!tpu.dma_semaphore, #tpu.memory_space<semaphore_mem>>) src(%dma_wait3A_459 : memref<1x8x4096xf32, #tpu.memory_space<hbm>>) dst(%arg8 : memref<1x8x4096xf32, #tpu.memory_space<vmem>>)
      %add3A_460 = arith.constant 640 : i32
      %add3A_461 = arith.addi %add3A, %add3A_460 : i32
      %lt3A_462 = arith.constant 250 : i32
      %lt3A_463 = arith.cmpi slt, %add3A_461, %lt3A_462 : i32
      %convert_element_type3A_464 = arith.extui %lt3A_463 : i1 to i32
      %cond3A_465 = arith.constant 0 : i32
      %cond3A_466 = arith.cmpi ne, %convert_element_type3A_464, %cond3A_465 : i32
      scf.if %cond3A_466 {
        %add3A_474 = arith.constant 640 : i32
        %add3A_475 = arith.addi %add3A, %add3A_474 : i32
        %mul3A_476 = arith.constant 41944 : i32
        %mul3A_477 = arith.muli %add3A_475, %mul3A_476 : i32
        %shift_right_arithmetic3A = arith.constant 20 : i32
        %shift_right_arithmetic3A_478 = arith.shrsi %mul3A_477, %shift_right_arithmetic3A : i32
        %mul3A_479 = arith.constant 1000 : i32
        %mul3A_480 = arith.muli %shift_right_arithmetic3A_478, %mul3A_479 : i32
        %scan3A = arith.constant 0 : i32
        %scan3A_481 = arith.constant 0 : i32
        %scan3A_482 = arith.constant 256 : i32
        %scan3A_483 = arith.addi %scan3A_481, %scan3A_482 : i32
        %scan3A_484 = arith.constant 1 : i32
        scf.for %scan3A_486 = %scan3A_481 to %scan3A_483 step %scan3A_484  : i32 {
          %mul3A_487 = arith.constant 16 : i32
          %mul3A_488 = arith.muli %scan3A_486, %mul3A_487 : i32
          %get3A = arith.constant 0 : i32
          %get3A_489 = arith.constant 0 : i32
          %get3A_490 = arith.index_cast %get3A : i32 to index
          %get3A_491 = arith.index_cast %get3A_489 : i32 to index
          %get3A_492 = arith.index_cast %mul3A_488 : i32 to index
          %get3A_493 = tpu.vector_load %arg8[%get3A_490, %get3A_491, %get3A_492] {strides = array<i32>} : memref<1x8x4096xf32, #tpu.memory_space<vmem>>, vector<16xf32>,
          %convert_element_type3A_494 = arith.fptosi %get3A_493 : vector<16xf32> to vector<16xi32>
          %add3A_495 = vector.broadcast %mul3A_480 : i32 to vector<16xi32>
          %add3A_496 = arith.addi %convert_element_type3A_494, %add3A_495 : vector<16xi32>
          %gather3A = tpu.vector_load_idx %arg5[%add3A_496] : memref<10000xf32, #tpu.memory_space<vmem>>[vector<16xi32>], vector<16xf32>,
          %swap3A = arith.constant 0 : i32
          %swap3A_497 = arith.constant 0 : i32
          %swap3A_498 = arith.index_cast %swap3A : i32 to index
          %swap3A_499 = arith.index_cast %swap3A_497 : i32 to index
          %swap3A_500 = arith.index_cast %mul3A_488 : i32 to index
          %swap3A_501 = tpu.vector_load %arg8[%swap3A_498, %swap3A_499, %swap3A_500] {strides = array<i32>} : memref<1x8x4096xf32, #tpu.memory_space<vmem>>, vector<16xf32>,
          tpu.vector_store %arg8[%swap3A_498, %swap3A_499, %swap3A_500], %gather3A {strides = array<i32>} : memref<1x8x4096xf32, #tpu.memory_space<vmem>>, vector<16xf32>,
          %mul3A_502 = arith.constant 16 : i32
          %mul3A_503 = arith.muli %scan3A_486, %mul3A_502 : i32
          %get3A_504 = arith.constant 0 : i32
          %get3A_505 = arith.constant 1 : i32
          %get3A_506 = arith.index_cast %get3A_504 : i32 to index
          %get3A_507 = arith.index_cast %get3A_505 : i32 to index
          %get3A_508 = arith.index_cast %mul3A_503 : i32 to index
          %get3A_509 = tpu.vector_load %arg8[%get3A_506, %get3A_507, %get3A_508] {strides = array<i32>} : memref<1x8x4096xf32, #tpu.memory_space<vmem>>, vector<16xf32>,
          %convert_element_type3A_510 = arith.fptosi %get3A_509 : vector<16xf32> to vector<16xi32>
          %add3A_511 = vector.broadcast %mul3A_480 : i32 to vector<16xi32>
          %add3A_512 = arith.addi %convert_element_type3A_510, %add3A_511 : vector<16xi32>
          %gather3A_513 = tpu.vector_load_idx %arg5[%add3A_512] : memref<10000xf32, #tpu.memory_space<vmem>>[vector<16xi32>], vector<16xf32>,
          %swap3A_514 = arith.constant 0 : i32
          %swap3A_515 = arith.constant 1 : i32
          %swap3A_516 = arith.index_cast %swap3A_514 : i32 to index
          %swap3A_517 = arith.index_cast %swap3A_515 : i32 to index
          %swap3A_518 = arith.index_cast %mul3A_503 : i32 to index
          %swap3A_519 = tpu.vector_load %arg8[%swap3A_516, %swap3A_517, %swap3A_518] {strides = array<i32>} : memref<1x8x4096xf32, #tpu.memory_space<vmem>>, vector<16xf32>,
          tpu.vector_store %arg8[%swap3A_516, %swap3A_517, %swap3A_518], %gather3A_513 {strides = array<i32>} : memref<1x8x4096xf32, #tpu.memory_space<vmem>>, vector<16xf32>,
          %mul3A_520 = arith.constant 16 : i32
          %mul3A_521 = arith.muli %scan3A_486, %mul3A_520 : i32
          %get3A_522 = arith.constant 0 : i32
          %get3A_523 = arith.constant 2 : i32
          %get3A_524 = arith.index_cast %get3A_522 : i32 to index
          %get3A_525 = arith.index_cast %get3A_523 : i32 to index
          %get3A_526 = arith.index_cast %mul3A_521 : i32 to index
          %get3A_527 = tpu.vector_load %arg8[%get3A_524, %get3A_525, %get3A_526] {strides = array<i32>} : memref<1x8x4096xf32, #tpu.memory_space<vmem>>, vector<16xf32>,
          %convert_element_type3A_528 = arith.fptosi %get3A_527 : vector<16xf32> to vector<16xi32>
          %add3A_529 = vector.broadcast %mul3A_480 : i32 to vector<16xi32>
          %add3A_530 = arith.addi %convert_element_type3A_528, %add3A_529 : vector<16xi32>
          %gather3A_531 = tpu.vector_load_idx %arg5[%add3A_530] : memref<10000xf32, #tpu.memory_space<vmem>>[vector<16xi32>], vector<16xf32>,
          %swap3A_532 = arith.constant 0 : i32
          %swap3A_533 = arith.constant 2 : i32
          %swap3A_534 = arith.index_cast %swap3A_532 : i32 to index
          %swap3A_535 = arith.index_cast %swap3A_533 : i32 to index
          %swap3A_536 = arith.index_cast %mul3A_521 : i32 to index
          %swap3A_537 = tpu.vector_load %arg8[%swap3A_534, %swap3A_535, %swap3A_536] {strides = array<i32>} : memref<1x8x4096xf32, #tpu.memory_space<vmem>>, vector<16xf32>,
          tpu.vector_store %arg8[%swap3A_534, %swap3A_535, %swap3A_536], %gather3A_531 {strides = array<i32>} : memref<1x8x4096xf32, #tpu.memory_space<vmem>>, vector<16xf32>,
          %mul3A_538 = arith.constant 16 : i32
          %mul3A_539 = arith.muli %scan3A_486, %mul3A_538 : i32
          %get3A_540 = arith.constant 0 : i32
          %get3A_541 = arith.constant 3 : i32
          %get3A_542 = arith.index_cast %get3A_540 : i32 to index
          %get3A_543 = arith.index_cast %get3A_541 : i32 to index
          %get3A_544 = arith.index_cast %mul3A_539 : i32 to index
          %get3A_545 = tpu.vector_load %arg8[%get3A_542, %get3A_543, %get3A_544] {strides = array<i32>} : memref<1x8x4096xf32, #tpu.memory_space<vmem>>, vector<16xf32>,
          %convert_element_type3A_546 = arith.fptosi %get3A_545 : vector<16xf32> to vector<16xi32>
          %add3A_547 = vector.broadcast %mul3A_480 : i32 to vector<16xi32>
          %add3A_548 = arith.addi %convert_element_type3A_546, %add3A_547 : vector<16xi32>
          %gather3A_549 = tpu.vector_load_idx %arg5[%add3A_548] : memref<10000xf32, #tpu.memory_space<vmem>>[vector<16xi32>], vector<16xf32>,
          %swap3A_550 = arith.constant 0 : i32
          %swap3A_551 = arith.constant 3 : i32
          %swap3A_552 = arith.index_cast %swap3A_550 : i32 to index
          %swap3A_553 = arith.index_cast %swap3A_551 : i32 to index
          %swap3A_554 = arith.index_cast %mul3A_539 : i32 to index
          %swap3A_555 = tpu.vector_load %arg8[%swap3A_552, %swap3A_553, %swap3A_554] {strides = array<i32>} : memref<1x8x4096xf32, #tpu.memory_space<vmem>>, vector<16xf32>,
          tpu.vector_store %arg8[%swap3A_552, %swap3A_553, %swap3A_554], %gather3A_549 {strides = array<i32>} : memref<1x8x4096xf32, #tpu.memory_space<vmem>>, vector<16xf32>,
          %mul3A_556 = arith.constant 16 : i32
          %mul3A_557 = arith.muli %scan3A_486, %mul3A_556 : i32
          %get3A_558 = arith.constant 0 : i32
          %get3A_559 = arith.constant 4 : i32
          %get3A_560 = arith.index_cast %get3A_558 : i32 to index
          %get3A_561 = arith.index_cast %get3A_559 : i32 to index
          %get3A_562 = arith.index_cast %mul3A_557 : i32 to index
          %get3A_563 = tpu.vector_load %arg8[%get3A_560, %get3A_561, %get3A_562] {strides = array<i32>} : memref<1x8x4096xf32, #tpu.memory_space<vmem>>, vector<16xf32>,
          %convert_element_type3A_564 = arith.fptosi %get3A_563 : vector<16xf32> to vector<16xi32>
          %add3A_565 = vector.broadcast %mul3A_480 : i32 to vector<16xi32>
          %add3A_566 = arith.addi %convert_element_type3A_564, %add3A_565 : vector<16xi32>
          %gather3A_567 = tpu.vector_load_idx %arg5[%add3A_566] : memref<10000xf32, #tpu.memory_space<vmem>>[vector<16xi32>], vector<16xf32>,
          %swap3A_568 = arith.constant 0 : i32
          %swap3A_569 = arith.constant 4 : i32
          %swap3A_570 = arith.index_cast %swap3A_568 : i32 to index
          %swap3A_571 = arith.index_cast %swap3A_569 : i32 to index
          %swap3A_572 = arith.index_cast %mul3A_557 : i32 to index
          %swap3A_573 = tpu.vector_load %arg8[%swap3A_570, %swap3A_571, %swap3A_572] {strides = array<i32>} : memref<1x8x4096xf32, #tpu.memory_space<vmem>>, vector<16xf32>,
          tpu.vector_store %arg8[%swap3A_570, %swap3A_571, %swap3A_572], %gather3A_567 {strides = array<i32>} : memref<1x8x4096xf32, #tpu.memory_space<vmem>>, vector<16xf32>,
          %mul3A_574 = arith.constant 16 : i32
          %mul3A_575 = arith.muli %scan3A_486, %mul3A_574 : i32
          %get3A_576 = arith.constant 0 : i32
          %get3A_577 = arith.constant 5 : i32
          %get3A_578 = arith.index_cast %get3A_576 : i32 to index
          %get3A_579 = arith.index_cast %get3A_577 : i32 to index
          %get3A_580 = arith.index_cast %mul3A_575 : i32 to index
          %get3A_581 = tpu.vector_load %arg8[%get3A_578, %get3A_579, %get3A_580] {strides = array<i32>} : memref<1x8x4096xf32, #tpu.memory_space<vmem>>, vector<16xf32>,
          %convert_element_type3A_582 = arith.fptosi %get3A_581 : vector<16xf32> to vector<16xi32>
          %add3A_583 = vector.broadcast %mul3A_480 : i32 to vector<16xi32>
          %add3A_584 = arith.addi %convert_element_type3A_582, %add3A_583 : vector<16xi32>
          %gather3A_585 = tpu.vector_load_idx %arg5[%add3A_584] : memref<10000xf32, #tpu.memory_space<vmem>>[vector<16xi32>], vector<16xf32>,
          %swap3A_586 = arith.constant 0 : i32
          %swap3A_587 = arith.constant 5 : i32
          %swap3A_588 = arith.index_cast %swap3A_586 : i32 to index
          %swap3A_589 = arith.index_cast %swap3A_587 : i32 to index
          %swap3A_590 = arith.index_cast %mul3A_575 : i32 to index
          %swap3A_591 = tpu.vector_load %arg8[%swap3A_588, %swap3A_589, %swap3A_590] {strides = array<i32>} : memref<1x8x4096xf32, #tpu.memory_space<vmem>>, vector<16xf32>,
          tpu.vector_store %arg8[%swap3A_588, %swap3A_589, %swap3A_590], %gather3A_585 {strides = array<i32>} : memref<1x8x4096xf32, #tpu.memory_space<vmem>>, vector<16xf32>,
          %mul3A_592 = arith.constant 16 : i32
          %mul3A_593 = arith.muli %scan3A_486, %mul3A_592 : i32
          %get3A_594 = arith.constant 0 : i32
          %get3A_595 = arith.constant 6 : i32
          %get3A_596 = arith.index_cast %get3A_594 : i32 to index
          %get3A_597 = arith.index_cast %get3A_595 : i32 to index
          %get3A_598 = arith.index_cast %mul3A_593 : i32 to index
          %get3A_599 = tpu.vector_load %arg8[%get3A_596, %get3A_597, %get3A_598] {strides = array<i32>} : memref<1x8x4096xf32, #tpu.memory_space<vmem>>, vector<16xf32>,
          %convert_element_type3A_600 = arith.fptosi %get3A_599 : vector<16xf32> to vector<16xi32>
          %add3A_601 = vector.broadcast %mul3A_480 : i32 to vector<16xi32>
          %add3A_602 = arith.addi %convert_element_type3A_600, %add3A_601 : vector<16xi32>
          %gather3A_603 = tpu.vector_load_idx %arg5[%add3A_602] : memref<10000xf32, #tpu.memory_space<vmem>>[vector<16xi32>], vector<16xf32>,
          %swap3A_604 = arith.constant 0 : i32
          %swap3A_605 = arith.constant 6 : i32
          %swap3A_606 = arith.index_cast %swap3A_604 : i32 to index
          %swap3A_607 = arith.index_cast %swap3A_605 : i32 to index
          %swap3A_608 = arith.index_cast %mul3A_593 : i32 to index
          %swap3A_609 = tpu.vector_load %arg8[%swap3A_606, %swap3A_607, %swap3A_608] {strides = array<i32>} : memref<1x8x4096xf32, #tpu.memory_space<vmem>>, vector<16xf32>,
          tpu.vector_store %arg8[%swap3A_606, %swap3A_607, %swap3A_608], %gather3A_603 {strides = array<i32>} : memref<1x8x4096xf32, #tpu.memory_space<vmem>>, vector<16xf32>,
          %mul3A_610 = arith.constant 16 : i32
          %mul3A_611 = arith.muli %scan3A_486, %mul3A_610 : i32
          %get3A_612 = arith.constant 0 : i32
          %get3A_613 = arith.constant 7 : i32
          %get3A_614 = arith.index_cast %get3A_612 : i32 to index
          %get3A_615 = arith.index_cast %get3A_613 : i32 to index
          %get3A_616 = arith.index_cast %mul3A_611 : i32 to index
          %get3A_617 = tpu.vector_load %arg8[%get3A_614, %get3A_615, %get3A_616] {strides = array<i32>} : memref<1x8x4096xf32, #tpu.memory_space<vmem>>, vector<16xf32>,
          %convert_element_type3A_618 = arith.fptosi %get3A_617 : vector<16xf32> to vector<16xi32>
          %add3A_619 = vector.broadcast %mul3A_480 : i32 to vector<16xi32>
          %add3A_620 = arith.addi %convert_element_type3A_618, %add3A_619 : vector<16xi32>
          %gather3A_621 = tpu.vector_load_idx %arg5[%add3A_620] : memref<10000xf32, #tpu.memory_space<vmem>>[vector<16xi32>], vector<16xf32>,
          %swap3A_622 = arith.constant 0 : i32
          %swap3A_623 = arith.constant 7 : i32
          %swap3A_624 = arith.index_cast %swap3A_622 : i32 to index
          %swap3A_625 = arith.index_cast %swap3A_623 : i32 to index
          %swap3A_626 = arith.index_cast %mul3A_611 : i32 to index
          %swap3A_627 = tpu.vector_load %arg8[%swap3A_624, %swap3A_625, %swap3A_626] {strides = array<i32>} : memref<1x8x4096xf32, #tpu.memory_space<vmem>>, vector<16xf32>,
          tpu.vector_store %arg8[%swap3A_624, %swap3A_625, %swap3A_626], %gather3A_621 {strides = array<i32>} : memref<1x8x4096xf32, #tpu.memory_space<vmem>>, vector<16xf32>,
        }
        %scan3A_485 = arith.constant 256 : i32
      } else {
      }
      %add3A_467 = arith.constant 640 : i32
      %add3A_468 = arith.addi %add3A, %add3A_467 : i32
      %dma_start3A = arith.constant 0 : i32
      %dma_start3A_469 = arith.constant 0 : i32
      %dma_start3A_470 = tpu.memref_slice %arg4[%add3A_468, %dma_start3A, %dma_start3A_469] : memref<650x8x4096xf32, #tpu.memory_space<hbm>> -> memref<1x8x4096xf32, #tpu.memory_space<hbm>>
      %dma_start3A_471 = arith.constant 0 : i32
      %dma_start3A_472 = arith.constant 0 : i32
      %dma_start3A_473 = tpu.memref_slice %arg4[%add3A_468, %dma_start3A_471, %dma_start3A_472] : memref<650x8x4096xf32, #tpu.memory_space<hbm>> -> memref<1x8x4096xf32, #tpu.memory_space<hbm>>
      tpu.enqueue_dma source(%arg8 : memref<1x8x4096xf32, #tpu.memory_space<vmem>>) target(%dma_start3A_473 : memref<1x8x4096xf32, #tpu.memory_space<hbm>>) target_semaphore(%arg14 : memref<!tpu.dma_semaphore, #tpu.memory_space<semaphore_mem>>)
    } else {
    }
    %add3A_432 = arith.constant 608 : i32
    %add3A_433 = arith.addi %add3A, %add3A_432 : i32
    %lt3A_434 = arith.constant 650 : i32
    %lt3A_435 = arith.cmpi slt, %add3A_433, %lt3A_434 : i32
    %convert_element_type3A_436 = arith.extui %lt3A_435 : i1 to i32
    %cond3A_437 = arith.constant 0 : i32
    %cond3A_438 = arith.cmpi ne, %convert_element_type3A_436, %cond3A_437 : i32
    scf.if %cond3A_438 {
      %add3A_453 = arith.constant 608 : i32
      %add3A_454 = arith.addi %add3A, %add3A_453 : i32
      %dma_wait3A = arith.constant 0 : i32
      %dma_wait3A_455 = arith.constant 0 : i32
      %dma_wait3A_456 = tpu.memref_slice %arg4[%add3A_454, %dma_wait3A, %dma_wait3A_455] : memref<650x8x4096xf32, #tpu.memory_space<hbm>> -> memref<1x8x4096xf32, #tpu.memory_space<hbm>>
      %dma_wait3A_457 = arith.constant 0 : i32
      %dma_wait3A_458 = arith.constant 0 : i32
      %dma_wait3A_459 = tpu.memref_slice %arg4[%add3A_454, %dma_wait3A_457, %dma_wait3A_458] : memref<650x8x4096xf32, #tpu.memory_space<hbm>> -> memref<1x8x4096xf32, #tpu.memory_space<hbm>>
      tpu.wait_dma2 semaphore(%arg13 : memref<!tpu.dma_semaphore, #tpu.memory_space<semaphore_mem>>) src(%arg7 : memref<1x8x4096xf32, #tpu.memory_space<vmem>>) dst(%dma_wait3A_459 : memref<1x8x4096xf32, #tpu.memory_space<hbm>>)
    } else {
    }
    %add3A_439 = arith.constant 704 : i32
    %add3A_440 = arith.addi %add3A, %add3A_439 : i32
    %lt3A_441 = arith.constant 650 : i32
    %lt3A_442 = arith.cmpi slt, %add3A_440, %lt3A_441 : i32
    %convert_element_type3A_443 = arith.extui %lt3A_442 : i1 to i32
    %cond3A_444 = arith.constant 0 : i32
    %cond3A_445 = arith.cmpi ne, %convert_element_type3A_443, %cond3A_444 : i32
    scf.if %cond3A_445 {
      %add3A_453 = arith.constant 704 : i32
      %add3A_454 = arith.addi %add3A, %add3A_453 : i32
      %dma_start3A = arith.constant 0 : i32
      %dma_start3A_455 = arith.constant 0 : i32
      %dma_start3A_456 = tpu.memref_slice %arg2[%add3A_454, %dma_start3A, %dma_start3A_455] : memref<650x8x4096xf32, #tpu.memory_space<hbm>> -> memref<1x8x4096xf32, #tpu.memory_space<hbm>>
      %dma_start3A_457 = arith.constant 0 : i32
      %dma_start3A_458 = arith.constant 0 : i32
      %dma_start3A_459 = tpu.memref_slice %arg2[%add3A_454, %dma_start3A_457, %dma_start3A_458] : memref<650x8x4096xf32, #tpu.memory_space<hbm>> -> memref<1x8x4096xf32, #tpu.memory_space<hbm>>
      tpu.enqueue_dma source(%dma_start3A_459 : memref<1x8x4096xf32, #tpu.memory_space<hbm>>) target(%arg7 : memref<1x8x4096xf32, #tpu.memory_space<vmem>>) target_semaphore(%arg10 : memref<!tpu.dma_semaphore, #tpu.memory_space<semaphore_mem>>)
    } else {
    }
    %add3A_446 = arith.constant 640 : i32
    %add3A_447 = arith.addi %add3A, %add3A_446 : i32
    %lt3A_448 = arith.constant 650 : i32
    %lt3A_449 = arith.cmpi slt, %add3A_447, %lt3A_448 : i32
    %convert_element_type3A_450 = arith.extui %lt3A_449 : i1 to i32
    %cond3A_451 = arith.constant 0 : i32
    %cond3A_452 = arith.cmpi ne, %convert_element_type3A_450, %cond3A_451 : i32
    scf.if %cond3A_452 {
      %add3A_453 = arith.constant 640 : i32
      %add3A_454 = arith.addi %add3A, %add3A_453 : i32
      %dma_wait3A = arith.constant 0 : i32
      %dma_wait3A_455 = arith.constant 0 : i32
      %dma_wait3A_456 = tpu.memref_slice %arg4[%add3A_454, %dma_wait3A, %dma_wait3A_455] : memref<650x8x4096xf32, #tpu.memory_space<hbm>> -> memref<1x8x4096xf32, #tpu.memory_space<hbm>>
      %dma_wait3A_457 = arith.constant 0 : i32
      %dma_wait3A_458 = arith.constant 0 : i32
      %dma_wait3A_459 = tpu.memref_slice %arg4[%add3A_454, %dma_wait3A_457, %dma_wait3A_458] : memref<650x8x4096xf32, #tpu.memory_space<hbm>> -> memref<1x8x4096xf32, #tpu.memory_space<hbm>>
      tpu.wait_dma2 semaphore(%arg14 : memref<!tpu.dma_semaphore, #tpu.memory_space<semaphore_mem>>) src(%arg8 : memref<1x8x4096xf32, #tpu.memory_space<vmem>>) dst(%dma_wait3A_459 : memref<1x8x4096xf32, #tpu.memory_space<hbm>>)
    } else {
    }
    return
  }
}

</mosaic_0001>

<sc_bundles>
// kernel: _run.3.cloned.1.call-start
scs
__scs_entry_jumppad:
0x0: {  	(pc) =	sbr.rel $0x88, $3  }
0x1: {  	(tag) =	ssettag $0x0;
	lr =	simm.s32 $0x1  }
0x2: {  	[smem:$0x3F9F] =	sst lr;
	_ =	strace $0xD0000000  }
0x3: {  	_ = 	snop  }
0x4: {  	_ = 	snop  }
0x5: {  	_ = 	snop  }
0x6: {  	_ = 	snop  }
0x7: {  	_ = 	snop  }
__scs_overlays_trampoline_lowered:
0x8: {  	[smem:$0x3FAE] =	sst s0  }
0x9: {  	[smem:$0x3FAF] =	sst s1  }
0xa: {  	[smem:$0x3FB0] =	sst s2  }
0xb: {  	[smem:$0x3FB1] =	sst s3  }
0xc: {  	[smem:$0x3FB2] =	sst s4  }
0xd: {  	[smem:$0x3FB3] =	sst s5  }
0xe: {  	[smem:$0x3FB4] =	sst s6  }
0xf: {  	[smem:$0x3FB5] =	sst s7  }
0x10: {  	[smem:$0x3FB6] =	sst s8  }
0x11: {  	[smem:$0x3FB7] =	sst s9;
	s0 =	simm.s32 @!p0 $0x0  }
0x12: {  	s1 =	sld [smem:$0x3F9D];
	s0 =	simm.s32 @p0 $0x1  }
0x13: {  	[smem:$0x3FB8] =	sst s0;
	s0 =	simm.s32 @!p1 $0x0  }
0x14: {  	s2 =	sld [smem:$0x3F9C];
	s0 =	simm.s32 @p1 $0x1  }
0x15: {  	[smem:$0x3FB9] =	sst s0;
	s0 =	simm.s32 @!p2 $0x0  }
0x16: {  	s3 =	sld [smem:$0x3FDB];
	s0 =	simm.s32 @p2 $0x1  }
0x17: {  	s4 =	simm.s32 $0x1BF5;
	[smem:$0x3FBB] =	sst s0  }
0x18: {  	s0 =	sld [smem:$0x3F9E];
	_ =	swait.ge [sflag:s4], $0x0  }
0x19: {  	s7 =	sld [smem:$0x3F9F]  }
0x1a: {  	s8 =	sadd.s32 $0xFFFFE003, lr  }
0x1b: {  	s9 =	sadd.s32 $0xFFFFFEF7, lr;
	s5 =	simm.s32 $0xFFFFFFFF;
	p2 =	slt.u32 s8, $0xFFFFF086  }
0x1c: {  	p1 =	slt.u32 s9, $0xF7A;
	s5 =	simm.s32 @!p2 $0x0  }
0x1d: {  	s5 =	simm.s32 @p1 $0x1;
	p0 =	seq.s32 s7, s2  }
0x1e: {  	s7 =	smul.u32 @!p0 $0xF7A, s2;
	p2 =	seq.s32 @!p0 s5, $0x0  }
0x1f: {  	s9 =	smul.u32 $0xF7A, s1;
	s8 =	simm.s32 @!p0 $0x1BF5;
	p2 =	por !p2, p0  }
0x20: {  	[sflag:s8] =	ssyncset.s32 @!p0 $0xFFFFF086;
	s6 =	sadd.s32 @!p0 s3, s7;
	s7 =	simm.s32 @!p0 $0x108  }
0x21: {  	s3 =	sadd.s32 s3, s9;
	s6 =	sadd.s32 @!p0 $0x88, s6;
	s7 =	simm.s32 @p2 $0x1082  }
0x22: {  	[simem:s7], [sflag:s8] =	dma.local @!p0 [hbm:s6], $0xF7A  }
0x23: {  	s9 =	sor.u32 $0xD0000000, s2;
	s6 =	simm.s32 $0x108;
	_ =	swait.ge @!p0 [sflag:s8], $0x0  }
0x24: {  	s3 =	sadd.s32 $0x88, s3;
	s6 =	simm.s32 @!p1 $0x1082;
	[sflag:s4] =	ssyncset.s32 $0xFFFFF086  }
0x25: {  	[simem:s6], [sflag:s4] =	dma.local [hbm:s3], $0xF7A  }
0x26: {  	[smem:$0x3F9F] =	sst s1;
	(tag) =	ssettag s2;
	_ =	strace s9  }
0x27: {  	s1 =	sld [smem:$0x3FAF]  }
0x28: {  	s2 =	sld [smem:$0x3FB0]  }
0x29: {  	s4 =	sld [smem:$0x3FB2]  }
0x2a: {  	p0 =	seq.s32 s5, $0x0;
	s5 =	sld [smem:$0x3FB3]  }
0x2b: {  	s6 =	sld [smem:$0x3FB4]  }
0x2c: {  	s7 =	sld [smem:$0x3FB5]  }
0x2d: {  	s3 =	simm.s32 $0x108;
	s8 =	sld [smem:$0x3FB6]  }
0x2e: {  	s3 =	simm.s32 @!p0 $0x1082;
	s9 =	sld [smem:$0x3FB7]  }
0x2f: {  	lr =	sadd.s32 s0, s3;
	s0 =	sld [smem:$0x3FAE]  }
0x30: {  	s3 =	sld [smem:$0x3FB1]  }
0x31: {  	[smem:$0x3FBA] =	sst s10  }
0x32: {  	s10 =	sld [smem:$0x3FB8];
	_ =	sdelay $0x3  }
0x33: {  	p0 =	seq.s32 s10, $0x1;
	s10 =	sld [smem:$0x3FBA];
	_ =	sdelay $0x3  }
0x34: {  	[smem:$0x3FBA] =	sst s10  }
0x35: {  	s10 =	sld [smem:$0x3FB9];
	_ =	sdelay $0x3  }
0x36: {  	p1 =	seq.s32 s10, $0x1;
	s10 =	sld [smem:$0x3FBA];
	_ =	sdelay $0x3  }
0x37: {  	[smem:$0x3FBA] =	sst s10  }
0x38: {  	s10 =	sld [smem:$0x3FBB]  }
0x39: {  	_ = 	snop;
	(pc) =	sbr.ind lr, $3  }
0x3a: {  	_ = 	snop  }
0x3b: {  	_ = 	snop  }
0x3c: {  	p2 =	seq.s32 s10, $0x1;
	s10 =	sld [smem:$0x3FBA]  }
0x3d: {  	_ =	shalt  }
0x3e: {  	_ =	shalt  }
0x3f: {  	_ =	shalt  }
0x40: {  	_ =	shalt  }
0x41: {  	_ =	shalt  }
0x42: {  	_ =	shalt  }
0x43: {  	_ =	shalt  }
0x44: {  	_ =	shalt  }
0x45: {  	_ =	shalt  }
0x46: {  	_ =	shalt  }
0x47: {  	_ =	shalt  }
0x48: {  	_ =	shalt  }
0x49: {  	_ =	shalt  }
0x4a: {  	_ =	shalt  }
0x4b: {  	_ =	shalt  }
0x4c: {  	_ =	shalt  }
0x4d: {  	_ =	shalt  }
0x4e: {  	_ =	shalt  }
0x4f: {  	_ =	shalt  }
0x50: {  	_ =	shalt  }
0x51: {  	_ =	shalt  }
0x52: {  	_ =	shalt  }
0x53: {  	_ =	shalt  }
0x54: {  	_ =	shalt  }
0x55: {  	_ =	shalt  }
0x56: {  	_ =	shalt  }
0x57: {  	_ =	shalt  }
0x58: {  	_ =	shalt  }
0x59: {  	_ =	shalt  }
0x5a: {  	_ =	shalt  }
0x5b: {  	_ =	shalt  }
0x5c: {  	_ =	shalt  }
0x5d: {  	_ =	shalt  }
0x5e: {  	_ =	shalt  }
0x5f: {  	_ =	shalt  }
0x60: {  	_ =	shalt  }
0x61: {  	_ =	shalt  }
0x62: {  	_ =	shalt  }
0x63: {  	_ =	shalt  }
0x64: {  	_ =	shalt  }
0x65: {  	_ =	shalt  }
0x66: {  	_ =	shalt  }
0x67: {  	_ =	shalt  }
0x68: {  	_ =	shalt  }
0x69: {  	_ =	shalt  }
0x6a: {  	_ =	shalt  }
0x6b: {  	_ =	shalt  }
0x6c: {  	_ =	shalt  }
0x6d: {  	_ =	shalt  }
0x6e: {  	_ =	shalt  }
0x6f: {  	_ =	shalt  }
0x70: {  	_ =	shalt  }
0x71: {  	_ =	shalt  }
0x72: {  	_ =	shalt  }
0x73: {  	_ =	shalt  }
0x74: {  	_ =	shalt  }
0x75: {  	_ =	shalt  }
0x76: {  	_ =	shalt  }
0x77: {  	_ =	shalt  }
0x78: {  	_ =	shalt  }
0x79: {  	_ =	shalt  }
0x7a: {  	_ =	shalt  }
0x7b: {  	_ =	shalt  }
0x7c: {  	_ =	shalt  }
0x7d: {  	_ =	shalt  }
0x7e: {  	_ =	shalt  }
0x7f: {  	_ =	shalt  }
0x80: {  	_ =	shalt  }
0x81: {  	_ =	shalt  }
0x82: {  	_ =	shalt  }
0x83: {  	_ =	shalt  }
0x84: {  	_ =	shalt  }
0x85: {  	_ =	shalt  }
0x86: {  	_ =	shalt  }
0x87: {  	_ =	shalt  }
.Lfunc_end0:
.L_simem_size_0:
called_computation_lowered:
.L_overlay_start_0:
0x88: {  	s2 =	sld [smem:$0x3FD9]  }
0x89: {  	s3 =	sld [smem:$0x3FFE];
	_ =	sdelay $0x1  }
0x8a: {  	s1 =	srdreg.scid  }
0x8b: {  	s0 =	sand.u32 $0x1, s1  }
0x8c: {  	s18 =	sshll.u32 s0, $0xA;
	s2 =	sadd.s32 s3, s2  }
0x8d: {  	s2 =	sadd.s32 s2, s18  }
0x8e: {  	[smem:$0x3FC6] =	sst s2  }
0x8f: {  	_ = 	snop  }
0x90: {  	s2 =	sld [smem:$0x3FC9]  }
0x91: {  	s19 =	sld [smem:$0x3FC8]  }
0x92: {  	s4 =	sld [smem:$0x3FD0];
	(tm) =	ssettm $0x1  }
0x93: {  	s5 =	sld [smem:$0x3FFB];
	_ =	sdelay $0x3  }
0x94: {  	_ =	strace s5  }
0x95: {  	s5 =	sld [smem:$0x3FFC];
	_ =	sdelay $0x3  }
0x96: {  	_ =	strace s5  }
0x97: {  	s5 =	sld [smem:$0x3FFD];
	_ =	sdelay $0x3  }
0x98: {  	_ =	strace s5  }
0x99: {  	_ =	strace $0x8FFFFFFF  }
0x9a: {  	s20 =	sld [smem:$0x3FDB];
	_ =	sdelay $0x1  }
0x9b: {  	s6 =	simm.s32 $_scs_section_size  }
0x9c: {  	s7 =	simm.s32 $_size__tile_overlayer_lowered;
	s8 =	simm.s32 $_tile_overlayer_lowered  }
0x9d: {  	s23 =	simm.s32 $0x1BFF;
	s22 =	sshll.u32 s8, $0x1;
	s5 =	sadd.s32 s6, s20  }
0x9e: {  	s9 =	simm.s32 $0x0;
	s21 =	sshll.u32 s7, $0x1;
	s7 =	sadd.s32 s22, s5  }
0x9f: {  	[timem:s9], [sflag:s23] =	dma.local [hbm:s7], s21  }
0xa0: {  	_ =	swait.ge [sflag:s23], s21  }
0xa1: {  	s6 =	ssub.s32 $0x0, s21;
	[sflag:s23] =	ssyncset.done $0x0  }
0xa2: {  	[sflag:s23] =	ssyncadd.s32 s6;
	_ =	sdelay $0x1  }
0xa3: {  	s24 =	simm.s32 $0x1B8B  }
0xa4: {  	_ =	swait.ge [sflag:s24], $0x1  }
0xa5: {  	[sflag:s24] =	ssyncset.done $0x0  }
0xa6: {  	s25 =	simm.s32 $0x1B8E;
	[sflag:s24] =	ssyncadd.s32 $0xFFFFFFFF  }
0xa7: {  	s26 =	simm.s32 $execute0_lowered;
	[smem:$0x3FD2] =	sst s25  }
0xa8: {  	s6 =	sshll.u32 s26, $0x1;
	_ =	strace $0x80000046;
	[dreg:$0x1] =	wrdreg $0xFFFFFFFF  }
0xa9: {  	s28 =	simm.s32 $_size_execute0_lowered;
	s5 =	sadd.s32 s5, s6;
	[dreg:$0x0] =	wrdreg $0x0  }
0xaa: {  	s6 =	sshll.u32 s28, $0x1;
	[dreg:$0x2] =	wrdreg s5  }
0xab: {  	[dreg:$0x3] =	wrdreg s6  }
0xac: {  	[dreg:$0x4] =	wrdreg $0xC0  }
0xad: {  	_ =	task [dreg:s9], $0x5FFFF  }
0xae: {  	[dreg:$0x1] =	wrdreg $0xFFFFFFFF  }
0xaf: {  	[dreg:$0x0] =	wrdreg $0x60  }
0xb0: {  	[dreg:$0x2] =	wrdreg s2  }
0xb1: {  	[dreg:$0x3] =	wrdreg s19  }
0xb2: {  	[dreg:$0x4] =	wrdreg s4  }
0xb3: {  	[dreg:$0x5] =	wrdreg $0x9  }
0xb4: {  	_ =	task.clear_ibuf [dreg:s9], $0x6FFFF;
	_ =	strace $0x90000046  }
0xb5: {  	s29 =	simm.s32 $0x9;
	_ =	strace $0x80000048  }
0xb6: {  	_ =	swait.ge [sflag:s29], $0x1  }
0xb7: {  	[sflag:s29] =	ssyncadd.s32 $0xFFFFFFFF  }
0xb8: {  	_ =	strace $0x90000048  }
0xb9: {  	_ =	sfence  }
0xba: {  	s30 =	sld [smem:$0x0];
	_ =	sdelay $0x2  }
0xbb: {  	s31 =	sshll.u32 s1, $0xD;
	s1 =	sshrl.u32 s1, $0x2  }
0xbc: {  	s3 =	sand.u32 $0x4000, s31;
	s1 =	sadd.s32 s1, s30  }
0xbd: {  	s0 =	sor.u32 s3, s0;
	s1 =	sshll.u32 s1, $0x11  }
0xbe: {  	s0 =	sor.u32 s1, s0  }
0xbf: {  	s0 =	sadd.s32 $0x8F2B, s0  }
0xc0: {  	[sflag:s0] =	ssyncadd.remote.s32 $0x1  }
0xc1: {  	_ =	sfence.sel $0xFFFF  }
0xc2: {  	[dreg:$0x0] =	wrdreg $0xFFFFFFFF;
	(pc) =	sbr.abs _section_cstart, $3  }
0xc3: {  	[dreg:$0x1] =	wrdreg $0xFFFFFFFF  }
0xc4: {  	_ =	task.clear_ibuf [dreg:s9], $0x2FFFF;
	_ =	strace $0x9FFFFFFF  }
0xc5: {  	(tm) =	ssettm $0x7FFFFFFF  }
tec
execute0_lowered:
.L_overlay_start_1:
0x0: {  	(tag) =	ssettag $0x1  }
0x1: {  	s0 =	srdreg.scid;
	s9 =	rddreg [dreg:$0x0]  }
0x2: {  	s25 =	stileid.u32;
	s12 =	rddreg [dreg:$0x2]  }
0x3: {  	s0 =	sand.u32 $0x1, s0;
	s1 =	sshll.u32 s25, $0x1;
	p0 =	sgt.u32 s25, $0xC  }
0x4: {  	p1 =	sgt.u32 s25, $0x4;
	s1 =	sor.u32 s0, s1;
	s0 =	ssub.s32 $0x2, s0  }
0x5: {  	s2 =	sor.u32 $0x20, s1;
	s3 =	smul.u32 $0xA3D8, s1;
	s4 =	sshrl.u32 s0, $0x1  }
0x6: {  	s8 =	sshll.u32 s1, $0xC;
	s28 =	sor.u32 $0x40, s1;
	s30 =	sor.u32 $0x60, s1  }
0x7: {  	s14 =	sor.u32 $0x80, s1;
	s5 =	smul.u32 $0xA3D8, s2;
	s13 =	ssub.s32 s0, s4  }
0x8: {  	s2 =	sshll.u32 s2, $0xC;
	s29 =	sshll.u32 s28, $0xC;
	s7 =	sshll.u32 s30, $0xC  }
0x9: {  	s4 =	smul.u32 $0xA3D8, s30;
	s18 =	sshll.u32 s14, $0xC;
	s26 =	sadd.s32 s9, s2  }
0xa: {  	s23 =	sshrl.u32 s3, $0x14;
	s6 =	sadd.s32 s9, s29;
	[dreg:$0x4] =	wrdreg s26  }
0xb: {  	s3 =	smul.u32 $0xA3D8, s28;
	s2 =	sadd.s32 s12, s2;
	[dreg:$0x5] =	wrdreg s6  }
0xc: {  	s10 =	sadd.s32 s9, s7;
	s0 =	sadd.s32 s12, s29;
	[dreg:$0x6] =	wrdreg s2  }
0xd: {  	s22 =	sadd.s32 s9, s18;
	s13 =	smax.u32 s13, $0x1;
	[dreg:$0x7] =	wrdreg s10  }
0xe: {  	s16 =	smul.u32 $0x3E8, s23;
	s24 =	sshrl.u32 s5, $0x14;
	[dreg:$0x8] =	wrdreg s0  }
0xf: {  	s15 =	sshrl.u32 s4, $0x14;
	[dreg:$0x9] =	wrdreg s22;
	s23 =	sor.u32 $0xA0, s1  }
0x10: {  	s2 =	smul.u32 $0xA3D8, s14;
	s14 =	sor.u32 $0xC0, s1;
	s0 =	sadd.s32 s12, s18  }
0x11: {  	s18 =	sor.u32 $0xE0, s1;
	s5 =	sor.u32 $0x100000, s8;
	s17 =	smul.u32 $0x3E8, s24  }
0x12: {  	s22 =	sor.u32 $0x140000, s8;
	s11 =	sshrl.u32 s3, $0x14;
	s20 =	smul.u32 $0x3E8, s15  }
0x13: {  	s24 =	sadd.s32 s12, s7;
	s26 =	sshll.u32 s23, $0xC;
	s29 =	sshll.u32 s14, $0xC  }
0x14: {  	[dreg:$0xc] =	wrdreg s0;
	s15 =	smul.u32 $0xA3D8, s23;
	s3 =	sshll.u32 s18, $0xC  }
0x15: {  	s7 =	sadd.s32 s9, s5;
	s10 =	sadd.s32 s12, s5;
	s14 =	smul.u32 $0xA3D8, s14  }
0x16: {  	s5 =	sor.u32 $0x1A0000, s8;
	s18 =	smul.u32 $0xA3D8, s18;
	[dreg:$0xa] =	wrdreg s24  }
0x17: {  	s19 =	smul.u32 $0x3E8, s11;
	s28 =	sadd.s32 s9, s26;
	[dreg:$0x12] =	wrdreg s7  }
0x18: {  	s2 =	sshrl.u32 s2, $0x14;
	s30 =	sadd.s32 s9, s29;
	[dreg:$0x13] =	wrdreg s10  }
0x19: {  	s4 =	sadd.s32 s12, s29;
	s6 =	sadd.s32 s9, s3;
	[dreg:$0xb] =	wrdreg s28  }
0x1a: {  	s0 =	sadd.s32 s12, s3;
	s11 =	sor.u32 $0x120000, s8;
	[dreg:$0xd] =	wrdreg s30  }
0x1b: {  	s24 =	sadd.s32 s9, s22;
	s29 =	sor.u32 $0x180000, s8;
	[dreg:$0xf] =	wrdreg s4  }
0x1c: {  	s7 =	sadd.s32 s9, s5;
	v0 =	vmov s16;
	s16 =	simm.s32 $0xA780;
	[dreg:$0x10] =	wrdreg s6  }
0x1d: {  	s21 =	smul.u32 $0x3E8, s2;
	s2 =	sadd.s32 s12, s26;
	[dreg:$0x11] =	wrdreg s0  }
0x1e: {  	s23 =	sadd.s32 s9, s11;
	s0 =	sadd.s32 s12, s11;
	[dreg:$0x16] =	wrdreg s24  }
0x1f: {  	s26 =	sadd.s32 s12, s22;
	s28 =	sor.u32 $0x160000, s8;
	[dreg:$0x1c] =	wrdreg s7  }
0x20: {  	s3 =	sadd.s32 s9, s29;
	s4 =	sadd.s32 s12, s29;
	[dreg:$0xe] =	wrdreg s2  }
0x21: {  	s6 =	sor.u32 $0x1C0000, s8;
	s22 =	sor.u32 $0x1E0000, s8;
	[dreg:$0x14] =	wrdreg s23  }
0x22: {  	s7 =	sadd.s32 s12, s8;
	s15 =	sshrl.u32 s15, $0x14;
	[dreg:$0x15] =	wrdreg s0  }
0x23: {  	s14 =	sshrl.u32 s14, $0x14;
	v1 =	vmov s17;
	s17 =	simm.s32 $0x1;
	[dreg:$0x17] =	wrdreg s26  }
0x24: {  	v3 =	vmov s20;
	s20 =	simm.s32 $0x4;
	s30 =	sadd.s32 s9, s28;
	[dreg:$0x1a] =	wrdreg s3  }
0x25: {  	s0 =	sadd.s32 s12, s28;
	[dreg:$0x1b] =	wrdreg s4;
	s10 =	sadd.s32 s9, s6  }
0x26: {  	s11 =	sadd.s32 s12, s6;
	s23 =	sor.u32 $0x200000, s8;
	s24 =	sadd.s32 s9, s22  }
0x27: {  	s31 =	sadd.s32 s12, s22;
	s26 =	sor.u32 $0x220000, s8;
	[dreg:$0x18] =	wrdreg s30  }
0x28: {  	s28 =	sor.u32 $0x240000, s8;
	s6 =	sadd.s32 s9, s8;
	[dreg:$0x19] =	wrdreg s0  }
0x29: {  	s22 =	sor.u32 $0x280000, s8;
	s29 =	smul.u32 $0x3E8, s15;
	[dreg:$0x1e] =	wrdreg s10  }
0x2a: {  	s15 =	simm.s32 $0x2780;
	v2 =	vmov s19;
	s19 =	simm.s32 $0x2;
	[dreg:$0x1f] =	wrdreg s11  }
0x2b: {  	s0 =	sadd.s32 s12, s5;
	[smem:$0x7FD] =	sst s24;
	s1 =	sadd.s32 s12, s23  }
0x2c: {  	s2 =	sadd.s32 s9, s26;
	s3 =	sadd.s32 s12, s26;
	s4 =	sadd.s32 s9, s28  }
0x2d: {  	s5 =	sadd.s32 s12, s28;
	s10 =	sor.u32 $0x260000, s8;
	s11 =	simm.s32 $0x0  }
0x2e: {  	s30 =	sshrl.u32 s18, $0x14;
	s18 =	simm.s32 $0x12780;
	v4 =	vmov s21;
	s21 =	simm.s32 $0x3  }
.Ltmp0:
0x2f: {  	[dreg:$0x1d] =	wrdreg s0;
	s0 =	sadd.s32 s9, s23;
	(pc) =	sbr.rel .LBB2_1-.Ltmp0, $4  }
0x30: {  	s8 =	sadd.s32 s9, s10;
	s9 =	sadd.s32 s9, s22;
	s23 =	smul.u32 $0x3E8, s14  }
0x31: {  	s10 =	sadd.s32 s12, s10;
	s12 =	sadd.s32 s12, s22;
	s24 =	smul.u32 $0x3E8, s30  }
0x32: {  	[smem:$0x7FF] =	sst s11;
	s14 =	simm.s32 $0x7;
	s22 =	simm.s32 $0x5  }
0x33: {  	v5 =	vmov s29;
	_ =	strace $0x80000047;
	v6 =	vmov s23;
	v7 =	vmov s24;
	s23 =	simm.s32 $0x6;
	s24 =	simm.s32 $0x0  }
.LBB2_17:
0x34: {  	s25 =	rddreg [dreg:$0x11]  }
0x35: {  	[hbm4b:s25+s11] =	stream.linear.scatter [tilespmem:s16], [sflag:$0x5], $0x8000, $0x38;
	[tilespmem:$0x1A780] =	vst v63  }
0x36: {  	_ =	swait.ge [sflag:s20], $0x8000  }
0x37: {  	[sflag:s20] =	ssyncset.done $0x0  }
0x38: {  	s29 =	rddreg [dreg:$0x14];
	[sflag:s20] =	ssyncadd.s32 $0xFFFF8000  }
0x39: {  	[tilespmem:s15], [sflag:$0x1] =	stream.linear.gather [hbm4b:s29+s11], $0x8000, $0x38;
	[tilespmem:$0x1A780] =	vst v63  }
0x3a: {  	_ =	swait.ge [sflag:s21], $0x8000  }
0x3b: {  	[sflag:s21] =	ssyncset.done $0x0  }
0x3c: {  	s30 =	rddreg [dreg:$0x13];
	[sflag:s21] =	ssyncadd.s32 $0xFFFF8000  }
0x3d: {  	[hbm4b:s30+s11] =	stream.linear.scatter [tilespmem:s18], [sflag:$0x6], $0x8000, $0x38;
	[tilespmem:$0x1A780] =	vst v63  }
0x3e: {  	_ =	swait.ge [sflag:s22], $0x8000  }
0x3f: {  	[sflag:s22] =	ssyncset.done $0x0  }
0x40: {  	s26 =	rddreg [dreg:$0x16];
	[sflag:s22] =	ssyncadd.s32 $0xFFFF8000  }
0x41: {  	[tilespmem:s16], [sflag:$0x2] =	stream.linear.gather [hbm4b:s26+s11], $0x8000, $0x38;
	[tilespmem:$0x1A780] =	vst v63  }
0x42: {  	_ =	swait.ge [sflag:s17], $0x8000  }
0x43: {  	[sflag:s17] =	ssyncset.done $0x0  }
0x44: {  	s28 =	rddreg [dreg:$0x15];
	[sflag:s17] =	ssyncadd.s32 $0xFFFF8000  }
0x45: {  	[hbm4b:s28+s11] =	stream.linear.scatter [tilespmem:s15], [sflag:$0x4], $0x8000, $0x38;
	[tilespmem:$0x1A780] =	vst v63  }
0x46: {  	_ =	swait.ge [sflag:s23], $0x8000  }
0x47: {  	[sflag:s23] =	ssyncset.done $0x0  }
0x48: {  	s29 =	rddreg [dreg:$0x18];
	[sflag:s23] =	ssyncadd.s32 $0xFFFF8000  }
0x49: {  	[tilespmem:s18], [sflag:$0x3] =	stream.linear.gather [hbm4b:s29+s11], $0x8000, $0x38;
	[tilespmem:$0x1A780] =	vst v63  }
0x4a: {  	_ =	swait.ge [sflag:s19], $0x8000  }
0x4b: {  	[sflag:s19] =	ssyncset.done $0x0  }
0x4c: {  	s30 =	rddreg [dreg:$0x17];
	[sflag:s19] =	ssyncadd.s32 $0xFFFF8000  }
0x4d: {  	[hbm4b:s30+s11] =	stream.linear.scatter [tilespmem:s16], [sflag:$0x5], $0x8000, $0x38;
	[tilespmem:$0x1A780] =	vst v63  }
0x4e: {  	_ =	swait.ge [sflag:s20], $0x8000  }
0x4f: {  	[sflag:s20] =	ssyncset.done $0x0  }
0x50: {  	s26 =	rddreg [dreg:$0x1a];
	[sflag:s20] =	ssyncadd.s32 $0xFFFF8000  }
0x51: {  	[tilespmem:s15], [sflag:$0x1] =	stream.linear.gather [hbm4b:s26+s11], $0x8000, $0x38;
	[tilespmem:$0x1A780] =	vst v63  }
0x52: {  	_ =	swait.ge [sflag:s21], $0x8000  }
0x53: {  	[sflag:s21] =	ssyncset.done $0x0  }
0x54: {  	s28 =	rddreg [dreg:$0x19];
	[sflag:s21] =	ssyncadd.s32 $0xFFFF8000  }
0x55: {  	[hbm4b:s28+s11] =	stream.linear.scatter [tilespmem:s18], [sflag:$0x6], $0x8000, $0x38;
	[tilespmem:$0x1A780] =	vst v63  }
0x56: {  	_ =	swait.ge [sflag:s22], $0x8000  }
0x57: {  	[sflag:s22] =	ssyncset.done $0x0  }
0x58: {  	s29 =	rddreg [dreg:$0x1c];
	[sflag:s22] =	ssyncadd.s32 $0xFFFF8000  }
0x59: {  	[tilespmem:s16], [sflag:$0x2] =	stream.linear.gather [hbm4b:s29+s11], $0x8000, $0x38;
	[tilespmem:$0x1A780] =	vst v63  }
0x5a: {  	_ =	swait.ge [sflag:s17], $0x8000  }
0x5b: {  	[sflag:s17] =	ssyncset.done $0x0  }
0x5c: {  	s30 =	rddreg [dreg:$0x1b];
	[sflag:s17] =	ssyncadd.s32 $0xFFFF8000  }
0x5d: {  	[hbm4b:s30+s11] =	stream.linear.scatter [tilespmem:s15], [sflag:$0x4], $0x8000, $0x38;
	[tilespmem:$0x1A780] =	vst v63  }
0x5e: {  	_ =	swait.ge [sflag:s23], $0x8000  }
0x5f: {  	[sflag:s23] =	ssyncset.done $0x0  }
0x60: {  	s26 =	rddreg [dreg:$0x1e];
	[sflag:s23] =	ssyncadd.s32 $0xFFFF8000  }
0x61: {  	[tilespmem:s18], [sflag:$0x3] =	stream.linear.gather [hbm4b:s26+s11], $0x8000, $0x38;
	[tilespmem:$0x1A780] =	vst v63  }
0x62: {  	_ =	swait.ge [sflag:s19], $0x8000  }
0x63: {  	[sflag:s19] =	ssyncset.done $0x0  }
0x64: {  	s28 =	rddreg [dreg:$0x1d];
	[sflag:s19] =	ssyncadd.s32 $0xFFFF8000  }
0x65: {  	[hbm4b:s28+s11] =	stream.linear.scatter [tilespmem:s16], [sflag:$0x5], $0x8000, $0x38;
	[tilespmem:$0x1A780] =	vst v63  }
0x66: {  	_ =	swait.ge [sflag:s20], $0x8000  }
0x67: {  	s29 =	sld [smem:$0x7FD]  }
0x68: {  	[sflag:s20] =	ssyncset.done $0x0  }
0x69: {  	[sflag:s20] =	ssyncadd.s32 $0xFFFF8000  }
0x6a: {  	[tilespmem:s15], [sflag:$0x1] =	stream.linear.gather [hbm4b:s29+s11], $0x8000, $0x38;
	[tilespmem:$0x1A780] =	vst v63  }
0x6b: {  	_ =	swait.ge [sflag:s21], $0x8000  }
0x6c: {  	[sflag:s21] =	ssyncset.done $0x0  }
0x6d: {  	s30 =	rddreg [dreg:$0x1f];
	[sflag:s21] =	ssyncadd.s32 $0xFFFF8000  }
0x6e: {  	[hbm4b:s30+s11] =	stream.linear.scatter [tilespmem:s18], [sflag:$0x6], $0x8000, $0x38;
	[tilespmem:$0x1A780] =	vst v63  }
0x6f: {  	_ =	swait.ge [sflag:s22], $0x8000  }
0x70: {  	[sflag:s22] =	ssyncset.done $0x0  }
0x71: {  	[sflag:s22] =	ssyncadd.s32 $0xFFFF8000  }
0x72: {  	[tilespmem:s16], [sflag:$0x2] =	stream.linear.gather [hbm4b:s0+s11], $0x8000, $0x38;
	[tilespmem:$0x1A780] =	vst v63  }
0x73: {  	_ =	swait.ge [sflag:s17], $0x8000  }
0x74: {  	[sflag:s17] =	ssyncset.done $0x0  }
0x75: {  	[sflag:s17] =	ssyncadd.s32 $0xFFFF8000  }
0x76: {  	[hbm4b:s31+s11] =	stream.linear.scatter [tilespmem:s15], [sflag:$0x4], $0x8000, $0x38;
	[tilespmem:$0x1A780] =	vst v63  }
0x77: {  	_ =	swait.ge [sflag:s23], $0x8000  }
0x78: {  	[sflag:s23] =	ssyncset.done $0x0  }
0x79: {  	[sflag:s23] =	ssyncadd.s32 $0xFFFF8000  }
0x7a: {  	[tilespmem:s18], [sflag:$0x3] =	stream.linear.gather [hbm4b:s2+s11], $0x8000, $0x38;
	[tilespmem:$0x1A780] =	vst v63  }
0x7b: {  	_ =	swait.ge [sflag:s19], $0x8000  }
0x7c: {  	[sflag:s19] =	ssyncset.done $0x0  }
0x7d: {  	[sflag:s19] =	ssyncadd.s32 $0xFFFF8000  }
0x7e: {  	[hbm4b:s1+s11] =	stream.linear.scatter [tilespmem:s16], [sflag:$0x5], $0x8000, $0x38;
	[tilespmem:$0x1A780] =	vst v63  }
0x7f: {  	_ =	swait.ge [sflag:s20], $0x8000  }
0x80: {  	[sflag:s20] =	ssyncset.done $0x0  }
0x81: {  	[sflag:s20] =	ssyncadd.s32 $0xFFFF8000  }
0x82: {  	[tilespmem:s15], [sflag:$0x1] =	stream.linear.gather [hbm4b:s4+s11], $0x8000, $0x38;
	[tilespmem:$0x1A780] =	vst v63  }
0x83: {  	_ =	swait.ge [sflag:s21], $0x8000  }
0x84: {  	[sflag:s21] =	ssyncset.done $0x0  }
0x85: {  	[sflag:s21] =	ssyncadd.s32 $0xFFFF8000  }
0x86: {  	[hbm4b:s3+s11] =	stream.linear.scatter [tilespmem:s18], [sflag:$0x6], $0x8000, $0x38;
	[tilespmem:$0x1A780] =	vst v63  }
0x87: {  	_ =	swait.ge [sflag:s22], $0x8000  }
0x88: {  	[sflag:s22] =	ssyncset.done $0x0  }
0x89: {  	[sflag:s22] =	ssyncadd.s32 $0xFFFF8000  }
0x8a: {  	[tilespmem:s16], [sflag:$0x2] =	stream.linear.gather [hbm4b:s8+s11], $0x8000, $0x38;
	[tilespmem:$0x1A780] =	vst v63  }
0x8b: {  	_ =	swait.ge [sflag:s17], $0x8000  }
0x8c: {  	[sflag:s17] =	ssyncset.done $0x0  }
0x8d: {  	[sflag:s17] =	ssyncadd.s32 $0xFFFF8000  }
0x8e: {  	[hbm4b:s5+s11] =	stream.linear.scatter [tilespmem:s15], [sflag:$0x4], $0x8000, $0x38;
	[tilespmem:$0x1A780] =	vst v63  }
0x8f: {  	_ =	swait.ge [sflag:s23], $0x8000  }
0x90: {  	[sflag:s23] =	ssyncset.done $0x0  }
0x91: {  	s25 =	simm.s32 @p1 $0x2;
	[sflag:s23] =	ssyncadd.s32 $0xFFFF8000  }
0x92: {  	_ =	swait.ge @p1 [sflag:s25], $0x8000  }
0x93: {  	[sflag:s25] =	ssyncset.done @p1 $0x0  }
0x94: {  	s26 =	simm.s32 @p1 $0xA780;
	[sflag:s25] =	ssyncadd.s32 @p1 $0xFFFF8000;
	s25 =	simm.s32 @p1 $0x0  }
0x95: {  	[hbm4b:s10+s25] =	stream.linear.scatter @p1 [tilespmem:s26], [sflag:$0x5], $0x8000, $0x38;
	[tilespmem:$0x1A780] =	vst v63  }
0x96: {  	s28 =	simm.s32 @!p1 $0x2;
	s25 =	simm.s32 @!p1 $0x0;
	s26 =	simm.s32 @!p1 $0x12780  }
0x97: {  	[tilespmem:s26], [sflag:$0x3] =	stream.linear.gather @!p1 [hbm4b:s9+s25], $0x8000, $0x38;
	[tilespmem:$0x1A780] =	vst v63  }
0x98: {  	_ =	swait.ge @!p1 [sflag:s28], $0x8000  }
0x99: {  	[sflag:s28] =	ssyncset.done @!p1 $0x0  }
0x9a: {  	[sflag:s28] =	ssyncadd.s32 @!p1 $0xFFFF8000;
	s28 =	simm.s32 @!p1 $0xA780  }
0x9b: {  	[hbm4b:s10+s25] =	stream.linear.scatter @!p1 [tilespmem:s28], [sflag:$0x5], $0x8000, $0x38;
	[tilespmem:$0x1A780] =	vst v63  }
0x9c: {  	s28 =	simm.s32 @!p1 $0x4  }
0x9d: {  	_ =	swait.ge @!p1 [sflag:s28], $0x8000  }
0x9e: {  	[sflag:s28] =	ssyncset.done @!p1 $0x0  }
0x9f: {  	[sflag:s28] =	ssyncadd.s32 @!p1 $0xFFFF8000;
	s28 =	simm.s32 @!p1 $0x3  }
0xa0: {  	_ =	swait.ge @!p1 [sflag:s28], $0x8000  }
0xa1: {  	[sflag:s28] =	ssyncset.done @!p1 $0x0  }
0xa2: {  	[sflag:s28] =	ssyncadd.s32 @!p1 $0xFFFF8000  }
0xa3: {  	[hbm4b:s12+s25] =	stream.linear.scatter @!p1 [tilespmem:s26], [sflag:$0x6], $0x8000, $0x38;
	[tilespmem:$0x1A780] =	vst v63  }
0xa4: {  	s25 =	simm.s32 @!p1 $0x5  }
0xa5: {  	s24 =	sadd.s32 $0x1, s24;
	s25 =	simm.s32 @p1 $0x4  }
0xa6: {  	p2 =	sne.s32 s24, s13;
	_ =	swait.ge [sflag:s25], $0x8000  }
.Ltmp1:
0xa7: {  	s26 =	simm.s32 @!p1 $0x6;
	[sflag:s25] =	ssyncset.done $0x0;
	(pc) =	sbr.rel @!p2 .LBB2_18-.Ltmp1, $4  }
0xa8: {  	s26 =	simm.s32 @p1 $0x5;
	[sflag:s25] =	ssyncadd.s32 $0xFFFF8000  }
0xa9: {  	_ =	swait.ge [sflag:s26], $0x8000  }
0xaa: {  	[sflag:s26] =	ssyncset.done $0x0  }
0xab: {  	[sflag:s26] =	ssyncadd.s32 $0xFFFF8000  }
.LBB2_1:
0xac: {  	s25 =	rddreg [dreg:$0x1]  }
0xad: {  	[tilespmem:s11], [sflag:$0x7] =	stream.linear.gather [hbm4b:s25+s11], $0x2780, $0x38;
	[tilespmem:$0x1A780] =	vst v63  }
0xae: {  	_ =	swait.ge [sflag:s14], $0x2780  }
0xaf: {  	[sflag:s14] =	ssyncset.done $0x0  }
0xb0: {  	[sflag:s14] =	ssyncadd.s32 $0xFFFFD880  }
0xb1: {  	[tilespmem:s15], [sflag:$0x1] =	stream.linear.gather [hbm4b:s6+s11], $0x8000, $0x38;
	[tilespmem:$0x1A780] =	vst v63  }
0xb2: {  	s30 =	rddreg [dreg:$0x4]  }
0xb3: {  	[tilespmem:s16], [sflag:$0x2] =	stream.linear.gather [hbm4b:s30+s11], $0x8000, $0x38;
	[tilespmem:$0x1A780] =	vst v63  }
0xb4: {  	_ =	swait.ge [sflag:s17], $0x8000  }
0xb5: {  	s26 =	simm.s32 $0x0;
	[sflag:s17] =	ssyncset.done $0x0  }
0xb6: {  	s28 =	simm.s32 $0x0;
	s25 =	simm.s32 $0x0;
	[sflag:s17] =	ssyncadd.s32 $0xFFFF8000  }
.LBB2_2:
0xb7: {  	s29 =	sand.u32 $0x70, s28;
	s30 =	sand.u32 $0x7C00, s26  }
0xb8: {  	s29 =	sor.u32 s29, s30  }
0xb9: {  	v8 =	vld [tilespmem:s29+$0x2780];
	_ =	sdelay $0x4  }
0xba: {  	v8 =	vtrunc.f32 v8  }
0xbb: {  	v9 =	vld [tilespmem:s29+$0x2800];
	v8 =	vcvt.f32.s32 v8;
	_ =	sdelay $0x1  }
0xbc: {  	v8 =	vadd.s32 v8, v0;
	_ =	sdelay $0x2  }
0xbd: {  	v9 =	vtrunc.f32 v9  }
0xbe: {  	v10 =	vld [tilespmem:s29+$0x2880];
	v9 =	vcvt.f32.s32 v9  }
0xbf: {  	v8 =	vld.idx.msk [tilespmem:v8+s11+$0x0], $0xffff  }
0xc0: {  	v9 =	vadd.s32 v9, v0;
	_ =	sdelay $0x2  }
0xc1: {  	v10 =	vtrunc.f32 v10  }
0xc2: {  	v58 =	vld [tilespmem:s29+$0x2900];
	[tilespmem:s29+$0x2780] =	vst v8;
	v8 =	vcvt.f32.s32 v10  }
0xc3: {  	v9 =	vld.idx.msk [tilespmem:v9+s11+$0x0], $0xffff  }
0xc4: {  	v8 =	vadd.s32 v8, v0;
	_ =	sdelay $0x2  }
0xc5: {  	v10 =	vtrunc.f32 v58  }
0xc6: {  	v60 =	vld [tilespmem:s29+$0x2980];
	v59 =	vcvt.f32.s32 v10;
	[tilespmem:s29+$0x2800] =	vst v9  }
0xc7: {  	v8 =	vld.idx.msk [tilespmem:v8+s11+$0x0], $0xffff  }
0xc8: {  	v9 =	vadd.s32 v59, v0;
	_ =	sdelay $0x2  }
0xc9: {  	v10 =	vtrunc.f32 v60  }
0xca: {  	v61 =	vld [tilespmem:s29+$0x2A00];
	[tilespmem:s29+$0x2880] =	vst v8;
	v8 =	vcvt.f32.s32 v10  }
0xcb: {  	v9 =	vld.idx.msk [tilespmem:v9+s11+$0x0], $0xffff  }
0xcc: {  	v8 =	vadd.s32 v8, v0;
	_ =	sdelay $0x2  }
0xcd: {  	v10 =	vtrunc.f32 v61  }
0xce: {  	v63 =	vld [tilespmem:s29+$0x2A80];
	v62 =	vcvt.f32.s32 v10;
	[tilespmem:s29+$0x2900] =	vst v9  }
0xcf: {  	v8 =	vld.idx.msk [tilespmem:v8+s11+$0x0], $0xffff  }
0xd0: {  	v9 =	vadd.s32 v62, v0;
	_ =	sdelay $0x2  }
0xd1: {  	v10 =	vtrunc.f32 v63  }
0xd2: {  	[tilespmem:s29+$0x2980] =	vst v8;
	v8 =	vcvt.f32.s32 v10  }
0xd3: {  	v9 =	vld.idx.msk [tilespmem:v9+s11+$0x0], $0xffff  }
0xd4: {  	v8 =	vadd.s32 v8, v0;
	_ =	sdelay $0x3  }
0xd5: {  	[tilespmem:s29+$0x2A00] =	vst v9  }
0xd6: {  	v8 =	vld.idx.msk [tilespmem:v8+s11+$0x0], $0xffff;
	_ =	sdelay $0x1  }
0xd7: {  	s30 =	sand.u32 $0x7, s25  }
0xd8: {  	s30 =	sshll.u32 s30, $0x4  }
0xd9: {  	s30 =	sadd.s32 s30, s26  }
0xda: {  	s30 =	sor.u32 $0x380, s30;
	[tilespmem:s29+$0x2A80] =	vst v8  }
0xdb: {  	v8 =	vld [tilespmem:s30+$0x2780];
	_ =	sdelay $0x4  }
0xdc: {  	v8 =	vtrunc.f32 v8  }
0xdd: {  	v8 =	vcvt.f32.s32 v8;
	_ =	sdelay $0x1  }
0xde: {  	v8 =	vadd.s32 v8, v0;
	_ =	sdelay $0x4  }
0xdf: {  	p2 =	sne.s32 s28, $0xFF0;
	v8 =	vld.idx.msk [tilespmem:v8+s11+$0x0], $0xffff  }
.Ltmp2:
0xe0: {  	_ = 	snop;
	(pc) =	sbr.rel @p2 .LBB2_2-.Ltmp2, $2  }
0xe1: {  	_ =	sdelay $0x2  }
0xe2: {  	s28 =	sadd.s32 $0x10, s28;
	s25 =	sadd.s32 $0x1, s25;
	s26 =	sadd.s32 $0x80, s26;
	[tilespmem:s30+$0x2780] =	vst v8  }
0xe3: {  	s25 =	simm.s32 $0x0  }
0xe4: {  	[hbm4b:s7+s25] =	stream.linear.scatter [tilespmem:s15], [sflag:$0x4], $0x8000, $0x38;
	[tilespmem:$0x1A780] =	vst v63  }
0xe5: {  	s26 =	rddreg [dreg:$0x5]  }
0xe6: {  	[tilespmem:s18], [sflag:$0x3] =	stream.linear.gather [hbm4b:s26+s25], $0x8000, $0x38;
	[tilespmem:$0x1A780] =	vst v63  }
0xe7: {  	_ =	swait.ge [sflag:s19], $0x8000  }
0xe8: {  	[sflag:s19] =	ssyncset.done $0x0  }
0xe9: {  	s28 =	simm.s32 $0x0;
	s26 =	simm.s32 $0x0;
	[sflag:s19] =	ssyncadd.s32 $0xFFFF8000  }
.LBB2_4:
0xea: {  	s29 =	sand.u32 $0x70, s28;
	s30 =	sand.u32 $0x7C00, s26  }
0xeb: {  	s29 =	sor.u32 s29, s30  }
0xec: {  	v8 =	vld [tilespmem:s29+$0xA780];
	_ =	sdelay $0x4  }
0xed: {  	v8 =	vtrunc.f32 v8  }
0xee: {  	v9 =	vld [tilespmem:s29+$0xA800];
	v8 =	vcvt.f32.s32 v8;
	_ =	sdelay $0x1  }
0xef: {  	v8 =	vadd.s32 v8, v1;
	_ =	sdelay $0x2  }
0xf0: {  	v9 =	vtrunc.f32 v9  }
0xf1: {  	v10 =	vld [tilespmem:s29+$0xA880];
	v9 =	vcvt.f32.s32 v9  }
0xf2: {  	v8 =	vld.idx.msk [tilespmem:v8+s11+$0x0], $0xffff  }
0xf3: {  	v9 =	vadd.s32 v9, v1;
	_ =	sdelay $0x2  }
0xf4: {  	v10 =	vtrunc.f32 v10  }
0xf5: {  	v58 =	vld [tilespmem:s29+$0xA900];
	[tilespmem:s29+$0xA780] =	vst v8;
	v8 =	vcvt.f32.s32 v10  }
0xf6: {  	v9 =	vld.idx.msk [tilespmem:v9+s11+$0x0], $0xffff  }
0xf7: {  	v8 =	vadd.s32 v8, v1;
	_ =	sdelay $0x2  }
0xf8: {  	v10 =	vtrunc.f32 v58  }
0xf9: {  	v60 =	vld [tilespmem:s29+$0xA980];
	v59 =	vcvt.f32.s32 v10;
	[tilespmem:s29+$0xA800] =	vst v9  }
0xfa: {  	v8 =	vld.idx.msk [tilespmem:v8+s11+$0x0], $0xffff  }
0xfb: {  	v9 =	vadd.s32 v59, v1;
	_ =	sdelay $0x2  }
0xfc: {  	v10 =	vtrunc.f32 v60  }
0xfd: {  	v61 =	vld [tilespmem:s29+$0xAA00];
	[tilespmem:s29+$0xA880] =	vst v8;
	v8 =	vcvt.f32.s32 v10  }
0xfe: {  	v9 =	vld.idx.msk [tilespmem:v9+s11+$0x0], $0xffff  }
0xff: {  	v8 =	vadd.s32 v8, v1;
	_ =	sdelay $0x2  }
0x100: {  	v10 =	vtrunc.f32 v61  }
0x101: {  	v63 =	vld [tilespmem:s29+$0xAA80];
	v62 =	vcvt.f32.s32 v10;
	[tilespmem:s29+$0xA900] =	vst v9  }
0x102: {  	v8 =	vld.idx.msk [tilespmem:v8+s11+$0x0], $0xffff  }
0x103: {  	v9 =	vadd.s32 v62, v1;
	_ =	sdelay $0x2  }
0x104: {  	v10 =	vtrunc.f32 v63  }
0x105: {  	[tilespmem:s29+$0xA980] =	vst v8;
	v8 =	vcvt.f32.s32 v10  }
0x106: {  	v9 =	vld.idx.msk [tilespmem:v9+s11+$0x0], $0xffff  }
0x107: {  	v8 =	vadd.s32 v8, v1;
	_ =	sdelay $0x3  }
0x108: {  	[tilespmem:s29+$0xAA00] =	vst v9  }
0x109: {  	v8 =	vld.idx.msk [tilespmem:v8+s11+$0x0], $0xffff;
	_ =	sdelay $0x1  }
0x10a: {  	s30 =	sand.u32 $0x7, s25  }
0x10b: {  	s30 =	sshll.u32 s30, $0x4  }
0x10c: {  	s30 =	sadd.s32 s30, s26  }
0x10d: {  	s30 =	sor.u32 $0x380, s30;
	[tilespmem:s29+$0xAA80] =	vst v8  }
0x10e: {  	v8 =	vld [tilespmem:s30+$0xA780];
	_ =	sdelay $0x4  }
0x10f: {  	v8 =	vtrunc.f32 v8  }
0x110: {  	v8 =	vcvt.f32.s32 v8;
	_ =	sdelay $0x1  }
0x111: {  	v8 =	vadd.s32 v8, v1;
	_ =	sdelay $0x4  }
0x112: {  	p2 =	sne.s32 s28, $0xFF0;
	v8 =	vld.idx.msk [tilespmem:v8+s11+$0x0], $0xffff  }
.Ltmp3:
0x113: {  	_ = 	snop;
	(pc) =	sbr.rel @p2 .LBB2_4-.Ltmp3, $2  }
0x114: {  	_ =	sdelay $0x2  }
0x115: {  	s28 =	sadd.s32 $0x10, s28;
	s25 =	sadd.s32 $0x1, s25;
	s26 =	sadd.s32 $0x80, s26;
	[tilespmem:s30+$0xA780] =	vst v8  }
0x116: {  	s25 =	simm.s32 $0x0;
	s26 =	rddreg [dreg:$0x6]  }
0x117: {  	[hbm4b:s26+s25] =	stream.linear.scatter [tilespmem:s16], [sflag:$0x5], $0x8000, $0x38;
	[tilespmem:$0x1A780] =	vst v63  }
0x118: {  	_ =	swait.ge [sflag:s20], $0x8000  }
0x119: {  	[sflag:s20] =	ssyncset.done $0x0  }
0x11a: {  	s30 =	rddreg [dreg:$0x7];
	[sflag:s20] =	ssyncadd.s32 $0xFFFF8000  }
0x11b: {  	[tilespmem:s15], [sflag:$0x1] =	stream.linear.gather [hbm4b:s30+s25], $0x8000, $0x38;
	[tilespmem:$0x1A780] =	vst v63  }
0x11c: {  	_ =	swait.ge [sflag:s21], $0x8000  }
0x11d: {  	[sflag:s21] =	ssyncset.done $0x0  }
0x11e: {  	s28 =	simm.s32 $0x0;
	s26 =	simm.s32 $0x0;
	[sflag:s21] =	ssyncadd.s32 $0xFFFF8000  }
.LBB2_6:
0x11f: {  	s29 =	sand.u32 $0x70, s28;
	s30 =	sand.u32 $0x7C00, s26  }
0x120: {  	s29 =	sor.u32 s29, s30  }
0x121: {  	v8 =	vld [tilespmem:s29+$0x12780];
	_ =	sdelay $0x4  }
0x122: {  	s30 =	sadd.s32 $0x12780, s29;
	v8 =	vtrunc.f32 v8  }
0x123: {  	v9 =	vld [tilespmem:s30+$0x80];
	v8 =	vcvt.f32.s32 v8;
	_ =	sdelay $0x1  }
0x124: {  	v8 =	vadd.s32 v8, v2;
	_ =	sdelay $0x2  }
0x125: {  	v9 =	vtrunc.f32 v9  }
0x126: {  	v10 =	vld [tilespmem:s30+$0x100];
	v9 =	vcvt.f32.s32 v9  }
0x127: {  	v8 =	vld.idx.msk [tilespmem:v8+s11+$0x0], $0xffff  }
0x128: {  	v9 =	vadd.s32 v9, v2;
	_ =	sdelay $0x2  }
0x129: {  	v10 =	vtrunc.f32 v10  }
0x12a: {  	v58 =	vld [tilespmem:s30+$0x180];
	[tilespmem:s29+$0x12780] =	vst v8;
	v8 =	vcvt.f32.s32 v10  }
0x12b: {  	v9 =	vld.idx.msk [tilespmem:v9+s11+$0x0], $0xffff  }
0x12c: {  	v8 =	vadd.s32 v8, v2;
	_ =	sdelay $0x2  }
0x12d: {  	v10 =	vtrunc.f32 v58  }
0x12e: {  	v60 =	vld [tilespmem:s30+$0x200];
	v59 =	vcvt.f32.s32 v10;
	[tilespmem:s30+$0x80] =	vst v9  }
0x12f: {  	v8 =	vld.idx.msk [tilespmem:v8+s11+$0x0], $0xffff  }
0x130: {  	v9 =	vadd.s32 v59, v2;
	_ =	sdelay $0x2  }
0x131: {  	v10 =	vtrunc.f32 v60  }
0x132: {  	v61 =	vld [tilespmem:s30+$0x280];
	[tilespmem:s30+$0x100] =	vst v8;
	v8 =	vcvt.f32.s32 v10  }
0x133: {  	v9 =	vld.idx.msk [tilespmem:v9+s11+$0x0], $0xffff  }
0x134: {  	v8 =	vadd.s32 v8, v2;
	_ =	sdelay $0x2  }
0x135: {  	v10 =	vtrunc.f32 v61  }
0x136: {  	v63 =	vld [tilespmem:s30+$0x300];
	v62 =	vcvt.f32.s32 v10;
	[tilespmem:s30+$0x180] =	vst v9  }
0x137: {  	v8 =	vld.idx.msk [tilespmem:v8+s11+$0x0], $0xffff  }
0x138: {  	v9 =	vadd.s32 v62, v2;
	_ =	sdelay $0x2  }
0x139: {  	v10 =	vtrunc.f32 v63  }
0x13a: {  	[tilespmem:s30+$0x200] =	vst v8;
	v8 =	vcvt.f32.s32 v10  }
0x13b: {  	v9 =	vld.idx.msk [tilespmem:v9+s11+$0x0], $0xffff  }
0x13c: {  	v8 =	vadd.s32 v8, v2;
	_ =	sdelay $0x3  }
0x13d: {  	[tilespmem:s30+$0x280] =	vst v9  }
0x13e: {  	v8 =	vld.idx.msk [tilespmem:v8+s11+$0x0], $0xffff;
	_ =	sdelay $0x1  }
0x13f: {  	s29 =	sand.u32 $0x7, s25  }
0x140: {  	s29 =	sshll.u32 s29, $0x4  }
0x141: {  	s29 =	sadd.s32 s29, s26  }
0x142: {  	s29 =	sor.u32 $0x380, s29;
	[tilespmem:s30+$0x300] =	vst v8  }
0x143: {  	v8 =	vld [tilespmem:s29+$0x12780];
	_ =	sdelay $0x4  }
0x144: {  	v8 =	vtrunc.f32 v8  }
0x145: {  	v8 =	vcvt.f32.s32 v8;
	_ =	sdelay $0x1  }
0x146: {  	v8 =	vadd.s32 v8, v2;
	_ =	sdelay $0x4  }
0x147: {  	p2 =	sne.s32 s28, $0xFF0;
	v8 =	vld.idx.msk [tilespmem:v8+s11+$0x0], $0xffff  }
.Ltmp4:
0x148: {  	_ = 	snop;
	(pc) =	sbr.rel @p2 .LBB2_6-.Ltmp4, $2  }
0x149: {  	_ =	sdelay $0x2  }
0x14a: {  	s28 =	sadd.s32 $0x10, s28;
	s25 =	sadd.s32 $0x1, s25;
	s26 =	sadd.s32 $0x80, s26;
	[tilespmem:s29+$0x12780] =	vst v8  }
0x14b: {  	s25 =	simm.s32 $0x0;
	s26 =	rddreg [dreg:$0x8]  }
0x14c: {  	[hbm4b:s26+s25] =	stream.linear.scatter [tilespmem:s18], [sflag:$0x6], $0x8000, $0x38;
	[tilespmem:$0x1A780] =	vst v63  }
0x14d: {  	_ =	swait.ge [sflag:s22], $0x8000  }
0x14e: {  	[sflag:s22] =	ssyncset.done $0x0  }
0x14f: {  	s30 =	rddreg [dreg:$0x9];
	[sflag:s22] =	ssyncadd.s32 $0xFFFF8000  }
0x150: {  	[tilespmem:s16], [sflag:$0x2] =	stream.linear.gather [hbm4b:s30+s25], $0x8000, $0x38;
	[tilespmem:$0x1A780] =	vst v63  }
0x151: {  	_ =	swait.ge [sflag:s17], $0x8000  }
0x152: {  	[sflag:s17] =	ssyncset.done $0x0  }
0x153: {  	s28 =	simm.s32 $0x0;
	s26 =	simm.s32 $0x0;
	[sflag:s17] =	ssyncadd.s32 $0xFFFF8000  }
.LBB2_8:
0x154: {  	s29 =	sand.u32 $0x70, s28;
	s30 =	sand.u32 $0x7C00, s26  }
0x155: {  	s29 =	sor.u32 s29, s30  }
0x156: {  	v8 =	vld [tilespmem:s29+$0x2780];
	_ =	sdelay $0x4  }
0x157: {  	v8 =	vtrunc.f32 v8  }
0x158: {  	v9 =	vld [tilespmem:s29+$0x2800];
	v8 =	vcvt.f32.s32 v8;
	_ =	sdelay $0x1  }
0x159: {  	v8 =	vadd.s32 v8, v3;
	_ =	sdelay $0x2  }
0x15a: {  	v9 =	vtrunc.f32 v9  }
0x15b: {  	v10 =	vld [tilespmem:s29+$0x2880];
	v9 =	vcvt.f32.s32 v9  }
0x15c: {  	v8 =	vld.idx.msk [tilespmem:v8+s11+$0x0], $0xffff  }
0x15d: {  	v9 =	vadd.s32 v9, v3;
	_ =	sdelay $0x2  }
0x15e: {  	v10 =	vtrunc.f32 v10  }
0x15f: {  	v58 =	vld [tilespmem:s29+$0x2900];
	[tilespmem:s29+$0x2780] =	vst v8;
	v8 =	vcvt.f32.s32 v10  }
0x160: {  	v9 =	vld.idx.msk [tilespmem:v9+s11+$0x0], $0xffff  }
0x161: {  	v8 =	vadd.s32 v8, v3;
	_ =	sdelay $0x2  }
0x162: {  	v10 =	vtrunc.f32 v58  }
0x163: {  	v60 =	vld [tilespmem:s29+$0x2980];
	v59 =	vcvt.f32.s32 v10;
	[tilespmem:s29+$0x2800] =	vst v9  }
0x164: {  	v8 =	vld.idx.msk [tilespmem:v8+s11+$0x0], $0xffff  }
0x165: {  	v9 =	vadd.s32 v59, v3;
	_ =	sdelay $0x2  }
0x166: {  	v10 =	vtrunc.f32 v60  }
0x167: {  	v61 =	vld [tilespmem:s29+$0x2A00];
	[tilespmem:s29+$0x2880] =	vst v8;
	v8 =	vcvt.f32.s32 v10  }
0x168: {  	v9 =	vld.idx.msk [tilespmem:v9+s11+$0x0], $0xffff  }
0x169: {  	v8 =	vadd.s32 v8, v3;
	_ =	sdelay $0x2  }
0x16a: {  	v10 =	vtrunc.f32 v61  }
0x16b: {  	v63 =	vld [tilespmem:s29+$0x2A80];
	v62 =	vcvt.f32.s32 v10;
	[tilespmem:s29+$0x2900] =	vst v9  }
0x16c: {  	v8 =	vld.idx.msk [tilespmem:v8+s11+$0x0], $0xffff  }
0x16d: {  	v9 =	vadd.s32 v62, v3;
	_ =	sdelay $0x2  }
0x16e: {  	v10 =	vtrunc.f32 v63  }
0x16f: {  	[tilespmem:s29+$0x2980] =	vst v8;
	v8 =	vcvt.f32.s32 v10  }
0x170: {  	v9 =	vld.idx.msk [tilespmem:v9+s11+$0x0], $0xffff  }
0x171: {  	v8 =	vadd.s32 v8, v3;
	_ =	sdelay $0x3  }
0x172: {  	[tilespmem:s29+$0x2A00] =	vst v9  }
0x173: {  	v8 =	vld.idx.msk [tilespmem:v8+s11+$0x0], $0xffff;
	_ =	sdelay $0x1  }
0x174: {  	s30 =	sand.u32 $0x7, s25  }
0x175: {  	s30 =	sshll.u32 s30, $0x4  }
0x176: {  	s30 =	sadd.s32 s30, s26  }
0x177: {  	s30 =	sor.u32 $0x380, s30;
	[tilespmem:s29+$0x2A80] =	vst v8  }
0x178: {  	v8 =	vld [tilespmem:s30+$0x2780];
	_ =	sdelay $0x4  }
0x179: {  	v8 =	vtrunc.f32 v8  }
0x17a: {  	v8 =	vcvt.f32.s32 v8;
	_ =	sdelay $0x1  }
0x17b: {  	v8 =	vadd.s32 v8, v3;
	_ =	sdelay $0x4  }
0x17c: {  	p2 =	sne.s32 s28, $0xFF0;
	v8 =	vld.idx.msk [tilespmem:v8+s11+$0x0], $0xffff  }
.Ltmp5:
0x17d: {  	_ = 	snop;
	(pc) =	sbr.rel @p2 .LBB2_8-.Ltmp5, $2  }
0x17e: {  	_ =	sdelay $0x2  }
0x17f: {  	s28 =	sadd.s32 $0x10, s28;
	s25 =	sadd.s32 $0x1, s25;
	s26 =	sadd.s32 $0x80, s26;
	[tilespmem:s30+$0x2780] =	vst v8  }
0x180: {  	s25 =	simm.s32 $0x0;
	s26 =	rddreg [dreg:$0xa]  }
0x181: {  	[hbm4b:s26+s25] =	stream.linear.scatter [tilespmem:s15], [sflag:$0x4], $0x8000, $0x38;
	[tilespmem:$0x1A780] =	vst v63  }
0x182: {  	_ =	swait.ge [sflag:s23], $0x8000  }
0x183: {  	[sflag:s23] =	ssyncset.done $0x0  }
0x184: {  	s30 =	rddreg [dreg:$0xb];
	[sflag:s23] =	ssyncadd.s32 $0xFFFF8000  }
0x185: {  	[tilespmem:s18], [sflag:$0x3] =	stream.linear.gather [hbm4b:s30+s25], $0x8000, $0x38;
	[tilespmem:$0x1A780] =	vst v63  }
0x186: {  	_ =	swait.ge [sflag:s19], $0x8000  }
0x187: {  	[sflag:s19] =	ssyncset.done $0x0  }
0x188: {  	s28 =	simm.s32 $0x0;
	s26 =	simm.s32 $0x0;
	[sflag:s19] =	ssyncadd.s32 $0xFFFF8000  }
.LBB2_10:
0x189: {  	s29 =	sand.u32 $0x70, s28;
	s30 =	sand.u32 $0x7C00, s26  }
0x18a: {  	s29 =	sor.u32 s29, s30  }
0x18b: {  	v8 =	vld [tilespmem:s29+$0xA780];
	_ =	sdelay $0x4  }
0x18c: {  	v8 =	vtrunc.f32 v8  }
0x18d: {  	v9 =	vld [tilespmem:s29+$0xA800];
	v8 =	vcvt.f32.s32 v8;
	_ =	sdelay $0x1  }
0x18e: {  	v8 =	vadd.s32 v8, v4;
	_ =	sdelay $0x2  }
0x18f: {  	v9 =	vtrunc.f32 v9  }
0x190: {  	v10 =	vld [tilespmem:s29+$0xA880];
	v9 =	vcvt.f32.s32 v9  }
0x191: {  	v8 =	vld.idx.msk [tilespmem:v8+s11+$0x0], $0xffff  }
0x192: {  	v9 =	vadd.s32 v9, v4;
	_ =	sdelay $0x2  }
0x193: {  	v10 =	vtrunc.f32 v10  }
0x194: {  	v58 =	vld [tilespmem:s29+$0xA900];
	[tilespmem:s29+$0xA780] =	vst v8;
	v8 =	vcvt.f32.s32 v10  }
0x195: {  	v9 =	vld.idx.msk [tilespmem:v9+s11+$0x0], $0xffff  }
0x196: {  	v8 =	vadd.s32 v8, v4;
	_ =	sdelay $0x2  }
0x197: {  	v10 =	vtrunc.f32 v58  }
0x198: {  	v60 =	vld [tilespmem:s29+$0xA980];
	v59 =	vcvt.f32.s32 v10;
	[tilespmem:s29+$0xA800] =	vst v9  }
0x199: {  	v8 =	vld.idx.msk [tilespmem:v8+s11+$0x0], $0xffff  }
0x19a: {  	v9 =	vadd.s32 v59, v4;
	_ =	sdelay $0x2  }
0x19b: {  	v10 =	vtrunc.f32 v60  }
0x19c: {  	v61 =	vld [tilespmem:s29+$0xAA00];
	[tilespmem:s29+$0xA880] =	vst v8;
	v8 =	vcvt.f32.s32 v10  }
0x19d: {  	v9 =	vld.idx.msk [tilespmem:v9+s11+$0x0], $0xffff  }
0x19e: {  	v8 =	vadd.s32 v8, v4;
	_ =	sdelay $0x2  }
0x19f: {  	v10 =	vtrunc.f32 v61  }
0x1a0: {  	v63 =	vld [tilespmem:s29+$0xAA80];
	v62 =	vcvt.f32.s32 v10;
	[tilespmem:s29+$0xA900] =	vst v9  }
0x1a1: {  	v8 =	vld.idx.msk [tilespmem:v8+s11+$0x0], $0xffff  }
0x1a2: {  	v9 =	vadd.s32 v62, v4;
	_ =	sdelay $0x2  }
0x1a3: {  	v10 =	vtrunc.f32 v63  }
0x1a4: {  	[tilespmem:s29+$0xA980] =	vst v8;
	v8 =	vcvt.f32.s32 v10  }
0x1a5: {  	v9 =	vld.idx.msk [tilespmem:v9+s11+$0x0], $0xffff  }
0x1a6: {  	v8 =	vadd.s32 v8, v4;
	_ =	sdelay $0x3  }
0x1a7: {  	[tilespmem:s29+$0xAA00] =	vst v9  }
0x1a8: {  	v8 =	vld.idx.msk [tilespmem:v8+s11+$0x0], $0xffff;
	_ =	sdelay $0x1  }
0x1a9: {  	s30 =	sand.u32 $0x7, s25  }
0x1aa: {  	s30 =	sshll.u32 s30, $0x4  }
0x1ab: {  	s30 =	sadd.s32 s30, s26  }
0x1ac: {  	s30 =	sor.u32 $0x380, s30;
	[tilespmem:s29+$0xAA80] =	vst v8  }
0x1ad: {  	v8 =	vld [tilespmem:s30+$0xA780];
	_ =	sdelay $0x4  }
0x1ae: {  	v8 =	vtrunc.f32 v8  }
0x1af: {  	v8 =	vcvt.f32.s32 v8;
	_ =	sdelay $0x1  }
0x1b0: {  	v8 =	vadd.s32 v8, v4;
	_ =	sdelay $0x4  }
0x1b1: {  	p2 =	sne.s32 s28, $0xFF0;
	v8 =	vld.idx.msk [tilespmem:v8+s11+$0x0], $0xffff  }
.Ltmp6:
0x1b2: {  	_ = 	snop;
	(pc) =	sbr.rel @p2 .LBB2_10-.Ltmp6, $2  }
0x1b3: {  	_ =	sdelay $0x2  }
0x1b4: {  	s28 =	sadd.s32 $0x10, s28;
	s25 =	sadd.s32 $0x1, s25;
	s26 =	sadd.s32 $0x80, s26;
	[tilespmem:s30+$0xA780] =	vst v8  }
0x1b5: {  	s25 =	simm.s32 $0x0;
	s26 =	rddreg [dreg:$0xc]  }
0x1b6: {  	[hbm4b:s26+s25] =	stream.linear.scatter [tilespmem:s16], [sflag:$0x5], $0x8000, $0x38;
	[tilespmem:$0x1A780] =	vst v63  }
0x1b7: {  	_ =	swait.ge [sflag:s20], $0x8000  }
0x1b8: {  	[sflag:s20] =	ssyncset.done $0x0  }
0x1b9: {  	s30 =	rddreg [dreg:$0xd];
	[sflag:s20] =	ssyncadd.s32 $0xFFFF8000  }
0x1ba: {  	[tilespmem:s15], [sflag:$0x1] =	stream.linear.gather [hbm4b:s30+s25], $0x8000, $0x38;
	[tilespmem:$0x1A780] =	vst v63  }
0x1bb: {  	_ =	swait.ge [sflag:s21], $0x8000  }
0x1bc: {  	[sflag:s21] =	ssyncset.done $0x0  }
0x1bd: {  	s28 =	simm.s32 $0x0;
	s26 =	simm.s32 $0x0;
	[sflag:s21] =	ssyncadd.s32 $0xFFFF8000  }
.LBB2_12:
0x1be: {  	s29 =	sand.u32 $0x70, s28;
	s30 =	sand.u32 $0x7C00, s26  }
0x1bf: {  	s29 =	sor.u32 s29, s30  }
0x1c0: {  	v8 =	vld [tilespmem:s29+$0x12780];
	_ =	sdelay $0x4  }
0x1c1: {  	s30 =	sadd.s32 $0x12780, s29;
	v8 =	vtrunc.f32 v8  }
0x1c2: {  	v9 =	vld [tilespmem:s30+$0x80];
	v8 =	vcvt.f32.s32 v8;
	_ =	sdelay $0x1  }
0x1c3: {  	v8 =	vadd.s32 v8, v5;
	_ =	sdelay $0x2  }
0x1c4: {  	v9 =	vtrunc.f32 v9  }
0x1c5: {  	v10 =	vld [tilespmem:s30+$0x100];
	v9 =	vcvt.f32.s32 v9  }
0x1c6: {  	v8 =	vld.idx.msk [tilespmem:v8+s11+$0x0], $0xffff  }
0x1c7: {  	v9 =	vadd.s32 v9, v5;
	_ =	sdelay $0x2  }
0x1c8: {  	v10 =	vtrunc.f32 v10  }
0x1c9: {  	v58 =	vld [tilespmem:s30+$0x180];
	[tilespmem:s29+$0x12780] =	vst v8;
	v8 =	vcvt.f32.s32 v10  }
0x1ca: {  	v9 =	vld.idx.msk [tilespmem:v9+s11+$0x0], $0xffff  }
0x1cb: {  	v8 =	vadd.s32 v8, v5;
	_ =	sdelay $0x2  }
0x1cc: {  	v10 =	vtrunc.f32 v58  }
0x1cd: {  	v60 =	vld [tilespmem:s30+$0x200];
	v59 =	vcvt.f32.s32 v10;
	[tilespmem:s30+$0x80] =	vst v9  }
0x1ce: {  	v8 =	vld.idx.msk [tilespmem:v8+s11+$0x0], $0xffff  }
0x1cf: {  	v9 =	vadd.s32 v59, v5;
	_ =	sdelay $0x2  }
0x1d0: {  	v10 =	vtrunc.f32 v60  }
0x1d1: {  	v61 =	vld [tilespmem:s30+$0x280];
	[tilespmem:s30+$0x100] =	vst v8;
	v8 =	vcvt.f32.s32 v10  }
0x1d2: {  	v9 =	vld.idx.msk [tilespmem:v9+s11+$0x0], $0xffff  }
0x1d3: {  	v8 =	vadd.s32 v8, v5;
	_ =	sdelay $0x2  }
0x1d4: {  	v10 =	vtrunc.f32 v61  }
0x1d5: {  	v63 =	vld [tilespmem:s30+$0x300];
	v62 =	vcvt.f32.s32 v10;
	[tilespmem:s30+$0x180] =	vst v9  }
0x1d6: {  	v8 =	vld.idx.msk [tilespmem:v8+s11+$0x0], $0xffff  }
0x1d7: {  	v9 =	vadd.s32 v62, v5;
	_ =	sdelay $0x2  }
0x1d8: {  	v10 =	vtrunc.f32 v63  }
0x1d9: {  	[tilespmem:s30+$0x200] =	vst v8;
	v8 =	vcvt.f32.s32 v10  }
0x1da: {  	v9 =	vld.idx.msk [tilespmem:v9+s11+$0x0], $0xffff  }
0x1db: {  	v8 =	vadd.s32 v8, v5;
	_ =	sdelay $0x3  }
0x1dc: {  	[tilespmem:s30+$0x280] =	vst v9  }
0x1dd: {  	v8 =	vld.idx.msk [tilespmem:v8+s11+$0x0], $0xffff;
	_ =	sdelay $0x1  }
0x1de: {  	s29 =	sand.u32 $0x7, s25  }
0x1df: {  	s29 =	sshll.u32 s29, $0x4  }
0x1e0: {  	s29 =	sadd.s32 s29, s26  }
0x1e1: {  	s29 =	sor.u32 $0x380, s29;
	[tilespmem:s30+$0x300] =	vst v8  }
0x1e2: {  	v8 =	vld [tilespmem:s29+$0x12780];
	_ =	sdelay $0x4  }
0x1e3: {  	v8 =	vtrunc.f32 v8  }
0x1e4: {  	v8 =	vcvt.f32.s32 v8;
	_ =	sdelay $0x1  }
0x1e5: {  	v8 =	vadd.s32 v8, v5;
	_ =	sdelay $0x4  }
0x1e6: {  	p2 =	sne.s32 s28, $0xFF0;
	v8 =	vld.idx.msk [tilespmem:v8+s11+$0x0], $0xffff  }
.Ltmp7:
0x1e7: {  	_ = 	snop;
	(pc) =	sbr.rel @p2 .LBB2_12-.Ltmp7, $2  }
0x1e8: {  	_ =	sdelay $0x2  }
0x1e9: {  	s28 =	sadd.s32 $0x10, s28;
	s25 =	sadd.s32 $0x1, s25;
	s26 =	sadd.s32 $0x80, s26;
	[tilespmem:s29+$0x12780] =	vst v8  }
0x1ea: {  	s25 =	simm.s32 $0x0;
	s26 =	rddreg [dreg:$0xe]  }
0x1eb: {  	[hbm4b:s26+s25] =	stream.linear.scatter [tilespmem:s18], [sflag:$0x6], $0x8000, $0x38;
	[tilespmem:$0x1A780] =	vst v63  }
0x1ec: {  	_ =	swait.ge [sflag:s22], $0x8000  }
0x1ed: {  	[sflag:s22] =	ssyncset.done $0x0  }
0x1ee: {  	s30 =	rddreg [dreg:$0x10];
	[sflag:s22] =	ssyncadd.s32 $0xFFFF8000  }
0x1ef: {  	[tilespmem:s16], [sflag:$0x2] =	stream.linear.gather [hbm4b:s30+s25], $0x8000, $0x38;
	[tilespmem:$0x1A780] =	vst v63  }
0x1f0: {  	_ =	swait.ge [sflag:s17], $0x8000  }
0x1f1: {  	[sflag:s17] =	ssyncset.done $0x0  }
0x1f2: {  	s28 =	simm.s32 $0x0;
	s26 =	simm.s32 $0x0;
	[sflag:s17] =	ssyncadd.s32 $0xFFFF8000  }
.LBB2_14:
0x1f3: {  	s29 =	sand.u32 $0x70, s28;
	s30 =	sand.u32 $0x7C00, s26  }
0x1f4: {  	s29 =	sor.u32 s29, s30  }
0x1f5: {  	v8 =	vld [tilespmem:s29+$0x2780];
	_ =	sdelay $0x4  }
0x1f6: {  	v8 =	vtrunc.f32 v8  }
0x1f7: {  	v9 =	vld [tilespmem:s29+$0x2800];
	v8 =	vcvt.f32.s32 v8;
	_ =	sdelay $0x1  }
0x1f8: {  	v8 =	vadd.s32 v8, v6;
	_ =	sdelay $0x2  }
0x1f9: {  	v9 =	vtrunc.f32 v9  }
0x1fa: {  	v10 =	vld [tilespmem:s29+$0x2880];
	v9 =	vcvt.f32.s32 v9  }
0x1fb: {  	v8 =	vld.idx.msk [tilespmem:v8+s11+$0x0], $0xffff  }
0x1fc: {  	v9 =	vadd.s32 v9, v6;
	_ =	sdelay $0x2  }
0x1fd: {  	v10 =	vtrunc.f32 v10  }
0x1fe: {  	v58 =	vld [tilespmem:s29+$0x2900];
	[tilespmem:s29+$0x2780] =	vst v8;
	v8 =	vcvt.f32.s32 v10  }
0x1ff: {  	v9 =	vld.idx.msk [tilespmem:v9+s11+$0x0], $0xffff  }
0x200: {  	v8 =	vadd.s32 v8, v6;
	_ =	sdelay $0x2  }
0x201: {  	v10 =	vtrunc.f32 v58  }
0x202: {  	v60 =	vld [tilespmem:s29+$0x2980];
	v59 =	vcvt.f32.s32 v10;
	[tilespmem:s29+$0x2800] =	vst v9  }
0x203: {  	v8 =	vld.idx.msk [tilespmem:v8+s11+$0x0], $0xffff  }
0x204: {  	v9 =	vadd.s32 v59, v6;
	_ =	sdelay $0x2  }
0x205: {  	v10 =	vtrunc.f32 v60  }
0x206: {  	v61 =	vld [tilespmem:s29+$0x2A00];
	[tilespmem:s29+$0x2880] =	vst v8;
	v8 =	vcvt.f32.s32 v10  }
0x207: {  	v9 =	vld.idx.msk [tilespmem:v9+s11+$0x0], $0xffff  }
0x208: {  	v8 =	vadd.s32 v8, v6;
	_ =	sdelay $0x2  }
0x209: {  	v10 =	vtrunc.f32 v61  }
0x20a: {  	v63 =	vld [tilespmem:s29+$0x2A80];
	v62 =	vcvt.f32.s32 v10;
	[tilespmem:s29+$0x2900] =	vst v9  }
0x20b: {  	v8 =	vld.idx.msk [tilespmem:v8+s11+$0x0], $0xffff  }
0x20c: {  	v9 =	vadd.s32 v62, v6;
	_ =	sdelay $0x2  }
0x20d: {  	v10 =	vtrunc.f32 v63  }
0x20e: {  	[tilespmem:s29+$0x2980] =	vst v8;
	v8 =	vcvt.f32.s32 v10  }
0x20f: {  	v9 =	vld.idx.msk [tilespmem:v9+s11+$0x0], $0xffff  }
0x210: {  	v8 =	vadd.s32 v8, v6;
	_ =	sdelay $0x3  }
0x211: {  	[tilespmem:s29+$0x2A00] =	vst v9  }
0x212: {  	v8 =	vld.idx.msk [tilespmem:v8+s11+$0x0], $0xffff;
	_ =	sdelay $0x1  }
0x213: {  	s30 =	sand.u32 $0x7, s25  }
0x214: {  	s30 =	sshll.u32 s30, $0x4  }
0x215: {  	s30 =	sadd.s32 s30, s26  }
0x216: {  	s30 =	sor.u32 $0x380, s30;
	[tilespmem:s29+$0x2A80] =	vst v8  }
0x217: {  	v8 =	vld [tilespmem:s30+$0x2780];
	_ =	sdelay $0x4  }
0x218: {  	v8 =	vtrunc.f32 v8  }
0x219: {  	v8 =	vcvt.f32.s32 v8;
	_ =	sdelay $0x1  }
0x21a: {  	v8 =	vadd.s32 v8, v6;
	_ =	sdelay $0x4  }
0x21b: {  	p2 =	sne.s32 s28, $0xFF0;
	v8 =	vld.idx.msk [tilespmem:v8+s11+$0x0], $0xffff  }
.Ltmp8:
0x21c: {  	_ = 	snop;
	(pc) =	sbr.rel @p2 .LBB2_14-.Ltmp8, $2  }
0x21d: {  	_ =	sdelay $0x2  }
0x21e: {  	s28 =	sadd.s32 $0x10, s28;
	s25 =	sadd.s32 $0x1, s25;
	s26 =	sadd.s32 $0x80, s26;
	[tilespmem:s30+$0x2780] =	vst v8  }
0x21f: {  	s25 =	simm.s32 $0x0;
	s26 =	rddreg [dreg:$0xf]  }
0x220: {  	[hbm4b:s26+s25] =	stream.linear.scatter [tilespmem:s15], [sflag:$0x4], $0x8000, $0x38;
	[tilespmem:$0x1A780] =	vst v63  }
0x221: {  	_ =	swait.ge [sflag:s23], $0x8000  }
0x222: {  	[sflag:s23] =	ssyncset.done $0x0  }
.Ltmp9:
0x223: {  	s30 =	rddreg [dreg:$0x12];
	[sflag:s23] =	ssyncadd.s32 $0xFFFF8000;
	(pc) =	sbr.rel @p0 .LBB2_17-.Ltmp9, $4  }
0x224: {  	[tilespmem:s18], [sflag:$0x3] =	stream.linear.gather [hbm4b:s30+s25], $0x8000, $0x38;
	[tilespmem:$0x1A780] =	vst v63  }
0x225: {  	_ =	swait.ge [sflag:s19], $0x8000  }
0x226: {  	[sflag:s19] =	ssyncset.done $0x0  }
0x227: {  	s28 =	simm.s32 $0x0;
	s26 =	simm.s32 $0x0;
	[sflag:s19] =	ssyncadd.s32 $0xFFFF8000  }
.LBB2_16:
0x228: {  	s29 =	sand.u32 $0x70, s28;
	s30 =	sand.u32 $0x7C00, s26  }
0x229: {  	s29 =	sor.u32 s29, s30  }
0x22a: {  	v8 =	vld [tilespmem:s29+$0xA780];
	_ =	sdelay $0x4  }
0x22b: {  	v8 =	vtrunc.f32 v8  }
0x22c: {  	v9 =	vld [tilespmem:s29+$0xA800];
	v8 =	vcvt.f32.s32 v8;
	_ =	sdelay $0x1  }
0x22d: {  	v8 =	vadd.s32 v8, v7;
	_ =	sdelay $0x2  }
0x22e: {  	v9 =	vtrunc.f32 v9  }
0x22f: {  	v10 =	vld [tilespmem:s29+$0xA880];
	v9 =	vcvt.f32.s32 v9  }
0x230: {  	v8 =	vld.idx.msk [tilespmem:v8+s11+$0x0], $0xffff  }
0x231: {  	v9 =	vadd.s32 v9, v7;
	_ =	sdelay $0x2  }
0x232: {  	v10 =	vtrunc.f32 v10  }
0x233: {  	v58 =	vld [tilespmem:s29+$0xA900];
	[tilespmem:s29+$0xA780] =	vst v8;
	v8 =	vcvt.f32.s32 v10  }
0x234: {  	v9 =	vld.idx.msk [tilespmem:v9+s11+$0x0], $0xffff  }
0x235: {  	v8 =	vadd.s32 v8, v7;
	_ =	sdelay $0x2  }
0x236: {  	v10 =	vtrunc.f32 v58  }
0x237: {  	v60 =	vld [tilespmem:s29+$0xA980];
	v59 =	vcvt.f32.s32 v10;
	[tilespmem:s29+$0xA800] =	vst v9  }
0x238: {  	v8 =	vld.idx.msk [tilespmem:v8+s11+$0x0], $0xffff  }
0x239: {  	v9 =	vadd.s32 v59, v7;
	_ =	sdelay $0x2  }
0x23a: {  	v10 =	vtrunc.f32 v60  }
0x23b: {  	v61 =	vld [tilespmem:s29+$0xAA00];
	[tilespmem:s29+$0xA880] =	vst v8;
	v8 =	vcvt.f32.s32 v10  }
0x23c: {  	v9 =	vld.idx.msk [tilespmem:v9+s11+$0x0], $0xffff  }
0x23d: {  	v8 =	vadd.s32 v8, v7;
	_ =	sdelay $0x2  }
0x23e: {  	v10 =	vtrunc.f32 v61  }
0x23f: {  	v63 =	vld [tilespmem:s29+$0xAA80];
	v62 =	vcvt.f32.s32 v10;
	[tilespmem:s29+$0xA900] =	vst v9  }
0x240: {  	v8 =	vld.idx.msk [tilespmem:v8+s11+$0x0], $0xffff  }
0x241: {  	v9 =	vadd.s32 v62, v7;
	_ =	sdelay $0x2  }
0x242: {  	v10 =	vtrunc.f32 v63  }
0x243: {  	[tilespmem:s29+$0xA980] =	vst v8;
	v8 =	vcvt.f32.s32 v10  }
0x244: {  	v9 =	vld.idx.msk [tilespmem:v9+s11+$0x0], $0xffff  }
0x245: {  	v8 =	vadd.s32 v8, v7;
	_ =	sdelay $0x3  }
0x246: {  	[tilespmem:s29+$0xAA00] =	vst v9  }
0x247: {  	v8 =	vld.idx.msk [tilespmem:v8+s11+$0x0], $0xffff;
	_ =	sdelay $0x1  }
0x248: {  	s30 =	sand.u32 $0x7, s25  }
0x249: {  	s30 =	sshll.u32 s30, $0x4  }
0x24a: {  	s30 =	sadd.s32 s30, s26  }
0x24b: {  	s30 =	sor.u32 $0x380, s30;
	[tilespmem:s29+$0xAA80] =	vst v8  }
0x24c: {  	v8 =	vld [tilespmem:s30+$0xA780];
	_ =	sdelay $0x4  }
0x24d: {  	v8 =	vtrunc.f32 v8  }
0x24e: {  	v8 =	vcvt.f32.s32 v8;
	_ =	sdelay $0x1  }
0x24f: {  	v8 =	vadd.s32 v8, v7;
	_ =	sdelay $0x4  }
0x250: {  	p2 =	sne.s32 s28, $0xFF0;
	v8 =	vld.idx.msk [tilespmem:v8+s11+$0x0], $0xffff  }
.Ltmp10:
0x251: {  	_ = 	snop;
	(pc) =	sbr.rel @p2 .LBB2_16-.Ltmp10, $2  }
0x252: {  	_ =	sdelay $0x2  }
0x253: {  	s28 =	sadd.s32 $0x10, s28;
	s25 =	sadd.s32 $0x1, s25;
	s26 =	sadd.s32 $0x80, s26;
	[tilespmem:s30+$0xA780] =	vst v8  }
.Ltmp11:
0x254: {  	_ = 	snop;
	(pc) =	sbr.rel .LBB2_17-.Ltmp11, $1  }
0x255: {  	_ =	sdelay $0x3  }
.LBB2_18:
0x256: {  	_ =	sfence.sel $0x180000  }
0x257: {  	[bflag:$0x0] =	sbarrier.arrive $0xFFFF  }
0x258: {  	_ =	strace $0x90000047  }
0x259: {  	s0 =	stileid.u32;
	[bflag:$0x2] =	sbarrier.arrive $0xFFFF  }
0x25a: {  	p0 =	sne.s32 s0, $0x0;
	s0 =	rddreg [dreg:$0x3]  }
0x25b: {  	s0 =	sadd.s32 @!p0 $0x100000, s0  }
0x25c: {  	[sflag:s0] =	ssyncadd.tile.s32 @!p0 $0x1;
	_ =	shalt  }
.Lfunc_end2:
_tile_overlayer_lowered:
.L_overlay_start_2:
0x25d: {  	(tag) =	ssettag $0x2  }
0x25e: {  	s0 =	rddreg [dreg:$0x0];
	s2 =	stileid.u32  }
0x25f: {  	s1 =	rddreg [dreg:$0x1];
	p0 =	sne.s32 s2, $0x0  }
0x260: {  	s3 =	rddreg [dreg:$0x2];
	[bflag:$0x3] =	sbarrier.arrive $0xFFFF;
	s2 =	simm.s32 @!p0 $0x1C07  }
0x261: {  	[timem:s3], [sflag:s2] =	dma.local @!p0 [hbm:s0], s1  }
0x262: {  	s0 =	simm.s32 @!p0 $0x7  }
0x263: {  	_ =	swait.ge @!p0 [sflag:s0], s1  }
0x264: {  	s1 =	ssub.s32 @!p0 $0x0, s1;
	[sflag:s0] =	ssyncset.done @!p0 $0x0  }
0x265: {  	[sflag:s0] =	ssyncadd.s32 @!p0 s1  }
0x266: {  	[bflag:$0x3] =	sbarrier.arrive $0xFFFF  }
0x267: {  	_ =	shalt  }

</sc_bundles>
